<compile_context>
chip_gen: v7x
topology: tpu7x:2x2x1
jax: 0.10.2.dev20260603
libtpu: 0.0.44.dev20260713+nightly
codegen_flags: <defaults>
</compile_context>

<pallas_src>
import dataclasses
import functools

import jax
import jax.numpy as jnp
from jax import lax
from jax.experimental import pallas as pl
from jax.experimental.pallas import tpu as pltpu
from jax.experimental.pallas import tpu_sc as plsc

F32 = jnp.float32
I32 = jnp.int32

_TILES = 16
_LANES = 16
_CH = 128
_BLK = 2000


def _sc_spmm(h_a, h_b, src3, dst3, w3, zrows):
    n, half = h_a.shape
    nc = src3.shape[1]
    acc_n = zrows.shape[0] * _TILES
    zpt = acc_n // _TILES
    win = acc_n - _TILES * 8
    opt = win // _TILES
    np_pad = 2 * win
    mesh = plsc.VectorSubcoreMesh(core_axis_name="c", subcore_axis_name="s")
    out_t = [jax.ShapeDtypeStruct((np_pad, half), F32),
             jax.ShapeDtypeStruct((np_pad, half), F32)]

    cp = pltpu.CompilerParams()
    if "needs_layout_passes" in pltpu.CompilerParams.__dataclass_fields__:
        cp = dataclasses.replace(cp, needs_layout_passes=False)

    @functools.partial(
        pl.kernel, out_type=out_t, mesh=mesh, compiler_params=cp,
        scratch_types=[
            pltpu.VMEM((nc, _CH), I32),
            pltpu.VMEM((nc, _CH), I32),
            pltpu.VMEM((nc, _CH), F32),
            pltpu.VMEM((1, _CH), I32),
            pltpu.VMEM((_CH, half), F32),
            pltpu.VMEM_SHARED((acc_n, half), F32),
        ],
    )
    def spmm(ha_hbm, hb_hbm, src_hbm, dst_hbm, w_hbm, z_hbm,
             oa_hbm, ob_hbm, idx_v, dst_v, w_v, dstr_v, rows_v, acc):
        c = lax.axis_index("c")
        s = lax.axis_index("s")

        pltpu.sync_copy(src_hbm.at[s], idx_v)
        pltpu.sync_copy(dst_hbm.at[s], dst_v)
        pltpu.sync_copy(w_hbm.at[s], w_v)

        def run_edges(t_hbm, base):
            @pl.loop(0, nc)
            def _(ci):
                pltpu.sync_copy(t_hbm.at[idx_v.at[ci]], rows_v)

                for k in range(_CH // _LANES):
                    sl = pl.ds(k * _LANES, _LANES)
                    d = dst_v[ci, sl] - base
                    ok = (d >= 0) & (d < win)
                    dstr_v[0, sl] = jnp.where(ok, d, win)

                @pl.loop(0, _CH)
                def _(e):
                    wv = plsc.load_gather(
                        w_v, [jnp.full((_LANES,), ci, I32),
                              jnp.full((_LANES,), e, I32)])
                    for j in range(half // _LANES):
                        sl = pl.ds(j * _LANES, _LANES)
                        rows_v[e, sl] = rows_v[e, sl] * wv

                pltpu.sync_copy(rows_v, acc.at[dstr_v.at[0]], add=True)

        for p in range(2):
            base = p * win
            pltpu.sync_copy(z_hbm, acc.at[pl.ds(s * zpt, zpt)])
            plsc.subcore_barrier()

            @pl.when(c == 0)
            def _():
                run_edges(ha_hbm, base)

            @pl.when(c == 1)
            def _():
                run_edges(hb_hbm, base)

            plsc.subcore_barrier()
            acc_rows = pl.ds(s * opt, opt)
            out_rows = pl.ds(base + s * opt, opt)

            @pl.when(c == 0)
            def _():
                pltpu.sync_copy(acc.at[acc_rows], oa_hbm.at[out_rows])

            @pl.when(c == 1)
            def _():
                pltpu.sync_copy(acc.at[acc_rows], ob_hbm.at[out_rows])

            plsc.subcore_barrier()

    return spmm(h_a, h_b, src3, dst3, w3, zrows)


def _wspec(shape):
    return pl.BlockSpec(shape, lambda i: (0, 0))


def _rspec(cols):
    return pl.BlockSpec((_BLK, cols), lambda i: (i, 0))


def _tc_embed(x, wa, wb):
    n, d = x.shape
    half = wa.shape[1]

    def body(x_ref, wa_ref, wb_ref, oa_ref, ob_ref):
        xb = x_ref[...]
        oa_ref[...] = jnp.dot(xb, wa_ref[...], preferred_element_type=F32)
        ob_ref[...] = jnp.dot(xb, wb_ref[...], preferred_element_type=F32)

    return pl.pallas_call(
        body,
        grid=(n // _BLK,),
        in_specs=[_rspec(d), _wspec((d, half)), _wspec((d, half))],
        out_specs=[_rspec(half), _rspec(half)],
        out_shape=[jax.ShapeDtypeStruct((n, half), F32)] * 2,
    )(x, wa, wb)


def _tc_layer(ha, hb, aa, ab, wta, wtb, wba, wbb, b):
    n, half = ha.shape
    hid = wta.shape[1]

    def body(ha_ref, hb_ref, aa_ref, ab_ref, wta_ref, wtb_ref,
             wba_ref, wbb_ref, b_ref, oa_ref, ob_ref):
        t = jnp.dot(ha_ref[...], wta_ref[...], preferred_element_type=F32)
        t += jnp.dot(hb_ref[...], wtb_ref[...], preferred_element_type=F32)
        t += jnp.dot(aa_ref[...], wba_ref[...], preferred_element_type=F32)
        t += jnp.dot(ab_ref[...], wbb_ref[...], preferred_element_type=F32)
        t = jnp.maximum(t + b_ref[...], 0.0)
        oa_ref[...] = ha_ref[...] + t[:, :half]
        ob_ref[...] = hb_ref[...] + t[:, half:]

    return pl.pallas_call(
        body,
        grid=(n // _BLK,),
        in_specs=[_rspec(half)] * 4
        + [_wspec((half, hid))] * 4
        + [pl.BlockSpec((1, hid), lambda i: (0, 0))],
        out_specs=[_rspec(half)] * 2,
        out_shape=[jax.ShapeDtypeStruct((n, half), F32)] * 2,
    )(ha, hb, aa, ab, wta, wtb, wba, wbb, b)


def _tc_final(ha, hb, wla, wlb):
    n, half = ha.shape
    dout = wla.shape[1]

    def body(ha_ref, hb_ref, wla_ref, wlb_ref, o_ref):
        t = jnp.dot(ha_ref[...], wla_ref[...], preferred_element_type=F32)
        t += jnp.dot(hb_ref[...], wlb_ref[...], preferred_element_type=F32)
        ssq = jnp.sum(t * t, axis=1, keepdims=True)
        o_ref[...] = t * lax.rsqrt(ssq)

    return pl.pallas_call(
        body,
        grid=(n // _BLK,),
        in_specs=[_rspec(half)] * 2 + [_wspec((half, dout))] * 2,
        out_specs=_rspec(dout),
        out_shape=jax.ShapeDtypeStruct((n, dout), F32),
    )(ha, hb, wla, wlb)


def kernel(x, edge_index, edge_weight, g_size, W_emb, W_gc1, b_gc1,
           W_gc2, b_gc2, W_last):
    n, _ = x.shape
    hid = W_emb.shape[1]
    half = hid // 2

    e = edge_weight.shape[0]
    grp = _TILES * _CH
    ep = -(-e // grp) * grp
    pad = ep - e
    src = edge_index[1]
    dst = edge_index[0]
    w = edge_weight
    if pad:
        src = jnp.concatenate([src, jnp.zeros((pad,), I32)])
        dst = jnp.concatenate([dst, jnp.zeros((pad,), I32)])
        w = jnp.concatenate([w, jnp.zeros((pad,), F32)])
    nc = ep // grp
    src3 = src.reshape(_TILES, nc, _CH)
    dst3 = dst.reshape(_TILES, nc, _CH)
    w3 = w.reshape(_TILES, nc, _CH)

    win = -(-n // 2 // (_TILES * 8)) * (_TILES * 8)
    acc_n = win + _TILES * 8
    zrows = jnp.zeros((acc_n // _TILES, half), F32)

    wea, web = W_emb[:, :half], W_emb[:, half:]
    wt1a, wt1b = W_gc1[:half], W_gc1[half:2 * half]
    wb1a, wb1b = W_gc1[2 * half:3 * half], W_gc1[3 * half:]
    wt2a, wt2b = W_gc2[:half], W_gc2[half:2 * half]
    wb2a, wb2b = W_gc2[2 * half:3 * half], W_gc2[3 * half:]
    wla, wlb = W_last[:half], W_last[half:]
    b1 = b_gc1.reshape(1, hid)
    b2 = b_gc2.reshape(1, hid)

    ha, hb = _tc_embed(x, wea, web)
    aa, ab = _sc_spmm(ha, hb, src3, dst3, w3, zrows)
    ha, hb = _tc_layer(ha, hb, aa, ab, wt1a, wt1b, wb1a, wb1b, b1)
    aa, ab = _sc_spmm(ha, hb, src3, dst3, w3, zrows)
    ha, hb = _tc_layer(ha, hb, aa, ab, wt2a, wt2b, wb2a, wb2b, b2)
    return _tc_final(ha, hb, wla, wlb)

# --- scband reference (transcript-rebuilt; emitter-appended) ---
"""Pipeline reference for scband-gnn-25211458028088 (READ-ONLY COPY).

The authoritative reference and input builder live on the scoring server;
editing this copy changes nothing except your own understanding.
"""

import jax, jax.numpy as jnp
import numpy as np

N = 10000
E = 320000
D_IN = 128
HID = 256
D_OUT = 128


def spmm(edge_index, edge_weight, x, n):
    # (Win @ x)[i] = sum_j Win[i, j] * x[j]; edge_index[0]=row(dst), edge_index[1]=col(src)
    dst = edge_index[0]
    src = edge_index[1]
    msgs = edge_weight[:, None] * jnp.take(x, src, axis=0)
    return jax.ops.segment_sum(msgs, dst, num_segments=n)


def setup_inputs(seed: int = 0) -> dict:
    key = jax.random.key(seed)
    ks = jax.random.split(key, 12)
    x = jax.random.normal(ks[0], (N, D_IN), dtype=jnp.float32)
    edge_index = jax.random.randint(ks[1], (2, E), 0, N, dtype=jnp.int32)
    edge_weight = jax.random.uniform(ks[2], (E,), dtype=jnp.float32)
    # learned parameters
    W_emb = jax.random.normal(ks[3], (D_IN, HID), dtype=jnp.float32) * 0.02   # embedding Linear (no bias), stored as [in, out]
    W_gc1 = jax.random.normal(ks[4], (2 * HID, HID), dtype=jnp.float32) * 0.02  # GConv J=2 -> fc on concat([Wid@x, Win@x])
    b_gc1 = jnp.zeros((HID,), dtype=jnp.float32)
    W_gc2 = jax.random.normal(ks[5], (2 * HID, HID), dtype=jnp.float32) * 0.02
    b_gc2 = jnp.zeros((HID,), dtype=jnp.float32)
    W_last = jax.random.normal(ks[6], (HID, D_OUT), dtype=jnp.float32) * 0.02  # fc_last (no bias)
    return {"x": x, "edge_index": edge_index, "edge_weight": edge_weight, "g_size": N,
            "W_emb": W_emb, "W_gc1": W_gc1, "b_gc1": b_gc1, "W_gc2": W_gc2, "b_gc2": b_gc2, "W_last": W_last}


def reference(x, edge_index, edge_weight, g_size, W_emb, W_gc1, b_gc1, W_gc2, b_gc2, W_last):
    n = x.shape[0]
    # x = self.embedding(x)
    h = x @ W_emb
    # nlayers=3 -> two GConv blocks with residual; dropout in eval mode = identity
    for W, b in ((W_gc1, b_gc1), (W_gc2, b_gc2)):
        agg = spmm(edge_index, edge_weight, h, n)           # Win @ h (sparse matmul)
        cat = jnp.concatenate([h, agg], axis=1)              # gmul with [Wid, Win], J=2
        h_new = jax.nn.relu(cat @ W + b)
        h = h + h_new
    out = h @ W_last
    out = out / jnp.sqrt(jnp.sum(out ** 2, axis=1, keepdims=True))
    # torch forward returns (x, Win, g_size); Win and g_size are pass-throughs, return the node features
    return out

if __name__ == "__main__":
    import jax
    _d = setup_inputs()
    print(jax.jit(kernel)(*tuple(_d.values())))

</pallas_src>

<mosaic_0001>
#map = affine_map<(d0, d1) -> (0, 0)>
#map1 = affine_map<(d0, d1) -> (0, 0, 0)>
module attributes {stable_mosaic.version = 14 : i64} {
  func.func @spmm(%arg0: i32, %arg1: i32, %arg2: memref<10000x128xf32, #tpu.memory_space<hbm>>, %arg3: memref<10000x128xf32, #tpu.memory_space<hbm>>, %arg4: memref<16x157x128xi32, #tpu.memory_space<hbm>>, %arg5: memref<16x157x128xi32, #tpu.memory_space<hbm>>, %arg6: memref<16x157x128xf32, #tpu.memory_space<hbm>>, %arg7: memref<328x128xf32, #tpu.memory_space<hbm>>, %arg8: memref<10240x128xf32, #tpu.memory_space<hbm>>, %arg9: memref<10240x128xf32, #tpu.memory_space<hbm>>, %arg10: memref<157x128xi32, #tpu.memory_space<vmem>>, %arg11: memref<157x128xi32, #tpu.memory_space<vmem>>, %arg12: memref<157x128xf32, #tpu.memory_space<vmem>>, %arg13: memref<1x128xi32, #tpu.memory_space<vmem>>, %arg14: memref<128x128xf32, #tpu.memory_space<vmem>>, %arg15: memref<5248x128xf32, #tpu.memory_space<vmem_shared>>) attributes {dimension_semantics = [#tpu.dimension_semantics<core_parallel>, #tpu.dimension_semantics<subcore_parallel>], iteration_bounds = array<i64: 2, 16>, scalar_prefetch = 0 : i64, scratch_operands = 6 : i64, tpu.core_type = #tpu.core_type<sc_vector_subcore>, window_params = [{transform_indices = #map}, {transform_indices = #map}, {transform_indices = #map1}, {transform_indices = #map1}, {transform_indices = #map1}, {transform_indices = #map}, {transform_indices = #map}, {transform_indices = #map}]} {
    "tpu.region"() ({
      %run_scoped3A = tpu.sem_alloc : memref<!tpu.dma_semaphore, #tpu.memory_space<semaphore_mem>>
      %dma_start3A = arith.constant 0 : i32
      %dma_start3A_56 = arith.constant 0 : i32
      %dma_start3A_57 = tpu.memref_slice %arg4[%arg1, %dma_start3A, %dma_start3A_56] : memref<16x157x128xi32, #tpu.memory_space<hbm>> -> memref<1x157x128xi32, #tpu.memory_space<hbm>>
      %dma_start3A_58 = tpu.memref_squeeze %dma_start3A_57 : memref<1x157x128xi32, #tpu.memory_space<hbm>> -> memref<157x128xi32, #tpu.memory_space<hbm>>
      %dma_start3A_59 = arith.constant 0 : i32
      %dma_start3A_60 = arith.constant 0 : i32
      %dma_start3A_61 = tpu.memref_slice %arg4[%arg1, %dma_start3A_59, %dma_start3A_60] : memref<16x157x128xi32, #tpu.memory_space<hbm>> -> memref<1x157x128xi32, #tpu.memory_space<hbm>>
      %dma_start3A_62 = tpu.memref_squeeze %dma_start3A_61 : memref<1x157x128xi32, #tpu.memory_space<hbm>> -> memref<157x128xi32, #tpu.memory_space<hbm>>
      tpu.enqueue_dma source(%dma_start3A_62 : memref<157x128xi32, #tpu.memory_space<hbm>>) target(%arg10 : memref<157x128xi32, #tpu.memory_space<vmem>>) target_semaphore(%run_scoped3A : memref<!tpu.dma_semaphore, #tpu.memory_space<semaphore_mem>>)
      %dma_wait3A = arith.constant 0 : i32
      %dma_wait3A_63 = arith.constant 0 : i32
      %dma_wait3A_64 = tpu.memref_slice %arg4[%arg1, %dma_wait3A, %dma_wait3A_63] : memref<16x157x128xi32, #tpu.memory_space<hbm>> -> memref<1x157x128xi32, #tpu.memory_space<hbm>>
      %dma_wait3A_65 = tpu.memref_squeeze %dma_wait3A_64 : memref<1x157x128xi32, #tpu.memory_space<hbm>> -> memref<157x128xi32, #tpu.memory_space<hbm>>
      %dma_wait3A_66 = arith.constant 0 : i32
      %dma_wait3A_67 = arith.constant 0 : i32
      %dma_wait3A_68 = tpu.memref_slice %arg4[%arg1, %dma_wait3A_66, %dma_wait3A_67] : memref<16x157x128xi32, #tpu.memory_space<hbm>> -> memref<1x157x128xi32, #tpu.memory_space<hbm>>
      %dma_wait3A_69 = tpu.memref_squeeze %dma_wait3A_68 : memref<1x157x128xi32, #tpu.memory_space<hbm>> -> memref<157x128xi32, #tpu.memory_space<hbm>>
      tpu.wait_dma2 semaphore(%run_scoped3A : memref<!tpu.dma_semaphore, #tpu.memory_space<semaphore_mem>>) src(%dma_wait3A_69 : memref<157x128xi32, #tpu.memory_space<hbm>>) dst(%arg10 : memref<157x128xi32, #tpu.memory_space<vmem>>)
      tpu.yield
    }) : () -> ()
    "tpu.region"() ({
      %run_scoped3A = tpu.sem_alloc : memref<!tpu.dma_semaphore, #tpu.memory_space<semaphore_mem>>
      %dma_start3A = arith.constant 0 : i32
      %dma_start3A_56 = arith.constant 0 : i32
      %dma_start3A_57 = tpu.memref_slice %arg5[%arg1, %dma_start3A, %dma_start3A_56] : memref<16x157x128xi32, #tpu.memory_space<hbm>> -> memref<1x157x128xi32, #tpu.memory_space<hbm>>
      %dma_start3A_58 = tpu.memref_squeeze %dma_start3A_57 : memref<1x157x128xi32, #tpu.memory_space<hbm>> -> memref<157x128xi32, #tpu.memory_space<hbm>>
      %dma_start3A_59 = arith.constant 0 : i32
      %dma_start3A_60 = arith.constant 0 : i32
      %dma_start3A_61 = tpu.memref_slice %arg5[%arg1, %dma_start3A_59, %dma_start3A_60] : memref<16x157x128xi32, #tpu.memory_space<hbm>> -> memref<1x157x128xi32, #tpu.memory_space<hbm>>
      %dma_start3A_62 = tpu.memref_squeeze %dma_start3A_61 : memref<1x157x128xi32, #tpu.memory_space<hbm>> -> memref<157x128xi32, #tpu.memory_space<hbm>>
      tpu.enqueue_dma source(%dma_start3A_62 : memref<157x128xi32, #tpu.memory_space<hbm>>) target(%arg11 : memref<157x128xi32, #tpu.memory_space<vmem>>) target_semaphore(%run_scoped3A : memref<!tpu.dma_semaphore, #tpu.memory_space<semaphore_mem>>)
      %dma_wait3A = arith.constant 0 : i32
      %dma_wait3A_63 = arith.constant 0 : i32
      %dma_wait3A_64 = tpu.memref_slice %arg5[%arg1, %dma_wait3A, %dma_wait3A_63] : memref<16x157x128xi32, #tpu.memory_space<hbm>> -> memref<1x157x128xi32, #tpu.memory_space<hbm>>
      %dma_wait3A_65 = tpu.memref_squeeze %dma_wait3A_64 : memref<1x157x128xi32, #tpu.memory_space<hbm>> -> memref<157x128xi32, #tpu.memory_space<hbm>>
      %dma_wait3A_66 = arith.constant 0 : i32
      %dma_wait3A_67 = arith.constant 0 : i32
      %dma_wait3A_68 = tpu.memref_slice %arg5[%arg1, %dma_wait3A_66, %dma_wait3A_67] : memref<16x157x128xi32, #tpu.memory_space<hbm>> -> memref<1x157x128xi32, #tpu.memory_space<hbm>>
      %dma_wait3A_69 = tpu.memref_squeeze %dma_wait3A_68 : memref<1x157x128xi32, #tpu.memory_space<hbm>> -> memref<157x128xi32, #tpu.memory_space<hbm>>
      tpu.wait_dma2 semaphore(%run_scoped3A : memref<!tpu.dma_semaphore, #tpu.memory_space<semaphore_mem>>) src(%dma_wait3A_69 : memref<157x128xi32, #tpu.memory_space<hbm>>) dst(%arg11 : memref<157x128xi32, #tpu.memory_space<vmem>>)
      tpu.yield
    }) : () -> ()
    "tpu.region"() ({
      %run_scoped3A = tpu.sem_alloc : memref<!tpu.dma_semaphore, #tpu.memory_space<semaphore_mem>>
      %dma_start3A = arith.constant 0 : i32
      %dma_start3A_56 = arith.constant 0 : i32
      %dma_start3A_57 = tpu.memref_slice %arg6[%arg1, %dma_start3A, %dma_start3A_56] : memref<16x157x128xf32, #tpu.memory_space<hbm>> -> memref<1x157x128xf32, #tpu.memory_space<hbm>>
      %dma_start3A_58 = tpu.memref_squeeze %dma_start3A_57 : memref<1x157x128xf32, #tpu.memory_space<hbm>> -> memref<157x128xf32, #tpu.memory_space<hbm>>
      %dma_start3A_59 = arith.constant 0 : i32
      %dma_start3A_60 = arith.constant 0 : i32
      %dma_start3A_61 = tpu.memref_slice %arg6[%arg1, %dma_start3A_59, %dma_start3A_60] : memref<16x157x128xf32, #tpu.memory_space<hbm>> -> memref<1x157x128xf32, #tpu.memory_space<hbm>>
      %dma_start3A_62 = tpu.memref_squeeze %dma_start3A_61 : memref<1x157x128xf32, #tpu.memory_space<hbm>> -> memref<157x128xf32, #tpu.memory_space<hbm>>
      tpu.enqueue_dma source(%dma_start3A_62 : memref<157x128xf32, #tpu.memory_space<hbm>>) target(%arg12 : memref<157x128xf32, #tpu.memory_space<vmem>>) target_semaphore(%run_scoped3A : memref<!tpu.dma_semaphore, #tpu.memory_space<semaphore_mem>>)
      %dma_wait3A = arith.constant 0 : i32
      %dma_wait3A_63 = arith.constant 0 : i32
      %dma_wait3A_64 = tpu.memref_slice %arg6[%arg1, %dma_wait3A, %dma_wait3A_63] : memref<16x157x128xf32, #tpu.memory_space<hbm>> -> memref<1x157x128xf32, #tpu.memory_space<hbm>>
      %dma_wait3A_65 = tpu.memref_squeeze %dma_wait3A_64 : memref<1x157x128xf32, #tpu.memory_space<hbm>> -> memref<157x128xf32, #tpu.memory_space<hbm>>
      %dma_wait3A_66 = arith.constant 0 : i32
      %dma_wait3A_67 = arith.constant 0 : i32
      %dma_wait3A_68 = tpu.memref_slice %arg6[%arg1, %dma_wait3A_66, %dma_wait3A_67] : memref<16x157x128xf32, #tpu.memory_space<hbm>> -> memref<1x157x128xf32, #tpu.memory_space<hbm>>
      %dma_wait3A_69 = tpu.memref_squeeze %dma_wait3A_68 : memref<1x157x128xf32, #tpu.memory_space<hbm>> -> memref<157x128xf32, #tpu.memory_space<hbm>>
      tpu.wait_dma2 semaphore(%run_scoped3A : memref<!tpu.dma_semaphore, #tpu.memory_space<semaphore_mem>>) src(%dma_wait3A_69 : memref<157x128xf32, #tpu.memory_space<hbm>>) dst(%arg12 : memref<157x128xf32, #tpu.memory_space<vmem>>)
      tpu.yield
    }) : () -> ()
    %mul3A = arith.constant 328 : i32
    %mul3A_0 = arith.muli %arg1, %mul3A : i32
    "tpu.region"() ({
      %run_scoped3A = tpu.sem_alloc : memref<!tpu.dma_semaphore, #tpu.memory_space<semaphore_mem>>
      %dma_start3A = arith.constant 0 : i32
      %dma_start3A_56 = tpu.memref_slice %arg15[%mul3A_0, %dma_start3A] : memref<5248x128xf32, #tpu.memory_space<vmem_shared>> -> memref<328x128xf32, #tpu.memory_space<vmem_shared>>
      tpu.enqueue_dma source(%arg7 : memref<328x128xf32, #tpu.memory_space<hbm>>) target(%dma_start3A_56 : memref<328x128xf32, #tpu.memory_space<vmem_shared>>) target_semaphore(%run_scoped3A : memref<!tpu.dma_semaphore, #tpu.memory_space<semaphore_mem>>)
      %dma_wait3A = arith.constant 0 : i32
      %dma_wait3A_57 = tpu.memref_slice %arg15[%mul3A_0, %dma_wait3A] : memref<5248x128xf32, #tpu.memory_space<vmem_shared>> -> memref<328x128xf32, #tpu.memory_space<vmem_shared>>
      tpu.wait_dma2 semaphore(%run_scoped3A : memref<!tpu.dma_semaphore, #tpu.memory_space<semaphore_mem>>) src(%arg7 : memref<328x128xf32, #tpu.memory_space<hbm>>) dst(%dma_wait3A_57 : memref<328x128xf32, #tpu.memory_space<vmem_shared>>)
      tpu.yield
    }) : () -> ()
    %barrier3A = arith.constant 0 : index
    tpu.barrier barrier_id(%barrier3A)
    %eq3A = arith.constant 0 : i32
    %eq3A_1 = arith.cmpi eq, %arg0, %eq3A : i32
    %convert_element_type3A = arith.extui %eq3A_1 : i1 to i32
    %cond3A = arith.constant 0 : i32
    %cond3A_2 = arith.cmpi ne, %convert_element_type3A, %cond3A : i32
    scf.if %cond3A_2 {
      %scan3A = arith.constant 0 : i32
      %scan3A_56 = arith.constant 157 : i32
      %scan3A_57 = arith.addi %scan3A, %scan3A_56 : i32
      %scan3A_58 = arith.constant 1 : i32
      scf.for %scan3A_60 = %scan3A to %scan3A_57 step %scan3A_58  : i32 {
        %mul3A_61 = arith.constant 1 : i32
        %mul3A_62 = arith.muli %scan3A_60, %mul3A_61 : i32
        %add3A_63 = arith.constant 0 : i32
        %add3A_64 = arith.addi %add3A_63, %mul3A_62 : i32
        "tpu.region"() ({
          %run_scoped3A_221 = tpu.sem_alloc : memref<!tpu.dma_semaphore, #tpu.memory_space<semaphore_mem>>
          %dma_start3A = arith.constant 0 : i32
          %dma_start3A_222 = tpu.memref_slice %arg10[%add3A_64, %dma_start3A] : memref<157x128xi32, #tpu.memory_space<vmem>> -> memref<1x128xi32, #tpu.memory_space<vmem>>
          %dma_start3A_223 = tpu.memref_squeeze %dma_start3A_222 : memref<1x128xi32, #tpu.memory_space<vmem>> -> memref<128xi32, #tpu.memory_space<vmem>>
          %dma_start3A_224 = arith.constant 0 : i32
          %dma_start3A_225 = arith.constant 0 : i32
          %dma_start3A_226 = tpu.memref_slice %arg2[%dma_start3A_224, %dma_start3A_225] : memref<10000x128xf32, #tpu.memory_space<hbm>> -> memref<10000x128xf32, #tpu.memory_space<hbm>>
          tpu.enqueue_indirect_dma source(%dma_start3A_226 : memref<10000x128xf32, #tpu.memory_space<hbm>>) target(%arg14 : memref<128x128xf32, #tpu.memory_space<vmem>>) offsets(%dma_start3A_223 : memref<128xi32, #tpu.memory_space<vmem>>) semaphore(%run_scoped3A_221 : memref<!tpu.dma_semaphore, #tpu.memory_space<semaphore_mem>>)
          %dma_wait3A = arith.constant 0 : i32
          %dma_wait3A_227 = tpu.memref_slice %arg10[%add3A_64, %dma_wait3A] : memref<157x128xi32, #tpu.memory_space<vmem>> -> memref<1x128xi32, #tpu.memory_space<vmem>>
          %dma_wait3A_228 = tpu.memref_squeeze %dma_wait3A_227 : memref<1x128xi32, #tpu.memory_space<vmem>> -> memref<128xi32, #tpu.memory_space<vmem>>
          %dma_wait3A_229 = arith.constant 0 : i32
          %dma_wait3A_230 = arith.constant 0 : i32
          %dma_wait3A_231 = tpu.memref_slice %arg2[%dma_wait3A_229, %dma_wait3A_230] : memref<10000x128xf32, #tpu.memory_space<hbm>> -> memref<10000x128xf32, #tpu.memory_space<hbm>>
          tpu.wait_indirect_dma semaphore(%run_scoped3A_221 : memref<!tpu.dma_semaphore, #tpu.memory_space<semaphore_mem>>) src(%dma_wait3A_231 : memref<10000x128xf32, #tpu.memory_space<hbm>>) dst(%arg14 : memref<128x128xf32, #tpu.memory_space<vmem>>)
          tpu.yield
        }) : () -> ()
        %get3A = arith.index_cast %add3A_64 : i32 to index
        %get3A_65 = arith.constant 0 : index
        %get3A_66 = tpu.vector_load %arg11[%get3A, %get3A_65] {strides = array<i32>} : memref<157x128xi32, #tpu.memory_space<vmem>>, vector<16xi32>,
        %sub3A = arith.constant 0 : i32
        %sub3A_67 = vector.broadcast %sub3A : i32 to vector<16xi32>
        %sub3A_68 = arith.subi %get3A_66, %sub3A_67 : vector<16xi32>
        %ge3A = arith.constant 0 : i32
        %ge3A_69 = vector.broadcast %ge3A : i32 to vector<16xi32>
        %ge3A_70 = arith.cmpi sge, %sub3A_68, %ge3A_69 : vector<16xi32>
        %lt3A = arith.constant 5120 : i32
        %lt3A_71 = vector.broadcast %lt3A : i32 to vector<16xi32>
        %lt3A_72 = arith.cmpi slt, %sub3A_68, %lt3A_71 : vector<16xi32>
        %and3A = arith.andi %ge3A_70, %lt3A_72 : vector<16xi1>
        %jit3A = arith.constant 5120 : i32
        %broadcast_in_dim3A = vector.broadcast %jit3A : i32 to vector<16xi32>
        %select_n3A = arith.select %and3A, %sub3A_68, %broadcast_in_dim3A : vector<16xi1>, vector<16xi32>
        %swap3A = arith.constant 0 : i32
        %swap3A_73 = arith.index_cast %swap3A : i32 to index
        %swap3A_74 = arith.constant 0 : index
        %swap3A_75 = tpu.vector_load %arg13[%swap3A_73, %swap3A_74] {strides = array<i32>} : memref<1x128xi32, #tpu.memory_space<vmem>>, vector<16xi32>,
        tpu.vector_store %arg13[%swap3A_73, %swap3A_74], %select_n3A {strides = array<i32>} : memref<1x128xi32, #tpu.memory_space<vmem>>, vector<16xi32>,
        %get3A_76 = arith.index_cast %add3A_64 : i32 to index
        %get3A_77 = arith.constant 16 : index
        %get3A_78 = tpu.vector_load %arg11[%get3A_76, %get3A_77] {strides = array<i32>} : memref<157x128xi32, #tpu.memory_space<vmem>>, vector<16xi32>,
        %sub3A_79 = arith.constant 0 : i32
        %sub3A_80 = vector.broadcast %sub3A_79 : i32 to vector<16xi32>
        %sub3A_81 = arith.subi %get3A_78, %sub3A_80 : vector<16xi32>
        %ge3A_82 = arith.constant 0 : i32
        %ge3A_83 = vector.broadcast %ge3A_82 : i32 to vector<16xi32>
        %ge3A_84 = arith.cmpi sge, %sub3A_81, %ge3A_83 : vector<16xi32>
        %lt3A_85 = arith.constant 5120 : i32
        %lt3A_86 = vector.broadcast %lt3A_85 : i32 to vector<16xi32>
        %lt3A_87 = arith.cmpi slt, %sub3A_81, %lt3A_86 : vector<16xi32>
        %and3A_88 = arith.andi %ge3A_84, %lt3A_87 : vector<16xi1>
        %jit3A_89 = arith.constant 5120 : i32
        %broadcast_in_dim3A_90 = vector.broadcast %jit3A_89 : i32 to vector<16xi32>
        %select_n3A_91 = arith.select %and3A_88, %sub3A_81, %broadcast_in_dim3A_90 : vector<16xi1>, vector<16xi32>
        %swap3A_92 = arith.constant 0 : i32
        %swap3A_93 = arith.index_cast %swap3A_92 : i32 to index
        %swap3A_94 = arith.constant 16 : index
        %swap3A_95 = tpu.vector_load %arg13[%swap3A_93, %swap3A_94] {strides = array<i32>} : memref<1x128xi32, #tpu.memory_space<vmem>>, vector<16xi32>,
        tpu.vector_store %arg13[%swap3A_93, %swap3A_94], %select_n3A_91 {strides = array<i32>} : memref<1x128xi32, #tpu.memory_space<vmem>>, vector<16xi32>,
        %get3A_96 = arith.index_cast %add3A_64 : i32 to index
        %get3A_97 = arith.constant 32 : index
        %get3A_98 = tpu.vector_load %arg11[%get3A_96, %get3A_97] {strides = array<i32>} : memref<157x128xi32, #tpu.memory_space<vmem>>, vector<16xi32>,
        %sub3A_99 = arith.constant 0 : i32
        %sub3A_100 = vector.broadcast %sub3A_99 : i32 to vector<16xi32>
        %sub3A_101 = arith.subi %get3A_98, %sub3A_100 : vector<16xi32>
        %ge3A_102 = arith.constant 0 : i32
        %ge3A_103 = vector.broadcast %ge3A_102 : i32 to vector<16xi32>
        %ge3A_104 = arith.cmpi sge, %sub3A_101, %ge3A_103 : vector<16xi32>
        %lt3A_105 = arith.constant 5120 : i32
        %lt3A_106 = vector.broadcast %lt3A_105 : i32 to vector<16xi32>
        %lt3A_107 = arith.cmpi slt, %sub3A_101, %lt3A_106 : vector<16xi32>
        %and3A_108 = arith.andi %ge3A_104, %lt3A_107 : vector<16xi1>
        %jit3A_109 = arith.constant 5120 : i32
        %broadcast_in_dim3A_110 = vector.broadcast %jit3A_109 : i32 to vector<16xi32>
        %select_n3A_111 = arith.select %and3A_108, %sub3A_101, %broadcast_in_dim3A_110 : vector<16xi1>, vector<16xi32>
        %swap3A_112 = arith.constant 0 : i32
        %swap3A_113 = arith.index_cast %swap3A_112 : i32 to index
        %swap3A_114 = arith.constant 32 : index
        %swap3A_115 = tpu.vector_load %arg13[%swap3A_113, %swap3A_114] {strides = array<i32>} : memref<1x128xi32, #tpu.memory_space<vmem>>, vector<16xi32>,
        tpu.vector_store %arg13[%swap3A_113, %swap3A_114], %select_n3A_111 {strides = array<i32>} : memref<1x128xi32, #tpu.memory_space<vmem>>, vector<16xi32>,
        %get3A_116 = arith.index_cast %add3A_64 : i32 to index
        %get3A_117 = arith.constant 48 : index
        %get3A_118 = tpu.vector_load %arg11[%get3A_116, %get3A_117] {strides = array<i32>} : memref<157x128xi32, #tpu.memory_space<vmem>>, vector<16xi32>,
        %sub3A_119 = arith.constant 0 : i32
        %sub3A_120 = vector.broadcast %sub3A_119 : i32 to vector<16xi32>
        %sub3A_121 = arith.subi %get3A_118, %sub3A_120 : vector<16xi32>
        %ge3A_122 = arith.constant 0 : i32
        %ge3A_123 = vector.broadcast %ge3A_122 : i32 to vector<16xi32>
        %ge3A_124 = arith.cmpi sge, %sub3A_121, %ge3A_123 : vector<16xi32>
        %lt3A_125 = arith.constant 5120 : i32
        %lt3A_126 = vector.broadcast %lt3A_125 : i32 to vector<16xi32>
        %lt3A_127 = arith.cmpi slt, %sub3A_121, %lt3A_126 : vector<16xi32>
        %and3A_128 = arith.andi %ge3A_124, %lt3A_127 : vector<16xi1>
        %jit3A_129 = arith.constant 5120 : i32
        %broadcast_in_dim3A_130 = vector.broadcast %jit3A_129 : i32 to vector<16xi32>
        %select_n3A_131 = arith.select %and3A_128, %sub3A_121, %broadcast_in_dim3A_130 : vector<16xi1>, vector<16xi32>
        %swap3A_132 = arith.constant 0 : i32
        %swap3A_133 = arith.index_cast %swap3A_132 : i32 to index
        %swap3A_134 = arith.constant 48 : index
        %swap3A_135 = tpu.vector_load %arg13[%swap3A_133, %swap3A_134] {strides = array<i32>} : memref<1x128xi32, #tpu.memory_space<vmem>>, vector<16xi32>,
        tpu.vector_store %arg13[%swap3A_133, %swap3A_134], %select_n3A_131 {strides = array<i32>} : memref<1x128xi32, #tpu.memory_space<vmem>>, vector<16xi32>,
        %get3A_136 = arith.index_cast %add3A_64 : i32 to index
        %get3A_137 = arith.constant 64 : index
        %get3A_138 = tpu.vector_load %arg11[%get3A_136, %get3A_137] {strides = array<i32>} : memref<157x128xi32, #tpu.memory_space<vmem>>, vector<16xi32>,
        %sub3A_139 = arith.constant 0 : i32
        %sub3A_140 = vector.broadcast %sub3A_139 : i32 to vector<16xi32>
        %sub3A_141 = arith.subi %get3A_138, %sub3A_140 : vector<16xi32>
        %ge3A_142 = arith.constant 0 : i32
        %ge3A_143 = vector.broadcast %ge3A_142 : i32 to vector<16xi32>
        %ge3A_144 = arith.cmpi sge, %sub3A_141, %ge3A_143 : vector<16xi32>
        %lt3A_145 = arith.constant 5120 : i32
        %lt3A_146 = vector.broadcast %lt3A_145 : i32 to vector<16xi32>
        %lt3A_147 = arith.cmpi slt, %sub3A_141, %lt3A_146 : vector<16xi32>
        %and3A_148 = arith.andi %ge3A_144, %lt3A_147 : vector<16xi1>
        %jit3A_149 = arith.constant 5120 : i32
        %broadcast_in_dim3A_150 = vector.broadcast %jit3A_149 : i32 to vector<16xi32>
        %select_n3A_151 = arith.select %and3A_148, %sub3A_141, %broadcast_in_dim3A_150 : vector<16xi1>, vector<16xi32>
        %swap3A_152 = arith.constant 0 : i32
        %swap3A_153 = arith.index_cast %swap3A_152 : i32 to index
        %swap3A_154 = arith.constant 64 : index
        %swap3A_155 = tpu.vector_load %arg13[%swap3A_153, %swap3A_154] {strides = array<i32>} : memref<1x128xi32, #tpu.memory_space<vmem>>, vector<16xi32>,
        tpu.vector_store %arg13[%swap3A_153, %swap3A_154], %select_n3A_151 {strides = array<i32>} : memref<1x128xi32, #tpu.memory_space<vmem>>, vector<16xi32>,
        %get3A_156 = arith.index_cast %add3A_64 : i32 to index
        %get3A_157 = arith.constant 80 : index
        %get3A_158 = tpu.vector_load %arg11[%get3A_156, %get3A_157] {strides = array<i32>} : memref<157x128xi32, #tpu.memory_space<vmem>>, vector<16xi32>,
        %sub3A_159 = arith.constant 0 : i32
        %sub3A_160 = vector.broadcast %sub3A_159 : i32 to vector<16xi32>
        %sub3A_161 = arith.subi %get3A_158, %sub3A_160 : vector<16xi32>
        %ge3A_162 = arith.constant 0 : i32
        %ge3A_163 = vector.broadcast %ge3A_162 : i32 to vector<16xi32>
        %ge3A_164 = arith.cmpi sge, %sub3A_161, %ge3A_163 : vector<16xi32>
        %lt3A_165 = arith.constant 5120 : i32
        %lt3A_166 = vector.broadcast %lt3A_165 : i32 to vector<16xi32>
        %lt3A_167 = arith.cmpi slt, %sub3A_161, %lt3A_166 : vector<16xi32>
        %and3A_168 = arith.andi %ge3A_164, %lt3A_167 : vector<16xi1>
        %jit3A_169 = arith.constant 5120 : i32
        %broadcast_in_dim3A_170 = vector.broadcast %jit3A_169 : i32 to vector<16xi32>
        %select_n3A_171 = arith.select %and3A_168, %sub3A_161, %broadcast_in_dim3A_170 : vector<16xi1>, vector<16xi32>
        %swap3A_172 = arith.constant 0 : i32
        %swap3A_173 = arith.index_cast %swap3A_172 : i32 to index
        %swap3A_174 = arith.constant 80 : index
        %swap3A_175 = tpu.vector_load %arg13[%swap3A_173, %swap3A_174] {strides = array<i32>} : memref<1x128xi32, #tpu.memory_space<vmem>>, vector<16xi32>,
        tpu.vector_store %arg13[%swap3A_173, %swap3A_174], %select_n3A_171 {strides = array<i32>} : memref<1x128xi32, #tpu.memory_space<vmem>>, vector<16xi32>,
        %get3A_176 = arith.index_cast %add3A_64 : i32 to index
        %get3A_177 = arith.constant 96 : index
        %get3A_178 = tpu.vector_load %arg11[%get3A_176, %get3A_177] {strides = array<i32>} : memref<157x128xi32, #tpu.memory_space<vmem>>, vector<16xi32>,
        %sub3A_179 = arith.constant 0 : i32
        %sub3A_180 = vector.broadcast %sub3A_179 : i32 to vector<16xi32>
        %sub3A_181 = arith.subi %get3A_178, %sub3A_180 : vector<16xi32>
        %ge3A_182 = arith.constant 0 : i32
        %ge3A_183 = vector.broadcast %ge3A_182 : i32 to vector<16xi32>
        %ge3A_184 = arith.cmpi sge, %sub3A_181, %ge3A_183 : vector<16xi32>
        %lt3A_185 = arith.constant 5120 : i32
        %lt3A_186 = vector.broadcast %lt3A_185 : i32 to vector<16xi32>
        %lt3A_187 = arith.cmpi slt, %sub3A_181, %lt3A_186 : vector<16xi32>
        %and3A_188 = arith.andi %ge3A_184, %lt3A_187 : vector<16xi1>
        %jit3A_189 = arith.constant 5120 : i32
        %broadcast_in_dim3A_190 = vector.broadcast %jit3A_189 : i32 to vector<16xi32>
        %select_n3A_191 = arith.select %and3A_188, %sub3A_181, %broadcast_in_dim3A_190 : vector<16xi1>, vector<16xi32>
        %swap3A_192 = arith.constant 0 : i32
        %swap3A_193 = arith.index_cast %swap3A_192 : i32 to index
        %swap3A_194 = arith.constant 96 : index
        %swap3A_195 = tpu.vector_load %arg13[%swap3A_193, %swap3A_194] {strides = array<i32>} : memref<1x128xi32, #tpu.memory_space<vmem>>, vector<16xi32>,
        tpu.vector_store %arg13[%swap3A_193, %swap3A_194], %select_n3A_191 {strides = array<i32>} : memref<1x128xi32, #tpu.memory_space<vmem>>, vector<16xi32>,
        %get3A_196 = arith.index_cast %add3A_64 : i32 to index
        %get3A_197 = arith.constant 112 : index
        %get3A_198 = tpu.vector_load %arg11[%get3A_196, %get3A_197] {strides = array<i32>} : memref<157x128xi32, #tpu.memory_space<vmem>>, vector<16xi32>,
        %sub3A_199 = arith.constant 0 : i32
        %sub3A_200 = vector.broadcast %sub3A_199 : i32 to vector<16xi32>
        %sub3A_201 = arith.subi %get3A_198, %sub3A_200 : vector<16xi32>
        %ge3A_202 = arith.constant 0 : i32
        %ge3A_203 = vector.broadcast %ge3A_202 : i32 to vector<16xi32>
        %ge3A_204 = arith.cmpi sge, %sub3A_201, %ge3A_203 : vector<16xi32>
        %lt3A_205 = arith.constant 5120 : i32
        %lt3A_206 = vector.broadcast %lt3A_205 : i32 to vector<16xi32>
        %lt3A_207 = arith.cmpi slt, %sub3A_201, %lt3A_206 : vector<16xi32>
        %and3A_208 = arith.andi %ge3A_204, %lt3A_207 : vector<16xi1>
        %jit3A_209 = arith.constant 5120 : i32
        %broadcast_in_dim3A_210 = vector.broadcast %jit3A_209 : i32 to vector<16xi32>
        %select_n3A_211 = arith.select %and3A_208, %sub3A_201, %broadcast_in_dim3A_210 : vector<16xi1>, vector<16xi32>
        %swap3A_212 = arith.constant 0 : i32
        %swap3A_213 = arith.index_cast %swap3A_212 : i32 to index
        %swap3A_214 = arith.constant 112 : index
        %swap3A_215 = tpu.vector_load %arg13[%swap3A_213, %swap3A_214] {strides = array<i32>} : memref<1x128xi32, #tpu.memory_space<vmem>>, vector<16xi32>,
        tpu.vector_store %arg13[%swap3A_213, %swap3A_214], %select_n3A_211 {strides = array<i32>} : memref<1x128xi32, #tpu.memory_space<vmem>>, vector<16xi32>,
        %scan3A_216 = arith.constant 0 : i32
        %scan3A_217 = arith.constant 128 : i32
        %scan3A_218 = arith.addi %scan3A_216, %scan3A_217 : i32
        %scan3A_219 = arith.constant 1 : i32
        scf.for %scan3A_221 = %scan3A_216 to %scan3A_218 step %scan3A_219  : i32 {
          %mul3A_222 = arith.constant 1 : i32
          %mul3A_223 = arith.muli %scan3A_221, %mul3A_222 : i32
          %add3A_224 = arith.constant 0 : i32
          %add3A_225 = arith.addi %add3A_224, %mul3A_223 : i32
          %broadcast_in_dim3A_226 = vector.broadcast %add3A_64 : i32 to vector<16xi32>
          %broadcast_in_dim3A_227 = vector.broadcast %add3A_225 : i32 to vector<16xi32>
          %gather3A = tpu.vector_load_idx %arg12[%broadcast_in_dim3A_226, %broadcast_in_dim3A_227] : memref<157x128xf32, #tpu.memory_space<vmem>>[vector<16xi32>, vector<16xi32>], vector<16xf32>,
          %get3A_228 = arith.index_cast %add3A_225 : i32 to index
          %get3A_229 = arith.constant 0 : index
          %get3A_230 = tpu.vector_load %arg14[%get3A_228, %get3A_229] {strides = array<i32>} : memref<128x128xf32, #tpu.memory_space<vmem>>, vector<16xf32>,
          %mul3A_231 = arith.mulf %get3A_230, %gather3A : vector<16xf32>
          %swap3A_232 = arith.index_cast %add3A_225 : i32 to index
          %swap3A_233 = arith.constant 0 : index
          %swap3A_234 = tpu.vector_load %arg14[%swap3A_232, %swap3A_233] {strides = array<i32>} : memref<128x128xf32, #tpu.memory_space<vmem>>, vector<16xf32>,
          tpu.vector_store %arg14[%swap3A_232, %swap3A_233], %mul3A_231 {strides = array<i32>} : memref<128x128xf32, #tpu.memory_space<vmem>>, vector<16xf32>,
          %get3A_235 = arith.index_cast %add3A_225 : i32 to index
          %get3A_236 = arith.constant 16 : index
          %get3A_237 = tpu.vector_load %arg14[%get3A_235, %get3A_236] {strides = array<i32>} : memref<128x128xf32, #tpu.memory_space<vmem>>, vector<16xf32>,
          %mul3A_238 = arith.mulf %get3A_237, %gather3A : vector<16xf32>
          %swap3A_239 = arith.index_cast %add3A_225 : i32 to index
          %swap3A_240 = arith.constant 16 : index
          %swap3A_241 = tpu.vector_load %arg14[%swap3A_239, %swap3A_240] {strides = array<i32>} : memref<128x128xf32, #tpu.memory_space<vmem>>, vector<16xf32>,
          tpu.vector_store %arg14[%swap3A_239, %swap3A_240], %mul3A_238 {strides = array<i32>} : memref<128x128xf32, #tpu.memory_space<vmem>>, vector<16xf32>,
          %get3A_242 = arith.index_cast %add3A_225 : i32 to index
          %get3A_243 = arith.constant 32 : index
          %get3A_244 = tpu.vector_load %arg14[%get3A_242, %get3A_243] {strides = array<i32>} : memref<128x128xf32, #tpu.memory_space<vmem>>, vector<16xf32>,
          %mul3A_245 = arith.mulf %get3A_244, %gather3A : vector<16xf32>
          %swap3A_246 = arith.index_cast %add3A_225 : i32 to index
          %swap3A_247 = arith.constant 32 : index
          %swap3A_248 = tpu.vector_load %arg14[%swap3A_246, %swap3A_247] {strides = array<i32>} : memref<128x128xf32, #tpu.memory_space<vmem>>, vector<16xf32>,
          tpu.vector_store %arg14[%swap3A_246, %swap3A_247], %mul3A_245 {strides = array<i32>} : memref<128x128xf32, #tpu.memory_space<vmem>>, vector<16xf32>,
          %get3A_249 = arith.index_cast %add3A_225 : i32 to index
          %get3A_250 = arith.constant 48 : index
          %get3A_251 = tpu.vector_load %arg14[%get3A_249, %get3A_250] {strides = array<i32>} : memref<128x128xf32, #tpu.memory_space<vmem>>, vector<16xf32>,
          %mul3A_252 = arith.mulf %get3A_251, %gather3A : vector<16xf32>
          %swap3A_253 = arith.index_cast %add3A_225 : i32 to index
          %swap3A_254 = arith.constant 48 : index
          %swap3A_255 = tpu.vector_load %arg14[%swap3A_253, %swap3A_254] {strides = array<i32>} : memref<128x128xf32, #tpu.memory_space<vmem>>, vector<16xf32>,
          tpu.vector_store %arg14[%swap3A_253, %swap3A_254], %mul3A_252 {strides = array<i32>} : memref<128x128xf32, #tpu.memory_space<vmem>>, vector<16xf32>,
          %get3A_256 = arith.index_cast %add3A_225 : i32 to index
          %get3A_257 = arith.constant 64 : index
          %get3A_258 = tpu.vector_load %arg14[%get3A_256, %get3A_257] {strides = array<i32>} : memref<128x128xf32, #tpu.memory_space<vmem>>, vector<16xf32>,
          %mul3A_259 = arith.mulf %get3A_258, %gather3A : vector<16xf32>
          %swap3A_260 = arith.index_cast %add3A_225 : i32 to index
          %swap3A_261 = arith.constant 64 : index
          %swap3A_262 = tpu.vector_load %arg14[%swap3A_260, %swap3A_261] {strides = array<i32>} : memref<128x128xf32, #tpu.memory_space<vmem>>, vector<16xf32>,
          tpu.vector_store %arg14[%swap3A_260, %swap3A_261], %mul3A_259 {strides = array<i32>} : memref<128x128xf32, #tpu.memory_space<vmem>>, vector<16xf32>,
          %get3A_263 = arith.index_cast %add3A_225 : i32 to index
          %get3A_264 = arith.constant 80 : index
          %get3A_265 = tpu.vector_load %arg14[%get3A_263, %get3A_264] {strides = array<i32>} : memref<128x128xf32, #tpu.memory_space<vmem>>, vector<16xf32>,
          %mul3A_266 = arith.mulf %get3A_265, %gather3A : vector<16xf32>
          %swap3A_267 = arith.index_cast %add3A_225 : i32 to index
          %swap3A_268 = arith.constant 80 : index
          %swap3A_269 = tpu.vector_load %arg14[%swap3A_267, %swap3A_268] {strides = array<i32>} : memref<128x128xf32, #tpu.memory_space<vmem>>, vector<16xf32>,
          tpu.vector_store %arg14[%swap3A_267, %swap3A_268], %mul3A_266 {strides = array<i32>} : memref<128x128xf32, #tpu.memory_space<vmem>>, vector<16xf32>,
          %get3A_270 = arith.index_cast %add3A_225 : i32 to index
          %get3A_271 = arith.constant 96 : index
          %get3A_272 = tpu.vector_load %arg14[%get3A_270, %get3A_271] {strides = array<i32>} : memref<128x128xf32, #tpu.memory_space<vmem>>, vector<16xf32>,
          %mul3A_273 = arith.mulf %get3A_272, %gather3A : vector<16xf32>
          %swap3A_274 = arith.index_cast %add3A_225 : i32 to index
          %swap3A_275 = arith.constant 96 : index
          %swap3A_276 = tpu.vector_load %arg14[%swap3A_274, %swap3A_275] {strides = array<i32>} : memref<128x128xf32, #tpu.memory_space<vmem>>, vector<16xf32>,
          tpu.vector_store %arg14[%swap3A_274, %swap3A_275], %mul3A_273 {strides = array<i32>} : memref<128x128xf32, #tpu.memory_space<vmem>>, vector<16xf32>,
          %get3A_277 = arith.index_cast %add3A_225 : i32 to index
          %get3A_278 = arith.constant 112 : index
          %get3A_279 = tpu.vector_load %arg14[%get3A_277, %get3A_278] {strides = array<i32>} : memref<128x128xf32, #tpu.memory_space<vmem>>, vector<16xf32>,
          %mul3A_280 = arith.mulf %get3A_279, %gather3A : vector<16xf32>
          %swap3A_281 = arith.index_cast %add3A_225 : i32 to index
          %swap3A_282 = arith.constant 112 : index
          %swap3A_283 = tpu.vector_load %arg14[%swap3A_281, %swap3A_282] {strides = array<i32>} : memref<128x128xf32, #tpu.memory_space<vmem>>, vector<16xf32>,
          tpu.vector_store %arg14[%swap3A_281, %swap3A_282], %mul3A_280 {strides = array<i32>} : memref<128x128xf32, #tpu.memory_space<vmem>>, vector<16xf32>,
        }
        %scan3A_220 = arith.constant 128 : i32
        %run_scoped3A = arith.constant 0 : i32
        "tpu.region"() ({
          %run_scoped3A_221 = tpu.sem_alloc : memref<!tpu.dma_semaphore, #tpu.memory_space<semaphore_mem>>
          %dma_start3A = arith.constant 0 : i32
          %dma_start3A_222 = tpu.memref_slice %arg13[%run_scoped3A, %dma_start3A] : memref<1x128xi32, #tpu.memory_space<vmem>> -> memref<1x128xi32, #tpu.memory_space<vmem>>
          %dma_start3A_223 = tpu.memref_squeeze %dma_start3A_222 : memref<1x128xi32, #tpu.memory_space<vmem>> -> memref<128xi32, #tpu.memory_space<vmem>>
          %dma_start3A_224 = arith.constant 0 : i32
          %dma_start3A_225 = arith.constant 0 : i32
          %dma_start3A_226 = tpu.memref_slice %arg15[%dma_start3A_224, %dma_start3A_225] : memref<5248x128xf32, #tpu.memory_space<vmem_shared>> -> memref<5248x128xf32, #tpu.memory_space<vmem_shared>>
          tpu.enqueue_indirect_dma source(%arg14 : memref<128x128xf32, #tpu.memory_space<vmem>>) target(%dma_start3A_226 : memref<5248x128xf32, #tpu.memory_space<vmem_shared>>) offsets(%dma_start3A_223 : memref<128xi32, #tpu.memory_space<vmem>>) semaphore(%run_scoped3A_221 : memref<!tpu.dma_semaphore, #tpu.memory_space<semaphore_mem>>) {add = true}
          %dma_wait3A = arith.constant 0 : i32
          %dma_wait3A_227 = tpu.memref_slice %arg13[%run_scoped3A, %dma_wait3A] : memref<1x128xi32, #tpu.memory_space<vmem>> -> memref<1x128xi32, #tpu.memory_space<vmem>>
          %dma_wait3A_228 = tpu.memref_squeeze %dma_wait3A_227 : memref<1x128xi32, #tpu.memory_space<vmem>> -> memref<128xi32, #tpu.memory_space<vmem>>
          %dma_wait3A_229 = arith.constant 0 : i32
          %dma_wait3A_230 = arith.constant 0 : i32
          %dma_wait3A_231 = tpu.memref_slice %arg15[%dma_wait3A_229, %dma_wait3A_230] : memref<5248x128xf32, #tpu.memory_space<vmem_shared>> -> memref<5248x128xf32, #tpu.memory_space<vmem_shared>>
          tpu.wait_indirect_dma semaphore(%run_scoped3A_221 : memref<!tpu.dma_semaphore, #tpu.memory_space<semaphore_mem>>) src(%arg14 : memref<128x128xf32, #tpu.memory_space<vmem>>) dst(%dma_wait3A_231 : memref<5248x128xf32, #tpu.memory_space<vmem_shared>>)
          tpu.yield
        }) : () -> ()
      }
      %scan3A_59 = arith.constant 157 : i32
    } else {
    }
    %eq3A_3 = arith.constant 1 : i32
    %eq3A_4 = arith.cmpi eq, %arg0, %eq3A_3 : i32
    %convert_element_type3A_5 = arith.extui %eq3A_4 : i1 to i32
    %cond3A_6 = arith.constant 0 : i32
    %cond3A_7 = arith.cmpi ne, %convert_element_type3A_5, %cond3A_6 : i32
    scf.if %cond3A_7 {
      %scan3A = arith.constant 0 : i32
      %scan3A_56 = arith.constant 157 : i32
      %scan3A_57 = arith.addi %scan3A, %scan3A_56 : i32
      %scan3A_58 = arith.constant 1 : i32
      scf.for %scan3A_60 = %scan3A to %scan3A_57 step %scan3A_58  : i32 {
        %mul3A_61 = arith.constant 1 : i32
        %mul3A_62 = arith.muli %scan3A_60, %mul3A_61 : i32
        %add3A_63 = arith.constant 0 : i32
        %add3A_64 = arith.addi %add3A_63, %mul3A_62 : i32
        "tpu.region"() ({
          %run_scoped3A_221 = tpu.sem_alloc : memref<!tpu.dma_semaphore, #tpu.memory_space<semaphore_mem>>
          %dma_start3A = arith.constant 0 : i32
          %dma_start3A_222 = tpu.memref_slice %arg10[%add3A_64, %dma_start3A] : memref<157x128xi32, #tpu.memory_space<vmem>> -> memref<1x128xi32, #tpu.memory_space<vmem>>
          %dma_start3A_223 = tpu.memref_squeeze %dma_start3A_222 : memref<1x128xi32, #tpu.memory_space<vmem>> -> memref<128xi32, #tpu.memory_space<vmem>>
          %dma_start3A_224 = arith.constant 0 : i32
          %dma_start3A_225 = arith.constant 0 : i32
          %dma_start3A_226 = tpu.memref_slice %arg3[%dma_start3A_224, %dma_start3A_225] : memref<10000x128xf32, #tpu.memory_space<hbm>> -> memref<10000x128xf32, #tpu.memory_space<hbm>>
          tpu.enqueue_indirect_dma source(%dma_start3A_226 : memref<10000x128xf32, #tpu.memory_space<hbm>>) target(%arg14 : memref<128x128xf32, #tpu.memory_space<vmem>>) offsets(%dma_start3A_223 : memref<128xi32, #tpu.memory_space<vmem>>) semaphore(%run_scoped3A_221 : memref<!tpu.dma_semaphore, #tpu.memory_space<semaphore_mem>>)
          %dma_wait3A = arith.constant 0 : i32
          %dma_wait3A_227 = tpu.memref_slice %arg10[%add3A_64, %dma_wait3A] : memref<157x128xi32, #tpu.memory_space<vmem>> -> memref<1x128xi32, #tpu.memory_space<vmem>>
          %dma_wait3A_228 = tpu.memref_squeeze %dma_wait3A_227 : memref<1x128xi32, #tpu.memory_space<vmem>> -> memref<128xi32, #tpu.memory_space<vmem>>
          %dma_wait3A_229 = arith.constant 0 : i32
          %dma_wait3A_230 = arith.constant 0 : i32
          %dma_wait3A_231 = tpu.memref_slice %arg3[%dma_wait3A_229, %dma_wait3A_230] : memref<10000x128xf32, #tpu.memory_space<hbm>> -> memref<10000x128xf32, #tpu.memory_space<hbm>>
          tpu.wait_indirect_dma semaphore(%run_scoped3A_221 : memref<!tpu.dma_semaphore, #tpu.memory_space<semaphore_mem>>) src(%dma_wait3A_231 : memref<10000x128xf32, #tpu.memory_space<hbm>>) dst(%arg14 : memref<128x128xf32, #tpu.memory_space<vmem>>)
          tpu.yield
        }) : () -> ()
        %get3A = arith.index_cast %add3A_64 : i32 to index
        %get3A_65 = arith.constant 0 : index
        %get3A_66 = tpu.vector_load %arg11[%get3A, %get3A_65] {strides = array<i32>} : memref<157x128xi32, #tpu.memory_space<vmem>>, vector<16xi32>,
        %sub3A = arith.constant 0 : i32
        %sub3A_67 = vector.broadcast %sub3A : i32 to vector<16xi32>
        %sub3A_68 = arith.subi %get3A_66, %sub3A_67 : vector<16xi32>
        %ge3A = arith.constant 0 : i32
        %ge3A_69 = vector.broadcast %ge3A : i32 to vector<16xi32>
        %ge3A_70 = arith.cmpi sge, %sub3A_68, %ge3A_69 : vector<16xi32>
        %lt3A = arith.constant 5120 : i32
        %lt3A_71 = vector.broadcast %lt3A : i32 to vector<16xi32>
        %lt3A_72 = arith.cmpi slt, %sub3A_68, %lt3A_71 : vector<16xi32>
        %and3A = arith.andi %ge3A_70, %lt3A_72 : vector<16xi1>
        %jit3A = arith.constant 5120 : i32
        %broadcast_in_dim3A = vector.broadcast %jit3A : i32 to vector<16xi32>
        %select_n3A = arith.select %and3A, %sub3A_68, %broadcast_in_dim3A : vector<16xi1>, vector<16xi32>
        %swap3A = arith.constant 0 : i32
        %swap3A_73 = arith.index_cast %swap3A : i32 to index
        %swap3A_74 = arith.constant 0 : index
        %swap3A_75 = tpu.vector_load %arg13[%swap3A_73, %swap3A_74] {strides = array<i32>} : memref<1x128xi32, #tpu.memory_space<vmem>>, vector<16xi32>,
        tpu.vector_store %arg13[%swap3A_73, %swap3A_74], %select_n3A {strides = array<i32>} : memref<1x128xi32, #tpu.memory_space<vmem>>, vector<16xi32>,
        %get3A_76 = arith.index_cast %add3A_64 : i32 to index
        %get3A_77 = arith.constant 16 : index
        %get3A_78 = tpu.vector_load %arg11[%get3A_76, %get3A_77] {strides = array<i32>} : memref<157x128xi32, #tpu.memory_space<vmem>>, vector<16xi32>,
        %sub3A_79 = arith.constant 0 : i32
        %sub3A_80 = vector.broadcast %sub3A_79 : i32 to vector<16xi32>
        %sub3A_81 = arith.subi %get3A_78, %sub3A_80 : vector<16xi32>
        %ge3A_82 = arith.constant 0 : i32
        %ge3A_83 = vector.broadcast %ge3A_82 : i32 to vector<16xi32>
        %ge3A_84 = arith.cmpi sge, %sub3A_81, %ge3A_83 : vector<16xi32>
        %lt3A_85 = arith.constant 5120 : i32
        %lt3A_86 = vector.broadcast %lt3A_85 : i32 to vector<16xi32>
        %lt3A_87 = arith.cmpi slt, %sub3A_81, %lt3A_86 : vector<16xi32>
        %and3A_88 = arith.andi %ge3A_84, %lt3A_87 : vector<16xi1>
        %jit3A_89 = arith.constant 5120 : i32
        %broadcast_in_dim3A_90 = vector.broadcast %jit3A_89 : i32 to vector<16xi32>
        %select_n3A_91 = arith.select %and3A_88, %sub3A_81, %broadcast_in_dim3A_90 : vector<16xi1>, vector<16xi32>
        %swap3A_92 = arith.constant 0 : i32
        %swap3A_93 = arith.index_cast %swap3A_92 : i32 to index
        %swap3A_94 = arith.constant 16 : index
        %swap3A_95 = tpu.vector_load %arg13[%swap3A_93, %swap3A_94] {strides = array<i32>} : memref<1x128xi32, #tpu.memory_space<vmem>>, vector<16xi32>,
        tpu.vector_store %arg13[%swap3A_93, %swap3A_94], %select_n3A_91 {strides = array<i32>} : memref<1x128xi32, #tpu.memory_space<vmem>>, vector<16xi32>,
        %get3A_96 = arith.index_cast %add3A_64 : i32 to index
        %get3A_97 = arith.constant 32 : index
        %get3A_98 = tpu.vector_load %arg11[%get3A_96, %get3A_97] {strides = array<i32>} : memref<157x128xi32, #tpu.memory_space<vmem>>, vector<16xi32>,
        %sub3A_99 = arith.constant 0 : i32
        %sub3A_100 = vector.broadcast %sub3A_99 : i32 to vector<16xi32>
        %sub3A_101 = arith.subi %get3A_98, %sub3A_100 : vector<16xi32>
        %ge3A_102 = arith.constant 0 : i32
        %ge3A_103 = vector.broadcast %ge3A_102 : i32 to vector<16xi32>
        %ge3A_104 = arith.cmpi sge, %sub3A_101, %ge3A_103 : vector<16xi32>
        %lt3A_105 = arith.constant 5120 : i32
        %lt3A_106 = vector.broadcast %lt3A_105 : i32 to vector<16xi32>
        %lt3A_107 = arith.cmpi slt, %sub3A_101, %lt3A_106 : vector<16xi32>
        %and3A_108 = arith.andi %ge3A_104, %lt3A_107 : vector<16xi1>
        %jit3A_109 = arith.constant 5120 : i32
        %broadcast_in_dim3A_110 = vector.broadcast %jit3A_109 : i32 to vector<16xi32>
        %select_n3A_111 = arith.select %and3A_108, %sub3A_101, %broadcast_in_dim3A_110 : vector<16xi1>, vector<16xi32>
        %swap3A_112 = arith.constant 0 : i32
        %swap3A_113 = arith.index_cast %swap3A_112 : i32 to index
        %swap3A_114 = arith.constant 32 : index
        %swap3A_115 = tpu.vector_load %arg13[%swap3A_113, %swap3A_114] {strides = array<i32>} : memref<1x128xi32, #tpu.memory_space<vmem>>, vector<16xi32>,
        tpu.vector_store %arg13[%swap3A_113, %swap3A_114], %select_n3A_111 {strides = array<i32>} : memref<1x128xi32, #tpu.memory_space<vmem>>, vector<16xi32>,
        %get3A_116 = arith.index_cast %add3A_64 : i32 to index
        %get3A_117 = arith.constant 48 : index
        %get3A_118 = tpu.vector_load %arg11[%get3A_116, %get3A_117] {strides = array<i32>} : memref<157x128xi32, #tpu.memory_space<vmem>>, vector<16xi32>,
        %sub3A_119 = arith.constant 0 : i32
        %sub3A_120 = vector.broadcast %sub3A_119 : i32 to vector<16xi32>
        %sub3A_121 = arith.subi %get3A_118, %sub3A_120 : vector<16xi32>
        %ge3A_122 = arith.constant 0 : i32
        %ge3A_123 = vector.broadcast %ge3A_122 : i32 to vector<16xi32>
        %ge3A_124 = arith.cmpi sge, %sub3A_121, %ge3A_123 : vector<16xi32>
        %lt3A_125 = arith.constant 5120 : i32
        %lt3A_126 = vector.broadcast %lt3A_125 : i32 to vector<16xi32>
        %lt3A_127 = arith.cmpi slt, %sub3A_121, %lt3A_126 : vector<16xi32>
        %and3A_128 = arith.andi %ge3A_124, %lt3A_127 : vector<16xi1>
        %jit3A_129 = arith.constant 5120 : i32
        %broadcast_in_dim3A_130 = vector.broadcast %jit3A_129 : i32 to vector<16xi32>
        %select_n3A_131 = arith.select %and3A_128, %sub3A_121, %broadcast_in_dim3A_130 : vector<16xi1>, vector<16xi32>
        %swap3A_132 = arith.constant 0 : i32
        %swap3A_133 = arith.index_cast %swap3A_132 : i32 to index
        %swap3A_134 = arith.constant 48 : index
        %swap3A_135 = tpu.vector_load %arg13[%swap3A_133, %swap3A_134] {strides = array<i32>} : memref<1x128xi32, #tpu.memory_space<vmem>>, vector<16xi32>,
        tpu.vector_store %arg13[%swap3A_133, %swap3A_134], %select_n3A_131 {strides = array<i32>} : memref<1x128xi32, #tpu.memory_space<vmem>>, vector<16xi32>,
        %get3A_136 = arith.index_cast %add3A_64 : i32 to index
        %get3A_137 = arith.constant 64 : index
        %get3A_138 = tpu.vector_load %arg11[%get3A_136, %get3A_137] {strides = array<i32>} : memref<157x128xi32, #tpu.memory_space<vmem>>, vector<16xi32>,
        %sub3A_139 = arith.constant 0 : i32
        %sub3A_140 = vector.broadcast %sub3A_139 : i32 to vector<16xi32>
        %sub3A_141 = arith.subi %get3A_138, %sub3A_140 : vector<16xi32>
        %ge3A_142 = arith.constant 0 : i32
        %ge3A_143 = vector.broadcast %ge3A_142 : i32 to vector<16xi32>
        %ge3A_144 = arith.cmpi sge, %sub3A_141, %ge3A_143 : vector<16xi32>
        %lt3A_145 = arith.constant 5120 : i32
        %lt3A_146 = vector.broadcast %lt3A_145 : i32 to vector<16xi32>
        %lt3A_147 = arith.cmpi slt, %sub3A_141, %lt3A_146 : vector<16xi32>
        %and3A_148 = arith.andi %ge3A_144, %lt3A_147 : vector<16xi1>
        %jit3A_149 = arith.constant 5120 : i32
        %broadcast_in_dim3A_150 = vector.broadcast %jit3A_149 : i32 to vector<16xi32>
        %select_n3A_151 = arith.select %and3A_148, %sub3A_141, %broadcast_in_dim3A_150 : vector<16xi1>, vector<16xi32>
        %swap3A_152 = arith.constant 0 : i32
        %swap3A_153 = arith.index_cast %swap3A_152 : i32 to index
        %swap3A_154 = arith.constant 64 : index
        %swap3A_155 = tpu.vector_load %arg13[%swap3A_153, %swap3A_154] {strides = array<i32>} : memref<1x128xi32, #tpu.memory_space<vmem>>, vector<16xi32>,
        tpu.vector_store %arg13[%swap3A_153, %swap3A_154], %select_n3A_151 {strides = array<i32>} : memref<1x128xi32, #tpu.memory_space<vmem>>, vector<16xi32>,
        %get3A_156 = arith.index_cast %add3A_64 : i32 to index
        %get3A_157 = arith.constant 80 : index
        %get3A_158 = tpu.vector_load %arg11[%get3A_156, %get3A_157] {strides = array<i32>} : memref<157x128xi32, #tpu.memory_space<vmem>>, vector<16xi32>,
        %sub3A_159 = arith.constant 0 : i32
        %sub3A_160 = vector.broadcast %sub3A_159 : i32 to vector<16xi32>
        %sub3A_161 = arith.subi %get3A_158, %sub3A_160 : vector<16xi32>
        %ge3A_162 = arith.constant 0 : i32
        %ge3A_163 = vector.broadcast %ge3A_162 : i32 to vector<16xi32>
        %ge3A_164 = arith.cmpi sge, %sub3A_161, %ge3A_163 : vector<16xi32>
        %lt3A_165 = arith.constant 5120 : i32
        %lt3A_166 = vector.broadcast %lt3A_165 : i32 to vector<16xi32>
        %lt3A_167 = arith.cmpi slt, %sub3A_161, %lt3A_166 : vector<16xi32>
        %and3A_168 = arith.andi %ge3A_164, %lt3A_167 : vector<16xi1>
        %jit3A_169 = arith.constant 5120 : i32
        %broadcast_in_dim3A_170 = vector.broadcast %jit3A_169 : i32 to vector<16xi32>
        %select_n3A_171 = arith.select %and3A_168, %sub3A_161, %broadcast_in_dim3A_170 : vector<16xi1>, vector<16xi32>
        %swap3A_172 = arith.constant 0 : i32
        %swap3A_173 = arith.index_cast %swap3A_172 : i32 to index
        %swap3A_174 = arith.constant 80 : index
        %swap3A_175 = tpu.vector_load %arg13[%swap3A_173, %swap3A_174] {strides = array<i32>} : memref<1x128xi32, #tpu.memory_space<vmem>>, vector<16xi32>,
        tpu.vector_store %arg13[%swap3A_173, %swap3A_174], %select_n3A_171 {strides = array<i32>} : memref<1x128xi32, #tpu.memory_space<vmem>>, vector<16xi32>,
        %get3A_176 = arith.index_cast %add3A_64 : i32 to index
        %get3A_177 = arith.constant 96 : index
        %get3A_178 = tpu.vector_load %arg11[%get3A_176, %get3A_177] {strides = array<i32>} : memref<157x128xi32, #tpu.memory_space<vmem>>, vector<16xi32>,
        %sub3A_179 = arith.constant 0 : i32
        %sub3A_180 = vector.broadcast %sub3A_179 : i32 to vector<16xi32>
        %sub3A_181 = arith.subi %get3A_178, %sub3A_180 : vector<16xi32>
        %ge3A_182 = arith.constant 0 : i32
        %ge3A_183 = vector.broadcast %ge3A_182 : i32 to vector<16xi32>
        %ge3A_184 = arith.cmpi sge, %sub3A_181, %ge3A_183 : vector<16xi32>
        %lt3A_185 = arith.constant 5120 : i32
        %lt3A_186 = vector.broadcast %lt3A_185 : i32 to vector<16xi32>
        %lt3A_187 = arith.cmpi slt, %sub3A_181, %lt3A_186 : vector<16xi32>
        %and3A_188 = arith.andi %ge3A_184, %lt3A_187 : vector<16xi1>
        %jit3A_189 = arith.constant 5120 : i32
        %broadcast_in_dim3A_190 = vector.broadcast %jit3A_189 : i32 to vector<16xi32>
        %select_n3A_191 = arith.select %and3A_188, %sub3A_181, %broadcast_in_dim3A_190 : vector<16xi1>, vector<16xi32>
        %swap3A_192 = arith.constant 0 : i32
        %swap3A_193 = arith.index_cast %swap3A_192 : i32 to index
        %swap3A_194 = arith.constant 96 : index
        %swap3A_195 = tpu.vector_load %arg13[%swap3A_193, %swap3A_194] {strides = array<i32>} : memref<1x128xi32, #tpu.memory_space<vmem>>, vector<16xi32>,
        tpu.vector_store %arg13[%swap3A_193, %swap3A_194], %select_n3A_191 {strides = array<i32>} : memref<1x128xi32, #tpu.memory_space<vmem>>, vector<16xi32>,
        %get3A_196 = arith.index_cast %add3A_64 : i32 to index
        %get3A_197 = arith.constant 112 : index
        %get3A_198 = tpu.vector_load %arg11[%get3A_196, %get3A_197] {strides = array<i32>} : memref<157x128xi32, #tpu.memory_space<vmem>>, vector<16xi32>,
        %sub3A_199 = arith.constant 0 : i32
        %sub3A_200 = vector.broadcast %sub3A_199 : i32 to vector<16xi32>
        %sub3A_201 = arith.subi %get3A_198, %sub3A_200 : vector<16xi32>
        %ge3A_202 = arith.constant 0 : i32
        %ge3A_203 = vector.broadcast %ge3A_202 : i32 to vector<16xi32>
        %ge3A_204 = arith.cmpi sge, %sub3A_201, %ge3A_203 : vector<16xi32>
        %lt3A_205 = arith.constant 5120 : i32
        %lt3A_206 = vector.broadcast %lt3A_205 : i32 to vector<16xi32>
        %lt3A_207 = arith.cmpi slt, %sub3A_201, %lt3A_206 : vector<16xi32>
        %and3A_208 = arith.andi %ge3A_204, %lt3A_207 : vector<16xi1>
        %jit3A_209 = arith.constant 5120 : i32
        %broadcast_in_dim3A_210 = vector.broadcast %jit3A_209 : i32 to vector<16xi32>
        %select_n3A_211 = arith.select %and3A_208, %sub3A_201, %broadcast_in_dim3A_210 : vector<16xi1>, vector<16xi32>
        %swap3A_212 = arith.constant 0 : i32
        %swap3A_213 = arith.index_cast %swap3A_212 : i32 to index
        %swap3A_214 = arith.constant 112 : index
        %swap3A_215 = tpu.vector_load %arg13[%swap3A_213, %swap3A_214] {strides = array<i32>} : memref<1x128xi32, #tpu.memory_space<vmem>>, vector<16xi32>,
        tpu.vector_store %arg13[%swap3A_213, %swap3A_214], %select_n3A_211 {strides = array<i32>} : memref<1x128xi32, #tpu.memory_space<vmem>>, vector<16xi32>,
        %scan3A_216 = arith.constant 0 : i32
        %scan3A_217 = arith.constant 128 : i32
        %scan3A_218 = arith.addi %scan3A_216, %scan3A_217 : i32
        %scan3A_219 = arith.constant 1 : i32
        scf.for %scan3A_221 = %scan3A_216 to %scan3A_218 step %scan3A_219  : i32 {
          %mul3A_222 = arith.constant 1 : i32
          %mul3A_223 = arith.muli %scan3A_221, %mul3A_222 : i32
          %add3A_224 = arith.constant 0 : i32
          %add3A_225 = arith.addi %add3A_224, %mul3A_223 : i32
          %broadcast_in_dim3A_226 = vector.broadcast %add3A_64 : i32 to vector<16xi32>
          %broadcast_in_dim3A_227 = vector.broadcast %add3A_225 : i32 to vector<16xi32>
          %gather3A = tpu.vector_load_idx %arg12[%broadcast_in_dim3A_226, %broadcast_in_dim3A_227] : memref<157x128xf32, #tpu.memory_space<vmem>>[vector<16xi32>, vector<16xi32>], vector<16xf32>,
          %get3A_228 = arith.index_cast %add3A_225 : i32 to index
          %get3A_229 = arith.constant 0 : index
          %get3A_230 = tpu.vector_load %arg14[%get3A_228, %get3A_229] {strides = array<i32>} : memref<128x128xf32, #tpu.memory_space<vmem>>, vector<16xf32>,
          %mul3A_231 = arith.mulf %get3A_230, %gather3A : vector<16xf32>
          %swap3A_232 = arith.index_cast %add3A_225 : i32 to index
          %swap3A_233 = arith.constant 0 : index
          %swap3A_234 = tpu.vector_load %arg14[%swap3A_232, %swap3A_233] {strides = array<i32>} : memref<128x128xf32, #tpu.memory_space<vmem>>, vector<16xf32>,
          tpu.vector_store %arg14[%swap3A_232, %swap3A_233], %mul3A_231 {strides = array<i32>} : memref<128x128xf32, #tpu.memory_space<vmem>>, vector<16xf32>,
          %get3A_235 = arith.index_cast %add3A_225 : i32 to index
          %get3A_236 = arith.constant 16 : index
          %get3A_237 = tpu.vector_load %arg14[%get3A_235, %get3A_236] {strides = array<i32>} : memref<128x128xf32, #tpu.memory_space<vmem>>, vector<16xf32>,
          %mul3A_238 = arith.mulf %get3A_237, %gather3A : vector<16xf32>
          %swap3A_239 = arith.index_cast %add3A_225 : i32 to index
          %swap3A_240 = arith.constant 16 : index
          %swap3A_241 = tpu.vector_load %arg14[%swap3A_239, %swap3A_240] {strides = array<i32>} : memref<128x128xf32, #tpu.memory_space<vmem>>, vector<16xf32>,
          tpu.vector_store %arg14[%swap3A_239, %swap3A_240], %mul3A_238 {strides = array<i32>} : memref<128x128xf32, #tpu.memory_space<vmem>>, vector<16xf32>,
          %get3A_242 = arith.index_cast %add3A_225 : i32 to index
          %get3A_243 = arith.constant 32 : index
          %get3A_244 = tpu.vector_load %arg14[%get3A_242, %get3A_243] {strides = array<i32>} : memref<128x128xf32, #tpu.memory_space<vmem>>, vector<16xf32>,
          %mul3A_245 = arith.mulf %get3A_244, %gather3A : vector<16xf32>
          %swap3A_246 = arith.index_cast %add3A_225 : i32 to index
          %swap3A_247 = arith.constant 32 : index
          %swap3A_248 = tpu.vector_load %arg14[%swap3A_246, %swap3A_247] {strides = array<i32>} : memref<128x128xf32, #tpu.memory_space<vmem>>, vector<16xf32>,
          tpu.vector_store %arg14[%swap3A_246, %swap3A_247], %mul3A_245 {strides = array<i32>} : memref<128x128xf32, #tpu.memory_space<vmem>>, vector<16xf32>,
          %get3A_249 = arith.index_cast %add3A_225 : i32 to index
          %get3A_250 = arith.constant 48 : index
          %get3A_251 = tpu.vector_load %arg14[%get3A_249, %get3A_250] {strides = array<i32>} : memref<128x128xf32, #tpu.memory_space<vmem>>, vector<16xf32>,
          %mul3A_252 = arith.mulf %get3A_251, %gather3A : vector<16xf32>
          %swap3A_253 = arith.index_cast %add3A_225 : i32 to index
          %swap3A_254 = arith.constant 48 : index
          %swap3A_255 = tpu.vector_load %arg14[%swap3A_253, %swap3A_254] {strides = array<i32>} : memref<128x128xf32, #tpu.memory_space<vmem>>, vector<16xf32>,
          tpu.vector_store %arg14[%swap3A_253, %swap3A_254], %mul3A_252 {strides = array<i32>} : memref<128x128xf32, #tpu.memory_space<vmem>>, vector<16xf32>,
          %get3A_256 = arith.index_cast %add3A_225 : i32 to index
          %get3A_257 = arith.constant 64 : index
          %get3A_258 = tpu.vector_load %arg14[%get3A_256, %get3A_257] {strides = array<i32>} : memref<128x128xf32, #tpu.memory_space<vmem>>, vector<16xf32>,
          %mul3A_259 = arith.mulf %get3A_258, %gather3A : vector<16xf32>
          %swap3A_260 = arith.index_cast %add3A_225 : i32 to index
          %swap3A_261 = arith.constant 64 : index
          %swap3A_262 = tpu.vector_load %arg14[%swap3A_260, %swap3A_261] {strides = array<i32>} : memref<128x128xf32, #tpu.memory_space<vmem>>, vector<16xf32>,
          tpu.vector_store %arg14[%swap3A_260, %swap3A_261], %mul3A_259 {strides = array<i32>} : memref<128x128xf32, #tpu.memory_space<vmem>>, vector<16xf32>,
          %get3A_263 = arith.index_cast %add3A_225 : i32 to index
          %get3A_264 = arith.constant 80 : index
          %get3A_265 = tpu.vector_load %arg14[%get3A_263, %get3A_264] {strides = array<i32>} : memref<128x128xf32, #tpu.memory_space<vmem>>, vector<16xf32>,
          %mul3A_266 = arith.mulf %get3A_265, %gather3A : vector<16xf32>
          %swap3A_267 = arith.index_cast %add3A_225 : i32 to index
          %swap3A_268 = arith.constant 80 : index
          %swap3A_269 = tpu.vector_load %arg14[%swap3A_267, %swap3A_268] {strides = array<i32>} : memref<128x128xf32, #tpu.memory_space<vmem>>, vector<16xf32>,
          tpu.vector_store %arg14[%swap3A_267, %swap3A_268], %mul3A_266 {strides = array<i32>} : memref<128x128xf32, #tpu.memory_space<vmem>>, vector<16xf32>,
          %get3A_270 = arith.index_cast %add3A_225 : i32 to index
          %get3A_271 = arith.constant 96 : index
          %get3A_272 = tpu.vector_load %arg14[%get3A_270, %get3A_271] {strides = array<i32>} : memref<128x128xf32, #tpu.memory_space<vmem>>, vector<16xf32>,
          %mul3A_273 = arith.mulf %get3A_272, %gather3A : vector<16xf32>
          %swap3A_274 = arith.index_cast %add3A_225 : i32 to index
          %swap3A_275 = arith.constant 96 : index
          %swap3A_276 = tpu.vector_load %arg14[%swap3A_274, %swap3A_275] {strides = array<i32>} : memref<128x128xf32, #tpu.memory_space<vmem>>, vector<16xf32>,
          tpu.vector_store %arg14[%swap3A_274, %swap3A_275], %mul3A_273 {strides = array<i32>} : memref<128x128xf32, #tpu.memory_space<vmem>>, vector<16xf32>,
          %get3A_277 = arith.index_cast %add3A_225 : i32 to index
          %get3A_278 = arith.constant 112 : index
          %get3A_279 = tpu.vector_load %arg14[%get3A_277, %get3A_278] {strides = array<i32>} : memref<128x128xf32, #tpu.memory_space<vmem>>, vector<16xf32>,
          %mul3A_280 = arith.mulf %get3A_279, %gather3A : vector<16xf32>
          %swap3A_281 = arith.index_cast %add3A_225 : i32 to index
          %swap3A_282 = arith.constant 112 : index
          %swap3A_283 = tpu.vector_load %arg14[%swap3A_281, %swap3A_282] {strides = array<i32>} : memref<128x128xf32, #tpu.memory_space<vmem>>, vector<16xf32>,
          tpu.vector_store %arg14[%swap3A_281, %swap3A_282], %mul3A_280 {strides = array<i32>} : memref<128x128xf32, #tpu.memory_space<vmem>>, vector<16xf32>,
        }
        %scan3A_220 = arith.constant 128 : i32
        %run_scoped3A = arith.constant 0 : i32
        "tpu.region"() ({
          %run_scoped3A_221 = tpu.sem_alloc : memref<!tpu.dma_semaphore, #tpu.memory_space<semaphore_mem>>
          %dma_start3A = arith.constant 0 : i32
          %dma_start3A_222 = tpu.memref_slice %arg13[%run_scoped3A, %dma_start3A] : memref<1x128xi32, #tpu.memory_space<vmem>> -> memref<1x128xi32, #tpu.memory_space<vmem>>
          %dma_start3A_223 = tpu.memref_squeeze %dma_start3A_222 : memref<1x128xi32, #tpu.memory_space<vmem>> -> memref<128xi32, #tpu.memory_space<vmem>>
          %dma_start3A_224 = arith.constant 0 : i32
          %dma_start3A_225 = arith.constant 0 : i32
          %dma_start3A_226 = tpu.memref_slice %arg15[%dma_start3A_224, %dma_start3A_225] : memref<5248x128xf32, #tpu.memory_space<vmem_shared>> -> memref<5248x128xf32, #tpu.memory_space<vmem_shared>>
          tpu.enqueue_indirect_dma source(%arg14 : memref<128x128xf32, #tpu.memory_space<vmem>>) target(%dma_start3A_226 : memref<5248x128xf32, #tpu.memory_space<vmem_shared>>) offsets(%dma_start3A_223 : memref<128xi32, #tpu.memory_space<vmem>>) semaphore(%run_scoped3A_221 : memref<!tpu.dma_semaphore, #tpu.memory_space<semaphore_mem>>) {add = true}
          %dma_wait3A = arith.constant 0 : i32
          %dma_wait3A_227 = tpu.memref_slice %arg13[%run_scoped3A, %dma_wait3A] : memref<1x128xi32, #tpu.memory_space<vmem>> -> memref<1x128xi32, #tpu.memory_space<vmem>>
          %dma_wait3A_228 = tpu.memref_squeeze %dma_wait3A_227 : memref<1x128xi32, #tpu.memory_space<vmem>> -> memref<128xi32, #tpu.memory_space<vmem>>
          %dma_wait3A_229 = arith.constant 0 : i32
          %dma_wait3A_230 = arith.constant 0 : i32
          %dma_wait3A_231 = tpu.memref_slice %arg15[%dma_wait3A_229, %dma_wait3A_230] : memref<5248x128xf32, #tpu.memory_space<vmem_shared>> -> memref<5248x128xf32, #tpu.memory_space<vmem_shared>>
          tpu.wait_indirect_dma semaphore(%run_scoped3A_221 : memref<!tpu.dma_semaphore, #tpu.memory_space<semaphore_mem>>) src(%arg14 : memref<128x128xf32, #tpu.memory_space<vmem>>) dst(%dma_wait3A_231 : memref<5248x128xf32, #tpu.memory_space<vmem_shared>>)
          tpu.yield
        }) : () -> ()
      }
      %scan3A_59 = arith.constant 157 : i32
    } else {
    }
    %barrier3A_8 = arith.constant 0 : index
    tpu.barrier barrier_id(%barrier3A_8)
    %mul3A_9 = arith.constant 320 : i32
    %mul3A_10 = arith.muli %arg1, %mul3A_9 : i32
    %mul3A_11 = arith.constant 320 : i32
    %mul3A_12 = arith.muli %arg1, %mul3A_11 : i32
    %add3A = arith.constant 0 : i32
    %add3A_13 = arith.addi %add3A, %mul3A_12 : i32
    %eq3A_14 = arith.constant 0 : i32
    %eq3A_15 = arith.cmpi eq, %arg0, %eq3A_14 : i32
    %convert_element_type3A_16 = arith.extui %eq3A_15 : i1 to i32
    %cond3A_17 = arith.constant 0 : i32
    %cond3A_18 = arith.cmpi ne, %convert_element_type3A_16, %cond3A_17 : i32
    scf.if %cond3A_18 {
      "tpu.region"() ({
        %run_scoped3A = tpu.sem_alloc : memref<!tpu.dma_semaphore, #tpu.memory_space<semaphore_mem>>
        %dma_start3A = arith.constant 0 : i32
        %dma_start3A_56 = tpu.memref_slice %arg8[%add3A_13, %dma_start3A] : memref<10240x128xf32, #tpu.memory_space<hbm>> -> memref<320x128xf32, #tpu.memory_space<hbm>>
        %dma_start3A_57 = arith.constant 0 : i32
        %dma_start3A_58 = tpu.memref_slice %arg15[%mul3A_10, %dma_start3A_57] : memref<5248x128xf32, #tpu.memory_space<vmem_shared>> -> memref<320x128xf32, #tpu.memory_space<vmem_shared>>
        tpu.enqueue_dma source(%dma_start3A_58 : memref<320x128xf32, #tpu.memory_space<vmem_shared>>) target(%dma_start3A_56 : memref<320x128xf32, #tpu.memory_space<hbm>>) target_semaphore(%run_scoped3A : memref<!tpu.dma_semaphore, #tpu.memory_space<semaphore_mem>>)
        %dma_wait3A = arith.constant 0 : i32
        %dma_wait3A_59 = tpu.memref_slice %arg8[%add3A_13, %dma_wait3A] : memref<10240x128xf32, #tpu.memory_space<hbm>> -> memref<320x128xf32, #tpu.memory_space<hbm>>
        %dma_wait3A_60 = arith.constant 0 : i32
        %dma_wait3A_61 = tpu.memref_slice %arg15[%mul3A_10, %dma_wait3A_60] : memref<5248x128xf32, #tpu.memory_space<vmem_shared>> -> memref<320x128xf32, #tpu.memory_space<vmem_shared>>
        tpu.wait_dma2 semaphore(%run_scoped3A : memref<!tpu.dma_semaphore, #tpu.memory_space<semaphore_mem>>) src(%dma_wait3A_61 : memref<320x128xf32, #tpu.memory_space<vmem_shared>>) dst(%dma_wait3A_59 : memref<320x128xf32, #tpu.memory_space<hbm>>)
        tpu.yield
      }) : () -> ()
    } else {
    }
    %eq3A_19 = arith.constant 1 : i32
    %eq3A_20 = arith.cmpi eq, %arg0, %eq3A_19 : i32
    %convert_element_type3A_21 = arith.extui %eq3A_20 : i1 to i32
    %cond3A_22 = arith.constant 0 : i32
    %cond3A_23 = arith.cmpi ne, %convert_element_type3A_21, %cond3A_22 : i32
    scf.if %cond3A_23 {
      "tpu.region"() ({
        %run_scoped3A = tpu.sem_alloc : memref<!tpu.dma_semaphore, #tpu.memory_space<semaphore_mem>>
        %dma_start3A = arith.constant 0 : i32
        %dma_start3A_56 = tpu.memref_slice %arg9[%add3A_13, %dma_start3A] : memref<10240x128xf32, #tpu.memory_space<hbm>> -> memref<320x128xf32, #tpu.memory_space<hbm>>
        %dma_start3A_57 = arith.constant 0 : i32
        %dma_start3A_58 = tpu.memref_slice %arg15[%mul3A_10, %dma_start3A_57] : memref<5248x128xf32, #tpu.memory_space<vmem_shared>> -> memref<320x128xf32, #tpu.memory_space<vmem_shared>>
        tpu.enqueue_dma source(%dma_start3A_58 : memref<320x128xf32, #tpu.memory_space<vmem_shared>>) target(%dma_start3A_56 : memref<320x128xf32, #tpu.memory_space<hbm>>) target_semaphore(%run_scoped3A : memref<!tpu.dma_semaphore, #tpu.memory_space<semaphore_mem>>)
        %dma_wait3A = arith.constant 0 : i32
        %dma_wait3A_59 = tpu.memref_slice %arg9[%add3A_13, %dma_wait3A] : memref<10240x128xf32, #tpu.memory_space<hbm>> -> memref<320x128xf32, #tpu.memory_space<hbm>>
        %dma_wait3A_60 = arith.constant 0 : i32
        %dma_wait3A_61 = tpu.memref_slice %arg15[%mul3A_10, %dma_wait3A_60] : memref<5248x128xf32, #tpu.memory_space<vmem_shared>> -> memref<320x128xf32, #tpu.memory_space<vmem_shared>>
        tpu.wait_dma2 semaphore(%run_scoped3A : memref<!tpu.dma_semaphore, #tpu.memory_space<semaphore_mem>>) src(%dma_wait3A_61 : memref<320x128xf32, #tpu.memory_space<vmem_shared>>) dst(%dma_wait3A_59 : memref<320x128xf32, #tpu.memory_space<hbm>>)
        tpu.yield
      }) : () -> ()
    } else {
    }
    %barrier3A_24 = arith.constant 0 : index
    tpu.barrier barrier_id(%barrier3A_24)
    %mul3A_25 = arith.constant 328 : i32
    %mul3A_26 = arith.muli %arg1, %mul3A_25 : i32
    "tpu.region"() ({
      %run_scoped3A = tpu.sem_alloc : memref<!tpu.dma_semaphore, #tpu.memory_space<semaphore_mem>>
      %dma_start3A = arith.constant 0 : i32
      %dma_start3A_56 = tpu.memref_slice %arg15[%mul3A_26, %dma_start3A] : memref<5248x128xf32, #tpu.memory_space<vmem_shared>> -> memref<328x128xf32, #tpu.memory_space<vmem_shared>>
      tpu.enqueue_dma source(%arg7 : memref<328x128xf32, #tpu.memory_space<hbm>>) target(%dma_start3A_56 : memref<328x128xf32, #tpu.memory_space<vmem_shared>>) target_semaphore(%run_scoped3A : memref<!tpu.dma_semaphore, #tpu.memory_space<semaphore_mem>>)
      %dma_wait3A = arith.constant 0 : i32
      %dma_wait3A_57 = tpu.memref_slice %arg15[%mul3A_26, %dma_wait3A] : memref<5248x128xf32, #tpu.memory_space<vmem_shared>> -> memref<328x128xf32, #tpu.memory_space<vmem_shared>>
      tpu.wait_dma2 semaphore(%run_scoped3A : memref<!tpu.dma_semaphore, #tpu.memory_space<semaphore_mem>>) src(%arg7 : memref<328x128xf32, #tpu.memory_space<hbm>>) dst(%dma_wait3A_57 : memref<328x128xf32, #tpu.memory_space<vmem_shared>>)
      tpu.yield
    }) : () -> ()
    %barrier3A_27 = arith.constant 0 : index
    tpu.barrier barrier_id(%barrier3A_27)
    %eq3A_28 = arith.constant 0 : i32
    %eq3A_29 = arith.cmpi eq, %arg0, %eq3A_28 : i32
    %convert_element_type3A_30 = arith.extui %eq3A_29 : i1 to i32
    %cond3A_31 = arith.constant 0 : i32
    %cond3A_32 = arith.cmpi ne, %convert_element_type3A_30, %cond3A_31 : i32
    scf.if %cond3A_32 {
      %scan3A = arith.constant 0 : i32
      %scan3A_56 = arith.constant 157 : i32
      %scan3A_57 = arith.addi %scan3A, %scan3A_56 : i32
      %scan3A_58 = arith.constant 1 : i32
      scf.for %scan3A_60 = %scan3A to %scan3A_57 step %scan3A_58  : i32 {
        %mul3A_61 = arith.constant 1 : i32
        %mul3A_62 = arith.muli %scan3A_60, %mul3A_61 : i32
        %add3A_63 = arith.constant 0 : i32
        %add3A_64 = arith.addi %add3A_63, %mul3A_62 : i32
        "tpu.region"() ({
          %run_scoped3A_221 = tpu.sem_alloc : memref<!tpu.dma_semaphore, #tpu.memory_space<semaphore_mem>>
          %dma_start3A = arith.constant 0 : i32
          %dma_start3A_222 = tpu.memref_slice %arg10[%add3A_64, %dma_start3A] : memref<157x128xi32, #tpu.memory_space<vmem>> -> memref<1x128xi32, #tpu.memory_space<vmem>>
          %dma_start3A_223 = tpu.memref_squeeze %dma_start3A_222 : memref<1x128xi32, #tpu.memory_space<vmem>> -> memref<128xi32, #tpu.memory_space<vmem>>
          %dma_start3A_224 = arith.constant 0 : i32
          %dma_start3A_225 = arith.constant 0 : i32
          %dma_start3A_226 = tpu.memref_slice %arg2[%dma_start3A_224, %dma_start3A_225] : memref<10000x128xf32, #tpu.memory_space<hbm>> -> memref<10000x128xf32, #tpu.memory_space<hbm>>
          tpu.enqueue_indirect_dma source(%dma_start3A_226 : memref<10000x128xf32, #tpu.memory_space<hbm>>) target(%arg14 : memref<128x128xf32, #tpu.memory_space<vmem>>) offsets(%dma_start3A_223 : memref<128xi32, #tpu.memory_space<vmem>>) semaphore(%run_scoped3A_221 : memref<!tpu.dma_semaphore, #tpu.memory_space<semaphore_mem>>)
          %dma_wait3A = arith.constant 0 : i32
          %dma_wait3A_227 = tpu.memref_slice %arg10[%add3A_64, %dma_wait3A] : memref<157x128xi32, #tpu.memory_space<vmem>> -> memref<1x128xi32, #tpu.memory_space<vmem>>
          %dma_wait3A_228 = tpu.memref_squeeze %dma_wait3A_227 : memref<1x128xi32, #tpu.memory_space<vmem>> -> memref<128xi32, #tpu.memory_space<vmem>>
          %dma_wait3A_229 = arith.constant 0 : i32
          %dma_wait3A_230 = arith.constant 0 : i32
          %dma_wait3A_231 = tpu.memref_slice %arg2[%dma_wait3A_229, %dma_wait3A_230] : memref<10000x128xf32, #tpu.memory_space<hbm>> -> memref<10000x128xf32, #tpu.memory_space<hbm>>
          tpu.wait_indirect_dma semaphore(%run_scoped3A_221 : memref<!tpu.dma_semaphore, #tpu.memory_space<semaphore_mem>>) src(%dma_wait3A_231 : memref<10000x128xf32, #tpu.memory_space<hbm>>) dst(%arg14 : memref<128x128xf32, #tpu.memory_space<vmem>>)
          tpu.yield
        }) : () -> ()
        %get3A = arith.index_cast %add3A_64 : i32 to index
        %get3A_65 = arith.constant 0 : index
        %get3A_66 = tpu.vector_load %arg11[%get3A, %get3A_65] {strides = array<i32>} : memref<157x128xi32, #tpu.memory_space<vmem>>, vector<16xi32>,
        %sub3A = arith.constant 5120 : i32
        %sub3A_67 = vector.broadcast %sub3A : i32 to vector<16xi32>
        %sub3A_68 = arith.subi %get3A_66, %sub3A_67 : vector<16xi32>
        %ge3A = arith.constant 0 : i32
        %ge3A_69 = vector.broadcast %ge3A : i32 to vector<16xi32>
        %ge3A_70 = arith.cmpi sge, %sub3A_68, %ge3A_69 : vector<16xi32>
        %lt3A = arith.constant 5120 : i32
        %lt3A_71 = vector.broadcast %lt3A : i32 to vector<16xi32>
        %lt3A_72 = arith.cmpi slt, %sub3A_68, %lt3A_71 : vector<16xi32>
        %and3A = arith.andi %ge3A_70, %lt3A_72 : vector<16xi1>
        %jit3A = arith.constant 5120 : i32
        %broadcast_in_dim3A = vector.broadcast %jit3A : i32 to vector<16xi32>
        %select_n3A = arith.select %and3A, %sub3A_68, %broadcast_in_dim3A : vector<16xi1>, vector<16xi32>
        %swap3A = arith.constant 0 : i32
        %swap3A_73 = arith.index_cast %swap3A : i32 to index
        %swap3A_74 = arith.constant 0 : index
        %swap3A_75 = tpu.vector_load %arg13[%swap3A_73, %swap3A_74] {strides = array<i32>} : memref<1x128xi32, #tpu.memory_space<vmem>>, vector<16xi32>,
        tpu.vector_store %arg13[%swap3A_73, %swap3A_74], %select_n3A {strides = array<i32>} : memref<1x128xi32, #tpu.memory_space<vmem>>, vector<16xi32>,
        %get3A_76 = arith.index_cast %add3A_64 : i32 to index
        %get3A_77 = arith.constant 16 : index
        %get3A_78 = tpu.vector_load %arg11[%get3A_76, %get3A_77] {strides = array<i32>} : memref<157x128xi32, #tpu.memory_space<vmem>>, vector<16xi32>,
        %sub3A_79 = arith.constant 5120 : i32
        %sub3A_80 = vector.broadcast %sub3A_79 : i32 to vector<16xi32>
        %sub3A_81 = arith.subi %get3A_78, %sub3A_80 : vector<16xi32>
        %ge3A_82 = arith.constant 0 : i32
        %ge3A_83 = vector.broadcast %ge3A_82 : i32 to vector<16xi32>
        %ge3A_84 = arith.cmpi sge, %sub3A_81, %ge3A_83 : vector<16xi32>
        %lt3A_85 = arith.constant 5120 : i32
        %lt3A_86 = vector.broadcast %lt3A_85 : i32 to vector<16xi32>
        %lt3A_87 = arith.cmpi slt, %sub3A_81, %lt3A_86 : vector<16xi32>
        %and3A_88 = arith.andi %ge3A_84, %lt3A_87 : vector<16xi1>
        %jit3A_89 = arith.constant 5120 : i32
        %broadcast_in_dim3A_90 = vector.broadcast %jit3A_89 : i32 to vector<16xi32>
        %select_n3A_91 = arith.select %and3A_88, %sub3A_81, %broadcast_in_dim3A_90 : vector<16xi1>, vector<16xi32>
        %swap3A_92 = arith.constant 0 : i32
        %swap3A_93 = arith.index_cast %swap3A_92 : i32 to index
        %swap3A_94 = arith.constant 16 : index
        %swap3A_95 = tpu.vector_load %arg13[%swap3A_93, %swap3A_94] {strides = array<i32>} : memref<1x128xi32, #tpu.memory_space<vmem>>, vector<16xi32>,
        tpu.vector_store %arg13[%swap3A_93, %swap3A_94], %select_n3A_91 {strides = array<i32>} : memref<1x128xi32, #tpu.memory_space<vmem>>, vector<16xi32>,
        %get3A_96 = arith.index_cast %add3A_64 : i32 to index
        %get3A_97 = arith.constant 32 : index
        %get3A_98 = tpu.vector_load %arg11[%get3A_96, %get3A_97] {strides = array<i32>} : memref<157x128xi32, #tpu.memory_space<vmem>>, vector<16xi32>,
        %sub3A_99 = arith.constant 5120 : i32
        %sub3A_100 = vector.broadcast %sub3A_99 : i32 to vector<16xi32>
        %sub3A_101 = arith.subi %get3A_98, %sub3A_100 : vector<16xi32>
        %ge3A_102 = arith.constant 0 : i32
        %ge3A_103 = vector.broadcast %ge3A_102 : i32 to vector<16xi32>
        %ge3A_104 = arith.cmpi sge, %sub3A_101, %ge3A_103 : vector<16xi32>
        %lt3A_105 = arith.constant 5120 : i32
        %lt3A_106 = vector.broadcast %lt3A_105 : i32 to vector<16xi32>
        %lt3A_107 = arith.cmpi slt, %sub3A_101, %lt3A_106 : vector<16xi32>
        %and3A_108 = arith.andi %ge3A_104, %lt3A_107 : vector<16xi1>
        %jit3A_109 = arith.constant 5120 : i32
        %broadcast_in_dim3A_110 = vector.broadcast %jit3A_109 : i32 to vector<16xi32>
        %select_n3A_111 = arith.select %and3A_108, %sub3A_101, %broadcast_in_dim3A_110 : vector<16xi1>, vector<16xi32>
        %swap3A_112 = arith.constant 0 : i32
        %swap3A_113 = arith.index_cast %swap3A_112 : i32 to index
        %swap3A_114 = arith.constant 32 : index
        %swap3A_115 = tpu.vector_load %arg13[%swap3A_113, %swap3A_114] {strides = array<i32>} : memref<1x128xi32, #tpu.memory_space<vmem>>, vector<16xi32>,
        tpu.vector_store %arg13[%swap3A_113, %swap3A_114], %select_n3A_111 {strides = array<i32>} : memref<1x128xi32, #tpu.memory_space<vmem>>, vector<16xi32>,
        %get3A_116 = arith.index_cast %add3A_64 : i32 to index
        %get3A_117 = arith.constant 48 : index
        %get3A_118 = tpu.vector_load %arg11[%get3A_116, %get3A_117] {strides = array<i32>} : memref<157x128xi32, #tpu.memory_space<vmem>>, vector<16xi32>,
        %sub3A_119 = arith.constant 5120 : i32
        %sub3A_120 = vector.broadcast %sub3A_119 : i32 to vector<16xi32>
        %sub3A_121 = arith.subi %get3A_118, %sub3A_120 : vector<16xi32>
        %ge3A_122 = arith.constant 0 : i32
        %ge3A_123 = vector.broadcast %ge3A_122 : i32 to vector<16xi32>
        %ge3A_124 = arith.cmpi sge, %sub3A_121, %ge3A_123 : vector<16xi32>
        %lt3A_125 = arith.constant 5120 : i32
        %lt3A_126 = vector.broadcast %lt3A_125 : i32 to vector<16xi32>
        %lt3A_127 = arith.cmpi slt, %sub3A_121, %lt3A_126 : vector<16xi32>
        %and3A_128 = arith.andi %ge3A_124, %lt3A_127 : vector<16xi1>
        %jit3A_129 = arith.constant 5120 : i32
        %broadcast_in_dim3A_130 = vector.broadcast %jit3A_129 : i32 to vector<16xi32>
        %select_n3A_131 = arith.select %and3A_128, %sub3A_121, %broadcast_in_dim3A_130 : vector<16xi1>, vector<16xi32>
        %swap3A_132 = arith.constant 0 : i32
        %swap3A_133 = arith.index_cast %swap3A_132 : i32 to index
        %swap3A_134 = arith.constant 48 : index
        %swap3A_135 = tpu.vector_load %arg13[%swap3A_133, %swap3A_134] {strides = array<i32>} : memref<1x128xi32, #tpu.memory_space<vmem>>, vector<16xi32>,
        tpu.vector_store %arg13[%swap3A_133, %swap3A_134], %select_n3A_131 {strides = array<i32>} : memref<1x128xi32, #tpu.memory_space<vmem>>, vector<16xi32>,
        %get3A_136 = arith.index_cast %add3A_64 : i32 to index
        %get3A_137 = arith.constant 64 : index
        %get3A_138 = tpu.vector_load %arg11[%get3A_136, %get3A_137] {strides = array<i32>} : memref<157x128xi32, #tpu.memory_space<vmem>>, vector<16xi32>,
        %sub3A_139 = arith.constant 5120 : i32
        %sub3A_140 = vector.broadcast %sub3A_139 : i32 to vector<16xi32>
        %sub3A_141 = arith.subi %get3A_138, %sub3A_140 : vector<16xi32>
        %ge3A_142 = arith.constant 0 : i32
        %ge3A_143 = vector.broadcast %ge3A_142 : i32 to vector<16xi32>
        %ge3A_144 = arith.cmpi sge, %sub3A_141, %ge3A_143 : vector<16xi32>
        %lt3A_145 = arith.constant 5120 : i32
        %lt3A_146 = vector.broadcast %lt3A_145 : i32 to vector<16xi32>
        %lt3A_147 = arith.cmpi slt, %sub3A_141, %lt3A_146 : vector<16xi32>
        %and3A_148 = arith.andi %ge3A_144, %lt3A_147 : vector<16xi1>
        %jit3A_149 = arith.constant 5120 : i32
        %broadcast_in_dim3A_150 = vector.broadcast %jit3A_149 : i32 to vector<16xi32>
        %select_n3A_151 = arith.select %and3A_148, %sub3A_141, %broadcast_in_dim3A_150 : vector<16xi1>, vector<16xi32>
        %swap3A_152 = arith.constant 0 : i32
        %swap3A_153 = arith.index_cast %swap3A_152 : i32 to index
        %swap3A_154 = arith.constant 64 : index
        %swap3A_155 = tpu.vector_load %arg13[%swap3A_153, %swap3A_154] {strides = array<i32>} : memref<1x128xi32, #tpu.memory_space<vmem>>, vector<16xi32>,
        tpu.vector_store %arg13[%swap3A_153, %swap3A_154], %select_n3A_151 {strides = array<i32>} : memref<1x128xi32, #tpu.memory_space<vmem>>, vector<16xi32>,
        %get3A_156 = arith.index_cast %add3A_64 : i32 to index
        %get3A_157 = arith.constant 80 : index
        %get3A_158 = tpu.vector_load %arg11[%get3A_156, %get3A_157] {strides = array<i32>} : memref<157x128xi32, #tpu.memory_space<vmem>>, vector<16xi32>,
        %sub3A_159 = arith.constant 5120 : i32
        %sub3A_160 = vector.broadcast %sub3A_159 : i32 to vector<16xi32>
        %sub3A_161 = arith.subi %get3A_158, %sub3A_160 : vector<16xi32>
        %ge3A_162 = arith.constant 0 : i32
        %ge3A_163 = vector.broadcast %ge3A_162 : i32 to vector<16xi32>
        %ge3A_164 = arith.cmpi sge, %sub3A_161, %ge3A_163 : vector<16xi32>
        %lt3A_165 = arith.constant 5120 : i32
        %lt3A_166 = vector.broadcast %lt3A_165 : i32 to vector<16xi32>
        %lt3A_167 = arith.cmpi slt, %sub3A_161, %lt3A_166 : vector<16xi32>
        %and3A_168 = arith.andi %ge3A_164, %lt3A_167 : vector<16xi1>
        %jit3A_169 = arith.constant 5120 : i32
        %broadcast_in_dim3A_170 = vector.broadcast %jit3A_169 : i32 to vector<16xi32>
        %select_n3A_171 = arith.select %and3A_168, %sub3A_161, %broadcast_in_dim3A_170 : vector<16xi1>, vector<16xi32>
        %swap3A_172 = arith.constant 0 : i32
        %swap3A_173 = arith.index_cast %swap3A_172 : i32 to index
        %swap3A_174 = arith.constant 80 : index
        %swap3A_175 = tpu.vector_load %arg13[%swap3A_173, %swap3A_174] {strides = array<i32>} : memref<1x128xi32, #tpu.memory_space<vmem>>, vector<16xi32>,
        tpu.vector_store %arg13[%swap3A_173, %swap3A_174], %select_n3A_171 {strides = array<i32>} : memref<1x128xi32, #tpu.memory_space<vmem>>, vector<16xi32>,
        %get3A_176 = arith.index_cast %add3A_64 : i32 to index
        %get3A_177 = arith.constant 96 : index
        %get3A_178 = tpu.vector_load %arg11[%get3A_176, %get3A_177] {strides = array<i32>} : memref<157x128xi32, #tpu.memory_space<vmem>>, vector<16xi32>,
        %sub3A_179 = arith.constant 5120 : i32
        %sub3A_180 = vector.broadcast %sub3A_179 : i32 to vector<16xi32>
        %sub3A_181 = arith.subi %get3A_178, %sub3A_180 : vector<16xi32>
        %ge3A_182 = arith.constant 0 : i32
        %ge3A_183 = vector.broadcast %ge3A_182 : i32 to vector<16xi32>
        %ge3A_184 = arith.cmpi sge, %sub3A_181, %ge3A_183 : vector<16xi32>
        %lt3A_185 = arith.constant 5120 : i32
        %lt3A_186 = vector.broadcast %lt3A_185 : i32 to vector<16xi32>
        %lt3A_187 = arith.cmpi slt, %sub3A_181, %lt3A_186 : vector<16xi32>
        %and3A_188 = arith.andi %ge3A_184, %lt3A_187 : vector<16xi1>
        %jit3A_189 = arith.constant 5120 : i32
        %broadcast_in_dim3A_190 = vector.broadcast %jit3A_189 : i32 to vector<16xi32>
        %select_n3A_191 = arith.select %and3A_188, %sub3A_181, %broadcast_in_dim3A_190 : vector<16xi1>, vector<16xi32>
        %swap3A_192 = arith.constant 0 : i32
        %swap3A_193 = arith.index_cast %swap3A_192 : i32 to index
        %swap3A_194 = arith.constant 96 : index
        %swap3A_195 = tpu.vector_load %arg13[%swap3A_193, %swap3A_194] {strides = array<i32>} : memref<1x128xi32, #tpu.memory_space<vmem>>, vector<16xi32>,
        tpu.vector_store %arg13[%swap3A_193, %swap3A_194], %select_n3A_191 {strides = array<i32>} : memref<1x128xi32, #tpu.memory_space<vmem>>, vector<16xi32>,
        %get3A_196 = arith.index_cast %add3A_64 : i32 to index
        %get3A_197 = arith.constant 112 : index
        %get3A_198 = tpu.vector_load %arg11[%get3A_196, %get3A_197] {strides = array<i32>} : memref<157x128xi32, #tpu.memory_space<vmem>>, vector<16xi32>,
        %sub3A_199 = arith.constant 5120 : i32
        %sub3A_200 = vector.broadcast %sub3A_199 : i32 to vector<16xi32>
        %sub3A_201 = arith.subi %get3A_198, %sub3A_200 : vector<16xi32>
        %ge3A_202 = arith.constant 0 : i32
        %ge3A_203 = vector.broadcast %ge3A_202 : i32 to vector<16xi32>
        %ge3A_204 = arith.cmpi sge, %sub3A_201, %ge3A_203 : vector<16xi32>
        %lt3A_205 = arith.constant 5120 : i32
        %lt3A_206 = vector.broadcast %lt3A_205 : i32 to vector<16xi32>
        %lt3A_207 = arith.cmpi slt, %sub3A_201, %lt3A_206 : vector<16xi32>
        %and3A_208 = arith.andi %ge3A_204, %lt3A_207 : vector<16xi1>
        %jit3A_209 = arith.constant 5120 : i32
        %broadcast_in_dim3A_210 = vector.broadcast %jit3A_209 : i32 to vector<16xi32>
        %select_n3A_211 = arith.select %and3A_208, %sub3A_201, %broadcast_in_dim3A_210 : vector<16xi1>, vector<16xi32>
        %swap3A_212 = arith.constant 0 : i32
        %swap3A_213 = arith.index_cast %swap3A_212 : i32 to index
        %swap3A_214 = arith.constant 112 : index
        %swap3A_215 = tpu.vector_load %arg13[%swap3A_213, %swap3A_214] {strides = array<i32>} : memref<1x128xi32, #tpu.memory_space<vmem>>, vector<16xi32>,
        tpu.vector_store %arg13[%swap3A_213, %swap3A_214], %select_n3A_211 {strides = array<i32>} : memref<1x128xi32, #tpu.memory_space<vmem>>, vector<16xi32>,
        %scan3A_216 = arith.constant 0 : i32
        %scan3A_217 = arith.constant 128 : i32
        %scan3A_218 = arith.addi %scan3A_216, %scan3A_217 : i32
        %scan3A_219 = arith.constant 1 : i32
        scf.for %scan3A_221 = %scan3A_216 to %scan3A_218 step %scan3A_219  : i32 {
          %mul3A_222 = arith.constant 1 : i32
          %mul3A_223 = arith.muli %scan3A_221, %mul3A_222 : i32
          %add3A_224 = arith.constant 0 : i32
          %add3A_225 = arith.addi %add3A_224, %mul3A_223 : i32
          %broadcast_in_dim3A_226 = vector.broadcast %add3A_64 : i32 to vector<16xi32>
          %broadcast_in_dim3A_227 = vector.broadcast %add3A_225 : i32 to vector<16xi32>
          %gather3A = tpu.vector_load_idx %arg12[%broadcast_in_dim3A_226, %broadcast_in_dim3A_227] : memref<157x128xf32, #tpu.memory_space<vmem>>[vector<16xi32>, vector<16xi32>], vector<16xf32>,
          %get3A_228 = arith.index_cast %add3A_225 : i32 to index
          %get3A_229 = arith.constant 0 : index
          %get3A_230 = tpu.vector_load %arg14[%get3A_228, %get3A_229] {strides = array<i32>} : memref<128x128xf32, #tpu.memory_space<vmem>>, vector<16xf32>,
          %mul3A_231 = arith.mulf %get3A_230, %gather3A : vector<16xf32>
          %swap3A_232 = arith.index_cast %add3A_225 : i32 to index
          %swap3A_233 = arith.constant 0 : index
          %swap3A_234 = tpu.vector_load %arg14[%swap3A_232, %swap3A_233] {strides = array<i32>} : memref<128x128xf32, #tpu.memory_space<vmem>>, vector<16xf32>,
          tpu.vector_store %arg14[%swap3A_232, %swap3A_233], %mul3A_231 {strides = array<i32>} : memref<128x128xf32, #tpu.memory_space<vmem>>, vector<16xf32>,
          %get3A_235 = arith.index_cast %add3A_225 : i32 to index
          %get3A_236 = arith.constant 16 : index
          %get3A_237 = tpu.vector_load %arg14[%get3A_235, %get3A_236] {strides = array<i32>} : memref<128x128xf32, #tpu.memory_space<vmem>>, vector<16xf32>,
          %mul3A_238 = arith.mulf %get3A_237, %gather3A : vector<16xf32>
          %swap3A_239 = arith.index_cast %add3A_225 : i32 to index
          %swap3A_240 = arith.constant 16 : index
          %swap3A_241 = tpu.vector_load %arg14[%swap3A_239, %swap3A_240] {strides = array<i32>} : memref<128x128xf32, #tpu.memory_space<vmem>>, vector<16xf32>,
          tpu.vector_store %arg14[%swap3A_239, %swap3A_240], %mul3A_238 {strides = array<i32>} : memref<128x128xf32, #tpu.memory_space<vmem>>, vector<16xf32>,
          %get3A_242 = arith.index_cast %add3A_225 : i32 to index
          %get3A_243 = arith.constant 32 : index
          %get3A_244 = tpu.vector_load %arg14[%get3A_242, %get3A_243] {strides = array<i32>} : memref<128x128xf32, #tpu.memory_space<vmem>>, vector<16xf32>,
          %mul3A_245 = arith.mulf %get3A_244, %gather3A : vector<16xf32>
          %swap3A_246 = arith.index_cast %add3A_225 : i32 to index
          %swap3A_247 = arith.constant 32 : index
          %swap3A_248 = tpu.vector_load %arg14[%swap3A_246, %swap3A_247] {strides = array<i32>} : memref<128x128xf32, #tpu.memory_space<vmem>>, vector<16xf32>,
          tpu.vector_store %arg14[%swap3A_246, %swap3A_247], %mul3A_245 {strides = array<i32>} : memref<128x128xf32, #tpu.memory_space<vmem>>, vector<16xf32>,
          %get3A_249 = arith.index_cast %add3A_225 : i32 to index
          %get3A_250 = arith.constant 48 : index
          %get3A_251 = tpu.vector_load %arg14[%get3A_249, %get3A_250] {strides = array<i32>} : memref<128x128xf32, #tpu.memory_space<vmem>>, vector<16xf32>,
          %mul3A_252 = arith.mulf %get3A_251, %gather3A : vector<16xf32>
          %swap3A_253 = arith.index_cast %add3A_225 : i32 to index
          %swap3A_254 = arith.constant 48 : index
          %swap3A_255 = tpu.vector_load %arg14[%swap3A_253, %swap3A_254] {strides = array<i32>} : memref<128x128xf32, #tpu.memory_space<vmem>>, vector<16xf32>,
          tpu.vector_store %arg14[%swap3A_253, %swap3A_254], %mul3A_252 {strides = array<i32>} : memref<128x128xf32, #tpu.memory_space<vmem>>, vector<16xf32>,
          %get3A_256 = arith.index_cast %add3A_225 : i32 to index
          %get3A_257 = arith.constant 64 : index
          %get3A_258 = tpu.vector_load %arg14[%get3A_256, %get3A_257] {strides = array<i32>} : memref<128x128xf32, #tpu.memory_space<vmem>>, vector<16xf32>,
          %mul3A_259 = arith.mulf %get3A_258, %gather3A : vector<16xf32>
          %swap3A_260 = arith.index_cast %add3A_225 : i32 to index
          %swap3A_261 = arith.constant 64 : index
          %swap3A_262 = tpu.vector_load %arg14[%swap3A_260, %swap3A_261] {strides = array<i32>} : memref<128x128xf32, #tpu.memory_space<vmem>>, vector<16xf32>,
          tpu.vector_store %arg14[%swap3A_260, %swap3A_261], %mul3A_259 {strides = array<i32>} : memref<128x128xf32, #tpu.memory_space<vmem>>, vector<16xf32>,
          %get3A_263 = arith.index_cast %add3A_225 : i32 to index
          %get3A_264 = arith.constant 80 : index
          %get3A_265 = tpu.vector_load %arg14[%get3A_263, %get3A_264] {strides = array<i32>} : memref<128x128xf32, #tpu.memory_space<vmem>>, vector<16xf32>,
          %mul3A_266 = arith.mulf %get3A_265, %gather3A : vector<16xf32>
          %swap3A_267 = arith.index_cast %add3A_225 : i32 to index
          %swap3A_268 = arith.constant 80 : index
          %swap3A_269 = tpu.vector_load %arg14[%swap3A_267, %swap3A_268] {strides = array<i32>} : memref<128x128xf32, #tpu.memory_space<vmem>>, vector<16xf32>,
          tpu.vector_store %arg14[%swap3A_267, %swap3A_268], %mul3A_266 {strides = array<i32>} : memref<128x128xf32, #tpu.memory_space<vmem>>, vector<16xf32>,
          %get3A_270 = arith.index_cast %add3A_225 : i32 to index
          %get3A_271 = arith.constant 96 : index
          %get3A_272 = tpu.vector_load %arg14[%get3A_270, %get3A_271] {strides = array<i32>} : memref<128x128xf32, #tpu.memory_space<vmem>>, vector<16xf32>,
          %mul3A_273 = arith.mulf %get3A_272, %gather3A : vector<16xf32>
          %swap3A_274 = arith.index_cast %add3A_225 : i32 to index
          %swap3A_275 = arith.constant 96 : index
          %swap3A_276 = tpu.vector_load %arg14[%swap3A_274, %swap3A_275] {strides = array<i32>} : memref<128x128xf32, #tpu.memory_space<vmem>>, vector<16xf32>,
          tpu.vector_store %arg14[%swap3A_274, %swap3A_275], %mul3A_273 {strides = array<i32>} : memref<128x128xf32, #tpu.memory_space<vmem>>, vector<16xf32>,
          %get3A_277 = arith.index_cast %add3A_225 : i32 to index
          %get3A_278 = arith.constant 112 : index
          %get3A_279 = tpu.vector_load %arg14[%get3A_277, %get3A_278] {strides = array<i32>} : memref<128x128xf32, #tpu.memory_space<vmem>>, vector<16xf32>,
          %mul3A_280 = arith.mulf %get3A_279, %gather3A : vector<16xf32>
          %swap3A_281 = arith.index_cast %add3A_225 : i32 to index
          %swap3A_282 = arith.constant 112 : index
          %swap3A_283 = tpu.vector_load %arg14[%swap3A_281, %swap3A_282] {strides = array<i32>} : memref<128x128xf32, #tpu.memory_space<vmem>>, vector<16xf32>,
          tpu.vector_store %arg14[%swap3A_281, %swap3A_282], %mul3A_280 {strides = array<i32>} : memref<128x128xf32, #tpu.memory_space<vmem>>, vector<16xf32>,
        }
        %scan3A_220 = arith.constant 128 : i32
        %run_scoped3A = arith.constant 0 : i32
        "tpu.region"() ({
          %run_scoped3A_221 = tpu.sem_alloc : memref<!tpu.dma_semaphore, #tpu.memory_space<semaphore_mem>>
          %dma_start3A = arith.constant 0 : i32
          %dma_start3A_222 = tpu.memref_slice %arg13[%run_scoped3A, %dma_start3A] : memref<1x128xi32, #tpu.memory_space<vmem>> -> memref<1x128xi32, #tpu.memory_space<vmem>>
          %dma_start3A_223 = tpu.memref_squeeze %dma_start3A_222 : memref<1x128xi32, #tpu.memory_space<vmem>> -> memref<128xi32, #tpu.memory_space<vmem>>
          %dma_start3A_224 = arith.constant 0 : i32
          %dma_start3A_225 = arith.constant 0 : i32
          %dma_start3A_226 = tpu.memref_slice %arg15[%dma_start3A_224, %dma_start3A_225] : memref<5248x128xf32, #tpu.memory_space<vmem_shared>> -> memref<5248x128xf32, #tpu.memory_space<vmem_shared>>
          tpu.enqueue_indirect_dma source(%arg14 : memref<128x128xf32, #tpu.memory_space<vmem>>) target(%dma_start3A_226 : memref<5248x128xf32, #tpu.memory_space<vmem_shared>>) offsets(%dma_start3A_223 : memref<128xi32, #tpu.memory_space<vmem>>) semaphore(%run_scoped3A_221 : memref<!tpu.dma_semaphore, #tpu.memory_space<semaphore_mem>>) {add = true}
          %dma_wait3A = arith.constant 0 : i32
          %dma_wait3A_227 = tpu.memref_slice %arg13[%run_scoped3A, %dma_wait3A] : memref<1x128xi32, #tpu.memory_space<vmem>> -> memref<1x128xi32, #tpu.memory_space<vmem>>
          %dma_wait3A_228 = tpu.memref_squeeze %dma_wait3A_227 : memref<1x128xi32, #tpu.memory_space<vmem>> -> memref<128xi32, #tpu.memory_space<vmem>>
          %dma_wait3A_229 = arith.constant 0 : i32
          %dma_wait3A_230 = arith.constant 0 : i32
          %dma_wait3A_231 = tpu.memref_slice %arg15[%dma_wait3A_229, %dma_wait3A_230] : memref<5248x128xf32, #tpu.memory_space<vmem_shared>> -> memref<5248x128xf32, #tpu.memory_space<vmem_shared>>
          tpu.wait_indirect_dma semaphore(%run_scoped3A_221 : memref<!tpu.dma_semaphore, #tpu.memory_space<semaphore_mem>>) src(%arg14 : memref<128x128xf32, #tpu.memory_space<vmem>>) dst(%dma_wait3A_231 : memref<5248x128xf32, #tpu.memory_space<vmem_shared>>)
          tpu.yield
        }) : () -> ()
      }
      %scan3A_59 = arith.constant 157 : i32
    } else {
    }
    %eq3A_33 = arith.constant 1 : i32
    %eq3A_34 = arith.cmpi eq, %arg0, %eq3A_33 : i32
    %convert_element_type3A_35 = arith.extui %eq3A_34 : i1 to i32
    %cond3A_36 = arith.constant 0 : i32
    %cond3A_37 = arith.cmpi ne, %convert_element_type3A_35, %cond3A_36 : i32
    scf.if %cond3A_37 {
      %scan3A = arith.constant 0 : i32
      %scan3A_56 = arith.constant 157 : i32
      %scan3A_57 = arith.addi %scan3A, %scan3A_56 : i32
      %scan3A_58 = arith.constant 1 : i32
      scf.for %scan3A_60 = %scan3A to %scan3A_57 step %scan3A_58  : i32 {
        %mul3A_61 = arith.constant 1 : i32
        %mul3A_62 = arith.muli %scan3A_60, %mul3A_61 : i32
        %add3A_63 = arith.constant 0 : i32
        %add3A_64 = arith.addi %add3A_63, %mul3A_62 : i32
        "tpu.region"() ({
          %run_scoped3A_221 = tpu.sem_alloc : memref<!tpu.dma_semaphore, #tpu.memory_space<semaphore_mem>>
          %dma_start3A = arith.constant 0 : i32
          %dma_start3A_222 = tpu.memref_slice %arg10[%add3A_64, %dma_start3A] : memref<157x128xi32, #tpu.memory_space<vmem>> -> memref<1x128xi32, #tpu.memory_space<vmem>>
          %dma_start3A_223 = tpu.memref_squeeze %dma_start3A_222 : memref<1x128xi32, #tpu.memory_space<vmem>> -> memref<128xi32, #tpu.memory_space<vmem>>
          %dma_start3A_224 = arith.constant 0 : i32
          %dma_start3A_225 = arith.constant 0 : i32
          %dma_start3A_226 = tpu.memref_slice %arg3[%dma_start3A_224, %dma_start3A_225] : memref<10000x128xf32, #tpu.memory_space<hbm>> -> memref<10000x128xf32, #tpu.memory_space<hbm>>
          tpu.enqueue_indirect_dma source(%dma_start3A_226 : memref<10000x128xf32, #tpu.memory_space<hbm>>) target(%arg14 : memref<128x128xf32, #tpu.memory_space<vmem>>) offsets(%dma_start3A_223 : memref<128xi32, #tpu.memory_space<vmem>>) semaphore(%run_scoped3A_221 : memref<!tpu.dma_semaphore, #tpu.memory_space<semaphore_mem>>)
          %dma_wait3A = arith.constant 0 : i32
          %dma_wait3A_227 = tpu.memref_slice %arg10[%add3A_64, %dma_wait3A] : memref<157x128xi32, #tpu.memory_space<vmem>> -> memref<1x128xi32, #tpu.memory_space<vmem>>
          %dma_wait3A_228 = tpu.memref_squeeze %dma_wait3A_227 : memref<1x128xi32, #tpu.memory_space<vmem>> -> memref<128xi32, #tpu.memory_space<vmem>>
          %dma_wait3A_229 = arith.constant 0 : i32
          %dma_wait3A_230 = arith.constant 0 : i32
          %dma_wait3A_231 = tpu.memref_slice %arg3[%dma_wait3A_229, %dma_wait3A_230] : memref<10000x128xf32, #tpu.memory_space<hbm>> -> memref<10000x128xf32, #tpu.memory_space<hbm>>
          tpu.wait_indirect_dma semaphore(%run_scoped3A_221 : memref<!tpu.dma_semaphore, #tpu.memory_space<semaphore_mem>>) src(%dma_wait3A_231 : memref<10000x128xf32, #tpu.memory_space<hbm>>) dst(%arg14 : memref<128x128xf32, #tpu.memory_space<vmem>>)
          tpu.yield
        }) : () -> ()
        %get3A = arith.index_cast %add3A_64 : i32 to index
        %get3A_65 = arith.constant 0 : index
        %get3A_66 = tpu.vector_load %arg11[%get3A, %get3A_65] {strides = array<i32>} : memref<157x128xi32, #tpu.memory_space<vmem>>, vector<16xi32>,
        %sub3A = arith.constant 5120 : i32
        %sub3A_67 = vector.broadcast %sub3A : i32 to vector<16xi32>
        %sub3A_68 = arith.subi %get3A_66, %sub3A_67 : vector<16xi32>
        %ge3A = arith.constant 0 : i32
        %ge3A_69 = vector.broadcast %ge3A : i32 to vector<16xi32>
        %ge3A_70 = arith.cmpi sge, %sub3A_68, %ge3A_69 : vector<16xi32>
        %lt3A = arith.constant 5120 : i32
        %lt3A_71 = vector.broadcast %lt3A : i32 to vector<16xi32>
        %lt3A_72 = arith.cmpi slt, %sub3A_68, %lt3A_71 : vector<16xi32>
        %and3A = arith.andi %ge3A_70, %lt3A_72 : vector<16xi1>
        %jit3A = arith.constant 5120 : i32
        %broadcast_in_dim3A = vector.broadcast %jit3A : i32 to vector<16xi32>
        %select_n3A = arith.select %and3A, %sub3A_68, %broadcast_in_dim3A : vector<16xi1>, vector<16xi32>
        %swap3A = arith.constant 0 : i32
        %swap3A_73 = arith.index_cast %swap3A : i32 to index
        %swap3A_74 = arith.constant 0 : index
        %swap3A_75 = tpu.vector_load %arg13[%swap3A_73, %swap3A_74] {strides = array<i32>} : memref<1x128xi32, #tpu.memory_space<vmem>>, vector<16xi32>,
        tpu.vector_store %arg13[%swap3A_73, %swap3A_74], %select_n3A {strides = array<i32>} : memref<1x128xi32, #tpu.memory_space<vmem>>, vector<16xi32>,
        %get3A_76 = arith.index_cast %add3A_64 : i32 to index
        %get3A_77 = arith.constant 16 : index
        %get3A_78 = tpu.vector_load %arg11[%get3A_76, %get3A_77] {strides = array<i32>} : memref<157x128xi32, #tpu.memory_space<vmem>>, vector<16xi32>,
        %sub3A_79 = arith.constant 5120 : i32
        %sub3A_80 = vector.broadcast %sub3A_79 : i32 to vector<16xi32>
        %sub3A_81 = arith.subi %get3A_78, %sub3A_80 : vector<16xi32>
        %ge3A_82 = arith.constant 0 : i32
        %ge3A_83 = vector.broadcast %ge3A_82 : i32 to vector<16xi32>
        %ge3A_84 = arith.cmpi sge, %sub3A_81, %ge3A_83 : vector<16xi32>
        %lt3A_85 = arith.constant 5120 : i32
        %lt3A_86 = vector.broadcast %lt3A_85 : i32 to vector<16xi32>
        %lt3A_87 = arith.cmpi slt, %sub3A_81, %lt3A_86 : vector<16xi32>
        %and3A_88 = arith.andi %ge3A_84, %lt3A_87 : vector<16xi1>
        %jit3A_89 = arith.constant 5120 : i32
        %broadcast_in_dim3A_90 = vector.broadcast %jit3A_89 : i32 to vector<16xi32>
        %select_n3A_91 = arith.select %and3A_88, %sub3A_81, %broadcast_in_dim3A_90 : vector<16xi1>, vector<16xi32>
        %swap3A_92 = arith.constant 0 : i32
        %swap3A_93 = arith.index_cast %swap3A_92 : i32 to index
        %swap3A_94 = arith.constant 16 : index
        %swap3A_95 = tpu.vector_load %arg13[%swap3A_93, %swap3A_94] {strides = array<i32>} : memref<1x128xi32, #tpu.memory_space<vmem>>, vector<16xi32>,
        tpu.vector_store %arg13[%swap3A_93, %swap3A_94], %select_n3A_91 {strides = array<i32>} : memref<1x128xi32, #tpu.memory_space<vmem>>, vector<16xi32>,
        %get3A_96 = arith.index_cast %add3A_64 : i32 to index
        %get3A_97 = arith.constant 32 : index
        %get3A_98 = tpu.vector_load %arg11[%get3A_96, %get3A_97] {strides = array<i32>} : memref<157x128xi32, #tpu.memory_space<vmem>>, vector<16xi32>,
        %sub3A_99 = arith.constant 5120 : i32
        %sub3A_100 = vector.broadcast %sub3A_99 : i32 to vector<16xi32>
        %sub3A_101 = arith.subi %get3A_98, %sub3A_100 : vector<16xi32>
        %ge3A_102 = arith.constant 0 : i32
        %ge3A_103 = vector.broadcast %ge3A_102 : i32 to vector<16xi32>
        %ge3A_104 = arith.cmpi sge, %sub3A_101, %ge3A_103 : vector<16xi32>
        %lt3A_105 = arith.constant 5120 : i32
        %lt3A_106 = vector.broadcast %lt3A_105 : i32 to vector<16xi32>
        %lt3A_107 = arith.cmpi slt, %sub3A_101, %lt3A_106 : vector<16xi32>
        %and3A_108 = arith.andi %ge3A_104, %lt3A_107 : vector<16xi1>
        %jit3A_109 = arith.constant 5120 : i32
        %broadcast_in_dim3A_110 = vector.broadcast %jit3A_109 : i32 to vector<16xi32>
        %select_n3A_111 = arith.select %and3A_108, %sub3A_101, %broadcast_in_dim3A_110 : vector<16xi1>, vector<16xi32>
        %swap3A_112 = arith.constant 0 : i32
        %swap3A_113 = arith.index_cast %swap3A_112 : i32 to index
        %swap3A_114 = arith.constant 32 : index
        %swap3A_115 = tpu.vector_load %arg13[%swap3A_113, %swap3A_114] {strides = array<i32>} : memref<1x128xi32, #tpu.memory_space<vmem>>, vector<16xi32>,
        tpu.vector_store %arg13[%swap3A_113, %swap3A_114], %select_n3A_111 {strides = array<i32>} : memref<1x128xi32, #tpu.memory_space<vmem>>, vector<16xi32>,
        %get3A_116 = arith.index_cast %add3A_64 : i32 to index
        %get3A_117 = arith.constant 48 : index
        %get3A_118 = tpu.vector_load %arg11[%get3A_116, %get3A_117] {strides = array<i32>} : memref<157x128xi32, #tpu.memory_space<vmem>>, vector<16xi32>,
        %sub3A_119 = arith.constant 5120 : i32
        %sub3A_120 = vector.broadcast %sub3A_119 : i32 to vector<16xi32>
        %sub3A_121 = arith.subi %get3A_118, %sub3A_120 : vector<16xi32>
        %ge3A_122 = arith.constant 0 : i32
        %ge3A_123 = vector.broadcast %ge3A_122 : i32 to vector<16xi32>
        %ge3A_124 = arith.cmpi sge, %sub3A_121, %ge3A_123 : vector<16xi32>
        %lt3A_125 = arith.constant 5120 : i32
        %lt3A_126 = vector.broadcast %lt3A_125 : i32 to vector<16xi32>
        %lt3A_127 = arith.cmpi slt, %sub3A_121, %lt3A_126 : vector<16xi32>
        %and3A_128 = arith.andi %ge3A_124, %lt3A_127 : vector<16xi1>
        %jit3A_129 = arith.constant 5120 : i32
        %broadcast_in_dim3A_130 = vector.broadcast %jit3A_129 : i32 to vector<16xi32>
        %select_n3A_131 = arith.select %and3A_128, %sub3A_121, %broadcast_in_dim3A_130 : vector<16xi1>, vector<16xi32>
        %swap3A_132 = arith.constant 0 : i32
        %swap3A_133 = arith.index_cast %swap3A_132 : i32 to index
        %swap3A_134 = arith.constant 48 : index
        %swap3A_135 = tpu.vector_load %arg13[%swap3A_133, %swap3A_134] {strides = array<i32>} : memref<1x128xi32, #tpu.memory_space<vmem>>, vector<16xi32>,
        tpu.vector_store %arg13[%swap3A_133, %swap3A_134], %select_n3A_131 {strides = array<i32>} : memref<1x128xi32, #tpu.memory_space<vmem>>, vector<16xi32>,
        %get3A_136 = arith.index_cast %add3A_64 : i32 to index
        %get3A_137 = arith.constant 64 : index
        %get3A_138 = tpu.vector_load %arg11[%get3A_136, %get3A_137] {strides = array<i32>} : memref<157x128xi32, #tpu.memory_space<vmem>>, vector<16xi32>,
        %sub3A_139 = arith.constant 5120 : i32
        %sub3A_140 = vector.broadcast %sub3A_139 : i32 to vector<16xi32>
        %sub3A_141 = arith.subi %get3A_138, %sub3A_140 : vector<16xi32>
        %ge3A_142 = arith.constant 0 : i32
        %ge3A_143 = vector.broadcast %ge3A_142 : i32 to vector<16xi32>
        %ge3A_144 = arith.cmpi sge, %sub3A_141, %ge3A_143 : vector<16xi32>
        %lt3A_145 = arith.constant 5120 : i32
        %lt3A_146 = vector.broadcast %lt3A_145 : i32 to vector<16xi32>
        %lt3A_147 = arith.cmpi slt, %sub3A_141, %lt3A_146 : vector<16xi32>
        %and3A_148 = arith.andi %ge3A_144, %lt3A_147 : vector<16xi1>
        %jit3A_149 = arith.constant 5120 : i32
        %broadcast_in_dim3A_150 = vector.broadcast %jit3A_149 : i32 to vector<16xi32>
        %select_n3A_151 = arith.select %and3A_148, %sub3A_141, %broadcast_in_dim3A_150 : vector<16xi1>, vector<16xi32>
        %swap3A_152 = arith.constant 0 : i32
        %swap3A_153 = arith.index_cast %swap3A_152 : i32 to index
        %swap3A_154 = arith.constant 64 : index
        %swap3A_155 = tpu.vector_load %arg13[%swap3A_153, %swap3A_154] {strides = array<i32>} : memref<1x128xi32, #tpu.memory_space<vmem>>, vector<16xi32>,
        tpu.vector_store %arg13[%swap3A_153, %swap3A_154], %select_n3A_151 {strides = array<i32>} : memref<1x128xi32, #tpu.memory_space<vmem>>, vector<16xi32>,
        %get3A_156 = arith.index_cast %add3A_64 : i32 to index
        %get3A_157 = arith.constant 80 : index
        %get3A_158 = tpu.vector_load %arg11[%get3A_156, %get3A_157] {strides = array<i32>} : memref<157x128xi32, #tpu.memory_space<vmem>>, vector<16xi32>,
        %sub3A_159 = arith.constant 5120 : i32
        %sub3A_160 = vector.broadcast %sub3A_159 : i32 to vector<16xi32>
        %sub3A_161 = arith.subi %get3A_158, %sub3A_160 : vector<16xi32>
        %ge3A_162 = arith.constant 0 : i32
        %ge3A_163 = vector.broadcast %ge3A_162 : i32 to vector<16xi32>
        %ge3A_164 = arith.cmpi sge, %sub3A_161, %ge3A_163 : vector<16xi32>
        %lt3A_165 = arith.constant 5120 : i32
        %lt3A_166 = vector.broadcast %lt3A_165 : i32 to vector<16xi32>
        %lt3A_167 = arith.cmpi slt, %sub3A_161, %lt3A_166 : vector<16xi32>
        %and3A_168 = arith.andi %ge3A_164, %lt3A_167 : vector<16xi1>
        %jit3A_169 = arith.constant 5120 : i32
        %broadcast_in_dim3A_170 = vector.broadcast %jit3A_169 : i32 to vector<16xi32>
        %select_n3A_171 = arith.select %and3A_168, %sub3A_161, %broadcast_in_dim3A_170 : vector<16xi1>, vector<16xi32>
        %swap3A_172 = arith.constant 0 : i32
        %swap3A_173 = arith.index_cast %swap3A_172 : i32 to index
        %swap3A_174 = arith.constant 80 : index
        %swap3A_175 = tpu.vector_load %arg13[%swap3A_173, %swap3A_174] {strides = array<i32>} : memref<1x128xi32, #tpu.memory_space<vmem>>, vector<16xi32>,
        tpu.vector_store %arg13[%swap3A_173, %swap3A_174], %select_n3A_171 {strides = array<i32>} : memref<1x128xi32, #tpu.memory_space<vmem>>, vector<16xi32>,
        %get3A_176 = arith.index_cast %add3A_64 : i32 to index
        %get3A_177 = arith.constant 96 : index
        %get3A_178 = tpu.vector_load %arg11[%get3A_176, %get3A_177] {strides = array<i32>} : memref<157x128xi32, #tpu.memory_space<vmem>>, vector<16xi32>,
        %sub3A_179 = arith.constant 5120 : i32
        %sub3A_180 = vector.broadcast %sub3A_179 : i32 to vector<16xi32>
        %sub3A_181 = arith.subi %get3A_178, %sub3A_180 : vector<16xi32>
        %ge3A_182 = arith.constant 0 : i32
        %ge3A_183 = vector.broadcast %ge3A_182 : i32 to vector<16xi32>
        %ge3A_184 = arith.cmpi sge, %sub3A_181, %ge3A_183 : vector<16xi32>
        %lt3A_185 = arith.constant 5120 : i32
        %lt3A_186 = vector.broadcast %lt3A_185 : i32 to vector<16xi32>
        %lt3A_187 = arith.cmpi slt, %sub3A_181, %lt3A_186 : vector<16xi32>
        %and3A_188 = arith.andi %ge3A_184, %lt3A_187 : vector<16xi1>
        %jit3A_189 = arith.constant 5120 : i32
        %broadcast_in_dim3A_190 = vector.broadcast %jit3A_189 : i32 to vector<16xi32>
        %select_n3A_191 = arith.select %and3A_188, %sub3A_181, %broadcast_in_dim3A_190 : vector<16xi1>, vector<16xi32>
        %swap3A_192 = arith.constant 0 : i32
        %swap3A_193 = arith.index_cast %swap3A_192 : i32 to index
        %swap3A_194 = arith.constant 96 : index
        %swap3A_195 = tpu.vector_load %arg13[%swap3A_193, %swap3A_194] {strides = array<i32>} : memref<1x128xi32, #tpu.memory_space<vmem>>, vector<16xi32>,
        tpu.vector_store %arg13[%swap3A_193, %swap3A_194], %select_n3A_191 {strides = array<i32>} : memref<1x128xi32, #tpu.memory_space<vmem>>, vector<16xi32>,
        %get3A_196 = arith.index_cast %add3A_64 : i32 to index
        %get3A_197 = arith.constant 112 : index
        %get3A_198 = tpu.vector_load %arg11[%get3A_196, %get3A_197] {strides = array<i32>} : memref<157x128xi32, #tpu.memory_space<vmem>>, vector<16xi32>,
        %sub3A_199 = arith.constant 5120 : i32
        %sub3A_200 = vector.broadcast %sub3A_199 : i32 to vector<16xi32>
        %sub3A_201 = arith.subi %get3A_198, %sub3A_200 : vector<16xi32>
        %ge3A_202 = arith.constant 0 : i32
        %ge3A_203 = vector.broadcast %ge3A_202 : i32 to vector<16xi32>
        %ge3A_204 = arith.cmpi sge, %sub3A_201, %ge3A_203 : vector<16xi32>
        %lt3A_205 = arith.constant 5120 : i32
        %lt3A_206 = vector.broadcast %lt3A_205 : i32 to vector<16xi32>
        %lt3A_207 = arith.cmpi slt, %sub3A_201, %lt3A_206 : vector<16xi32>
        %and3A_208 = arith.andi %ge3A_204, %lt3A_207 : vector<16xi1>
        %jit3A_209 = arith.constant 5120 : i32
        %broadcast_in_dim3A_210 = vector.broadcast %jit3A_209 : i32 to vector<16xi32>
        %select_n3A_211 = arith.select %and3A_208, %sub3A_201, %broadcast_in_dim3A_210 : vector<16xi1>, vector<16xi32>
        %swap3A_212 = arith.constant 0 : i32
        %swap3A_213 = arith.index_cast %swap3A_212 : i32 to index
        %swap3A_214 = arith.constant 112 : index
        %swap3A_215 = tpu.vector_load %arg13[%swap3A_213, %swap3A_214] {strides = array<i32>} : memref<1x128xi32, #tpu.memory_space<vmem>>, vector<16xi32>,
        tpu.vector_store %arg13[%swap3A_213, %swap3A_214], %select_n3A_211 {strides = array<i32>} : memref<1x128xi32, #tpu.memory_space<vmem>>, vector<16xi32>,
        %scan3A_216 = arith.constant 0 : i32
        %scan3A_217 = arith.constant 128 : i32
        %scan3A_218 = arith.addi %scan3A_216, %scan3A_217 : i32
        %scan3A_219 = arith.constant 1 : i32
        scf.for %scan3A_221 = %scan3A_216 to %scan3A_218 step %scan3A_219  : i32 {
          %mul3A_222 = arith.constant 1 : i32
          %mul3A_223 = arith.muli %scan3A_221, %mul3A_222 : i32
          %add3A_224 = arith.constant 0 : i32
          %add3A_225 = arith.addi %add3A_224, %mul3A_223 : i32
          %broadcast_in_dim3A_226 = vector.broadcast %add3A_64 : i32 to vector<16xi32>
          %broadcast_in_dim3A_227 = vector.broadcast %add3A_225 : i32 to vector<16xi32>
          %gather3A = tpu.vector_load_idx %arg12[%broadcast_in_dim3A_226, %broadcast_in_dim3A_227] : memref<157x128xf32, #tpu.memory_space<vmem>>[vector<16xi32>, vector<16xi32>], vector<16xf32>,
          %get3A_228 = arith.index_cast %add3A_225 : i32 to index
          %get3A_229 = arith.constant 0 : index
          %get3A_230 = tpu.vector_load %arg14[%get3A_228, %get3A_229] {strides = array<i32>} : memref<128x128xf32, #tpu.memory_space<vmem>>, vector<16xf32>,
          %mul3A_231 = arith.mulf %get3A_230, %gather3A : vector<16xf32>
          %swap3A_232 = arith.index_cast %add3A_225 : i32 to index
          %swap3A_233 = arith.constant 0 : index
          %swap3A_234 = tpu.vector_load %arg14[%swap3A_232, %swap3A_233] {strides = array<i32>} : memref<128x128xf32, #tpu.memory_space<vmem>>, vector<16xf32>,
          tpu.vector_store %arg14[%swap3A_232, %swap3A_233], %mul3A_231 {strides = array<i32>} : memref<128x128xf32, #tpu.memory_space<vmem>>, vector<16xf32>,
          %get3A_235 = arith.index_cast %add3A_225 : i32 to index
          %get3A_236 = arith.constant 16 : index
          %get3A_237 = tpu.vector_load %arg14[%get3A_235, %get3A_236] {strides = array<i32>} : memref<128x128xf32, #tpu.memory_space<vmem>>, vector<16xf32>,
          %mul3A_238 = arith.mulf %get3A_237, %gather3A : vector<16xf32>
          %swap3A_239 = arith.index_cast %add3A_225 : i32 to index
          %swap3A_240 = arith.constant 16 : index
          %swap3A_241 = tpu.vector_load %arg14[%swap3A_239, %swap3A_240] {strides = array<i32>} : memref<128x128xf32, #tpu.memory_space<vmem>>, vector<16xf32>,
          tpu.vector_store %arg14[%swap3A_239, %swap3A_240], %mul3A_238 {strides = array<i32>} : memref<128x128xf32, #tpu.memory_space<vmem>>, vector<16xf32>,
          %get3A_242 = arith.index_cast %add3A_225 : i32 to index
          %get3A_243 = arith.constant 32 : index
          %get3A_244 = tpu.vector_load %arg14[%get3A_242, %get3A_243] {strides = array<i32>} : memref<128x128xf32, #tpu.memory_space<vmem>>, vector<16xf32>,
          %mul3A_245 = arith.mulf %get3A_244, %gather3A : vector<16xf32>
          %swap3A_246 = arith.index_cast %add3A_225 : i32 to index
          %swap3A_247 = arith.constant 32 : index
          %swap3A_248 = tpu.vector_load %arg14[%swap3A_246, %swap3A_247] {strides = array<i32>} : memref<128x128xf32, #tpu.memory_space<vmem>>, vector<16xf32>,
          tpu.vector_store %arg14[%swap3A_246, %swap3A_247], %mul3A_245 {strides = array<i32>} : memref<128x128xf32, #tpu.memory_space<vmem>>, vector<16xf32>,
          %get3A_249 = arith.index_cast %add3A_225 : i32 to index
          %get3A_250 = arith.constant 48 : index
          %get3A_251 = tpu.vector_load %arg14[%get3A_249, %get3A_250] {strides = array<i32>} : memref<128x128xf32, #tpu.memory_space<vmem>>, vector<16xf32>,
          %mul3A_252 = arith.mulf %get3A_251, %gather3A : vector<16xf32>
          %swap3A_253 = arith.index_cast %add3A_225 : i32 to index
          %swap3A_254 = arith.constant 48 : index
          %swap3A_255 = tpu.vector_load %arg14[%swap3A_253, %swap3A_254] {strides = array<i32>} : memref<128x128xf32, #tpu.memory_space<vmem>>, vector<16xf32>,
          tpu.vector_store %arg14[%swap3A_253, %swap3A_254], %mul3A_252 {strides = array<i32>} : memref<128x128xf32, #tpu.memory_space<vmem>>, vector<16xf32>,
          %get3A_256 = arith.index_cast %add3A_225 : i32 to index
          %get3A_257 = arith.constant 64 : index
          %get3A_258 = tpu.vector_load %arg14[%get3A_256, %get3A_257] {strides = array<i32>} : memref<128x128xf32, #tpu.memory_space<vmem>>, vector<16xf32>,
          %mul3A_259 = arith.mulf %get3A_258, %gather3A : vector<16xf32>
          %swap3A_260 = arith.index_cast %add3A_225 : i32 to index
          %swap3A_261 = arith.constant 64 : index
          %swap3A_262 = tpu.vector_load %arg14[%swap3A_260, %swap3A_261] {strides = array<i32>} : memref<128x128xf32, #tpu.memory_space<vmem>>, vector<16xf32>,
          tpu.vector_store %arg14[%swap3A_260, %swap3A_261], %mul3A_259 {strides = array<i32>} : memref<128x128xf32, #tpu.memory_space<vmem>>, vector<16xf32>,
          %get3A_263 = arith.index_cast %add3A_225 : i32 to index
          %get3A_264 = arith.constant 80 : index
          %get3A_265 = tpu.vector_load %arg14[%get3A_263, %get3A_264] {strides = array<i32>} : memref<128x128xf32, #tpu.memory_space<vmem>>, vector<16xf32>,
          %mul3A_266 = arith.mulf %get3A_265, %gather3A : vector<16xf32>
          %swap3A_267 = arith.index_cast %add3A_225 : i32 to index
          %swap3A_268 = arith.constant 80 : index
          %swap3A_269 = tpu.vector_load %arg14[%swap3A_267, %swap3A_268] {strides = array<i32>} : memref<128x128xf32, #tpu.memory_space<vmem>>, vector<16xf32>,
          tpu.vector_store %arg14[%swap3A_267, %swap3A_268], %mul3A_266 {strides = array<i32>} : memref<128x128xf32, #tpu.memory_space<vmem>>, vector<16xf32>,
          %get3A_270 = arith.index_cast %add3A_225 : i32 to index
          %get3A_271 = arith.constant 96 : index
          %get3A_272 = tpu.vector_load %arg14[%get3A_270, %get3A_271] {strides = array<i32>} : memref<128x128xf32, #tpu.memory_space<vmem>>, vector<16xf32>,
          %mul3A_273 = arith.mulf %get3A_272, %gather3A : vector<16xf32>
          %swap3A_274 = arith.index_cast %add3A_225 : i32 to index
          %swap3A_275 = arith.constant 96 : index
          %swap3A_276 = tpu.vector_load %arg14[%swap3A_274, %swap3A_275] {strides = array<i32>} : memref<128x128xf32, #tpu.memory_space<vmem>>, vector<16xf32>,
          tpu.vector_store %arg14[%swap3A_274, %swap3A_275], %mul3A_273 {strides = array<i32>} : memref<128x128xf32, #tpu.memory_space<vmem>>, vector<16xf32>,
          %get3A_277 = arith.index_cast %add3A_225 : i32 to index
          %get3A_278 = arith.constant 112 : index
          %get3A_279 = tpu.vector_load %arg14[%get3A_277, %get3A_278] {strides = array<i32>} : memref<128x128xf32, #tpu.memory_space<vmem>>, vector<16xf32>,
          %mul3A_280 = arith.mulf %get3A_279, %gather3A : vector<16xf32>
          %swap3A_281 = arith.index_cast %add3A_225 : i32 to index
          %swap3A_282 = arith.constant 112 : index
          %swap3A_283 = tpu.vector_load %arg14[%swap3A_281, %swap3A_282] {strides = array<i32>} : memref<128x128xf32, #tpu.memory_space<vmem>>, vector<16xf32>,
          tpu.vector_store %arg14[%swap3A_281, %swap3A_282], %mul3A_280 {strides = array<i32>} : memref<128x128xf32, #tpu.memory_space<vmem>>, vector<16xf32>,
        }
        %scan3A_220 = arith.constant 128 : i32
        %run_scoped3A = arith.constant 0 : i32
        "tpu.region"() ({
          %run_scoped3A_221 = tpu.sem_alloc : memref<!tpu.dma_semaphore, #tpu.memory_space<semaphore_mem>>
          %dma_start3A = arith.constant 0 : i32
          %dma_start3A_222 = tpu.memref_slice %arg13[%run_scoped3A, %dma_start3A] : memref<1x128xi32, #tpu.memory_space<vmem>> -> memref<1x128xi32, #tpu.memory_space<vmem>>
          %dma_start3A_223 = tpu.memref_squeeze %dma_start3A_222 : memref<1x128xi32, #tpu.memory_space<vmem>> -> memref<128xi32, #tpu.memory_space<vmem>>
          %dma_start3A_224 = arith.constant 0 : i32
          %dma_start3A_225 = arith.constant 0 : i32
          %dma_start3A_226 = tpu.memref_slice %arg15[%dma_start3A_224, %dma_start3A_225] : memref<5248x128xf32, #tpu.memory_space<vmem_shared>> -> memref<5248x128xf32, #tpu.memory_space<vmem_shared>>
          tpu.enqueue_indirect_dma source(%arg14 : memref<128x128xf32, #tpu.memory_space<vmem>>) target(%dma_start3A_226 : memref<5248x128xf32, #tpu.memory_space<vmem_shared>>) offsets(%dma_start3A_223 : memref<128xi32, #tpu.memory_space<vmem>>) semaphore(%run_scoped3A_221 : memref<!tpu.dma_semaphore, #tpu.memory_space<semaphore_mem>>) {add = true}
          %dma_wait3A = arith.constant 0 : i32
          %dma_wait3A_227 = tpu.memref_slice %arg13[%run_scoped3A, %dma_wait3A] : memref<1x128xi32, #tpu.memory_space<vmem>> -> memref<1x128xi32, #tpu.memory_space<vmem>>
          %dma_wait3A_228 = tpu.memref_squeeze %dma_wait3A_227 : memref<1x128xi32, #tpu.memory_space<vmem>> -> memref<128xi32, #tpu.memory_space<vmem>>
          %dma_wait3A_229 = arith.constant 0 : i32
          %dma_wait3A_230 = arith.constant 0 : i32
          %dma_wait3A_231 = tpu.memref_slice %arg15[%dma_wait3A_229, %dma_wait3A_230] : memref<5248x128xf32, #tpu.memory_space<vmem_shared>> -> memref<5248x128xf32, #tpu.memory_space<vmem_shared>>
          tpu.wait_indirect_dma semaphore(%run_scoped3A_221 : memref<!tpu.dma_semaphore, #tpu.memory_space<semaphore_mem>>) src(%arg14 : memref<128x128xf32, #tpu.memory_space<vmem>>) dst(%dma_wait3A_231 : memref<5248x128xf32, #tpu.memory_space<vmem_shared>>)
          tpu.yield
        }) : () -> ()
      }
      %scan3A_59 = arith.constant 157 : i32
    } else {
    }
    %barrier3A_38 = arith.constant 0 : index
    tpu.barrier barrier_id(%barrier3A_38)
    %mul3A_39 = arith.constant 320 : i32
    %mul3A_40 = arith.muli %arg1, %mul3A_39 : i32
    %mul3A_41 = arith.constant 320 : i32
    %mul3A_42 = arith.muli %arg1, %mul3A_41 : i32
    %add3A_43 = arith.constant 5120 : i32
    %add3A_44 = arith.addi %add3A_43, %mul3A_42 : i32
    %eq3A_45 = arith.constant 0 : i32
    %eq3A_46 = arith.cmpi eq, %arg0, %eq3A_45 : i32
    %convert_element_type3A_47 = arith.extui %eq3A_46 : i1 to i32
    %cond3A_48 = arith.constant 0 : i32
    %cond3A_49 = arith.cmpi ne, %convert_element_type3A_47, %cond3A_48 : i32
    scf.if %cond3A_49 {
      "tpu.region"() ({
        %run_scoped3A = tpu.sem_alloc : memref<!tpu.dma_semaphore, #tpu.memory_space<semaphore_mem>>
        %dma_start3A = arith.constant 0 : i32
        %dma_start3A_56 = tpu.memref_slice %arg8[%add3A_44, %dma_start3A] : memref<10240x128xf32, #tpu.memory_space<hbm>> -> memref<320x128xf32, #tpu.memory_space<hbm>>
        %dma_start3A_57 = arith.constant 0 : i32
        %dma_start3A_58 = tpu.memref_slice %arg15[%mul3A_40, %dma_start3A_57] : memref<5248x128xf32, #tpu.memory_space<vmem_shared>> -> memref<320x128xf32, #tpu.memory_space<vmem_shared>>
        tpu.enqueue_dma source(%dma_start3A_58 : memref<320x128xf32, #tpu.memory_space<vmem_shared>>) target(%dma_start3A_56 : memref<320x128xf32, #tpu.memory_space<hbm>>) target_semaphore(%run_scoped3A : memref<!tpu.dma_semaphore, #tpu.memory_space<semaphore_mem>>)
        %dma_wait3A = arith.constant 0 : i32
        %dma_wait3A_59 = tpu.memref_slice %arg8[%add3A_44, %dma_wait3A] : memref<10240x128xf32, #tpu.memory_space<hbm>> -> memref<320x128xf32, #tpu.memory_space<hbm>>
        %dma_wait3A_60 = arith.constant 0 : i32
        %dma_wait3A_61 = tpu.memref_slice %arg15[%mul3A_40, %dma_wait3A_60] : memref<5248x128xf32, #tpu.memory_space<vmem_shared>> -> memref<320x128xf32, #tpu.memory_space<vmem_shared>>
        tpu.wait_dma2 semaphore(%run_scoped3A : memref<!tpu.dma_semaphore, #tpu.memory_space<semaphore_mem>>) src(%dma_wait3A_61 : memref<320x128xf32, #tpu.memory_space<vmem_shared>>) dst(%dma_wait3A_59 : memref<320x128xf32, #tpu.memory_space<hbm>>)
        tpu.yield
      }) : () -> ()
    } else {
    }
    %eq3A_50 = arith.constant 1 : i32
    %eq3A_51 = arith.cmpi eq, %arg0, %eq3A_50 : i32
    %convert_element_type3A_52 = arith.extui %eq3A_51 : i1 to i32
    %cond3A_53 = arith.constant 0 : i32
    %cond3A_54 = arith.cmpi ne, %convert_element_type3A_52, %cond3A_53 : i32
    scf.if %cond3A_54 {
      "tpu.region"() ({
        %run_scoped3A = tpu.sem_alloc : memref<!tpu.dma_semaphore, #tpu.memory_space<semaphore_mem>>
        %dma_start3A = arith.constant 0 : i32
        %dma_start3A_56 = tpu.memref_slice %arg9[%add3A_44, %dma_start3A] : memref<10240x128xf32, #tpu.memory_space<hbm>> -> memref<320x128xf32, #tpu.memory_space<hbm>>
        %dma_start3A_57 = arith.constant 0 : i32
        %dma_start3A_58 = tpu.memref_slice %arg15[%mul3A_40, %dma_start3A_57] : memref<5248x128xf32, #tpu.memory_space<vmem_shared>> -> memref<320x128xf32, #tpu.memory_space<vmem_shared>>
        tpu.enqueue_dma source(%dma_start3A_58 : memref<320x128xf32, #tpu.memory_space<vmem_shared>>) target(%dma_start3A_56 : memref<320x128xf32, #tpu.memory_space<hbm>>) target_semaphore(%run_scoped3A : memref<!tpu.dma_semaphore, #tpu.memory_space<semaphore_mem>>)
        %dma_wait3A = arith.constant 0 : i32
        %dma_wait3A_59 = tpu.memref_slice %arg9[%add3A_44, %dma_wait3A] : memref<10240x128xf32, #tpu.memory_space<hbm>> -> memref<320x128xf32, #tpu.memory_space<hbm>>
        %dma_wait3A_60 = arith.constant 0 : i32
        %dma_wait3A_61 = tpu.memref_slice %arg15[%mul3A_40, %dma_wait3A_60] : memref<5248x128xf32, #tpu.memory_space<vmem_shared>> -> memref<320x128xf32, #tpu.memory_space<vmem_shared>>
        tpu.wait_dma2 semaphore(%run_scoped3A : memref<!tpu.dma_semaphore, #tpu.memory_space<semaphore_mem>>) src(%dma_wait3A_61 : memref<320x128xf32, #tpu.memory_space<vmem_shared>>) dst(%dma_wait3A_59 : memref<320x128xf32, #tpu.memory_space<hbm>>)
        tpu.yield
      }) : () -> ()
    } else {
    }
    %barrier3A_55 = arith.constant 0 : index
    tpu.barrier barrier_id(%barrier3A_55)
    return
  }
}

#map = affine_map<(d0, d1) -> (0, 0)>
#map1 = affine_map<(d0, d1) -> (0, 0, 0)>
module attributes {stable_mosaic.version = 14 : i64} {
  func.func @spmm(%arg0: i32, %arg1: i32, %arg2: memref<10000x128xf32, #tpu.memory_space<hbm>>, %arg3: memref<10000x128xf32, #tpu.memory_space<hbm>>, %arg4: memref<16x157x128xi32, #tpu.memory_space<hbm>>, %arg5: memref<16x157x128xi32, #tpu.memory_space<hbm>>, %arg6: memref<16x157x128xf32, #tpu.memory_space<hbm>>, %arg7: memref<328x128xf32, #tpu.memory_space<hbm>>, %arg8: memref<10240x128xf32, #tpu.memory_space<hbm>>, %arg9: memref<10240x128xf32, #tpu.memory_space<hbm>>, %arg10: memref<157x128xi32, #tpu.memory_space<vmem>>, %arg11: memref<157x128xi32, #tpu.memory_space<vmem>>, %arg12: memref<157x128xf32, #tpu.memory_space<vmem>>, %arg13: memref<1x128xi32, #tpu.memory_space<vmem>>, %arg14: memref<128x128xf32, #tpu.memory_space<vmem>>, %arg15: memref<5248x128xf32, #tpu.memory_space<vmem_shared>>) attributes {dimension_semantics = [#tpu.dimension_semantics<core_parallel>, #tpu.dimension_semantics<subcore_parallel>], iteration_bounds = array<i64: 2, 16>, scalar_prefetch = 0 : i64, scratch_operands = 6 : i64, tpu.core_type = #tpu.core_type<sc_vector_subcore>, window_params = [{transform_indices = #map}, {transform_indices = #map}, {transform_indices = #map1}, {transform_indices = #map1}, {transform_indices = #map1}, {transform_indices = #map}, {transform_indices = #map}, {transform_indices = #map}]} {
    "tpu.region"() ({
      %run_scoped3A = tpu.sem_alloc : memref<!tpu.dma_semaphore, #tpu.memory_space<semaphore_mem>>
      %dma_start3A = arith.constant 0 : i32
      %dma_start3A_56 = arith.constant 0 : i32
      %dma_start3A_57 = tpu.memref_slice %arg4[%arg1, %dma_start3A, %dma_start3A_56] : memref<16x157x128xi32, #tpu.memory_space<hbm>> -> memref<1x157x128xi32, #tpu.memory_space<hbm>>
      %dma_start3A_58 = tpu.memref_squeeze %dma_start3A_57 : memref<1x157x128xi32, #tpu.memory_space<hbm>> -> memref<157x128xi32, #tpu.memory_space<hbm>>
      %dma_start3A_59 = arith.constant 0 : i32
      %dma_start3A_60 = arith.constant 0 : i32
      %dma_start3A_61 = tpu.memref_slice %arg4[%arg1, %dma_start3A_59, %dma_start3A_60] : memref<16x157x128xi32, #tpu.memory_space<hbm>> -> memref<1x157x128xi32, #tpu.memory_space<hbm>>
      %dma_start3A_62 = tpu.memref_squeeze %dma_start3A_61 : memref<1x157x128xi32, #tpu.memory_space<hbm>> -> memref<157x128xi32, #tpu.memory_space<hbm>>
      tpu.enqueue_dma source(%dma_start3A_62 : memref<157x128xi32, #tpu.memory_space<hbm>>) target(%arg10 : memref<157x128xi32, #tpu.memory_space<vmem>>) target_semaphore(%run_scoped3A : memref<!tpu.dma_semaphore, #tpu.memory_space<semaphore_mem>>)
      %dma_wait3A = arith.constant 0 : i32
      %dma_wait3A_63 = arith.constant 0 : i32
      %dma_wait3A_64 = tpu.memref_slice %arg4[%arg1, %dma_wait3A, %dma_wait3A_63] : memref<16x157x128xi32, #tpu.memory_space<hbm>> -> memref<1x157x128xi32, #tpu.memory_space<hbm>>
      %dma_wait3A_65 = tpu.memref_squeeze %dma_wait3A_64 : memref<1x157x128xi32, #tpu.memory_space<hbm>> -> memref<157x128xi32, #tpu.memory_space<hbm>>
      %dma_wait3A_66 = arith.constant 0 : i32
      %dma_wait3A_67 = arith.constant 0 : i32
      %dma_wait3A_68 = tpu.memref_slice %arg4[%arg1, %dma_wait3A_66, %dma_wait3A_67] : memref<16x157x128xi32, #tpu.memory_space<hbm>> -> memref<1x157x128xi32, #tpu.memory_space<hbm>>
      %dma_wait3A_69 = tpu.memref_squeeze %dma_wait3A_68 : memref<1x157x128xi32, #tpu.memory_space<hbm>> -> memref<157x128xi32, #tpu.memory_space<hbm>>
      tpu.wait_dma2 semaphore(%run_scoped3A : memref<!tpu.dma_semaphore, #tpu.memory_space<semaphore_mem>>) src(%dma_wait3A_69 : memref<157x128xi32, #tpu.memory_space<hbm>>) dst(%arg10 : memref<157x128xi32, #tpu.memory_space<vmem>>)
      tpu.yield
    }) : () -> ()
    "tpu.region"() ({
      %run_scoped3A = tpu.sem_alloc : memref<!tpu.dma_semaphore, #tpu.memory_space<semaphore_mem>>
      %dma_start3A = arith.constant 0 : i32
      %dma_start3A_56 = arith.constant 0 : i32
      %dma_start3A_57 = tpu.memref_slice %arg5[%arg1, %dma_start3A, %dma_start3A_56] : memref<16x157x128xi32, #tpu.memory_space<hbm>> -> memref<1x157x128xi32, #tpu.memory_space<hbm>>
      %dma_start3A_58 = tpu.memref_squeeze %dma_start3A_57 : memref<1x157x128xi32, #tpu.memory_space<hbm>> -> memref<157x128xi32, #tpu.memory_space<hbm>>
      %dma_start3A_59 = arith.constant 0 : i32
      %dma_start3A_60 = arith.constant 0 : i32
      %dma_start3A_61 = tpu.memref_slice %arg5[%arg1, %dma_start3A_59, %dma_start3A_60] : memref<16x157x128xi32, #tpu.memory_space<hbm>> -> memref<1x157x128xi32, #tpu.memory_space<hbm>>
      %dma_start3A_62 = tpu.memref_squeeze %dma_start3A_61 : memref<1x157x128xi32, #tpu.memory_space<hbm>> -> memref<157x128xi32, #tpu.memory_space<hbm>>
      tpu.enqueue_dma source(%dma_start3A_62 : memref<157x128xi32, #tpu.memory_space<hbm>>) target(%arg11 : memref<157x128xi32, #tpu.memory_space<vmem>>) target_semaphore(%run_scoped3A : memref<!tpu.dma_semaphore, #tpu.memory_space<semaphore_mem>>)
      %dma_wait3A = arith.constant 0 : i32
      %dma_wait3A_63 = arith.constant 0 : i32
      %dma_wait3A_64 = tpu.memref_slice %arg5[%arg1, %dma_wait3A, %dma_wait3A_63] : memref<16x157x128xi32, #tpu.memory_space<hbm>> -> memref<1x157x128xi32, #tpu.memory_space<hbm>>
      %dma_wait3A_65 = tpu.memref_squeeze %dma_wait3A_64 : memref<1x157x128xi32, #tpu.memory_space<hbm>> -> memref<157x128xi32, #tpu.memory_space<hbm>>
      %dma_wait3A_66 = arith.constant 0 : i32
      %dma_wait3A_67 = arith.constant 0 : i32
      %dma_wait3A_68 = tpu.memref_slice %arg5[%arg1, %dma_wait3A_66, %dma_wait3A_67] : memref<16x157x128xi32, #tpu.memory_space<hbm>> -> memref<1x157x128xi32, #tpu.memory_space<hbm>>
      %dma_wait3A_69 = tpu.memref_squeeze %dma_wait3A_68 : memref<1x157x128xi32, #tpu.memory_space<hbm>> -> memref<157x128xi32, #tpu.memory_space<hbm>>
      tpu.wait_dma2 semaphore(%run_scoped3A : memref<!tpu.dma_semaphore, #tpu.memory_space<semaphore_mem>>) src(%dma_wait3A_69 : memref<157x128xi32, #tpu.memory_space<hbm>>) dst(%arg11 : memref<157x128xi32, #tpu.memory_space<vmem>>)
      tpu.yield
    }) : () -> ()
    "tpu.region"() ({
      %run_scoped3A = tpu.sem_alloc : memref<!tpu.dma_semaphore, #tpu.memory_space<semaphore_mem>>
      %dma_start3A = arith.constant 0 : i32
      %dma_start3A_56 = arith.constant 0 : i32
      %dma_start3A_57 = tpu.memref_slice %arg6[%arg1, %dma_start3A, %dma_start3A_56] : memref<16x157x128xf32, #tpu.memory_space<hbm>> -> memref<1x157x128xf32, #tpu.memory_space<hbm>>
      %dma_start3A_58 = tpu.memref_squeeze %dma_start3A_57 : memref<1x157x128xf32, #tpu.memory_space<hbm>> -> memref<157x128xf32, #tpu.memory_space<hbm>>
      %dma_start3A_59 = arith.constant 0 : i32
      %dma_start3A_60 = arith.constant 0 : i32
      %dma_start3A_61 = tpu.memref_slice %arg6[%arg1, %dma_start3A_59, %dma_start3A_60] : memref<16x157x128xf32, #tpu.memory_space<hbm>> -> memref<1x157x128xf32, #tpu.memory_space<hbm>>
      %dma_start3A_62 = tpu.memref_squeeze %dma_start3A_61 : memref<1x157x128xf32, #tpu.memory_space<hbm>> -> memref<157x128xf32, #tpu.memory_space<hbm>>
      tpu.enqueue_dma source(%dma_start3A_62 : memref<157x128xf32, #tpu.memory_space<hbm>>) target(%arg12 : memref<157x128xf32, #tpu.memory_space<vmem>>) target_semaphore(%run_scoped3A : memref<!tpu.dma_semaphore, #tpu.memory_space<semaphore_mem>>)
      %dma_wait3A = arith.constant 0 : i32
      %dma_wait3A_63 = arith.constant 0 : i32
      %dma_wait3A_64 = tpu.memref_slice %arg6[%arg1, %dma_wait3A, %dma_wait3A_63] : memref<16x157x128xf32, #tpu.memory_space<hbm>> -> memref<1x157x128xf32, #tpu.memory_space<hbm>>
      %dma_wait3A_65 = tpu.memref_squeeze %dma_wait3A_64 : memref<1x157x128xf32, #tpu.memory_space<hbm>> -> memref<157x128xf32, #tpu.memory_space<hbm>>
      %dma_wait3A_66 = arith.constant 0 : i32
      %dma_wait3A_67 = arith.constant 0 : i32
      %dma_wait3A_68 = tpu.memref_slice %arg6[%arg1, %dma_wait3A_66, %dma_wait3A_67] : memref<16x157x128xf32, #tpu.memory_space<hbm>> -> memref<1x157x128xf32, #tpu.memory_space<hbm>>
      %dma_wait3A_69 = tpu.memref_squeeze %dma_wait3A_68 : memref<1x157x128xf32, #tpu.memory_space<hbm>> -> memref<157x128xf32, #tpu.memory_space<hbm>>
      tpu.wait_dma2 semaphore(%run_scoped3A : memref<!tpu.dma_semaphore, #tpu.memory_space<semaphore_mem>>) src(%dma_wait3A_69 : memref<157x128xf32, #tpu.memory_space<hbm>>) dst(%arg12 : memref<157x128xf32, #tpu.memory_space<vmem>>)
      tpu.yield
    }) : () -> ()
    %mul3A = arith.constant 328 : i32
    %mul3A_0 = arith.muli %arg1, %mul3A : i32
    "tpu.region"() ({
      %run_scoped3A = tpu.sem_alloc : memref<!tpu.dma_semaphore, #tpu.memory_space<semaphore_mem>>
      %dma_start3A = arith.constant 0 : i32
      %dma_start3A_56 = tpu.memref_slice %arg15[%mul3A_0, %dma_start3A] : memref<5248x128xf32, #tpu.memory_space<vmem_shared>> -> memref<328x128xf32, #tpu.memory_space<vmem_shared>>
      tpu.enqueue_dma source(%arg7 : memref<328x128xf32, #tpu.memory_space<hbm>>) target(%dma_start3A_56 : memref<328x128xf32, #tpu.memory_space<vmem_shared>>) target_semaphore(%run_scoped3A : memref<!tpu.dma_semaphore, #tpu.memory_space<semaphore_mem>>)
      %dma_wait3A = arith.constant 0 : i32
      %dma_wait3A_57 = tpu.memref_slice %arg15[%mul3A_0, %dma_wait3A] : memref<5248x128xf32, #tpu.memory_space<vmem_shared>> -> memref<328x128xf32, #tpu.memory_space<vmem_shared>>
      tpu.wait_dma2 semaphore(%run_scoped3A : memref<!tpu.dma_semaphore, #tpu.memory_space<semaphore_mem>>) src(%arg7 : memref<328x128xf32, #tpu.memory_space<hbm>>) dst(%dma_wait3A_57 : memref<328x128xf32, #tpu.memory_space<vmem_shared>>)
      tpu.yield
    }) : () -> ()
    %barrier3A = arith.constant 0 : index
    tpu.barrier barrier_id(%barrier3A)
    %eq3A = arith.constant 0 : i32
    %eq3A_1 = arith.cmpi eq, %arg0, %eq3A : i32
    %convert_element_type3A = arith.extui %eq3A_1 : i1 to i32
    %cond3A = arith.constant 0 : i32
    %cond3A_2 = arith.cmpi ne, %convert_element_type3A, %cond3A : i32
    scf.if %cond3A_2 {
      %scan3A = arith.constant 0 : i32
      %scan3A_56 = arith.constant 157 : i32
      %scan3A_57 = arith.addi %scan3A, %scan3A_56 : i32
      %scan3A_58 = arith.constant 1 : i32
      scf.for %scan3A_60 = %scan3A to %scan3A_57 step %scan3A_58  : i32 {
        %mul3A_61 = arith.constant 1 : i32
        %mul3A_62 = arith.muli %scan3A_60, %mul3A_61 : i32
        %add3A_63 = arith.constant 0 : i32
        %add3A_64 = arith.addi %add3A_63, %mul3A_62 : i32
        "tpu.region"() ({
          %run_scoped3A_221 = tpu.sem_alloc : memref<!tpu.dma_semaphore, #tpu.memory_space<semaphore_mem>>
          %dma_start3A = arith.constant 0 : i32
          %dma_start3A_222 = tpu.memref_slice %arg10[%add3A_64, %dma_start3A] : memref<157x128xi32, #tpu.memory_space<vmem>> -> memref<1x128xi32, #tpu.memory_space<vmem>>
          %dma_start3A_223 = tpu.memref_squeeze %dma_start3A_222 : memref<1x128xi32, #tpu.memory_space<vmem>> -> memref<128xi32, #tpu.memory_space<vmem>>
          %dma_start3A_224 = arith.constant 0 : i32
          %dma_start3A_225 = arith.constant 0 : i32
          %dma_start3A_226 = tpu.memref_slice %arg2[%dma_start3A_224, %dma_start3A_225] : memref<10000x128xf32, #tpu.memory_space<hbm>> -> memref<10000x128xf32, #tpu.memory_space<hbm>>
          tpu.enqueue_indirect_dma source(%dma_start3A_226 : memref<10000x128xf32, #tpu.memory_space<hbm>>) target(%arg14 : memref<128x128xf32, #tpu.memory_space<vmem>>) offsets(%dma_start3A_223 : memref<128xi32, #tpu.memory_space<vmem>>) semaphore(%run_scoped3A_221 : memref<!tpu.dma_semaphore, #tpu.memory_space<semaphore_mem>>)
          %dma_wait3A = arith.constant 0 : i32
          %dma_wait3A_227 = tpu.memref_slice %arg10[%add3A_64, %dma_wait3A] : memref<157x128xi32, #tpu.memory_space<vmem>> -> memref<1x128xi32, #tpu.memory_space<vmem>>
          %dma_wait3A_228 = tpu.memref_squeeze %dma_wait3A_227 : memref<1x128xi32, #tpu.memory_space<vmem>> -> memref<128xi32, #tpu.memory_space<vmem>>
          %dma_wait3A_229 = arith.constant 0 : i32
          %dma_wait3A_230 = arith.constant 0 : i32
          %dma_wait3A_231 = tpu.memref_slice %arg2[%dma_wait3A_229, %dma_wait3A_230] : memref<10000x128xf32, #tpu.memory_space<hbm>> -> memref<10000x128xf32, #tpu.memory_space<hbm>>
          tpu.wait_indirect_dma semaphore(%run_scoped3A_221 : memref<!tpu.dma_semaphore, #tpu.memory_space<semaphore_mem>>) src(%dma_wait3A_231 : memref<10000x128xf32, #tpu.memory_space<hbm>>) dst(%arg14 : memref<128x128xf32, #tpu.memory_space<vmem>>)
          tpu.yield
        }) : () -> ()
        %get3A = arith.index_cast %add3A_64 : i32 to index
        %get3A_65 = arith.constant 0 : index
        %get3A_66 = tpu.vector_load %arg11[%get3A, %get3A_65] {strides = array<i32>} : memref<157x128xi32, #tpu.memory_space<vmem>>, vector<16xi32>,
        %sub3A = arith.constant 0 : i32
        %sub3A_67 = vector.broadcast %sub3A : i32 to vector<16xi32>
        %sub3A_68 = arith.subi %get3A_66, %sub3A_67 : vector<16xi32>
        %ge3A = arith.constant 0 : i32
        %ge3A_69 = vector.broadcast %ge3A : i32 to vector<16xi32>
        %ge3A_70 = arith.cmpi sge, %sub3A_68, %ge3A_69 : vector<16xi32>
        %lt3A = arith.constant 5120 : i32
        %lt3A_71 = vector.broadcast %lt3A : i32 to vector<16xi32>
        %lt3A_72 = arith.cmpi slt, %sub3A_68, %lt3A_71 : vector<16xi32>
        %and3A = arith.andi %ge3A_70, %lt3A_72 : vector<16xi1>
        %jit3A = arith.constant 5120 : i32
        %broadcast_in_dim3A = vector.broadcast %jit3A : i32 to vector<16xi32>
        %select_n3A = arith.select %and3A, %sub3A_68, %broadcast_in_dim3A : vector<16xi1>, vector<16xi32>
        %swap3A = arith.constant 0 : i32
        %swap3A_73 = arith.index_cast %swap3A : i32 to index
        %swap3A_74 = arith.constant 0 : index
        %swap3A_75 = tpu.vector_load %arg13[%swap3A_73, %swap3A_74] {strides = array<i32>} : memref<1x128xi32, #tpu.memory_space<vmem>>, vector<16xi32>,
        tpu.vector_store %arg13[%swap3A_73, %swap3A_74], %select_n3A {strides = array<i32>} : memref<1x128xi32, #tpu.memory_space<vmem>>, vector<16xi32>,
        %get3A_76 = arith.index_cast %add3A_64 : i32 to index
        %get3A_77 = arith.constant 16 : index
        %get3A_78 = tpu.vector_load %arg11[%get3A_76, %get3A_77] {strides = array<i32>} : memref<157x128xi32, #tpu.memory_space<vmem>>, vector<16xi32>,
        %sub3A_79 = arith.constant 0 : i32
        %sub3A_80 = vector.broadcast %sub3A_79 : i32 to vector<16xi32>
        %sub3A_81 = arith.subi %get3A_78, %sub3A_80 : vector<16xi32>
        %ge3A_82 = arith.constant 0 : i32
        %ge3A_83 = vector.broadcast %ge3A_82 : i32 to vector<16xi32>
        %ge3A_84 = arith.cmpi sge, %sub3A_81, %ge3A_83 : vector<16xi32>
        %lt3A_85 = arith.constant 5120 : i32
        %lt3A_86 = vector.broadcast %lt3A_85 : i32 to vector<16xi32>
        %lt3A_87 = arith.cmpi slt, %sub3A_81, %lt3A_86 : vector<16xi32>
        %and3A_88 = arith.andi %ge3A_84, %lt3A_87 : vector<16xi1>
        %jit3A_89 = arith.constant 5120 : i32
        %broadcast_in_dim3A_90 = vector.broadcast %jit3A_89 : i32 to vector<16xi32>
        %select_n3A_91 = arith.select %and3A_88, %sub3A_81, %broadcast_in_dim3A_90 : vector<16xi1>, vector<16xi32>
        %swap3A_92 = arith.constant 0 : i32
        %swap3A_93 = arith.index_cast %swap3A_92 : i32 to index
        %swap3A_94 = arith.constant 16 : index
        %swap3A_95 = tpu.vector_load %arg13[%swap3A_93, %swap3A_94] {strides = array<i32>} : memref<1x128xi32, #tpu.memory_space<vmem>>, vector<16xi32>,
        tpu.vector_store %arg13[%swap3A_93, %swap3A_94], %select_n3A_91 {strides = array<i32>} : memref<1x128xi32, #tpu.memory_space<vmem>>, vector<16xi32>,
        %get3A_96 = arith.index_cast %add3A_64 : i32 to index
        %get3A_97 = arith.constant 32 : index
        %get3A_98 = tpu.vector_load %arg11[%get3A_96, %get3A_97] {strides = array<i32>} : memref<157x128xi32, #tpu.memory_space<vmem>>, vector<16xi32>,
        %sub3A_99 = arith.constant 0 : i32
        %sub3A_100 = vector.broadcast %sub3A_99 : i32 to vector<16xi32>
        %sub3A_101 = arith.subi %get3A_98, %sub3A_100 : vector<16xi32>
        %ge3A_102 = arith.constant 0 : i32
        %ge3A_103 = vector.broadcast %ge3A_102 : i32 to vector<16xi32>
        %ge3A_104 = arith.cmpi sge, %sub3A_101, %ge3A_103 : vector<16xi32>
        %lt3A_105 = arith.constant 5120 : i32
        %lt3A_106 = vector.broadcast %lt3A_105 : i32 to vector<16xi32>
        %lt3A_107 = arith.cmpi slt, %sub3A_101, %lt3A_106 : vector<16xi32>
        %and3A_108 = arith.andi %ge3A_104, %lt3A_107 : vector<16xi1>
        %jit3A_109 = arith.constant 5120 : i32
        %broadcast_in_dim3A_110 = vector.broadcast %jit3A_109 : i32 to vector<16xi32>
        %select_n3A_111 = arith.select %and3A_108, %sub3A_101, %broadcast_in_dim3A_110 : vector<16xi1>, vector<16xi32>
        %swap3A_112 = arith.constant 0 : i32
        %swap3A_113 = arith.index_cast %swap3A_112 : i32 to index
        %swap3A_114 = arith.constant 32 : index
        %swap3A_115 = tpu.vector_load %arg13[%swap3A_113, %swap3A_114] {strides = array<i32>} : memref<1x128xi32, #tpu.memory_space<vmem>>, vector<16xi32>,
        tpu.vector_store %arg13[%swap3A_113, %swap3A_114], %select_n3A_111 {strides = array<i32>} : memref<1x128xi32, #tpu.memory_space<vmem>>, vector<16xi32>,
        %get3A_116 = arith.index_cast %add3A_64 : i32 to index
        %get3A_117 = arith.constant 48 : index
        %get3A_118 = tpu.vector_load %arg11[%get3A_116, %get3A_117] {strides = array<i32>} : memref<157x128xi32, #tpu.memory_space<vmem>>, vector<16xi32>,
        %sub3A_119 = arith.constant 0 : i32
        %sub3A_120 = vector.broadcast %sub3A_119 : i32 to vector<16xi32>
        %sub3A_121 = arith.subi %get3A_118, %sub3A_120 : vector<16xi32>
        %ge3A_122 = arith.constant 0 : i32
        %ge3A_123 = vector.broadcast %ge3A_122 : i32 to vector<16xi32>
        %ge3A_124 = arith.cmpi sge, %sub3A_121, %ge3A_123 : vector<16xi32>
        %lt3A_125 = arith.constant 5120 : i32
        %lt3A_126 = vector.broadcast %lt3A_125 : i32 to vector<16xi32>
        %lt3A_127 = arith.cmpi slt, %sub3A_121, %lt3A_126 : vector<16xi32>
        %and3A_128 = arith.andi %ge3A_124, %lt3A_127 : vector<16xi1>
        %jit3A_129 = arith.constant 5120 : i32
        %broadcast_in_dim3A_130 = vector.broadcast %jit3A_129 : i32 to vector<16xi32>
        %select_n3A_131 = arith.select %and3A_128, %sub3A_121, %broadcast_in_dim3A_130 : vector<16xi1>, vector<16xi32>
        %swap3A_132 = arith.constant 0 : i32
        %swap3A_133 = arith.index_cast %swap3A_132 : i32 to index
        %swap3A_134 = arith.constant 48 : index
        %swap3A_135 = tpu.vector_load %arg13[%swap3A_133, %swap3A_134] {strides = array<i32>} : memref<1x128xi32, #tpu.memory_space<vmem>>, vector<16xi32>,
        tpu.vector_store %arg13[%swap3A_133, %swap3A_134], %select_n3A_131 {strides = array<i32>} : memref<1x128xi32, #tpu.memory_space<vmem>>, vector<16xi32>,
        %get3A_136 = arith.index_cast %add3A_64 : i32 to index
        %get3A_137 = arith.constant 64 : index
        %get3A_138 = tpu.vector_load %arg11[%get3A_136, %get3A_137] {strides = array<i32>} : memref<157x128xi32, #tpu.memory_space<vmem>>, vector<16xi32>,
        %sub3A_139 = arith.constant 0 : i32
        %sub3A_140 = vector.broadcast %sub3A_139 : i32 to vector<16xi32>
        %sub3A_141 = arith.subi %get3A_138, %sub3A_140 : vector<16xi32>
        %ge3A_142 = arith.constant 0 : i32
        %ge3A_143 = vector.broadcast %ge3A_142 : i32 to vector<16xi32>
        %ge3A_144 = arith.cmpi sge, %sub3A_141, %ge3A_143 : vector<16xi32>
        %lt3A_145 = arith.constant 5120 : i32
        %lt3A_146 = vector.broadcast %lt3A_145 : i32 to vector<16xi32>
        %lt3A_147 = arith.cmpi slt, %sub3A_141, %lt3A_146 : vector<16xi32>
        %and3A_148 = arith.andi %ge3A_144, %lt3A_147 : vector<16xi1>
        %jit3A_149 = arith.constant 5120 : i32
        %broadcast_in_dim3A_150 = vector.broadcast %jit3A_149 : i32 to vector<16xi32>
        %select_n3A_151 = arith.select %and3A_148, %sub3A_141, %broadcast_in_dim3A_150 : vector<16xi1>, vector<16xi32>
        %swap3A_152 = arith.constant 0 : i32
        %swap3A_153 = arith.index_cast %swap3A_152 : i32 to index
        %swap3A_154 = arith.constant 64 : index
        %swap3A_155 = tpu.vector_load %arg13[%swap3A_153, %swap3A_154] {strides = array<i32>} : memref<1x128xi32, #tpu.memory_space<vmem>>, vector<16xi32>,
        tpu.vector_store %arg13[%swap3A_153, %swap3A_154], %select_n3A_151 {strides = array<i32>} : memref<1x128xi32, #tpu.memory_space<vmem>>, vector<16xi32>,
        %get3A_156 = arith.index_cast %add3A_64 : i32 to index
        %get3A_157 = arith.constant 80 : index
        %get3A_158 = tpu.vector_load %arg11[%get3A_156, %get3A_157] {strides = array<i32>} : memref<157x128xi32, #tpu.memory_space<vmem>>, vector<16xi32>,
        %sub3A_159 = arith.constant 0 : i32
        %sub3A_160 = vector.broadcast %sub3A_159 : i32 to vector<16xi32>
        %sub3A_161 = arith.subi %get3A_158, %sub3A_160 : vector<16xi32>
        %ge3A_162 = arith.constant 0 : i32
        %ge3A_163 = vector.broadcast %ge3A_162 : i32 to vector<16xi32>
        %ge3A_164 = arith.cmpi sge, %sub3A_161, %ge3A_163 : vector<16xi32>
        %lt3A_165 = arith.constant 5120 : i32
        %lt3A_166 = vector.broadcast %lt3A_165 : i32 to vector<16xi32>
        %lt3A_167 = arith.cmpi slt, %sub3A_161, %lt3A_166 : vector<16xi32>
        %and3A_168 = arith.andi %ge3A_164, %lt3A_167 : vector<16xi1>
        %jit3A_169 = arith.constant 5120 : i32
        %broadcast_in_dim3A_170 = vector.broadcast %jit3A_169 : i32 to vector<16xi32>
        %select_n3A_171 = arith.select %and3A_168, %sub3A_161, %broadcast_in_dim3A_170 : vector<16xi1>, vector<16xi32>
        %swap3A_172 = arith.constant 0 : i32
        %swap3A_173 = arith.index_cast %swap3A_172 : i32 to index
        %swap3A_174 = arith.constant 80 : index
        %swap3A_175 = tpu.vector_load %arg13[%swap3A_173, %swap3A_174] {strides = array<i32>} : memref<1x128xi32, #tpu.memory_space<vmem>>, vector<16xi32>,
        tpu.vector_store %arg13[%swap3A_173, %swap3A_174], %select_n3A_171 {strides = array<i32>} : memref<1x128xi32, #tpu.memory_space<vmem>>, vector<16xi32>,
        %get3A_176 = arith.index_cast %add3A_64 : i32 to index
        %get3A_177 = arith.constant 96 : index
        %get3A_178 = tpu.vector_load %arg11[%get3A_176, %get3A_177] {strides = array<i32>} : memref<157x128xi32, #tpu.memory_space<vmem>>, vector<16xi32>,
        %sub3A_179 = arith.constant 0 : i32
        %sub3A_180 = vector.broadcast %sub3A_179 : i32 to vector<16xi32>
        %sub3A_181 = arith.subi %get3A_178, %sub3A_180 : vector<16xi32>
        %ge3A_182 = arith.constant 0 : i32
        %ge3A_183 = vector.broadcast %ge3A_182 : i32 to vector<16xi32>
        %ge3A_184 = arith.cmpi sge, %sub3A_181, %ge3A_183 : vector<16xi32>
        %lt3A_185 = arith.constant 5120 : i32
        %lt3A_186 = vector.broadcast %lt3A_185 : i32 to vector<16xi32>
        %lt3A_187 = arith.cmpi slt, %sub3A_181, %lt3A_186 : vector<16xi32>
        %and3A_188 = arith.andi %ge3A_184, %lt3A_187 : vector<16xi1>
        %jit3A_189 = arith.constant 5120 : i32
        %broadcast_in_dim3A_190 = vector.broadcast %jit3A_189 : i32 to vector<16xi32>
        %select_n3A_191 = arith.select %and3A_188, %sub3A_181, %broadcast_in_dim3A_190 : vector<16xi1>, vector<16xi32>
        %swap3A_192 = arith.constant 0 : i32
        %swap3A_193 = arith.index_cast %swap3A_192 : i32 to index
        %swap3A_194 = arith.constant 96 : index
        %swap3A_195 = tpu.vector_load %arg13[%swap3A_193, %swap3A_194] {strides = array<i32>} : memref<1x128xi32, #tpu.memory_space<vmem>>, vector<16xi32>,
        tpu.vector_store %arg13[%swap3A_193, %swap3A_194], %select_n3A_191 {strides = array<i32>} : memref<1x128xi32, #tpu.memory_space<vmem>>, vector<16xi32>,
        %get3A_196 = arith.index_cast %add3A_64 : i32 to index
        %get3A_197 = arith.constant 112 : index
        %get3A_198 = tpu.vector_load %arg11[%get3A_196, %get3A_197] {strides = array<i32>} : memref<157x128xi32, #tpu.memory_space<vmem>>, vector<16xi32>,
        %sub3A_199 = arith.constant 0 : i32
        %sub3A_200 = vector.broadcast %sub3A_199 : i32 to vector<16xi32>
        %sub3A_201 = arith.subi %get3A_198, %sub3A_200 : vector<16xi32>
        %ge3A_202 = arith.constant 0 : i32
        %ge3A_203 = vector.broadcast %ge3A_202 : i32 to vector<16xi32>
        %ge3A_204 = arith.cmpi sge, %sub3A_201, %ge3A_203 : vector<16xi32>
        %lt3A_205 = arith.constant 5120 : i32
        %lt3A_206 = vector.broadcast %lt3A_205 : i32 to vector<16xi32>
        %lt3A_207 = arith.cmpi slt, %sub3A_201, %lt3A_206 : vector<16xi32>
        %and3A_208 = arith.andi %ge3A_204, %lt3A_207 : vector<16xi1>
        %jit3A_209 = arith.constant 5120 : i32
        %broadcast_in_dim3A_210 = vector.broadcast %jit3A_209 : i32 to vector<16xi32>
        %select_n3A_211 = arith.select %and3A_208, %sub3A_201, %broadcast_in_dim3A_210 : vector<16xi1>, vector<16xi32>
        %swap3A_212 = arith.constant 0 : i32
        %swap3A_213 = arith.index_cast %swap3A_212 : i32 to index
        %swap3A_214 = arith.constant 112 : index
        %swap3A_215 = tpu.vector_load %arg13[%swap3A_213, %swap3A_214] {strides = array<i32>} : memref<1x128xi32, #tpu.memory_space<vmem>>, vector<16xi32>,
        tpu.vector_store %arg13[%swap3A_213, %swap3A_214], %select_n3A_211 {strides = array<i32>} : memref<1x128xi32, #tpu.memory_space<vmem>>, vector<16xi32>,
        %scan3A_216 = arith.constant 0 : i32
        %scan3A_217 = arith.constant 128 : i32
        %scan3A_218 = arith.addi %scan3A_216, %scan3A_217 : i32
        %scan3A_219 = arith.constant 1 : i32
        scf.for %scan3A_221 = %scan3A_216 to %scan3A_218 step %scan3A_219  : i32 {
          %mul3A_222 = arith.constant 1 : i32
          %mul3A_223 = arith.muli %scan3A_221, %mul3A_222 : i32
          %add3A_224 = arith.constant 0 : i32
          %add3A_225 = arith.addi %add3A_224, %mul3A_223 : i32
          %broadcast_in_dim3A_226 = vector.broadcast %add3A_64 : i32 to vector<16xi32>
          %broadcast_in_dim3A_227 = vector.broadcast %add3A_225 : i32 to vector<16xi32>
          %gather3A = tpu.vector_load_idx %arg12[%broadcast_in_dim3A_226, %broadcast_in_dim3A_227] : memref<157x128xf32, #tpu.memory_space<vmem>>[vector<16xi32>, vector<16xi32>], vector<16xf32>,
          %get3A_228 = arith.index_cast %add3A_225 : i32 to index
          %get3A_229 = arith.constant 0 : index
          %get3A_230 = tpu.vector_load %arg14[%get3A_228, %get3A_229] {strides = array<i32>} : memref<128x128xf32, #tpu.memory_space<vmem>>, vector<16xf32>,
          %mul3A_231 = arith.mulf %get3A_230, %gather3A : vector<16xf32>
          %swap3A_232 = arith.index_cast %add3A_225 : i32 to index
          %swap3A_233 = arith.constant 0 : index
          %swap3A_234 = tpu.vector_load %arg14[%swap3A_232, %swap3A_233] {strides = array<i32>} : memref<128x128xf32, #tpu.memory_space<vmem>>, vector<16xf32>,
          tpu.vector_store %arg14[%swap3A_232, %swap3A_233], %mul3A_231 {strides = array<i32>} : memref<128x128xf32, #tpu.memory_space<vmem>>, vector<16xf32>,
          %get3A_235 = arith.index_cast %add3A_225 : i32 to index
          %get3A_236 = arith.constant 16 : index
          %get3A_237 = tpu.vector_load %arg14[%get3A_235, %get3A_236] {strides = array<i32>} : memref<128x128xf32, #tpu.memory_space<vmem>>, vector<16xf32>,
          %mul3A_238 = arith.mulf %get3A_237, %gather3A : vector<16xf32>
          %swap3A_239 = arith.index_cast %add3A_225 : i32 to index
          %swap3A_240 = arith.constant 16 : index
          %swap3A_241 = tpu.vector_load %arg14[%swap3A_239, %swap3A_240] {strides = array<i32>} : memref<128x128xf32, #tpu.memory_space<vmem>>, vector<16xf32>,
          tpu.vector_store %arg14[%swap3A_239, %swap3A_240], %mul3A_238 {strides = array<i32>} : memref<128x128xf32, #tpu.memory_space<vmem>>, vector<16xf32>,
          %get3A_242 = arith.index_cast %add3A_225 : i32 to index
          %get3A_243 = arith.constant 32 : index
          %get3A_244 = tpu.vector_load %arg14[%get3A_242, %get3A_243] {strides = array<i32>} : memref<128x128xf32, #tpu.memory_space<vmem>>, vector<16xf32>,
          %mul3A_245 = arith.mulf %get3A_244, %gather3A : vector<16xf32>
          %swap3A_246 = arith.index_cast %add3A_225 : i32 to index
          %swap3A_247 = arith.constant 32 : index
          %swap3A_248 = tpu.vector_load %arg14[%swap3A_246, %swap3A_247] {strides = array<i32>} : memref<128x128xf32, #tpu.memory_space<vmem>>, vector<16xf32>,
          tpu.vector_store %arg14[%swap3A_246, %swap3A_247], %mul3A_245 {strides = array<i32>} : memref<128x128xf32, #tpu.memory_space<vmem>>, vector<16xf32>,
          %get3A_249 = arith.index_cast %add3A_225 : i32 to index
          %get3A_250 = arith.constant 48 : index
          %get3A_251 = tpu.vector_load %arg14[%get3A_249, %get3A_250] {strides = array<i32>} : memref<128x128xf32, #tpu.memory_space<vmem>>, vector<16xf32>,
          %mul3A_252 = arith.mulf %get3A_251, %gather3A : vector<16xf32>
          %swap3A_253 = arith.index_cast %add3A_225 : i32 to index
          %swap3A_254 = arith.constant 48 : index
          %swap3A_255 = tpu.vector_load %arg14[%swap3A_253, %swap3A_254] {strides = array<i32>} : memref<128x128xf32, #tpu.memory_space<vmem>>, vector<16xf32>,
          tpu.vector_store %arg14[%swap3A_253, %swap3A_254], %mul3A_252 {strides = array<i32>} : memref<128x128xf32, #tpu.memory_space<vmem>>, vector<16xf32>,
          %get3A_256 = arith.index_cast %add3A_225 : i32 to index
          %get3A_257 = arith.constant 64 : index
          %get3A_258 = tpu.vector_load %arg14[%get3A_256, %get3A_257] {strides = array<i32>} : memref<128x128xf32, #tpu.memory_space<vmem>>, vector<16xf32>,
          %mul3A_259 = arith.mulf %get3A_258, %gather3A : vector<16xf32>
          %swap3A_260 = arith.index_cast %add3A_225 : i32 to index
          %swap3A_261 = arith.constant 64 : index
          %swap3A_262 = tpu.vector_load %arg14[%swap3A_260, %swap3A_261] {strides = array<i32>} : memref<128x128xf32, #tpu.memory_space<vmem>>, vector<16xf32>,
          tpu.vector_store %arg14[%swap3A_260, %swap3A_261], %mul3A_259 {strides = array<i32>} : memref<128x128xf32, #tpu.memory_space<vmem>>, vector<16xf32>,
          %get3A_263 = arith.index_cast %add3A_225 : i32 to index
          %get3A_264 = arith.constant 80 : index
          %get3A_265 = tpu.vector_load %arg14[%get3A_263, %get3A_264] {strides = array<i32>} : memref<128x128xf32, #tpu.memory_space<vmem>>, vector<16xf32>,
          %mul3A_266 = arith.mulf %get3A_265, %gather3A : vector<16xf32>
          %swap3A_267 = arith.index_cast %add3A_225 : i32 to index
          %swap3A_268 = arith.constant 80 : index
          %swap3A_269 = tpu.vector_load %arg14[%swap3A_267, %swap3A_268] {strides = array<i32>} : memref<128x128xf32, #tpu.memory_space<vmem>>, vector<16xf32>,
          tpu.vector_store %arg14[%swap3A_267, %swap3A_268], %mul3A_266 {strides = array<i32>} : memref<128x128xf32, #tpu.memory_space<vmem>>, vector<16xf32>,
          %get3A_270 = arith.index_cast %add3A_225 : i32 to index
          %get3A_271 = arith.constant 96 : index
          %get3A_272 = tpu.vector_load %arg14[%get3A_270, %get3A_271] {strides = array<i32>} : memref<128x128xf32, #tpu.memory_space<vmem>>, vector<16xf32>,
          %mul3A_273 = arith.mulf %get3A_272, %gather3A : vector<16xf32>
          %swap3A_274 = arith.index_cast %add3A_225 : i32 to index
          %swap3A_275 = arith.constant 96 : index
          %swap3A_276 = tpu.vector_load %arg14[%swap3A_274, %swap3A_275] {strides = array<i32>} : memref<128x128xf32, #tpu.memory_space<vmem>>, vector<16xf32>,
          tpu.vector_store %arg14[%swap3A_274, %swap3A_275], %mul3A_273 {strides = array<i32>} : memref<128x128xf32, #tpu.memory_space<vmem>>, vector<16xf32>,
          %get3A_277 = arith.index_cast %add3A_225 : i32 to index
          %get3A_278 = arith.constant 112 : index
          %get3A_279 = tpu.vector_load %arg14[%get3A_277, %get3A_278] {strides = array<i32>} : memref<128x128xf32, #tpu.memory_space<vmem>>, vector<16xf32>,
          %mul3A_280 = arith.mulf %get3A_279, %gather3A : vector<16xf32>
          %swap3A_281 = arith.index_cast %add3A_225 : i32 to index
          %swap3A_282 = arith.constant 112 : index
          %swap3A_283 = tpu.vector_load %arg14[%swap3A_281, %swap3A_282] {strides = array<i32>} : memref<128x128xf32, #tpu.memory_space<vmem>>, vector<16xf32>,
          tpu.vector_store %arg14[%swap3A_281, %swap3A_282], %mul3A_280 {strides = array<i32>} : memref<128x128xf32, #tpu.memory_space<vmem>>, vector<16xf32>,
        }
        %scan3A_220 = arith.constant 128 : i32
        %run_scoped3A = arith.constant 0 : i32
        "tpu.region"() ({
          %run_scoped3A_221 = tpu.sem_alloc : memref<!tpu.dma_semaphore, #tpu.memory_space<semaphore_mem>>
          %dma_start3A = arith.constant 0 : i32
          %dma_start3A_222 = tpu.memref_slice %arg13[%run_scoped3A, %dma_start3A] : memref<1x128xi32, #tpu.memory_space<vmem>> -> memref<1x128xi32, #tpu.memory_space<vmem>>
          %dma_start3A_223 = tpu.memref_squeeze %dma_start3A_222 : memref<1x128xi32, #tpu.memory_space<vmem>> -> memref<128xi32, #tpu.memory_space<vmem>>
          %dma_start3A_224 = arith.constant 0 : i32
          %dma_start3A_225 = arith.constant 0 : i32
          %dma_start3A_226 = tpu.memref_slice %arg15[%dma_start3A_224, %dma_start3A_225] : memref<5248x128xf32, #tpu.memory_space<vmem_shared>> -> memref<5248x128xf32, #tpu.memory_space<vmem_shared>>
          tpu.enqueue_indirect_dma source(%arg14 : memref<128x128xf32, #tpu.memory_space<vmem>>) target(%dma_start3A_226 : memref<5248x128xf32, #tpu.memory_space<vmem_shared>>) offsets(%dma_start3A_223 : memref<128xi32, #tpu.memory_space<vmem>>) semaphore(%run_scoped3A_221 : memref<!tpu.dma_semaphore, #tpu.memory_space<semaphore_mem>>) {add = true}
          %dma_wait3A = arith.constant 0 : i32
          %dma_wait3A_227 = tpu.memref_slice %arg13[%run_scoped3A, %dma_wait3A] : memref<1x128xi32, #tpu.memory_space<vmem>> -> memref<1x128xi32, #tpu.memory_space<vmem>>
          %dma_wait3A_228 = tpu.memref_squeeze %dma_wait3A_227 : memref<1x128xi32, #tpu.memory_space<vmem>> -> memref<128xi32, #tpu.memory_space<vmem>>
          %dma_wait3A_229 = arith.constant 0 : i32
          %dma_wait3A_230 = arith.constant 0 : i32
          %dma_wait3A_231 = tpu.memref_slice %arg15[%dma_wait3A_229, %dma_wait3A_230] : memref<5248x128xf32, #tpu.memory_space<vmem_shared>> -> memref<5248x128xf32, #tpu.memory_space<vmem_shared>>
          tpu.wait_indirect_dma semaphore(%run_scoped3A_221 : memref<!tpu.dma_semaphore, #tpu.memory_space<semaphore_mem>>) src(%arg14 : memref<128x128xf32, #tpu.memory_space<vmem>>) dst(%dma_wait3A_231 : memref<5248x128xf32, #tpu.memory_space<vmem_shared>>)
          tpu.yield
        }) : () -> ()
      }
      %scan3A_59 = arith.constant 157 : i32
    } else {
    }
    %eq3A_3 = arith.constant 1 : i32
    %eq3A_4 = arith.cmpi eq, %arg0, %eq3A_3 : i32
    %convert_element_type3A_5 = arith.extui %eq3A_4 : i1 to i32
    %cond3A_6 = arith.constant 0 : i32
    %cond3A_7 = arith.cmpi ne, %convert_element_type3A_5, %cond3A_6 : i32
    scf.if %cond3A_7 {
      %scan3A = arith.constant 0 : i32
      %scan3A_56 = arith.constant 157 : i32
      %scan3A_57 = arith.addi %scan3A, %scan3A_56 : i32
      %scan3A_58 = arith.constant 1 : i32
      scf.for %scan3A_60 = %scan3A to %scan3A_57 step %scan3A_58  : i32 {
        %mul3A_61 = arith.constant 1 : i32
        %mul3A_62 = arith.muli %scan3A_60, %mul3A_61 : i32
        %add3A_63 = arith.constant 0 : i32
        %add3A_64 = arith.addi %add3A_63, %mul3A_62 : i32
        "tpu.region"() ({
          %run_scoped3A_221 = tpu.sem_alloc : memref<!tpu.dma_semaphore, #tpu.memory_space<semaphore_mem>>
          %dma_start3A = arith.constant 0 : i32
          %dma_start3A_222 = tpu.memref_slice %arg10[%add3A_64, %dma_start3A] : memref<157x128xi32, #tpu.memory_space<vmem>> -> memref<1x128xi32, #tpu.memory_space<vmem>>
          %dma_start3A_223 = tpu.memref_squeeze %dma_start3A_222 : memref<1x128xi32, #tpu.memory_space<vmem>> -> memref<128xi32, #tpu.memory_space<vmem>>
          %dma_start3A_224 = arith.constant 0 : i32
          %dma_start3A_225 = arith.constant 0 : i32
          %dma_start3A_226 = tpu.memref_slice %arg3[%dma_start3A_224, %dma_start3A_225] : memref<10000x128xf32, #tpu.memory_space<hbm>> -> memref<10000x128xf32, #tpu.memory_space<hbm>>
          tpu.enqueue_indirect_dma source(%dma_start3A_226 : memref<10000x128xf32, #tpu.memory_space<hbm>>) target(%arg14 : memref<128x128xf32, #tpu.memory_space<vmem>>) offsets(%dma_start3A_223 : memref<128xi32, #tpu.memory_space<vmem>>) semaphore(%run_scoped3A_221 : memref<!tpu.dma_semaphore, #tpu.memory_space<semaphore_mem>>)
          %dma_wait3A = arith.constant 0 : i32
          %dma_wait3A_227 = tpu.memref_slice %arg10[%add3A_64, %dma_wait3A] : memref<157x128xi32, #tpu.memory_space<vmem>> -> memref<1x128xi32, #tpu.memory_space<vmem>>
          %dma_wait3A_228 = tpu.memref_squeeze %dma_wait3A_227 : memref<1x128xi32, #tpu.memory_space<vmem>> -> memref<128xi32, #tpu.memory_space<vmem>>
          %dma_wait3A_229 = arith.constant 0 : i32
          %dma_wait3A_230 = arith.constant 0 : i32
          %dma_wait3A_231 = tpu.memref_slice %arg3[%dma_wait3A_229, %dma_wait3A_230] : memref<10000x128xf32, #tpu.memory_space<hbm>> -> memref<10000x128xf32, #tpu.memory_space<hbm>>
          tpu.wait_indirect_dma semaphore(%run_scoped3A_221 : memref<!tpu.dma_semaphore, #tpu.memory_space<semaphore_mem>>) src(%dma_wait3A_231 : memref<10000x128xf32, #tpu.memory_space<hbm>>) dst(%arg14 : memref<128x128xf32, #tpu.memory_space<vmem>>)
          tpu.yield
        }) : () -> ()
        %get3A = arith.index_cast %add3A_64 : i32 to index
        %get3A_65 = arith.constant 0 : index
        %get3A_66 = tpu.vector_load %arg11[%get3A, %get3A_65] {strides = array<i32>} : memref<157x128xi32, #tpu.memory_space<vmem>>, vector<16xi32>,
        %sub3A = arith.constant 0 : i32
        %sub3A_67 = vector.broadcast %sub3A : i32 to vector<16xi32>
        %sub3A_68 = arith.subi %get3A_66, %sub3A_67 : vector<16xi32>
        %ge3A = arith.constant 0 : i32
        %ge3A_69 = vector.broadcast %ge3A : i32 to vector<16xi32>
        %ge3A_70 = arith.cmpi sge, %sub3A_68, %ge3A_69 : vector<16xi32>
        %lt3A = arith.constant 5120 : i32
        %lt3A_71 = vector.broadcast %lt3A : i32 to vector<16xi32>
        %lt3A_72 = arith.cmpi slt, %sub3A_68, %lt3A_71 : vector<16xi32>
        %and3A = arith.andi %ge3A_70, %lt3A_72 : vector<16xi1>
        %jit3A = arith.constant 5120 : i32
        %broadcast_in_dim3A = vector.broadcast %jit3A : i32 to vector<16xi32>
        %select_n3A = arith.select %and3A, %sub3A_68, %broadcast_in_dim3A : vector<16xi1>, vector<16xi32>
        %swap3A = arith.constant 0 : i32
        %swap3A_73 = arith.index_cast %swap3A : i32 to index
        %swap3A_74 = arith.constant 0 : index
        %swap3A_75 = tpu.vector_load %arg13[%swap3A_73, %swap3A_74] {strides = array<i32>} : memref<1x128xi32, #tpu.memory_space<vmem>>, vector<16xi32>,
        tpu.vector_store %arg13[%swap3A_73, %swap3A_74], %select_n3A {strides = array<i32>} : memref<1x128xi32, #tpu.memory_space<vmem>>, vector<16xi32>,
        %get3A_76 = arith.index_cast %add3A_64 : i32 to index
        %get3A_77 = arith.constant 16 : index
        %get3A_78 = tpu.vector_load %arg11[%get3A_76, %get3A_77] {strides = array<i32>} : memref<157x128xi32, #tpu.memory_space<vmem>>, vector<16xi32>,
        %sub3A_79 = arith.constant 0 : i32
        %sub3A_80 = vector.broadcast %sub3A_79 : i32 to vector<16xi32>
        %sub3A_81 = arith.subi %get3A_78, %sub3A_80 : vector<16xi32>
        %ge3A_82 = arith.constant 0 : i32
        %ge3A_83 = vector.broadcast %ge3A_82 : i32 to vector<16xi32>
        %ge3A_84 = arith.cmpi sge, %sub3A_81, %ge3A_83 : vector<16xi32>
        %lt3A_85 = arith.constant 5120 : i32
        %lt3A_86 = vector.broadcast %lt3A_85 : i32 to vector<16xi32>
        %lt3A_87 = arith.cmpi slt, %sub3A_81, %lt3A_86 : vector<16xi32>
        %and3A_88 = arith.andi %ge3A_84, %lt3A_87 : vector<16xi1>
        %jit3A_89 = arith.constant 5120 : i32
        %broadcast_in_dim3A_90 = vector.broadcast %jit3A_89 : i32 to vector<16xi32>
        %select_n3A_91 = arith.select %and3A_88, %sub3A_81, %broadcast_in_dim3A_90 : vector<16xi1>, vector<16xi32>
        %swap3A_92 = arith.constant 0 : i32
        %swap3A_93 = arith.index_cast %swap3A_92 : i32 to index
        %swap3A_94 = arith.constant 16 : index
        %swap3A_95 = tpu.vector_load %arg13[%swap3A_93, %swap3A_94] {strides = array<i32>} : memref<1x128xi32, #tpu.memory_space<vmem>>, vector<16xi32>,
        tpu.vector_store %arg13[%swap3A_93, %swap3A_94], %select_n3A_91 {strides = array<i32>} : memref<1x128xi32, #tpu.memory_space<vmem>>, vector<16xi32>,
        %get3A_96 = arith.index_cast %add3A_64 : i32 to index
        %get3A_97 = arith.constant 32 : index
        %get3A_98 = tpu.vector_load %arg11[%get3A_96, %get3A_97] {strides = array<i32>} : memref<157x128xi32, #tpu.memory_space<vmem>>, vector<16xi32>,
        %sub3A_99 = arith.constant 0 : i32
        %sub3A_100 = vector.broadcast %sub3A_99 : i32 to vector<16xi32>
        %sub3A_101 = arith.subi %get3A_98, %sub3A_100 : vector<16xi32>
        %ge3A_102 = arith.constant 0 : i32
        %ge3A_103 = vector.broadcast %ge3A_102 : i32 to vector<16xi32>
        %ge3A_104 = arith.cmpi sge, %sub3A_101, %ge3A_103 : vector<16xi32>
        %lt3A_105 = arith.constant 5120 : i32
        %lt3A_106 = vector.broadcast %lt3A_105 : i32 to vector<16xi32>
        %lt3A_107 = arith.cmpi slt, %sub3A_101, %lt3A_106 : vector<16xi32>
        %and3A_108 = arith.andi %ge3A_104, %lt3A_107 : vector<16xi1>
        %jit3A_109 = arith.constant 5120 : i32
        %broadcast_in_dim3A_110 = vector.broadcast %jit3A_109 : i32 to vector<16xi32>
        %select_n3A_111 = arith.select %and3A_108, %sub3A_101, %broadcast_in_dim3A_110 : vector<16xi1>, vector<16xi32>
        %swap3A_112 = arith.constant 0 : i32
        %swap3A_113 = arith.index_cast %swap3A_112 : i32 to index
        %swap3A_114 = arith.constant 32 : index
        %swap3A_115 = tpu.vector_load %arg13[%swap3A_113, %swap3A_114] {strides = array<i32>} : memref<1x128xi32, #tpu.memory_space<vmem>>, vector<16xi32>,
        tpu.vector_store %arg13[%swap3A_113, %swap3A_114], %select_n3A_111 {strides = array<i32>} : memref<1x128xi32, #tpu.memory_space<vmem>>, vector<16xi32>,
        %get3A_116 = arith.index_cast %add3A_64 : i32 to index
        %get3A_117 = arith.constant 48 : index
        %get3A_118 = tpu.vector_load %arg11[%get3A_116, %get3A_117] {strides = array<i32>} : memref<157x128xi32, #tpu.memory_space<vmem>>, vector<16xi32>,
        %sub3A_119 = arith.constant 0 : i32
        %sub3A_120 = vector.broadcast %sub3A_119 : i32 to vector<16xi32>
        %sub3A_121 = arith.subi %get3A_118, %sub3A_120 : vector<16xi32>
        %ge3A_122 = arith.constant 0 : i32
        %ge3A_123 = vector.broadcast %ge3A_122 : i32 to vector<16xi32>
        %ge3A_124 = arith.cmpi sge, %sub3A_121, %ge3A_123 : vector<16xi32>
        %lt3A_125 = arith.constant 5120 : i32
        %lt3A_126 = vector.broadcast %lt3A_125 : i32 to vector<16xi32>
        %lt3A_127 = arith.cmpi slt, %sub3A_121, %lt3A_126 : vector<16xi32>
        %and3A_128 = arith.andi %ge3A_124, %lt3A_127 : vector<16xi1>
        %jit3A_129 = arith.constant 5120 : i32
        %broadcast_in_dim3A_130 = vector.broadcast %jit3A_129 : i32 to vector<16xi32>
        %select_n3A_131 = arith.select %and3A_128, %sub3A_121, %broadcast_in_dim3A_130 : vector<16xi1>, vector<16xi32>
        %swap3A_132 = arith.constant 0 : i32
        %swap3A_133 = arith.index_cast %swap3A_132 : i32 to index
        %swap3A_134 = arith.constant 48 : index
        %swap3A_135 = tpu.vector_load %arg13[%swap3A_133, %swap3A_134] {strides = array<i32>} : memref<1x128xi32, #tpu.memory_space<vmem>>, vector<16xi32>,
        tpu.vector_store %arg13[%swap3A_133, %swap3A_134], %select_n3A_131 {strides = array<i32>} : memref<1x128xi32, #tpu.memory_space<vmem>>, vector<16xi32>,
        %get3A_136 = arith.index_cast %add3A_64 : i32 to index
        %get3A_137 = arith.constant 64 : index
        %get3A_138 = tpu.vector_load %arg11[%get3A_136, %get3A_137] {strides = array<i32>} : memref<157x128xi32, #tpu.memory_space<vmem>>, vector<16xi32>,
        %sub3A_139 = arith.constant 0 : i32
        %sub3A_140 = vector.broadcast %sub3A_139 : i32 to vector<16xi32>
        %sub3A_141 = arith.subi %get3A_138, %sub3A_140 : vector<16xi32>
        %ge3A_142 = arith.constant 0 : i32
        %ge3A_143 = vector.broadcast %ge3A_142 : i32 to vector<16xi32>
        %ge3A_144 = arith.cmpi sge, %sub3A_141, %ge3A_143 : vector<16xi32>
        %lt3A_145 = arith.constant 5120 : i32
        %lt3A_146 = vector.broadcast %lt3A_145 : i32 to vector<16xi32>
        %lt3A_147 = arith.cmpi slt, %sub3A_141, %lt3A_146 : vector<16xi32>
        %and3A_148 = arith.andi %ge3A_144, %lt3A_147 : vector<16xi1>
        %jit3A_149 = arith.constant 5120 : i32
        %broadcast_in_dim3A_150 = vector.broadcast %jit3A_149 : i32 to vector<16xi32>
        %select_n3A_151 = arith.select %and3A_148, %sub3A_141, %broadcast_in_dim3A_150 : vector<16xi1>, vector<16xi32>
        %swap3A_152 = arith.constant 0 : i32
        %swap3A_153 = arith.index_cast %swap3A_152 : i32 to index
        %swap3A_154 = arith.constant 64 : index
        %swap3A_155 = tpu.vector_load %arg13[%swap3A_153, %swap3A_154] {strides = array<i32>} : memref<1x128xi32, #tpu.memory_space<vmem>>, vector<16xi32>,
        tpu.vector_store %arg13[%swap3A_153, %swap3A_154], %select_n3A_151 {strides = array<i32>} : memref<1x128xi32, #tpu.memory_space<vmem>>, vector<16xi32>,
        %get3A_156 = arith.index_cast %add3A_64 : i32 to index
        %get3A_157 = arith.constant 80 : index
        %get3A_158 = tpu.vector_load %arg11[%get3A_156, %get3A_157] {strides = array<i32>} : memref<157x128xi32, #tpu.memory_space<vmem>>, vector<16xi32>,
        %sub3A_159 = arith.constant 0 : i32
        %sub3A_160 = vector.broadcast %sub3A_159 : i32 to vector<16xi32>
        %sub3A_161 = arith.subi %get3A_158, %sub3A_160 : vector<16xi32>
        %ge3A_162 = arith.constant 0 : i32
        %ge3A_163 = vector.broadcast %ge3A_162 : i32 to vector<16xi32>
        %ge3A_164 = arith.cmpi sge, %sub3A_161, %ge3A_163 : vector<16xi32>
        %lt3A_165 = arith.constant 5120 : i32
        %lt3A_166 = vector.broadcast %lt3A_165 : i32 to vector<16xi32>
        %lt3A_167 = arith.cmpi slt, %sub3A_161, %lt3A_166 : vector<16xi32>
        %and3A_168 = arith.andi %ge3A_164, %lt3A_167 : vector<16xi1>
        %jit3A_169 = arith.constant 5120 : i32
        %broadcast_in_dim3A_170 = vector.broadcast %jit3A_169 : i32 to vector<16xi32>
        %select_n3A_171 = arith.select %and3A_168, %sub3A_161, %broadcast_in_dim3A_170 : vector<16xi1>, vector<16xi32>
        %swap3A_172 = arith.constant 0 : i32
        %swap3A_173 = arith.index_cast %swap3A_172 : i32 to index
        %swap3A_174 = arith.constant 80 : index
        %swap3A_175 = tpu.vector_load %arg13[%swap3A_173, %swap3A_174] {strides = array<i32>} : memref<1x128xi32, #tpu.memory_space<vmem>>, vector<16xi32>,
        tpu.vector_store %arg13[%swap3A_173, %swap3A_174], %select_n3A_171 {strides = array<i32>} : memref<1x128xi32, #tpu.memory_space<vmem>>, vector<16xi32>,
        %get3A_176 = arith.index_cast %add3A_64 : i32 to index
        %get3A_177 = arith.constant 96 : index
        %get3A_178 = tpu.vector_load %arg11[%get3A_176, %get3A_177] {strides = array<i32>} : memref<157x128xi32, #tpu.memory_space<vmem>>, vector<16xi32>,
        %sub3A_179 = arith.constant 0 : i32
        %sub3A_180 = vector.broadcast %sub3A_179 : i32 to vector<16xi32>
        %sub3A_181 = arith.subi %get3A_178, %sub3A_180 : vector<16xi32>
        %ge3A_182 = arith.constant 0 : i32
        %ge3A_183 = vector.broadcast %ge3A_182 : i32 to vector<16xi32>
        %ge3A_184 = arith.cmpi sge, %sub3A_181, %ge3A_183 : vector<16xi32>
        %lt3A_185 = arith.constant 5120 : i32
        %lt3A_186 = vector.broadcast %lt3A_185 : i32 to vector<16xi32>
        %lt3A_187 = arith.cmpi slt, %sub3A_181, %lt3A_186 : vector<16xi32>
        %and3A_188 = arith.andi %ge3A_184, %lt3A_187 : vector<16xi1>
        %jit3A_189 = arith.constant 5120 : i32
        %broadcast_in_dim3A_190 = vector.broadcast %jit3A_189 : i32 to vector<16xi32>
        %select_n3A_191 = arith.select %and3A_188, %sub3A_181, %broadcast_in_dim3A_190 : vector<16xi1>, vector<16xi32>
        %swap3A_192 = arith.constant 0 : i32
        %swap3A_193 = arith.index_cast %swap3A_192 : i32 to index
        %swap3A_194 = arith.constant 96 : index
        %swap3A_195 = tpu.vector_load %arg13[%swap3A_193, %swap3A_194] {strides = array<i32>} : memref<1x128xi32, #tpu.memory_space<vmem>>, vector<16xi32>,
        tpu.vector_store %arg13[%swap3A_193, %swap3A_194], %select_n3A_191 {strides = array<i32>} : memref<1x128xi32, #tpu.memory_space<vmem>>, vector<16xi32>,
        %get3A_196 = arith.index_cast %add3A_64 : i32 to index
        %get3A_197 = arith.constant 112 : index
        %get3A_198 = tpu.vector_load %arg11[%get3A_196, %get3A_197] {strides = array<i32>} : memref<157x128xi32, #tpu.memory_space<vmem>>, vector<16xi32>,
        %sub3A_199 = arith.constant 0 : i32
        %sub3A_200 = vector.broadcast %sub3A_199 : i32 to vector<16xi32>
        %sub3A_201 = arith.subi %get3A_198, %sub3A_200 : vector<16xi32>
        %ge3A_202 = arith.constant 0 : i32
        %ge3A_203 = vector.broadcast %ge3A_202 : i32 to vector<16xi32>
        %ge3A_204 = arith.cmpi sge, %sub3A_201, %ge3A_203 : vector<16xi32>
        %lt3A_205 = arith.constant 5120 : i32
        %lt3A_206 = vector.broadcast %lt3A_205 : i32 to vector<16xi32>
        %lt3A_207 = arith.cmpi slt, %sub3A_201, %lt3A_206 : vector<16xi32>
        %and3A_208 = arith.andi %ge3A_204, %lt3A_207 : vector<16xi1>
        %jit3A_209 = arith.constant 5120 : i32
        %broadcast_in_dim3A_210 = vector.broadcast %jit3A_209 : i32 to vector<16xi32>
        %select_n3A_211 = arith.select %and3A_208, %sub3A_201, %broadcast_in_dim3A_210 : vector<16xi1>, vector<16xi32>
        %swap3A_212 = arith.constant 0 : i32
        %swap3A_213 = arith.index_cast %swap3A_212 : i32 to index
        %swap3A_214 = arith.constant 112 : index
        %swap3A_215 = tpu.vector_load %arg13[%swap3A_213, %swap3A_214] {strides = array<i32>} : memref<1x128xi32, #tpu.memory_space<vmem>>, vector<16xi32>,
        tpu.vector_store %arg13[%swap3A_213, %swap3A_214], %select_n3A_211 {strides = array<i32>} : memref<1x128xi32, #tpu.memory_space<vmem>>, vector<16xi32>,
        %scan3A_216 = arith.constant 0 : i32
        %scan3A_217 = arith.constant 128 : i32
        %scan3A_218 = arith.addi %scan3A_216, %scan3A_217 : i32
        %scan3A_219 = arith.constant 1 : i32
        scf.for %scan3A_221 = %scan3A_216 to %scan3A_218 step %scan3A_219  : i32 {
          %mul3A_222 = arith.constant 1 : i32
          %mul3A_223 = arith.muli %scan3A_221, %mul3A_222 : i32
          %add3A_224 = arith.constant 0 : i32
          %add3A_225 = arith.addi %add3A_224, %mul3A_223 : i32
          %broadcast_in_dim3A_226 = vector.broadcast %add3A_64 : i32 to vector<16xi32>
          %broadcast_in_dim3A_227 = vector.broadcast %add3A_225 : i32 to vector<16xi32>
          %gather3A = tpu.vector_load_idx %arg12[%broadcast_in_dim3A_226, %broadcast_in_dim3A_227] : memref<157x128xf32, #tpu.memory_space<vmem>>[vector<16xi32>, vector<16xi32>], vector<16xf32>,
          %get3A_228 = arith.index_cast %add3A_225 : i32 to index
          %get3A_229 = arith.constant 0 : index
          %get3A_230 = tpu.vector_load %arg14[%get3A_228, %get3A_229] {strides = array<i32>} : memref<128x128xf32, #tpu.memory_space<vmem>>, vector<16xf32>,
          %mul3A_231 = arith.mulf %get3A_230, %gather3A : vector<16xf32>
          %swap3A_232 = arith.index_cast %add3A_225 : i32 to index
          %swap3A_233 = arith.constant 0 : index
          %swap3A_234 = tpu.vector_load %arg14[%swap3A_232, %swap3A_233] {strides = array<i32>} : memref<128x128xf32, #tpu.memory_space<vmem>>, vector<16xf32>,
          tpu.vector_store %arg14[%swap3A_232, %swap3A_233], %mul3A_231 {strides = array<i32>} : memref<128x128xf32, #tpu.memory_space<vmem>>, vector<16xf32>,
          %get3A_235 = arith.index_cast %add3A_225 : i32 to index
          %get3A_236 = arith.constant 16 : index
          %get3A_237 = tpu.vector_load %arg14[%get3A_235, %get3A_236] {strides = array<i32>} : memref<128x128xf32, #tpu.memory_space<vmem>>, vector<16xf32>,
          %mul3A_238 = arith.mulf %get3A_237, %gather3A : vector<16xf32>
          %swap3A_239 = arith.index_cast %add3A_225 : i32 to index
          %swap3A_240 = arith.constant 16 : index
          %swap3A_241 = tpu.vector_load %arg14[%swap3A_239, %swap3A_240] {strides = array<i32>} : memref<128x128xf32, #tpu.memory_space<vmem>>, vector<16xf32>,
          tpu.vector_store %arg14[%swap3A_239, %swap3A_240], %mul3A_238 {strides = array<i32>} : memref<128x128xf32, #tpu.memory_space<vmem>>, vector<16xf32>,
          %get3A_242 = arith.index_cast %add3A_225 : i32 to index
          %get3A_243 = arith.constant 32 : index
          %get3A_244 = tpu.vector_load %arg14[%get3A_242, %get3A_243] {strides = array<i32>} : memref<128x128xf32, #tpu.memory_space<vmem>>, vector<16xf32>,
          %mul3A_245 = arith.mulf %get3A_244, %gather3A : vector<16xf32>
          %swap3A_246 = arith.index_cast %add3A_225 : i32 to index
          %swap3A_247 = arith.constant 32 : index
          %swap3A_248 = tpu.vector_load %arg14[%swap3A_246, %swap3A_247] {strides = array<i32>} : memref<128x128xf32, #tpu.memory_space<vmem>>, vector<16xf32>,
          tpu.vector_store %arg14[%swap3A_246, %swap3A_247], %mul3A_245 {strides = array<i32>} : memref<128x128xf32, #tpu.memory_space<vmem>>, vector<16xf32>,
          %get3A_249 = arith.index_cast %add3A_225 : i32 to index
          %get3A_250 = arith.constant 48 : index
          %get3A_251 = tpu.vector_load %arg14[%get3A_249, %get3A_250] {strides = array<i32>} : memref<128x128xf32, #tpu.memory_space<vmem>>, vector<16xf32>,
          %mul3A_252 = arith.mulf %get3A_251, %gather3A : vector<16xf32>
          %swap3A_253 = arith.index_cast %add3A_225 : i32 to index
          %swap3A_254 = arith.constant 48 : index
          %swap3A_255 = tpu.vector_load %arg14[%swap3A_253, %swap3A_254] {strides = array<i32>} : memref<128x128xf32, #tpu.memory_space<vmem>>, vector<16xf32>,
          tpu.vector_store %arg14[%swap3A_253, %swap3A_254], %mul3A_252 {strides = array<i32>} : memref<128x128xf32, #tpu.memory_space<vmem>>, vector<16xf32>,
          %get3A_256 = arith.index_cast %add3A_225 : i32 to index
          %get3A_257 = arith.constant 64 : index
          %get3A_258 = tpu.vector_load %arg14[%get3A_256, %get3A_257] {strides = array<i32>} : memref<128x128xf32, #tpu.memory_space<vmem>>, vector<16xf32>,
          %mul3A_259 = arith.mulf %get3A_258, %gather3A : vector<16xf32>
          %swap3A_260 = arith.index_cast %add3A_225 : i32 to index
          %swap3A_261 = arith.constant 64 : index
          %swap3A_262 = tpu.vector_load %arg14[%swap3A_260, %swap3A_261] {strides = array<i32>} : memref<128x128xf32, #tpu.memory_space<vmem>>, vector<16xf32>,
          tpu.vector_store %arg14[%swap3A_260, %swap3A_261], %mul3A_259 {strides = array<i32>} : memref<128x128xf32, #tpu.memory_space<vmem>>, vector<16xf32>,
          %get3A_263 = arith.index_cast %add3A_225 : i32 to index
          %get3A_264 = arith.constant 80 : index
          %get3A_265 = tpu.vector_load %arg14[%get3A_263, %get3A_264] {strides = array<i32>} : memref<128x128xf32, #tpu.memory_space<vmem>>, vector<16xf32>,
          %mul3A_266 = arith.mulf %get3A_265, %gather3A : vector<16xf32>
          %swap3A_267 = arith.index_cast %add3A_225 : i32 to index
          %swap3A_268 = arith.constant 80 : index
          %swap3A_269 = tpu.vector_load %arg14[%swap3A_267, %swap3A_268] {strides = array<i32>} : memref<128x128xf32, #tpu.memory_space<vmem>>, vector<16xf32>,
          tpu.vector_store %arg14[%swap3A_267, %swap3A_268], %mul3A_266 {strides = array<i32>} : memref<128x128xf32, #tpu.memory_space<vmem>>, vector<16xf32>,
          %get3A_270 = arith.index_cast %add3A_225 : i32 to index
          %get3A_271 = arith.constant 96 : index
          %get3A_272 = tpu.vector_load %arg14[%get3A_270, %get3A_271] {strides = array<i32>} : memref<128x128xf32, #tpu.memory_space<vmem>>, vector<16xf32>,
          %mul3A_273 = arith.mulf %get3A_272, %gather3A : vector<16xf32>
          %swap3A_274 = arith.index_cast %add3A_225 : i32 to index
          %swap3A_275 = arith.constant 96 : index
          %swap3A_276 = tpu.vector_load %arg14[%swap3A_274, %swap3A_275] {strides = array<i32>} : memref<128x128xf32, #tpu.memory_space<vmem>>, vector<16xf32>,
          tpu.vector_store %arg14[%swap3A_274, %swap3A_275], %mul3A_273 {strides = array<i32>} : memref<128x128xf32, #tpu.memory_space<vmem>>, vector<16xf32>,
          %get3A_277 = arith.index_cast %add3A_225 : i32 to index
          %get3A_278 = arith.constant 112 : index
          %get3A_279 = tpu.vector_load %arg14[%get3A_277, %get3A_278] {strides = array<i32>} : memref<128x128xf32, #tpu.memory_space<vmem>>, vector<16xf32>,
          %mul3A_280 = arith.mulf %get3A_279, %gather3A : vector<16xf32>
          %swap3A_281 = arith.index_cast %add3A_225 : i32 to index
          %swap3A_282 = arith.constant 112 : index
          %swap3A_283 = tpu.vector_load %arg14[%swap3A_281, %swap3A_282] {strides = array<i32>} : memref<128x128xf32, #tpu.memory_space<vmem>>, vector<16xf32>,
          tpu.vector_store %arg14[%swap3A_281, %swap3A_282], %mul3A_280 {strides = array<i32>} : memref<128x128xf32, #tpu.memory_space<vmem>>, vector<16xf32>,
        }
        %scan3A_220 = arith.constant 128 : i32
        %run_scoped3A = arith.constant 0 : i32
        "tpu.region"() ({
          %run_scoped3A_221 = tpu.sem_alloc : memref<!tpu.dma_semaphore, #tpu.memory_space<semaphore_mem>>
          %dma_start3A = arith.constant 0 : i32
          %dma_start3A_222 = tpu.memref_slice %arg13[%run_scoped3A, %dma_start3A] : memref<1x128xi32, #tpu.memory_space<vmem>> -> memref<1x128xi32, #tpu.memory_space<vmem>>
          %dma_start3A_223 = tpu.memref_squeeze %dma_start3A_222 : memref<1x128xi32, #tpu.memory_space<vmem>> -> memref<128xi32, #tpu.memory_space<vmem>>
          %dma_start3A_224 = arith.constant 0 : i32
          %dma_start3A_225 = arith.constant 0 : i32
          %dma_start3A_226 = tpu.memref_slice %arg15[%dma_start3A_224, %dma_start3A_225] : memref<5248x128xf32, #tpu.memory_space<vmem_shared>> -> memref<5248x128xf32, #tpu.memory_space<vmem_shared>>
          tpu.enqueue_indirect_dma source(%arg14 : memref<128x128xf32, #tpu.memory_space<vmem>>) target(%dma_start3A_226 : memref<5248x128xf32, #tpu.memory_space<vmem_shared>>) offsets(%dma_start3A_223 : memref<128xi32, #tpu.memory_space<vmem>>) semaphore(%run_scoped3A_221 : memref<!tpu.dma_semaphore, #tpu.memory_space<semaphore_mem>>) {add = true}
          %dma_wait3A = arith.constant 0 : i32
          %dma_wait3A_227 = tpu.memref_slice %arg13[%run_scoped3A, %dma_wait3A] : memref<1x128xi32, #tpu.memory_space<vmem>> -> memref<1x128xi32, #tpu.memory_space<vmem>>
          %dma_wait3A_228 = tpu.memref_squeeze %dma_wait3A_227 : memref<1x128xi32, #tpu.memory_space<vmem>> -> memref<128xi32, #tpu.memory_space<vmem>>
          %dma_wait3A_229 = arith.constant 0 : i32
          %dma_wait3A_230 = arith.constant 0 : i32
          %dma_wait3A_231 = tpu.memref_slice %arg15[%dma_wait3A_229, %dma_wait3A_230] : memref<5248x128xf32, #tpu.memory_space<vmem_shared>> -> memref<5248x128xf32, #tpu.memory_space<vmem_shared>>
          tpu.wait_indirect_dma semaphore(%run_scoped3A_221 : memref<!tpu.dma_semaphore, #tpu.memory_space<semaphore_mem>>) src(%arg14 : memref<128x128xf32, #tpu.memory_space<vmem>>) dst(%dma_wait3A_231 : memref<5248x128xf32, #tpu.memory_space<vmem_shared>>)
          tpu.yield
        }) : () -> ()
      }
      %scan3A_59 = arith.constant 157 : i32
    } else {
    }
    %barrier3A_8 = arith.constant 0 : index
    tpu.barrier barrier_id(%barrier3A_8)
    %mul3A_9 = arith.constant 320 : i32
    %mul3A_10 = arith.muli %arg1, %mul3A_9 : i32
    %mul3A_11 = arith.constant 320 : i32
    %mul3A_12 = arith.muli %arg1, %mul3A_11 : i32
    %add3A = arith.constant 0 : i32
    %add3A_13 = arith.addi %add3A, %mul3A_12 : i32
    %eq3A_14 = arith.constant 0 : i32
    %eq3A_15 = arith.cmpi eq, %arg0, %eq3A_14 : i32
    %convert_element_type3A_16 = arith.extui %eq3A_15 : i1 to i32
    %cond3A_17 = arith.constant 0 : i32
    %cond3A_18 = arith.cmpi ne, %convert_element_type3A_16, %cond3A_17 : i32
    scf.if %cond3A_18 {
      "tpu.region"() ({
        %run_scoped3A = tpu.sem_alloc : memref<!tpu.dma_semaphore, #tpu.memory_space<semaphore_mem>>
        %dma_start3A = arith.constant 0 : i32
        %dma_start3A_56 = tpu.memref_slice %arg8[%add3A_13, %dma_start3A] : memref<10240x128xf32, #tpu.memory_space<hbm>> -> memref<320x128xf32, #tpu.memory_space<hbm>>
        %dma_start3A_57 = arith.constant 0 : i32
        %dma_start3A_58 = tpu.memref_slice %arg15[%mul3A_10, %dma_start3A_57] : memref<5248x128xf32, #tpu.memory_space<vmem_shared>> -> memref<320x128xf32, #tpu.memory_space<vmem_shared>>
        tpu.enqueue_dma source(%dma_start3A_58 : memref<320x128xf32, #tpu.memory_space<vmem_shared>>) target(%dma_start3A_56 : memref<320x128xf32, #tpu.memory_space<hbm>>) target_semaphore(%run_scoped3A : memref<!tpu.dma_semaphore, #tpu.memory_space<semaphore_mem>>)
        %dma_wait3A = arith.constant 0 : i32
        %dma_wait3A_59 = tpu.memref_slice %arg8[%add3A_13, %dma_wait3A] : memref<10240x128xf32, #tpu.memory_space<hbm>> -> memref<320x128xf32, #tpu.memory_space<hbm>>
        %dma_wait3A_60 = arith.constant 0 : i32
        %dma_wait3A_61 = tpu.memref_slice %arg15[%mul3A_10, %dma_wait3A_60] : memref<5248x128xf32, #tpu.memory_space<vmem_shared>> -> memref<320x128xf32, #tpu.memory_space<vmem_shared>>
        tpu.wait_dma2 semaphore(%run_scoped3A : memref<!tpu.dma_semaphore, #tpu.memory_space<semaphore_mem>>) src(%dma_wait3A_61 : memref<320x128xf32, #tpu.memory_space<vmem_shared>>) dst(%dma_wait3A_59 : memref<320x128xf32, #tpu.memory_space<hbm>>)
        tpu.yield
      }) : () -> ()
    } else {
    }
    %eq3A_19 = arith.constant 1 : i32
    %eq3A_20 = arith.cmpi eq, %arg0, %eq3A_19 : i32
    %convert_element_type3A_21 = arith.extui %eq3A_20 : i1 to i32
    %cond3A_22 = arith.constant 0 : i32
    %cond3A_23 = arith.cmpi ne, %convert_element_type3A_21, %cond3A_22 : i32
    scf.if %cond3A_23 {
      "tpu.region"() ({
        %run_scoped3A = tpu.sem_alloc : memref<!tpu.dma_semaphore, #tpu.memory_space<semaphore_mem>>
        %dma_start3A = arith.constant 0 : i32
        %dma_start3A_56 = tpu.memref_slice %arg9[%add3A_13, %dma_start3A] : memref<10240x128xf32, #tpu.memory_space<hbm>> -> memref<320x128xf32, #tpu.memory_space<hbm>>
        %dma_start3A_57 = arith.constant 0 : i32
        %dma_start3A_58 = tpu.memref_slice %arg15[%mul3A_10, %dma_start3A_57] : memref<5248x128xf32, #tpu.memory_space<vmem_shared>> -> memref<320x128xf32, #tpu.memory_space<vmem_shared>>
        tpu.enqueue_dma source(%dma_start3A_58 : memref<320x128xf32, #tpu.memory_space<vmem_shared>>) target(%dma_start3A_56 : memref<320x128xf32, #tpu.memory_space<hbm>>) target_semaphore(%run_scoped3A : memref<!tpu.dma_semaphore, #tpu.memory_space<semaphore_mem>>)
        %dma_wait3A = arith.constant 0 : i32
        %dma_wait3A_59 = tpu.memref_slice %arg9[%add3A_13, %dma_wait3A] : memref<10240x128xf32, #tpu.memory_space<hbm>> -> memref<320x128xf32, #tpu.memory_space<hbm>>
        %dma_wait3A_60 = arith.constant 0 : i32
        %dma_wait3A_61 = tpu.memref_slice %arg15[%mul3A_10, %dma_wait3A_60] : memref<5248x128xf32, #tpu.memory_space<vmem_shared>> -> memref<320x128xf32, #tpu.memory_space<vmem_shared>>
        tpu.wait_dma2 semaphore(%run_scoped3A : memref<!tpu.dma_semaphore, #tpu.memory_space<semaphore_mem>>) src(%dma_wait3A_61 : memref<320x128xf32, #tpu.memory_space<vmem_shared>>) dst(%dma_wait3A_59 : memref<320x128xf32, #tpu.memory_space<hbm>>)
        tpu.yield
      }) : () -> ()
    } else {
    }
    %barrier3A_24 = arith.constant 0 : index
    tpu.barrier barrier_id(%barrier3A_24)
    %mul3A_25 = arith.constant 328 : i32
    %mul3A_26 = arith.muli %arg1, %mul3A_25 : i32
    "tpu.region"() ({
      %run_scoped3A = tpu.sem_alloc : memref<!tpu.dma_semaphore, #tpu.memory_space<semaphore_mem>>
      %dma_start3A = arith.constant 0 : i32
      %dma_start3A_56 = tpu.memref_slice %arg15[%mul3A_26, %dma_start3A] : memref<5248x128xf32, #tpu.memory_space<vmem_shared>> -> memref<328x128xf32, #tpu.memory_space<vmem_shared>>
      tpu.enqueue_dma source(%arg7 : memref<328x128xf32, #tpu.memory_space<hbm>>) target(%dma_start3A_56 : memref<328x128xf32, #tpu.memory_space<vmem_shared>>) target_semaphore(%run_scoped3A : memref<!tpu.dma_semaphore, #tpu.memory_space<semaphore_mem>>)
      %dma_wait3A = arith.constant 0 : i32
      %dma_wait3A_57 = tpu.memref_slice %arg15[%mul3A_26, %dma_wait3A] : memref<5248x128xf32, #tpu.memory_space<vmem_shared>> -> memref<328x128xf32, #tpu.memory_space<vmem_shared>>
      tpu.wait_dma2 semaphore(%run_scoped3A : memref<!tpu.dma_semaphore, #tpu.memory_space<semaphore_mem>>) src(%arg7 : memref<328x128xf32, #tpu.memory_space<hbm>>) dst(%dma_wait3A_57 : memref<328x128xf32, #tpu.memory_space<vmem_shared>>)
      tpu.yield
    }) : () -> ()
    %barrier3A_27 = arith.constant 0 : index
    tpu.barrier barrier_id(%barrier3A_27)
    %eq3A_28 = arith.constant 0 : i32
    %eq3A_29 = arith.cmpi eq, %arg0, %eq3A_28 : i32
    %convert_element_type3A_30 = arith.extui %eq3A_29 : i1 to i32
    %cond3A_31 = arith.constant 0 : i32
    %cond3A_32 = arith.cmpi ne, %convert_element_type3A_30, %cond3A_31 : i32
    scf.if %cond3A_32 {
      %scan3A = arith.constant 0 : i32
      %scan3A_56 = arith.constant 157 : i32
      %scan3A_57 = arith.addi %scan3A, %scan3A_56 : i32
      %scan3A_58 = arith.constant 1 : i32
      scf.for %scan3A_60 = %scan3A to %scan3A_57 step %scan3A_58  : i32 {
        %mul3A_61 = arith.constant 1 : i32
        %mul3A_62 = arith.muli %scan3A_60, %mul3A_61 : i32
        %add3A_63 = arith.constant 0 : i32
        %add3A_64 = arith.addi %add3A_63, %mul3A_62 : i32
        "tpu.region"() ({
          %run_scoped3A_221 = tpu.sem_alloc : memref<!tpu.dma_semaphore, #tpu.memory_space<semaphore_mem>>
          %dma_start3A = arith.constant 0 : i32
          %dma_start3A_222 = tpu.memref_slice %arg10[%add3A_64, %dma_start3A] : memref<157x128xi32, #tpu.memory_space<vmem>> -> memref<1x128xi32, #tpu.memory_space<vmem>>
          %dma_start3A_223 = tpu.memref_squeeze %dma_start3A_222 : memref<1x128xi32, #tpu.memory_space<vmem>> -> memref<128xi32, #tpu.memory_space<vmem>>
          %dma_start3A_224 = arith.constant 0 : i32
          %dma_start3A_225 = arith.constant 0 : i32
          %dma_start3A_226 = tpu.memref_slice %arg2[%dma_start3A_224, %dma_start3A_225] : memref<10000x128xf32, #tpu.memory_space<hbm>> -> memref<10000x128xf32, #tpu.memory_space<hbm>>
          tpu.enqueue_indirect_dma source(%dma_start3A_226 : memref<10000x128xf32, #tpu.memory_space<hbm>>) target(%arg14 : memref<128x128xf32, #tpu.memory_space<vmem>>) offsets(%dma_start3A_223 : memref<128xi32, #tpu.memory_space<vmem>>) semaphore(%run_scoped3A_221 : memref<!tpu.dma_semaphore, #tpu.memory_space<semaphore_mem>>)
          %dma_wait3A = arith.constant 0 : i32
          %dma_wait3A_227 = tpu.memref_slice %arg10[%add3A_64, %dma_wait3A] : memref<157x128xi32, #tpu.memory_space<vmem>> -> memref<1x128xi32, #tpu.memory_space<vmem>>
          %dma_wait3A_228 = tpu.memref_squeeze %dma_wait3A_227 : memref<1x128xi32, #tpu.memory_space<vmem>> -> memref<128xi32, #tpu.memory_space<vmem>>
          %dma_wait3A_229 = arith.constant 0 : i32
          %dma_wait3A_230 = arith.constant 0 : i32
          %dma_wait3A_231 = tpu.memref_slice %arg2[%dma_wait3A_229, %dma_wait3A_230] : memref<10000x128xf32, #tpu.memory_space<hbm>> -> memref<10000x128xf32, #tpu.memory_space<hbm>>
          tpu.wait_indirect_dma semaphore(%run_scoped3A_221 : memref<!tpu.dma_semaphore, #tpu.memory_space<semaphore_mem>>) src(%dma_wait3A_231 : memref<10000x128xf32, #tpu.memory_space<hbm>>) dst(%arg14 : memref<128x128xf32, #tpu.memory_space<vmem>>)
          tpu.yield
        }) : () -> ()
        %get3A = arith.index_cast %add3A_64 : i32 to index
        %get3A_65 = arith.constant 0 : index
        %get3A_66 = tpu.vector_load %arg11[%get3A, %get3A_65] {strides = array<i32>} : memref<157x128xi32, #tpu.memory_space<vmem>>, vector<16xi32>,
        %sub3A = arith.constant 5120 : i32
        %sub3A_67 = vector.broadcast %sub3A : i32 to vector<16xi32>
        %sub3A_68 = arith.subi %get3A_66, %sub3A_67 : vector<16xi32>
        %ge3A = arith.constant 0 : i32
        %ge3A_69 = vector.broadcast %ge3A : i32 to vector<16xi32>
        %ge3A_70 = arith.cmpi sge, %sub3A_68, %ge3A_69 : vector<16xi32>
        %lt3A = arith.constant 5120 : i32
        %lt3A_71 = vector.broadcast %lt3A : i32 to vector<16xi32>
        %lt3A_72 = arith.cmpi slt, %sub3A_68, %lt3A_71 : vector<16xi32>
        %and3A = arith.andi %ge3A_70, %lt3A_72 : vector<16xi1>
        %jit3A = arith.constant 5120 : i32
        %broadcast_in_dim3A = vector.broadcast %jit3A : i32 to vector<16xi32>
        %select_n3A = arith.select %and3A, %sub3A_68, %broadcast_in_dim3A : vector<16xi1>, vector<16xi32>
        %swap3A = arith.constant 0 : i32
        %swap3A_73 = arith.index_cast %swap3A : i32 to index
        %swap3A_74 = arith.constant 0 : index
        %swap3A_75 = tpu.vector_load %arg13[%swap3A_73, %swap3A_74] {strides = array<i32>} : memref<1x128xi32, #tpu.memory_space<vmem>>, vector<16xi32>,
        tpu.vector_store %arg13[%swap3A_73, %swap3A_74], %select_n3A {strides = array<i32>} : memref<1x128xi32, #tpu.memory_space<vmem>>, vector<16xi32>,
        %get3A_76 = arith.index_cast %add3A_64 : i32 to index
        %get3A_77 = arith.constant 16 : index
        %get3A_78 = tpu.vector_load %arg11[%get3A_76, %get3A_77] {strides = array<i32>} : memref<157x128xi32, #tpu.memory_space<vmem>>, vector<16xi32>,
        %sub3A_79 = arith.constant 5120 : i32
        %sub3A_80 = vector.broadcast %sub3A_79 : i32 to vector<16xi32>
        %sub3A_81 = arith.subi %get3A_78, %sub3A_80 : vector<16xi32>
        %ge3A_82 = arith.constant 0 : i32
        %ge3A_83 = vector.broadcast %ge3A_82 : i32 to vector<16xi32>
        %ge3A_84 = arith.cmpi sge, %sub3A_81, %ge3A_83 : vector<16xi32>
        %lt3A_85 = arith.constant 5120 : i32
        %lt3A_86 = vector.broadcast %lt3A_85 : i32 to vector<16xi32>
        %lt3A_87 = arith.cmpi slt, %sub3A_81, %lt3A_86 : vector<16xi32>
        %and3A_88 = arith.andi %ge3A_84, %lt3A_87 : vector<16xi1>
        %jit3A_89 = arith.constant 5120 : i32
        %broadcast_in_dim3A_90 = vector.broadcast %jit3A_89 : i32 to vector<16xi32>
        %select_n3A_91 = arith.select %and3A_88, %sub3A_81, %broadcast_in_dim3A_90 : vector<16xi1>, vector<16xi32>
        %swap3A_92 = arith.constant 0 : i32
        %swap3A_93 = arith.index_cast %swap3A_92 : i32 to index
        %swap3A_94 = arith.constant 16 : index
        %swap3A_95 = tpu.vector_load %arg13[%swap3A_93, %swap3A_94] {strides = array<i32>} : memref<1x128xi32, #tpu.memory_space<vmem>>, vector<16xi32>,
        tpu.vector_store %arg13[%swap3A_93, %swap3A_94], %select_n3A_91 {strides = array<i32>} : memref<1x128xi32, #tpu.memory_space<vmem>>, vector<16xi32>,
        %get3A_96 = arith.index_cast %add3A_64 : i32 to index
        %get3A_97 = arith.constant 32 : index
        %get3A_98 = tpu.vector_load %arg11[%get3A_96, %get3A_97] {strides = array<i32>} : memref<157x128xi32, #tpu.memory_space<vmem>>, vector<16xi32>,
        %sub3A_99 = arith.constant 5120 : i32
        %sub3A_100 = vector.broadcast %sub3A_99 : i32 to vector<16xi32>
        %sub3A_101 = arith.subi %get3A_98, %sub3A_100 : vector<16xi32>
        %ge3A_102 = arith.constant 0 : i32
        %ge3A_103 = vector.broadcast %ge3A_102 : i32 to vector<16xi32>
        %ge3A_104 = arith.cmpi sge, %sub3A_101, %ge3A_103 : vector<16xi32>
        %lt3A_105 = arith.constant 5120 : i32
        %lt3A_106 = vector.broadcast %lt3A_105 : i32 to vector<16xi32>
        %lt3A_107 = arith.cmpi slt, %sub3A_101, %lt3A_106 : vector<16xi32>
        %and3A_108 = arith.andi %ge3A_104, %lt3A_107 : vector<16xi1>
        %jit3A_109 = arith.constant 5120 : i32
        %broadcast_in_dim3A_110 = vector.broadcast %jit3A_109 : i32 to vector<16xi32>
        %select_n3A_111 = arith.select %and3A_108, %sub3A_101, %broadcast_in_dim3A_110 : vector<16xi1>, vector<16xi32>
        %swap3A_112 = arith.constant 0 : i32
        %swap3A_113 = arith.index_cast %swap3A_112 : i32 to index
        %swap3A_114 = arith.constant 32 : index
        %swap3A_115 = tpu.vector_load %arg13[%swap3A_113, %swap3A_114] {strides = array<i32>} : memref<1x128xi32, #tpu.memory_space<vmem>>, vector<16xi32>,
        tpu.vector_store %arg13[%swap3A_113, %swap3A_114], %select_n3A_111 {strides = array<i32>} : memref<1x128xi32, #tpu.memory_space<vmem>>, vector<16xi32>,
        %get3A_116 = arith.index_cast %add3A_64 : i32 to index
        %get3A_117 = arith.constant 48 : index
        %get3A_118 = tpu.vector_load %arg11[%get3A_116, %get3A_117] {strides = array<i32>} : memref<157x128xi32, #tpu.memory_space<vmem>>, vector<16xi32>,
        %sub3A_119 = arith.constant 5120 : i32
        %sub3A_120 = vector.broadcast %sub3A_119 : i32 to vector<16xi32>
        %sub3A_121 = arith.subi %get3A_118, %sub3A_120 : vector<16xi32>
        %ge3A_122 = arith.constant 0 : i32
        %ge3A_123 = vector.broadcast %ge3A_122 : i32 to vector<16xi32>
        %ge3A_124 = arith.cmpi sge, %sub3A_121, %ge3A_123 : vector<16xi32>
        %lt3A_125 = arith.constant 5120 : i32
        %lt3A_126 = vector.broadcast %lt3A_125 : i32 to vector<16xi32>
        %lt3A_127 = arith.cmpi slt, %sub3A_121, %lt3A_126 : vector<16xi32>
        %and3A_128 = arith.andi %ge3A_124, %lt3A_127 : vector<16xi1>
        %jit3A_129 = arith.constant 5120 : i32
        %broadcast_in_dim3A_130 = vector.broadcast %jit3A_129 : i32 to vector<16xi32>
        %select_n3A_131 = arith.select %and3A_128, %sub3A_121, %broadcast_in_dim3A_130 : vector<16xi1>, vector<16xi32>
        %swap3A_132 = arith.constant 0 : i32
        %swap3A_133 = arith.index_cast %swap3A_132 : i32 to index
        %swap3A_134 = arith.constant 48 : index
        %swap3A_135 = tpu.vector_load %arg13[%swap3A_133, %swap3A_134] {strides = array<i32>} : memref<1x128xi32, #tpu.memory_space<vmem>>, vector<16xi32>,
        tpu.vector_store %arg13[%swap3A_133, %swap3A_134], %select_n3A_131 {strides = array<i32>} : memref<1x128xi32, #tpu.memory_space<vmem>>, vector<16xi32>,
        %get3A_136 = arith.index_cast %add3A_64 : i32 to index
        %get3A_137 = arith.constant 64 : index
        %get3A_138 = tpu.vector_load %arg11[%get3A_136, %get3A_137] {strides = array<i32>} : memref<157x128xi32, #tpu.memory_space<vmem>>, vector<16xi32>,
        %sub3A_139 = arith.constant 5120 : i32
        %sub3A_140 = vector.broadcast %sub3A_139 : i32 to vector<16xi32>
        %sub3A_141 = arith.subi %get3A_138, %sub3A_140 : vector<16xi32>
        %ge3A_142 = arith.constant 0 : i32
        %ge3A_143 = vector.broadcast %ge3A_142 : i32 to vector<16xi32>
        %ge3A_144 = arith.cmpi sge, %sub3A_141, %ge3A_143 : vector<16xi32>
        %lt3A_145 = arith.constant 5120 : i32
        %lt3A_146 = vector.broadcast %lt3A_145 : i32 to vector<16xi32>
        %lt3A_147 = arith.cmpi slt, %sub3A_141, %lt3A_146 : vector<16xi32>
        %and3A_148 = arith.andi %ge3A_144, %lt3A_147 : vector<16xi1>
        %jit3A_149 = arith.constant 5120 : i32
        %broadcast_in_dim3A_150 = vector.broadcast %jit3A_149 : i32 to vector<16xi32>
        %select_n3A_151 = arith.select %and3A_148, %sub3A_141, %broadcast_in_dim3A_150 : vector<16xi1>, vector<16xi32>
        %swap3A_152 = arith.constant 0 : i32
        %swap3A_153 = arith.index_cast %swap3A_152 : i32 to index
        %swap3A_154 = arith.constant 64 : index
        %swap3A_155 = tpu.vector_load %arg13[%swap3A_153, %swap3A_154] {strides = array<i32>} : memref<1x128xi32, #tpu.memory_space<vmem>>, vector<16xi32>,
        tpu.vector_store %arg13[%swap3A_153, %swap3A_154], %select_n3A_151 {strides = array<i32>} : memref<1x128xi32, #tpu.memory_space<vmem>>, vector<16xi32>,
        %get3A_156 = arith.index_cast %add3A_64 : i32 to index
        %get3A_157 = arith.constant 80 : index
        %get3A_158 = tpu.vector_load %arg11[%get3A_156, %get3A_157] {strides = array<i32>} : memref<157x128xi32, #tpu.memory_space<vmem>>, vector<16xi32>,
        %sub3A_159 = arith.constant 5120 : i32
        %sub3A_160 = vector.broadcast %sub3A_159 : i32 to vector<16xi32>
        %sub3A_161 = arith.subi %get3A_158, %sub3A_160 : vector<16xi32>
        %ge3A_162 = arith.constant 0 : i32
        %ge3A_163 = vector.broadcast %ge3A_162 : i32 to vector<16xi32>
        %ge3A_164 = arith.cmpi sge, %sub3A_161, %ge3A_163 : vector<16xi32>
        %lt3A_165 = arith.constant 5120 : i32
        %lt3A_166 = vector.broadcast %lt3A_165 : i32 to vector<16xi32>
        %lt3A_167 = arith.cmpi slt, %sub3A_161, %lt3A_166 : vector<16xi32>
        %and3A_168 = arith.andi %ge3A_164, %lt3A_167 : vector<16xi1>
        %jit3A_169 = arith.constant 5120 : i32
        %broadcast_in_dim3A_170 = vector.broadcast %jit3A_169 : i32 to vector<16xi32>
        %select_n3A_171 = arith.select %and3A_168, %sub3A_161, %broadcast_in_dim3A_170 : vector<16xi1>, vector<16xi32>
        %swap3A_172 = arith.constant 0 : i32
        %swap3A_173 = arith.index_cast %swap3A_172 : i32 to index
        %swap3A_174 = arith.constant 80 : index
        %swap3A_175 = tpu.vector_load %arg13[%swap3A_173, %swap3A_174] {strides = array<i32>} : memref<1x128xi32, #tpu.memory_space<vmem>>, vector<16xi32>,
        tpu.vector_store %arg13[%swap3A_173, %swap3A_174], %select_n3A_171 {strides = array<i32>} : memref<1x128xi32, #tpu.memory_space<vmem>>, vector<16xi32>,
        %get3A_176 = arith.index_cast %add3A_64 : i32 to index
        %get3A_177 = arith.constant 96 : index
        %get3A_178 = tpu.vector_load %arg11[%get3A_176, %get3A_177] {strides = array<i32>} : memref<157x128xi32, #tpu.memory_space<vmem>>, vector<16xi32>,
        %sub3A_179 = arith.constant 5120 : i32
        %sub3A_180 = vector.broadcast %sub3A_179 : i32 to vector<16xi32>
        %sub3A_181 = arith.subi %get3A_178, %sub3A_180 : vector<16xi32>
        %ge3A_182 = arith.constant 0 : i32
        %ge3A_183 = vector.broadcast %ge3A_182 : i32 to vector<16xi32>
        %ge3A_184 = arith.cmpi sge, %sub3A_181, %ge3A_183 : vector<16xi32>
        %lt3A_185 = arith.constant 5120 : i32
        %lt3A_186 = vector.broadcast %lt3A_185 : i32 to vector<16xi32>
        %lt3A_187 = arith.cmpi slt, %sub3A_181, %lt3A_186 : vector<16xi32>
        %and3A_188 = arith.andi %ge3A_184, %lt3A_187 : vector<16xi1>
        %jit3A_189 = arith.constant 5120 : i32
        %broadcast_in_dim3A_190 = vector.broadcast %jit3A_189 : i32 to vector<16xi32>
        %select_n3A_191 = arith.select %and3A_188, %sub3A_181, %broadcast_in_dim3A_190 : vector<16xi1>, vector<16xi32>
        %swap3A_192 = arith.constant 0 : i32
        %swap3A_193 = arith.index_cast %swap3A_192 : i32 to index
        %swap3A_194 = arith.constant 96 : index
        %swap3A_195 = tpu.vector_load %arg13[%swap3A_193, %swap3A_194] {strides = array<i32>} : memref<1x128xi32, #tpu.memory_space<vmem>>, vector<16xi32>,
        tpu.vector_store %arg13[%swap3A_193, %swap3A_194], %select_n3A_191 {strides = array<i32>} : memref<1x128xi32, #tpu.memory_space<vmem>>, vector<16xi32>,
        %get3A_196 = arith.index_cast %add3A_64 : i32 to index
        %get3A_197 = arith.constant 112 : index
        %get3A_198 = tpu.vector_load %arg11[%get3A_196, %get3A_197] {strides = array<i32>} : memref<157x128xi32, #tpu.memory_space<vmem>>, vector<16xi32>,
        %sub3A_199 = arith.constant 5120 : i32
        %sub3A_200 = vector.broadcast %sub3A_199 : i32 to vector<16xi32>
        %sub3A_201 = arith.subi %get3A_198, %sub3A_200 : vector<16xi32>
        %ge3A_202 = arith.constant 0 : i32
        %ge3A_203 = vector.broadcast %ge3A_202 : i32 to vector<16xi32>
        %ge3A_204 = arith.cmpi sge, %sub3A_201, %ge3A_203 : vector<16xi32>
        %lt3A_205 = arith.constant 5120 : i32
        %lt3A_206 = vector.broadcast %lt3A_205 : i32 to vector<16xi32>
        %lt3A_207 = arith.cmpi slt, %sub3A_201, %lt3A_206 : vector<16xi32>
        %and3A_208 = arith.andi %ge3A_204, %lt3A_207 : vector<16xi1>
        %jit3A_209 = arith.constant 5120 : i32
        %broadcast_in_dim3A_210 = vector.broadcast %jit3A_209 : i32 to vector<16xi32>
        %select_n3A_211 = arith.select %and3A_208, %sub3A_201, %broadcast_in_dim3A_210 : vector<16xi1>, vector<16xi32>
        %swap3A_212 = arith.constant 0 : i32
        %swap3A_213 = arith.index_cast %swap3A_212 : i32 to index
        %swap3A_214 = arith.constant 112 : index
        %swap3A_215 = tpu.vector_load %arg13[%swap3A_213, %swap3A_214] {strides = array<i32>} : memref<1x128xi32, #tpu.memory_space<vmem>>, vector<16xi32>,
        tpu.vector_store %arg13[%swap3A_213, %swap3A_214], %select_n3A_211 {strides = array<i32>} : memref<1x128xi32, #tpu.memory_space<vmem>>, vector<16xi32>,
        %scan3A_216 = arith.constant 0 : i32
        %scan3A_217 = arith.constant 128 : i32
        %scan3A_218 = arith.addi %scan3A_216, %scan3A_217 : i32
        %scan3A_219 = arith.constant 1 : i32
        scf.for %scan3A_221 = %scan3A_216 to %scan3A_218 step %scan3A_219  : i32 {
          %mul3A_222 = arith.constant 1 : i32
          %mul3A_223 = arith.muli %scan3A_221, %mul3A_222 : i32
          %add3A_224 = arith.constant 0 : i32
          %add3A_225 = arith.addi %add3A_224, %mul3A_223 : i32
          %broadcast_in_dim3A_226 = vector.broadcast %add3A_64 : i32 to vector<16xi32>
          %broadcast_in_dim3A_227 = vector.broadcast %add3A_225 : i32 to vector<16xi32>
          %gather3A = tpu.vector_load_idx %arg12[%broadcast_in_dim3A_226, %broadcast_in_dim3A_227] : memref<157x128xf32, #tpu.memory_space<vmem>>[vector<16xi32>, vector<16xi32>], vector<16xf32>,
          %get3A_228 = arith.index_cast %add3A_225 : i32 to index
          %get3A_229 = arith.constant 0 : index
          %get3A_230 = tpu.vector_load %arg14[%get3A_228, %get3A_229] {strides = array<i32>} : memref<128x128xf32, #tpu.memory_space<vmem>>, vector<16xf32>,
          %mul3A_231 = arith.mulf %get3A_230, %gather3A : vector<16xf32>
          %swap3A_232 = arith.index_cast %add3A_225 : i32 to index
          %swap3A_233 = arith.constant 0 : index
          %swap3A_234 = tpu.vector_load %arg14[%swap3A_232, %swap3A_233] {strides = array<i32>} : memref<128x128xf32, #tpu.memory_space<vmem>>, vector<16xf32>,
          tpu.vector_store %arg14[%swap3A_232, %swap3A_233], %mul3A_231 {strides = array<i32>} : memref<128x128xf32, #tpu.memory_space<vmem>>, vector<16xf32>,
          %get3A_235 = arith.index_cast %add3A_225 : i32 to index
          %get3A_236 = arith.constant 16 : index
          %get3A_237 = tpu.vector_load %arg14[%get3A_235, %get3A_236] {strides = array<i32>} : memref<128x128xf32, #tpu.memory_space<vmem>>, vector<16xf32>,
          %mul3A_238 = arith.mulf %get3A_237, %gather3A : vector<16xf32>
          %swap3A_239 = arith.index_cast %add3A_225 : i32 to index
          %swap3A_240 = arith.constant 16 : index
          %swap3A_241 = tpu.vector_load %arg14[%swap3A_239, %swap3A_240] {strides = array<i32>} : memref<128x128xf32, #tpu.memory_space<vmem>>, vector<16xf32>,
          tpu.vector_store %arg14[%swap3A_239, %swap3A_240], %mul3A_238 {strides = array<i32>} : memref<128x128xf32, #tpu.memory_space<vmem>>, vector<16xf32>,
          %get3A_242 = arith.index_cast %add3A_225 : i32 to index
          %get3A_243 = arith.constant 32 : index
          %get3A_244 = tpu.vector_load %arg14[%get3A_242, %get3A_243] {strides = array<i32>} : memref<128x128xf32, #tpu.memory_space<vmem>>, vector<16xf32>,
          %mul3A_245 = arith.mulf %get3A_244, %gather3A : vector<16xf32>
          %swap3A_246 = arith.index_cast %add3A_225 : i32 to index
          %swap3A_247 = arith.constant 32 : index
          %swap3A_248 = tpu.vector_load %arg14[%swap3A_246, %swap3A_247] {strides = array<i32>} : memref<128x128xf32, #tpu.memory_space<vmem>>, vector<16xf32>,
          tpu.vector_store %arg14[%swap3A_246, %swap3A_247], %mul3A_245 {strides = array<i32>} : memref<128x128xf32, #tpu.memory_space<vmem>>, vector<16xf32>,
          %get3A_249 = arith.index_cast %add3A_225 : i32 to index
          %get3A_250 = arith.constant 48 : index
          %get3A_251 = tpu.vector_load %arg14[%get3A_249, %get3A_250] {strides = array<i32>} : memref<128x128xf32, #tpu.memory_space<vmem>>, vector<16xf32>,
          %mul3A_252 = arith.mulf %get3A_251, %gather3A : vector<16xf32>
          %swap3A_253 = arith.index_cast %add3A_225 : i32 to index
          %swap3A_254 = arith.constant 48 : index
          %swap3A_255 = tpu.vector_load %arg14[%swap3A_253, %swap3A_254] {strides = array<i32>} : memref<128x128xf32, #tpu.memory_space<vmem>>, vector<16xf32>,
          tpu.vector_store %arg14[%swap3A_253, %swap3A_254], %mul3A_252 {strides = array<i32>} : memref<128x128xf32, #tpu.memory_space<vmem>>, vector<16xf32>,
          %get3A_256 = arith.index_cast %add3A_225 : i32 to index
          %get3A_257 = arith.constant 64 : index
          %get3A_258 = tpu.vector_load %arg14[%get3A_256, %get3A_257] {strides = array<i32>} : memref<128x128xf32, #tpu.memory_space<vmem>>, vector<16xf32>,
          %mul3A_259 = arith.mulf %get3A_258, %gather3A : vector<16xf32>
          %swap3A_260 = arith.index_cast %add3A_225 : i32 to index
          %swap3A_261 = arith.constant 64 : index
          %swap3A_262 = tpu.vector_load %arg14[%swap3A_260, %swap3A_261] {strides = array<i32>} : memref<128x128xf32, #tpu.memory_space<vmem>>, vector<16xf32>,
          tpu.vector_store %arg14[%swap3A_260, %swap3A_261], %mul3A_259 {strides = array<i32>} : memref<128x128xf32, #tpu.memory_space<vmem>>, vector<16xf32>,
          %get3A_263 = arith.index_cast %add3A_225 : i32 to index
          %get3A_264 = arith.constant 80 : index
          %get3A_265 = tpu.vector_load %arg14[%get3A_263, %get3A_264] {strides = array<i32>} : memref<128x128xf32, #tpu.memory_space<vmem>>, vector<16xf32>,
          %mul3A_266 = arith.mulf %get3A_265, %gather3A : vector<16xf32>
          %swap3A_267 = arith.index_cast %add3A_225 : i32 to index
          %swap3A_268 = arith.constant 80 : index
          %swap3A_269 = tpu.vector_load %arg14[%swap3A_267, %swap3A_268] {strides = array<i32>} : memref<128x128xf32, #tpu.memory_space<vmem>>, vector<16xf32>,
          tpu.vector_store %arg14[%swap3A_267, %swap3A_268], %mul3A_266 {strides = array<i32>} : memref<128x128xf32, #tpu.memory_space<vmem>>, vector<16xf32>,
          %get3A_270 = arith.index_cast %add3A_225 : i32 to index
          %get3A_271 = arith.constant 96 : index
          %get3A_272 = tpu.vector_load %arg14[%get3A_270, %get3A_271] {strides = array<i32>} : memref<128x128xf32, #tpu.memory_space<vmem>>, vector<16xf32>,
          %mul3A_273 = arith.mulf %get3A_272, %gather3A : vector<16xf32>
          %swap3A_274 = arith.index_cast %add3A_225 : i32 to index
          %swap3A_275 = arith.constant 96 : index
          %swap3A_276 = tpu.vector_load %arg14[%swap3A_274, %swap3A_275] {strides = array<i32>} : memref<128x128xf32, #tpu.memory_space<vmem>>, vector<16xf32>,
          tpu.vector_store %arg14[%swap3A_274, %swap3A_275], %mul3A_273 {strides = array<i32>} : memref<128x128xf32, #tpu.memory_space<vmem>>, vector<16xf32>,
          %get3A_277 = arith.index_cast %add3A_225 : i32 to index
          %get3A_278 = arith.constant 112 : index
          %get3A_279 = tpu.vector_load %arg14[%get3A_277, %get3A_278] {strides = array<i32>} : memref<128x128xf32, #tpu.memory_space<vmem>>, vector<16xf32>,
          %mul3A_280 = arith.mulf %get3A_279, %gather3A : vector<16xf32>
          %swap3A_281 = arith.index_cast %add3A_225 : i32 to index
          %swap3A_282 = arith.constant 112 : index
          %swap3A_283 = tpu.vector_load %arg14[%swap3A_281, %swap3A_282] {strides = array<i32>} : memref<128x128xf32, #tpu.memory_space<vmem>>, vector<16xf32>,
          tpu.vector_store %arg14[%swap3A_281, %swap3A_282], %mul3A_280 {strides = array<i32>} : memref<128x128xf32, #tpu.memory_space<vmem>>, vector<16xf32>,
        }
        %scan3A_220 = arith.constant 128 : i32
        %run_scoped3A = arith.constant 0 : i32
        "tpu.region"() ({
          %run_scoped3A_221 = tpu.sem_alloc : memref<!tpu.dma_semaphore, #tpu.memory_space<semaphore_mem>>
          %dma_start3A = arith.constant 0 : i32
          %dma_start3A_222 = tpu.memref_slice %arg13[%run_scoped3A, %dma_start3A] : memref<1x128xi32, #tpu.memory_space<vmem>> -> memref<1x128xi32, #tpu.memory_space<vmem>>
          %dma_start3A_223 = tpu.memref_squeeze %dma_start3A_222 : memref<1x128xi32, #tpu.memory_space<vmem>> -> memref<128xi32, #tpu.memory_space<vmem>>
          %dma_start3A_224 = arith.constant 0 : i32
          %dma_start3A_225 = arith.constant 0 : i32
          %dma_start3A_226 = tpu.memref_slice %arg15[%dma_start3A_224, %dma_start3A_225] : memref<5248x128xf32, #tpu.memory_space<vmem_shared>> -> memref<5248x128xf32, #tpu.memory_space<vmem_shared>>
          tpu.enqueue_indirect_dma source(%arg14 : memref<128x128xf32, #tpu.memory_space<vmem>>) target(%dma_start3A_226 : memref<5248x128xf32, #tpu.memory_space<vmem_shared>>) offsets(%dma_start3A_223 : memref<128xi32, #tpu.memory_space<vmem>>) semaphore(%run_scoped3A_221 : memref<!tpu.dma_semaphore, #tpu.memory_space<semaphore_mem>>) {add = true}
          %dma_wait3A = arith.constant 0 : i32
          %dma_wait3A_227 = tpu.memref_slice %arg13[%run_scoped3A, %dma_wait3A] : memref<1x128xi32, #tpu.memory_space<vmem>> -> memref<1x128xi32, #tpu.memory_space<vmem>>
          %dma_wait3A_228 = tpu.memref_squeeze %dma_wait3A_227 : memref<1x128xi32, #tpu.memory_space<vmem>> -> memref<128xi32, #tpu.memory_space<vmem>>
          %dma_wait3A_229 = arith.constant 0 : i32
          %dma_wait3A_230 = arith.constant 0 : i32
          %dma_wait3A_231 = tpu.memref_slice %arg15[%dma_wait3A_229, %dma_wait3A_230] : memref<5248x128xf32, #tpu.memory_space<vmem_shared>> -> memref<5248x128xf32, #tpu.memory_space<vmem_shared>>
          tpu.wait_indirect_dma semaphore(%run_scoped3A_221 : memref<!tpu.dma_semaphore, #tpu.memory_space<semaphore_mem>>) src(%arg14 : memref<128x128xf32, #tpu.memory_space<vmem>>) dst(%dma_wait3A_231 : memref<5248x128xf32, #tpu.memory_space<vmem_shared>>)
          tpu.yield
        }) : () -> ()
      }
      %scan3A_59 = arith.constant 157 : i32
    } else {
    }
    %eq3A_33 = arith.constant 1 : i32
    %eq3A_34 = arith.cmpi eq, %arg0, %eq3A_33 : i32
    %convert_element_type3A_35 = arith.extui %eq3A_34 : i1 to i32
    %cond3A_36 = arith.constant 0 : i32
    %cond3A_37 = arith.cmpi ne, %convert_element_type3A_35, %cond3A_36 : i32
    scf.if %cond3A_37 {
      %scan3A = arith.constant 0 : i32
      %scan3A_56 = arith.constant 157 : i32
      %scan3A_57 = arith.addi %scan3A, %scan3A_56 : i32
      %scan3A_58 = arith.constant 1 : i32
      scf.for %scan3A_60 = %scan3A to %scan3A_57 step %scan3A_58  : i32 {
        %mul3A_61 = arith.constant 1 : i32
        %mul3A_62 = arith.muli %scan3A_60, %mul3A_61 : i32
        %add3A_63 = arith.constant 0 : i32
        %add3A_64 = arith.addi %add3A_63, %mul3A_62 : i32
        "tpu.region"() ({
          %run_scoped3A_221 = tpu.sem_alloc : memref<!tpu.dma_semaphore, #tpu.memory_space<semaphore_mem>>
          %dma_start3A = arith.constant 0 : i32
          %dma_start3A_222 = tpu.memref_slice %arg10[%add3A_64, %dma_start3A] : memref<157x128xi32, #tpu.memory_space<vmem>> -> memref<1x128xi32, #tpu.memory_space<vmem>>
          %dma_start3A_223 = tpu.memref_squeeze %dma_start3A_222 : memref<1x128xi32, #tpu.memory_space<vmem>> -> memref<128xi32, #tpu.memory_space<vmem>>
          %dma_start3A_224 = arith.constant 0 : i32
          %dma_start3A_225 = arith.constant 0 : i32
          %dma_start3A_226 = tpu.memref_slice %arg3[%dma_start3A_224, %dma_start3A_225] : memref<10000x128xf32, #tpu.memory_space<hbm>> -> memref<10000x128xf32, #tpu.memory_space<hbm>>
          tpu.enqueue_indirect_dma source(%dma_start3A_226 : memref<10000x128xf32, #tpu.memory_space<hbm>>) target(%arg14 : memref<128x128xf32, #tpu.memory_space<vmem>>) offsets(%dma_start3A_223 : memref<128xi32, #tpu.memory_space<vmem>>) semaphore(%run_scoped3A_221 : memref<!tpu.dma_semaphore, #tpu.memory_space<semaphore_mem>>)
          %dma_wait3A = arith.constant 0 : i32
          %dma_wait3A_227 = tpu.memref_slice %arg10[%add3A_64, %dma_wait3A] : memref<157x128xi32, #tpu.memory_space<vmem>> -> memref<1x128xi32, #tpu.memory_space<vmem>>
          %dma_wait3A_228 = tpu.memref_squeeze %dma_wait3A_227 : memref<1x128xi32, #tpu.memory_space<vmem>> -> memref<128xi32, #tpu.memory_space<vmem>>
          %dma_wait3A_229 = arith.constant 0 : i32
          %dma_wait3A_230 = arith.constant 0 : i32
          %dma_wait3A_231 = tpu.memref_slice %arg3[%dma_wait3A_229, %dma_wait3A_230] : memref<10000x128xf32, #tpu.memory_space<hbm>> -> memref<10000x128xf32, #tpu.memory_space<hbm>>
          tpu.wait_indirect_dma semaphore(%run_scoped3A_221 : memref<!tpu.dma_semaphore, #tpu.memory_space<semaphore_mem>>) src(%dma_wait3A_231 : memref<10000x128xf32, #tpu.memory_space<hbm>>) dst(%arg14 : memref<128x128xf32, #tpu.memory_space<vmem>>)
          tpu.yield
        }) : () -> ()
        %get3A = arith.index_cast %add3A_64 : i32 to index
        %get3A_65 = arith.constant 0 : index
        %get3A_66 = tpu.vector_load %arg11[%get3A, %get3A_65] {strides = array<i32>} : memref<157x128xi32, #tpu.memory_space<vmem>>, vector<16xi32>,
        %sub3A = arith.constant 5120 : i32
        %sub3A_67 = vector.broadcast %sub3A : i32 to vector<16xi32>
        %sub3A_68 = arith.subi %get3A_66, %sub3A_67 : vector<16xi32>
        %ge3A = arith.constant 0 : i32
        %ge3A_69 = vector.broadcast %ge3A : i32 to vector<16xi32>
        %ge3A_70 = arith.cmpi sge, %sub3A_68, %ge3A_69 : vector<16xi32>
        %lt3A = arith.constant 5120 : i32
        %lt3A_71 = vector.broadcast %lt3A : i32 to vector<16xi32>
        %lt3A_72 = arith.cmpi slt, %sub3A_68, %lt3A_71 : vector<16xi32>
        %and3A = arith.andi %ge3A_70, %lt3A_72 : vector<16xi1>
        %jit3A = arith.constant 5120 : i32
        %broadcast_in_dim3A = vector.broadcast %jit3A : i32 to vector<16xi32>
        %select_n3A = arith.select %and3A, %sub3A_68, %broadcast_in_dim3A : vector<16xi1>, vector<16xi32>
        %swap3A = arith.constant 0 : i32
        %swap3A_73 = arith.index_cast %swap3A : i32 to index
        %swap3A_74 = arith.constant 0 : index
        %swap3A_75 = tpu.vector_load %arg13[%swap3A_73, %swap3A_74] {strides = array<i32>} : memref<1x128xi32, #tpu.memory_space<vmem>>, vector<16xi32>,
        tpu.vector_store %arg13[%swap3A_73, %swap3A_74], %select_n3A {strides = array<i32>} : memref<1x128xi32, #tpu.memory_space<vmem>>, vector<16xi32>,
        %get3A_76 = arith.index_cast %add3A_64 : i32 to index
        %get3A_77 = arith.constant 16 : index
        %get3A_78 = tpu.vector_load %arg11[%get3A_76, %get3A_77] {strides = array<i32>} : memref<157x128xi32, #tpu.memory_space<vmem>>, vector<16xi32>,
        %sub3A_79 = arith.constant 5120 : i32
        %sub3A_80 = vector.broadcast %sub3A_79 : i32 to vector<16xi32>
        %sub3A_81 = arith.subi %get3A_78, %sub3A_80 : vector<16xi32>
        %ge3A_82 = arith.constant 0 : i32
        %ge3A_83 = vector.broadcast %ge3A_82 : i32 to vector<16xi32>
        %ge3A_84 = arith.cmpi sge, %sub3A_81, %ge3A_83 : vector<16xi32>
        %lt3A_85 = arith.constant 5120 : i32
        %lt3A_86 = vector.broadcast %lt3A_85 : i32 to vector<16xi32>
        %lt3A_87 = arith.cmpi slt, %sub3A_81, %lt3A_86 : vector<16xi32>
        %and3A_88 = arith.andi %ge3A_84, %lt3A_87 : vector<16xi1>
        %jit3A_89 = arith.constant 5120 : i32
        %broadcast_in_dim3A_90 = vector.broadcast %jit3A_89 : i32 to vector<16xi32>
        %select_n3A_91 = arith.select %and3A_88, %sub3A_81, %broadcast_in_dim3A_90 : vector<16xi1>, vector<16xi32>
        %swap3A_92 = arith.constant 0 : i32
        %swap3A_93 = arith.index_cast %swap3A_92 : i32 to index
        %swap3A_94 = arith.constant 16 : index
        %swap3A_95 = tpu.vector_load %arg13[%swap3A_93, %swap3A_94] {strides = array<i32>} : memref<1x128xi32, #tpu.memory_space<vmem>>, vector<16xi32>,
        tpu.vector_store %arg13[%swap3A_93, %swap3A_94], %select_n3A_91 {strides = array<i32>} : memref<1x128xi32, #tpu.memory_space<vmem>>, vector<16xi32>,
        %get3A_96 = arith.index_cast %add3A_64 : i32 to index
        %get3A_97 = arith.constant 32 : index
        %get3A_98 = tpu.vector_load %arg11[%get3A_96, %get3A_97] {strides = array<i32>} : memref<157x128xi32, #tpu.memory_space<vmem>>, vector<16xi32>,
        %sub3A_99 = arith.constant 5120 : i32
        %sub3A_100 = vector.broadcast %sub3A_99 : i32 to vector<16xi32>
        %sub3A_101 = arith.subi %get3A_98, %sub3A_100 : vector<16xi32>
        %ge3A_102 = arith.constant 0 : i32
        %ge3A_103 = vector.broadcast %ge3A_102 : i32 to vector<16xi32>
        %ge3A_104 = arith.cmpi sge, %sub3A_101, %ge3A_103 : vector<16xi32>
        %lt3A_105 = arith.constant 5120 : i32
        %lt3A_106 = vector.broadcast %lt3A_105 : i32 to vector<16xi32>
        %lt3A_107 = arith.cmpi slt, %sub3A_101, %lt3A_106 : vector<16xi32>
        %and3A_108 = arith.andi %ge3A_104, %lt3A_107 : vector<16xi1>
        %jit3A_109 = arith.constant 5120 : i32
        %broadcast_in_dim3A_110 = vector.broadcast %jit3A_109 : i32 to vector<16xi32>
        %select_n3A_111 = arith.select %and3A_108, %sub3A_101, %broadcast_in_dim3A_110 : vector<16xi1>, vector<16xi32>
        %swap3A_112 = arith.constant 0 : i32
        %swap3A_113 = arith.index_cast %swap3A_112 : i32 to index
        %swap3A_114 = arith.constant 32 : index
        %swap3A_115 = tpu.vector_load %arg13[%swap3A_113, %swap3A_114] {strides = array<i32>} : memref<1x128xi32, #tpu.memory_space<vmem>>, vector<16xi32>,
        tpu.vector_store %arg13[%swap3A_113, %swap3A_114], %select_n3A_111 {strides = array<i32>} : memref<1x128xi32, #tpu.memory_space<vmem>>, vector<16xi32>,
        %get3A_116 = arith.index_cast %add3A_64 : i32 to index
        %get3A_117 = arith.constant 48 : index
        %get3A_118 = tpu.vector_load %arg11[%get3A_116, %get3A_117] {strides = array<i32>} : memref<157x128xi32, #tpu.memory_space<vmem>>, vector<16xi32>,
        %sub3A_119 = arith.constant 5120 : i32
        %sub3A_120 = vector.broadcast %sub3A_119 : i32 to vector<16xi32>
        %sub3A_121 = arith.subi %get3A_118, %sub3A_120 : vector<16xi32>
        %ge3A_122 = arith.constant 0 : i32
        %ge3A_123 = vector.broadcast %ge3A_122 : i32 to vector<16xi32>
        %ge3A_124 = arith.cmpi sge, %sub3A_121, %ge3A_123 : vector<16xi32>
        %lt3A_125 = arith.constant 5120 : i32
        %lt3A_126 = vector.broadcast %lt3A_125 : i32 to vector<16xi32>
        %lt3A_127 = arith.cmpi slt, %sub3A_121, %lt3A_126 : vector<16xi32>
        %and3A_128 = arith.andi %ge3A_124, %lt3A_127 : vector<16xi1>
        %jit3A_129 = arith.constant 5120 : i32
        %broadcast_in_dim3A_130 = vector.broadcast %jit3A_129 : i32 to vector<16xi32>
        %select_n3A_131 = arith.select %and3A_128, %sub3A_121, %broadcast_in_dim3A_130 : vector<16xi1>, vector<16xi32>
        %swap3A_132 = arith.constant 0 : i32
        %swap3A_133 = arith.index_cast %swap3A_132 : i32 to index
        %swap3A_134 = arith.constant 48 : index
        %swap3A_135 = tpu.vector_load %arg13[%swap3A_133, %swap3A_134] {strides = array<i32>} : memref<1x128xi32, #tpu.memory_space<vmem>>, vector<16xi32>,
        tpu.vector_store %arg13[%swap3A_133, %swap3A_134], %select_n3A_131 {strides = array<i32>} : memref<1x128xi32, #tpu.memory_space<vmem>>, vector<16xi32>,
        %get3A_136 = arith.index_cast %add3A_64 : i32 to index
        %get3A_137 = arith.constant 64 : index
        %get3A_138 = tpu.vector_load %arg11[%get3A_136, %get3A_137] {strides = array<i32>} : memref<157x128xi32, #tpu.memory_space<vmem>>, vector<16xi32>,
        %sub3A_139 = arith.constant 5120 : i32
        %sub3A_140 = vector.broadcast %sub3A_139 : i32 to vector<16xi32>
        %sub3A_141 = arith.subi %get3A_138, %sub3A_140 : vector<16xi32>
        %ge3A_142 = arith.constant 0 : i32
        %ge3A_143 = vector.broadcast %ge3A_142 : i32 to vector<16xi32>
        %ge3A_144 = arith.cmpi sge, %sub3A_141, %ge3A_143 : vector<16xi32>
        %lt3A_145 = arith.constant 5120 : i32
        %lt3A_146 = vector.broadcast %lt3A_145 : i32 to vector<16xi32>
        %lt3A_147 = arith.cmpi slt, %sub3A_141, %lt3A_146 : vector<16xi32>
        %and3A_148 = arith.andi %ge3A_144, %lt3A_147 : vector<16xi1>
        %jit3A_149 = arith.constant 5120 : i32
        %broadcast_in_dim3A_150 = vector.broadcast %jit3A_149 : i32 to vector<16xi32>
        %select_n3A_151 = arith.select %and3A_148, %sub3A_141, %broadcast_in_dim3A_150 : vector<16xi1>, vector<16xi32>
        %swap3A_152 = arith.constant 0 : i32
        %swap3A_153 = arith.index_cast %swap3A_152 : i32 to index
        %swap3A_154 = arith.constant 64 : index
        %swap3A_155 = tpu.vector_load %arg13[%swap3A_153, %swap3A_154] {strides = array<i32>} : memref<1x128xi32, #tpu.memory_space<vmem>>, vector<16xi32>,
        tpu.vector_store %arg13[%swap3A_153, %swap3A_154], %select_n3A_151 {strides = array<i32>} : memref<1x128xi32, #tpu.memory_space<vmem>>, vector<16xi32>,
        %get3A_156 = arith.index_cast %add3A_64 : i32 to index
        %get3A_157 = arith.constant 80 : index
        %get3A_158 = tpu.vector_load %arg11[%get3A_156, %get3A_157] {strides = array<i32>} : memref<157x128xi32, #tpu.memory_space<vmem>>, vector<16xi32>,
        %sub3A_159 = arith.constant 5120 : i32
        %sub3A_160 = vector.broadcast %sub3A_159 : i32 to vector<16xi32>
        %sub3A_161 = arith.subi %get3A_158, %sub3A_160 : vector<16xi32>
        %ge3A_162 = arith.constant 0 : i32
        %ge3A_163 = vector.broadcast %ge3A_162 : i32 to vector<16xi32>
        %ge3A_164 = arith.cmpi sge, %sub3A_161, %ge3A_163 : vector<16xi32>
        %lt3A_165 = arith.constant 5120 : i32
        %lt3A_166 = vector.broadcast %lt3A_165 : i32 to vector<16xi32>
        %lt3A_167 = arith.cmpi slt, %sub3A_161, %lt3A_166 : vector<16xi32>
        %and3A_168 = arith.andi %ge3A_164, %lt3A_167 : vector<16xi1>
        %jit3A_169 = arith.constant 5120 : i32
        %broadcast_in_dim3A_170 = vector.broadcast %jit3A_169 : i32 to vector<16xi32>
        %select_n3A_171 = arith.select %and3A_168, %sub3A_161, %broadcast_in_dim3A_170 : vector<16xi1>, vector<16xi32>
        %swap3A_172 = arith.constant 0 : i32
        %swap3A_173 = arith.index_cast %swap3A_172 : i32 to index
        %swap3A_174 = arith.constant 80 : index
        %swap3A_175 = tpu.vector_load %arg13[%swap3A_173, %swap3A_174] {strides = array<i32>} : memref<1x128xi32, #tpu.memory_space<vmem>>, vector<16xi32>,
        tpu.vector_store %arg13[%swap3A_173, %swap3A_174], %select_n3A_171 {strides = array<i32>} : memref<1x128xi32, #tpu.memory_space<vmem>>, vector<16xi32>,
        %get3A_176 = arith.index_cast %add3A_64 : i32 to index
        %get3A_177 = arith.constant 96 : index
        %get3A_178 = tpu.vector_load %arg11[%get3A_176, %get3A_177] {strides = array<i32>} : memref<157x128xi32, #tpu.memory_space<vmem>>, vector<16xi32>,
        %sub3A_179 = arith.constant 5120 : i32
        %sub3A_180 = vector.broadcast %sub3A_179 : i32 to vector<16xi32>
        %sub3A_181 = arith.subi %get3A_178, %sub3A_180 : vector<16xi32>
        %ge3A_182 = arith.constant 0 : i32
        %ge3A_183 = vector.broadcast %ge3A_182 : i32 to vector<16xi32>
        %ge3A_184 = arith.cmpi sge, %sub3A_181, %ge3A_183 : vector<16xi32>
        %lt3A_185 = arith.constant 5120 : i32
        %lt3A_186 = vector.broadcast %lt3A_185 : i32 to vector<16xi32>
        %lt3A_187 = arith.cmpi slt, %sub3A_181, %lt3A_186 : vector<16xi32>
        %and3A_188 = arith.andi %ge3A_184, %lt3A_187 : vector<16xi1>
        %jit3A_189 = arith.constant 5120 : i32
        %broadcast_in_dim3A_190 = vector.broadcast %jit3A_189 : i32 to vector<16xi32>
        %select_n3A_191 = arith.select %and3A_188, %sub3A_181, %broadcast_in_dim3A_190 : vector<16xi1>, vector<16xi32>
        %swap3A_192 = arith.constant 0 : i32
        %swap3A_193 = arith.index_cast %swap3A_192 : i32 to index
        %swap3A_194 = arith.constant 96 : index
        %swap3A_195 = tpu.vector_load %arg13[%swap3A_193, %swap3A_194] {strides = array<i32>} : memref<1x128xi32, #tpu.memory_space<vmem>>, vector<16xi32>,
        tpu.vector_store %arg13[%swap3A_193, %swap3A_194], %select_n3A_191 {strides = array<i32>} : memref<1x128xi32, #tpu.memory_space<vmem>>, vector<16xi32>,
        %get3A_196 = arith.index_cast %add3A_64 : i32 to index
        %get3A_197 = arith.constant 112 : index
        %get3A_198 = tpu.vector_load %arg11[%get3A_196, %get3A_197] {strides = array<i32>} : memref<157x128xi32, #tpu.memory_space<vmem>>, vector<16xi32>,
        %sub3A_199 = arith.constant 5120 : i32
        %sub3A_200 = vector.broadcast %sub3A_199 : i32 to vector<16xi32>
        %sub3A_201 = arith.subi %get3A_198, %sub3A_200 : vector<16xi32>
        %ge3A_202 = arith.constant 0 : i32
        %ge3A_203 = vector.broadcast %ge3A_202 : i32 to vector<16xi32>
        %ge3A_204 = arith.cmpi sge, %sub3A_201, %ge3A_203 : vector<16xi32>
        %lt3A_205 = arith.constant 5120 : i32
        %lt3A_206 = vector.broadcast %lt3A_205 : i32 to vector<16xi32>
        %lt3A_207 = arith.cmpi slt, %sub3A_201, %lt3A_206 : vector<16xi32>
        %and3A_208 = arith.andi %ge3A_204, %lt3A_207 : vector<16xi1>
        %jit3A_209 = arith.constant 5120 : i32
        %broadcast_in_dim3A_210 = vector.broadcast %jit3A_209 : i32 to vector<16xi32>
        %select_n3A_211 = arith.select %and3A_208, %sub3A_201, %broadcast_in_dim3A_210 : vector<16xi1>, vector<16xi32>
        %swap3A_212 = arith.constant 0 : i32
        %swap3A_213 = arith.index_cast %swap3A_212 : i32 to index
        %swap3A_214 = arith.constant 112 : index
        %swap3A_215 = tpu.vector_load %arg13[%swap3A_213, %swap3A_214] {strides = array<i32>} : memref<1x128xi32, #tpu.memory_space<vmem>>, vector<16xi32>,
        tpu.vector_store %arg13[%swap3A_213, %swap3A_214], %select_n3A_211 {strides = array<i32>} : memref<1x128xi32, #tpu.memory_space<vmem>>, vector<16xi32>,
        %scan3A_216 = arith.constant 0 : i32
        %scan3A_217 = arith.constant 128 : i32
        %scan3A_218 = arith.addi %scan3A_216, %scan3A_217 : i32
        %scan3A_219 = arith.constant 1 : i32
        scf.for %scan3A_221 = %scan3A_216 to %scan3A_218 step %scan3A_219  : i32 {
          %mul3A_222 = arith.constant 1 : i32
          %mul3A_223 = arith.muli %scan3A_221, %mul3A_222 : i32
          %add3A_224 = arith.constant 0 : i32
          %add3A_225 = arith.addi %add3A_224, %mul3A_223 : i32
          %broadcast_in_dim3A_226 = vector.broadcast %add3A_64 : i32 to vector<16xi32>
          %broadcast_in_dim3A_227 = vector.broadcast %add3A_225 : i32 to vector<16xi32>
          %gather3A = tpu.vector_load_idx %arg12[%broadcast_in_dim3A_226, %broadcast_in_dim3A_227] : memref<157x128xf32, #tpu.memory_space<vmem>>[vector<16xi32>, vector<16xi32>], vector<16xf32>,
          %get3A_228 = arith.index_cast %add3A_225 : i32 to index
          %get3A_229 = arith.constant 0 : index
          %get3A_230 = tpu.vector_load %arg14[%get3A_228, %get3A_229] {strides = array<i32>} : memref<128x128xf32, #tpu.memory_space<vmem>>, vector<16xf32>,
          %mul3A_231 = arith.mulf %get3A_230, %gather3A : vector<16xf32>
          %swap3A_232 = arith.index_cast %add3A_225 : i32 to index
          %swap3A_233 = arith.constant 0 : index
          %swap3A_234 = tpu.vector_load %arg14[%swap3A_232, %swap3A_233] {strides = array<i32>} : memref<128x128xf32, #tpu.memory_space<vmem>>, vector<16xf32>,
          tpu.vector_store %arg14[%swap3A_232, %swap3A_233], %mul3A_231 {strides = array<i32>} : memref<128x128xf32, #tpu.memory_space<vmem>>, vector<16xf32>,
          %get3A_235 = arith.index_cast %add3A_225 : i32 to index
          %get3A_236 = arith.constant 16 : index
          %get3A_237 = tpu.vector_load %arg14[%get3A_235, %get3A_236] {strides = array<i32>} : memref<128x128xf32, #tpu.memory_space<vmem>>, vector<16xf32>,
          %mul3A_238 = arith.mulf %get3A_237, %gather3A : vector<16xf32>
          %swap3A_239 = arith.index_cast %add3A_225 : i32 to index
          %swap3A_240 = arith.constant 16 : index
          %swap3A_241 = tpu.vector_load %arg14[%swap3A_239, %swap3A_240] {strides = array<i32>} : memref<128x128xf32, #tpu.memory_space<vmem>>, vector<16xf32>,
          tpu.vector_store %arg14[%swap3A_239, %swap3A_240], %mul3A_238 {strides = array<i32>} : memref<128x128xf32, #tpu.memory_space<vmem>>, vector<16xf32>,
          %get3A_242 = arith.index_cast %add3A_225 : i32 to index
          %get3A_243 = arith.constant 32 : index
          %get3A_244 = tpu.vector_load %arg14[%get3A_242, %get3A_243] {strides = array<i32>} : memref<128x128xf32, #tpu.memory_space<vmem>>, vector<16xf32>,
          %mul3A_245 = arith.mulf %get3A_244, %gather3A : vector<16xf32>
          %swap3A_246 = arith.index_cast %add3A_225 : i32 to index
          %swap3A_247 = arith.constant 32 : index
          %swap3A_248 = tpu.vector_load %arg14[%swap3A_246, %swap3A_247] {strides = array<i32>} : memref<128x128xf32, #tpu.memory_space<vmem>>, vector<16xf32>,
          tpu.vector_store %arg14[%swap3A_246, %swap3A_247], %mul3A_245 {strides = array<i32>} : memref<128x128xf32, #tpu.memory_space<vmem>>, vector<16xf32>,
          %get3A_249 = arith.index_cast %add3A_225 : i32 to index
          %get3A_250 = arith.constant 48 : index
          %get3A_251 = tpu.vector_load %arg14[%get3A_249, %get3A_250] {strides = array<i32>} : memref<128x128xf32, #tpu.memory_space<vmem>>, vector<16xf32>,
          %mul3A_252 = arith.mulf %get3A_251, %gather3A : vector<16xf32>
          %swap3A_253 = arith.index_cast %add3A_225 : i32 to index
          %swap3A_254 = arith.constant 48 : index
          %swap3A_255 = tpu.vector_load %arg14[%swap3A_253, %swap3A_254] {strides = array<i32>} : memref<128x128xf32, #tpu.memory_space<vmem>>, vector<16xf32>,
          tpu.vector_store %arg14[%swap3A_253, %swap3A_254], %mul3A_252 {strides = array<i32>} : memref<128x128xf32, #tpu.memory_space<vmem>>, vector<16xf32>,
          %get3A_256 = arith.index_cast %add3A_225 : i32 to index
          %get3A_257 = arith.constant 64 : index
          %get3A_258 = tpu.vector_load %arg14[%get3A_256, %get3A_257] {strides = array<i32>} : memref<128x128xf32, #tpu.memory_space<vmem>>, vector<16xf32>,
          %mul3A_259 = arith.mulf %get3A_258, %gather3A : vector<16xf32>
          %swap3A_260 = arith.index_cast %add3A_225 : i32 to index
          %swap3A_261 = arith.constant 64 : index
          %swap3A_262 = tpu.vector_load %arg14[%swap3A_260, %swap3A_261] {strides = array<i32>} : memref<128x128xf32, #tpu.memory_space<vmem>>, vector<16xf32>,
          tpu.vector_store %arg14[%swap3A_260, %swap3A_261], %mul3A_259 {strides = array<i32>} : memref<128x128xf32, #tpu.memory_space<vmem>>, vector<16xf32>,
          %get3A_263 = arith.index_cast %add3A_225 : i32 to index
          %get3A_264 = arith.constant 80 : index
          %get3A_265 = tpu.vector_load %arg14[%get3A_263, %get3A_264] {strides = array<i32>} : memref<128x128xf32, #tpu.memory_space<vmem>>, vector<16xf32>,
          %mul3A_266 = arith.mulf %get3A_265, %gather3A : vector<16xf32>
          %swap3A_267 = arith.index_cast %add3A_225 : i32 to index
          %swap3A_268 = arith.constant 80 : index
          %swap3A_269 = tpu.vector_load %arg14[%swap3A_267, %swap3A_268] {strides = array<i32>} : memref<128x128xf32, #tpu.memory_space<vmem>>, vector<16xf32>,
          tpu.vector_store %arg14[%swap3A_267, %swap3A_268], %mul3A_266 {strides = array<i32>} : memref<128x128xf32, #tpu.memory_space<vmem>>, vector<16xf32>,
          %get3A_270 = arith.index_cast %add3A_225 : i32 to index
          %get3A_271 = arith.constant 96 : index
          %get3A_272 = tpu.vector_load %arg14[%get3A_270, %get3A_271] {strides = array<i32>} : memref<128x128xf32, #tpu.memory_space<vmem>>, vector<16xf32>,
          %mul3A_273 = arith.mulf %get3A_272, %gather3A : vector<16xf32>
          %swap3A_274 = arith.index_cast %add3A_225 : i32 to index
          %swap3A_275 = arith.constant 96 : index
          %swap3A_276 = tpu.vector_load %arg14[%swap3A_274, %swap3A_275] {strides = array<i32>} : memref<128x128xf32, #tpu.memory_space<vmem>>, vector<16xf32>,
          tpu.vector_store %arg14[%swap3A_274, %swap3A_275], %mul3A_273 {strides = array<i32>} : memref<128x128xf32, #tpu.memory_space<vmem>>, vector<16xf32>,
          %get3A_277 = arith.index_cast %add3A_225 : i32 to index
          %get3A_278 = arith.constant 112 : index
          %get3A_279 = tpu.vector_load %arg14[%get3A_277, %get3A_278] {strides = array<i32>} : memref<128x128xf32, #tpu.memory_space<vmem>>, vector<16xf32>,
          %mul3A_280 = arith.mulf %get3A_279, %gather3A : vector<16xf32>
          %swap3A_281 = arith.index_cast %add3A_225 : i32 to index
          %swap3A_282 = arith.constant 112 : index
          %swap3A_283 = tpu.vector_load %arg14[%swap3A_281, %swap3A_282] {strides = array<i32>} : memref<128x128xf32, #tpu.memory_space<vmem>>, vector<16xf32>,
          tpu.vector_store %arg14[%swap3A_281, %swap3A_282], %mul3A_280 {strides = array<i32>} : memref<128x128xf32, #tpu.memory_space<vmem>>, vector<16xf32>,
        }
        %scan3A_220 = arith.constant 128 : i32
        %run_scoped3A = arith.constant 0 : i32
        "tpu.region"() ({
          %run_scoped3A_221 = tpu.sem_alloc : memref<!tpu.dma_semaphore, #tpu.memory_space<semaphore_mem>>
          %dma_start3A = arith.constant 0 : i32
          %dma_start3A_222 = tpu.memref_slice %arg13[%run_scoped3A, %dma_start3A] : memref<1x128xi32, #tpu.memory_space<vmem>> -> memref<1x128xi32, #tpu.memory_space<vmem>>
          %dma_start3A_223 = tpu.memref_squeeze %dma_start3A_222 : memref<1x128xi32, #tpu.memory_space<vmem>> -> memref<128xi32, #tpu.memory_space<vmem>>
          %dma_start3A_224 = arith.constant 0 : i32
          %dma_start3A_225 = arith.constant 0 : i32
          %dma_start3A_226 = tpu.memref_slice %arg15[%dma_start3A_224, %dma_start3A_225] : memref<5248x128xf32, #tpu.memory_space<vmem_shared>> -> memref<5248x128xf32, #tpu.memory_space<vmem_shared>>
          tpu.enqueue_indirect_dma source(%arg14 : memref<128x128xf32, #tpu.memory_space<vmem>>) target(%dma_start3A_226 : memref<5248x128xf32, #tpu.memory_space<vmem_shared>>) offsets(%dma_start3A_223 : memref<128xi32, #tpu.memory_space<vmem>>) semaphore(%run_scoped3A_221 : memref<!tpu.dma_semaphore, #tpu.memory_space<semaphore_mem>>) {add = true}
          %dma_wait3A = arith.constant 0 : i32
          %dma_wait3A_227 = tpu.memref_slice %arg13[%run_scoped3A, %dma_wait3A] : memref<1x128xi32, #tpu.memory_space<vmem>> -> memref<1x128xi32, #tpu.memory_space<vmem>>
          %dma_wait3A_228 = tpu.memref_squeeze %dma_wait3A_227 : memref<1x128xi32, #tpu.memory_space<vmem>> -> memref<128xi32, #tpu.memory_space<vmem>>
          %dma_wait3A_229 = arith.constant 0 : i32
          %dma_wait3A_230 = arith.constant 0 : i32
          %dma_wait3A_231 = tpu.memref_slice %arg15[%dma_wait3A_229, %dma_wait3A_230] : memref<5248x128xf32, #tpu.memory_space<vmem_shared>> -> memref<5248x128xf32, #tpu.memory_space<vmem_shared>>
          tpu.wait_indirect_dma semaphore(%run_scoped3A_221 : memref<!tpu.dma_semaphore, #tpu.memory_space<semaphore_mem>>) src(%arg14 : memref<128x128xf32, #tpu.memory_space<vmem>>) dst(%dma_wait3A_231 : memref<5248x128xf32, #tpu.memory_space<vmem_shared>>)
          tpu.yield
        }) : () -> ()
      }
      %scan3A_59 = arith.constant 157 : i32
    } else {
    }
    %barrier3A_38 = arith.constant 0 : index
    tpu.barrier barrier_id(%barrier3A_38)
    %mul3A_39 = arith.constant 320 : i32
    %mul3A_40 = arith.muli %arg1, %mul3A_39 : i32
    %mul3A_41 = arith.constant 320 : i32
    %mul3A_42 = arith.muli %arg1, %mul3A_41 : i32
    %add3A_43 = arith.constant 5120 : i32
    %add3A_44 = arith.addi %add3A_43, %mul3A_42 : i32
    %eq3A_45 = arith.constant 0 : i32
    %eq3A_46 = arith.cmpi eq, %arg0, %eq3A_45 : i32
    %convert_element_type3A_47 = arith.extui %eq3A_46 : i1 to i32
    %cond3A_48 = arith.constant 0 : i32
    %cond3A_49 = arith.cmpi ne, %convert_element_type3A_47, %cond3A_48 : i32
    scf.if %cond3A_49 {
      "tpu.region"() ({
        %run_scoped3A = tpu.sem_alloc : memref<!tpu.dma_semaphore, #tpu.memory_space<semaphore_mem>>
        %dma_start3A = arith.constant 0 : i32
        %dma_start3A_56 = tpu.memref_slice %arg8[%add3A_44, %dma_start3A] : memref<10240x128xf32, #tpu.memory_space<hbm>> -> memref<320x128xf32, #tpu.memory_space<hbm>>
        %dma_start3A_57 = arith.constant 0 : i32
        %dma_start3A_58 = tpu.memref_slice %arg15[%mul3A_40, %dma_start3A_57] : memref<5248x128xf32, #tpu.memory_space<vmem_shared>> -> memref<320x128xf32, #tpu.memory_space<vmem_shared>>
        tpu.enqueue_dma source(%dma_start3A_58 : memref<320x128xf32, #tpu.memory_space<vmem_shared>>) target(%dma_start3A_56 : memref<320x128xf32, #tpu.memory_space<hbm>>) target_semaphore(%run_scoped3A : memref<!tpu.dma_semaphore, #tpu.memory_space<semaphore_mem>>)
        %dma_wait3A = arith.constant 0 : i32
        %dma_wait3A_59 = tpu.memref_slice %arg8[%add3A_44, %dma_wait3A] : memref<10240x128xf32, #tpu.memory_space<hbm>> -> memref<320x128xf32, #tpu.memory_space<hbm>>
        %dma_wait3A_60 = arith.constant 0 : i32
        %dma_wait3A_61 = tpu.memref_slice %arg15[%mul3A_40, %dma_wait3A_60] : memref<5248x128xf32, #tpu.memory_space<vmem_shared>> -> memref<320x128xf32, #tpu.memory_space<vmem_shared>>
        tpu.wait_dma2 semaphore(%run_scoped3A : memref<!tpu.dma_semaphore, #tpu.memory_space<semaphore_mem>>) src(%dma_wait3A_61 : memref<320x128xf32, #tpu.memory_space<vmem_shared>>) dst(%dma_wait3A_59 : memref<320x128xf32, #tpu.memory_space<hbm>>)
        tpu.yield
      }) : () -> ()
    } else {
    }
    %eq3A_50 = arith.constant 1 : i32
    %eq3A_51 = arith.cmpi eq, %arg0, %eq3A_50 : i32
    %convert_element_type3A_52 = arith.extui %eq3A_51 : i1 to i32
    %cond3A_53 = arith.constant 0 : i32
    %cond3A_54 = arith.cmpi ne, %convert_element_type3A_52, %cond3A_53 : i32
    scf.if %cond3A_54 {
      "tpu.region"() ({
        %run_scoped3A = tpu.sem_alloc : memref<!tpu.dma_semaphore, #tpu.memory_space<semaphore_mem>>
        %dma_start3A = arith.constant 0 : i32
        %dma_start3A_56 = tpu.memref_slice %arg9[%add3A_44, %dma_start3A] : memref<10240x128xf32, #tpu.memory_space<hbm>> -> memref<320x128xf32, #tpu.memory_space<hbm>>
        %dma_start3A_57 = arith.constant 0 : i32
        %dma_start3A_58 = tpu.memref_slice %arg15[%mul3A_40, %dma_start3A_57] : memref<5248x128xf32, #tpu.memory_space<vmem_shared>> -> memref<320x128xf32, #tpu.memory_space<vmem_shared>>
        tpu.enqueue_dma source(%dma_start3A_58 : memref<320x128xf32, #tpu.memory_space<vmem_shared>>) target(%dma_start3A_56 : memref<320x128xf32, #tpu.memory_space<hbm>>) target_semaphore(%run_scoped3A : memref<!tpu.dma_semaphore, #tpu.memory_space<semaphore_mem>>)
        %dma_wait3A = arith.constant 0 : i32
        %dma_wait3A_59 = tpu.memref_slice %arg9[%add3A_44, %dma_wait3A] : memref<10240x128xf32, #tpu.memory_space<hbm>> -> memref<320x128xf32, #tpu.memory_space<hbm>>
        %dma_wait3A_60 = arith.constant 0 : i32
        %dma_wait3A_61 = tpu.memref_slice %arg15[%mul3A_40, %dma_wait3A_60] : memref<5248x128xf32, #tpu.memory_space<vmem_shared>> -> memref<320x128xf32, #tpu.memory_space<vmem_shared>>
        tpu.wait_dma2 semaphore(%run_scoped3A : memref<!tpu.dma_semaphore, #tpu.memory_space<semaphore_mem>>) src(%dma_wait3A_61 : memref<320x128xf32, #tpu.memory_space<vmem_shared>>) dst(%dma_wait3A_59 : memref<320x128xf32, #tpu.memory_space<hbm>>)
        tpu.yield
      }) : () -> ()
    } else {
    }
    %barrier3A_55 = arith.constant 0 : index
    tpu.barrier barrier_id(%barrier3A_55)
    return
  }
}

module attributes {stable_mosaic.version = 14 : i64} {
  func.func @body(%arg0: i32, %arg1: memref<2000x128xf32, #tpu.memory_space<vmem>>, %arg2: memref<128x128xf32, #tpu.memory_space<vmem>>, %arg3: memref<128x128xf32, #tpu.memory_space<vmem>>, %arg4: memref<2000x128xf32, #tpu.memory_space<vmem>>, %arg5: memref<2000x128xf32, #tpu.memory_space<vmem>>) attributes {dimension_semantics = [#tpu.dimension_semantics<arbitrary>], iteration_bounds = array<i64: 5>, scalar_prefetch = 0 : i64, scratch_operands = 0 : i64, tpu.core_type = #tpu.core_type<tc>, window_params = [{transform_indices = @transform_0, window_bounds = array<i64: 2000, 128>}, {pipeline_mode = #tpu.pipeline_mode<synchronous>, transform_indices = @transform_1, window_bounds = array<i64: 128, 128>}, {pipeline_mode = #tpu.pipeline_mode<synchronous>, transform_indices = @transform_2, window_bounds = array<i64: 128, 128>}, {transform_indices = @transform_3, window_bounds = array<i64: 2000, 128>}, {transform_indices = @transform_4, window_bounds = array<i64: 2000, 128>}]} {
    %get3A = arith.constant 0 : index
    %get3A_0 = arith.constant 0 : index
    %get3A_1 = vector.load %arg1[%get3A, %get3A_0] : memref<2000x128xf32, #tpu.memory_space<vmem>>, vector<2000x128xf32>
    %get3A_2 = arith.constant 0 : index
    %get3A_3 = arith.constant 0 : index
    %get3A_4 = vector.load %arg2[%get3A_2, %get3A_3] : memref<128x128xf32, #tpu.memory_space<vmem>>, vector<128x128xf32>
    %dot_general3A = arith.constant dense<0.000000e+00> : vector<2000x128xf32>
    %dot_general3A_5 = tpu.matmul %get3A_1, %get3A_4, %dot_general3A {dimension_numbers = #tpu.dot_dimension_numbers<[1], [0], [0], [1], [0, 0, 1, 1], [], []>, transpose_lhs_hint = false} : vector<2000x128xf32>, vector<128x128xf32>, vector<2000x128xf32> -> vector<2000x128xf32>
    %swap3A = arith.constant 0 : index
    %swap3A_6 = arith.constant 0 : index
    %swap3A_7 = vector.load %arg4[%swap3A, %swap3A_6] : memref<2000x128xf32, #tpu.memory_space<vmem>>, vector<2000x128xf32>
    tpu.vector_store %arg4[%swap3A, %swap3A_6], %dot_general3A_5 {strides = array<i32>} : memref<2000x128xf32, #tpu.memory_space<vmem>>, vector<2000x128xf32>,
    %get3A_8 = arith.constant 0 : index
    %get3A_9 = arith.constant 0 : index
    %get3A_10 = vector.load %arg3[%get3A_8, %get3A_9] : memref<128x128xf32, #tpu.memory_space<vmem>>, vector<128x128xf32>
    %dot_general3A_11 = arith.constant dense<0.000000e+00> : vector<2000x128xf32>
    %dot_general3A_12 = tpu.matmul %get3A_1, %get3A_10, %dot_general3A_11 {dimension_numbers = #tpu.dot_dimension_numbers<[1], [0], [0], [1], [0, 0, 1, 1], [], []>, transpose_lhs_hint = false} : vector<2000x128xf32>, vector<128x128xf32>, vector<2000x128xf32> -> vector<2000x128xf32>
    %swap3A_13 = arith.constant 0 : index
    %swap3A_14 = arith.constant 0 : index
    %swap3A_15 = vector.load %arg5[%swap3A_13, %swap3A_14] : memref<2000x128xf32, #tpu.memory_space<vmem>>, vector<2000x128xf32>
    tpu.vector_store %arg5[%swap3A_13, %swap3A_14], %dot_general3A_12 {strides = array<i32>} : memref<2000x128xf32, #tpu.memory_space<vmem>>, vector<2000x128xf32>,
    return
  }
  func.func @transform_0(%arg0: i32) -> (i32, i32) {
    %c0_i32 = arith.constant 0 : i32
    %c0_i32_0 = arith.constant 0 : i32
    return %arg0, %c0_i32 : i32, i32
  }
  func.func @transform_1(%arg0: i32) -> (i32, i32) {
    %c0_i32 = arith.constant 0 : i32
    %c0_i32_0 = arith.constant 0 : i32
    %c0_i32_1 = arith.constant 0 : i32
    return %c0_i32, %c0_i32_0 : i32, i32
  }
  func.func @transform_2(%arg0: i32) -> (i32, i32) {
    %c0_i32 = arith.constant 0 : i32
    %c0_i32_0 = arith.constant 0 : i32
    %c0_i32_1 = arith.constant 0 : i32
    return %c0_i32, %c0_i32_0 : i32, i32
  }
  func.func @transform_3(%arg0: i32) -> (i32, i32) {
    %c0_i32 = arith.constant 0 : i32
    %c0_i32_0 = arith.constant 0 : i32
    return %arg0, %c0_i32 : i32, i32
  }
  func.func @transform_4(%arg0: i32) -> (i32, i32) {
    %c0_i32 = arith.constant 0 : i32
    %c0_i32_0 = arith.constant 0 : i32
    return %arg0, %c0_i32 : i32, i32
  }
}

module attributes {stable_mosaic.version = 14 : i64} {
  func.func @body(%arg0: i32, %arg1: memref<2000x128xf32, #tpu.memory_space<vmem>>, %arg2: memref<2000x128xf32, #tpu.memory_space<vmem>>, %arg3: memref<2000x128xf32, #tpu.memory_space<vmem>>, %arg4: memref<2000x128xf32, #tpu.memory_space<vmem>>, %arg5: memref<128x256xf32, #tpu.memory_space<vmem>>, %arg6: memref<128x256xf32, #tpu.memory_space<vmem>>, %arg7: memref<128x256xf32, #tpu.memory_space<vmem>>, %arg8: memref<128x256xf32, #tpu.memory_space<vmem>>, %arg9: memref<1x256xf32, #tpu.memory_space<vmem>>, %arg10: memref<2000x128xf32, #tpu.memory_space<vmem>>, %arg11: memref<2000x128xf32, #tpu.memory_space<vmem>>) attributes {dimension_semantics = [#tpu.dimension_semantics<arbitrary>], iteration_bounds = array<i64: 5>, scalar_prefetch = 0 : i64, scratch_operands = 0 : i64, tpu.core_type = #tpu.core_type<tc>, window_params = [{transform_indices = @transform_0, window_bounds = array<i64: 2000, 128>}, {transform_indices = @transform_1, window_bounds = array<i64: 2000, 128>}, {transform_indices = @transform_2, window_bounds = array<i64: 2000, 128>}, {transform_indices = @transform_3, window_bounds = array<i64: 2000, 128>}, {pipeline_mode = #tpu.pipeline_mode<synchronous>, transform_indices = @transform_4, window_bounds = array<i64: 128, 256>}, {pipeline_mode = #tpu.pipeline_mode<synchronous>, transform_indices = @transform_5, window_bounds = array<i64: 128, 256>}, {pipeline_mode = #tpu.pipeline_mode<synchronous>, transform_indices = @transform_6, window_bounds = array<i64: 128, 256>}, {pipeline_mode = #tpu.pipeline_mode<synchronous>, transform_indices = @transform_7, window_bounds = array<i64: 128, 256>}, {pipeline_mode = #tpu.pipeline_mode<synchronous>, transform_indices = @transform_8, window_bounds = array<i64: 1, 256>}, {transform_indices = @transform_9, window_bounds = array<i64: 2000, 128>}, {transform_indices = @transform_10, window_bounds = array<i64: 2000, 128>}]} {
    %get3A = arith.constant 0 : index
    %get3A_0 = arith.constant 0 : index
    %get3A_1 = vector.load %arg1[%get3A, %get3A_0] : memref<2000x128xf32, #tpu.memory_space<vmem>>, vector<2000x128xf32>
    %get3A_2 = arith.constant 0 : index
    %get3A_3 = arith.constant 0 : index
    %get3A_4 = vector.load %arg5[%get3A_2, %get3A_3] : memref<128x256xf32, #tpu.memory_space<vmem>>, vector<128x256xf32>
    %dot_general3A = arith.constant dense<0.000000e+00> : vector<2000x256xf32>
    %dot_general3A_5 = tpu.matmul %get3A_1, %get3A_4, %dot_general3A {dimension_numbers = #tpu.dot_dimension_numbers<[1], [0], [0], [1], [0, 0, 1, 1], [], []>, transpose_lhs_hint = false} : vector<2000x128xf32>, vector<128x256xf32>, vector<2000x256xf32> -> vector<2000x256xf32>
    %get3A_6 = arith.constant 0 : index
    %get3A_7 = arith.constant 0 : index
    %get3A_8 = vector.load %arg2[%get3A_6, %get3A_7] : memref<2000x128xf32, #tpu.memory_space<vmem>>, vector<2000x128xf32>
    %get3A_9 = arith.constant 0 : index
    %get3A_10 = arith.constant 0 : index
    %get3A_11 = vector.load %arg6[%get3A_9, %get3A_10] : memref<128x256xf32, #tpu.memory_space<vmem>>, vector<128x256xf32>
    %dot_general3A_12 = arith.constant dense<0.000000e+00> : vector<2000x256xf32>
    %dot_general3A_13 = tpu.matmul %get3A_8, %get3A_11, %dot_general3A_12 {dimension_numbers = #tpu.dot_dimension_numbers<[1], [0], [0], [1], [0, 0, 1, 1], [], []>, transpose_lhs_hint = false} : vector<2000x128xf32>, vector<128x256xf32>, vector<2000x256xf32> -> vector<2000x256xf32>
    %add3A = arith.addf %dot_general3A_5, %dot_general3A_13 : vector<2000x256xf32>
    %get3A_14 = arith.constant 0 : index
    %get3A_15 = arith.constant 0 : index
    %get3A_16 = vector.load %arg3[%get3A_14, %get3A_15] : memref<2000x128xf32, #tpu.memory_space<vmem>>, vector<2000x128xf32>
    %get3A_17 = arith.constant 0 : index
    %get3A_18 = arith.constant 0 : index
    %get3A_19 = vector.load %arg7[%get3A_17, %get3A_18] : memref<128x256xf32, #tpu.memory_space<vmem>>, vector<128x256xf32>
    %dot_general3A_20 = arith.constant dense<0.000000e+00> : vector<2000x256xf32>
    %dot_general3A_21 = tpu.matmul %get3A_16, %get3A_19, %dot_general3A_20 {dimension_numbers = #tpu.dot_dimension_numbers<[1], [0], [0], [1], [0, 0, 1, 1], [], []>, transpose_lhs_hint = false} : vector<2000x128xf32>, vector<128x256xf32>, vector<2000x256xf32> -> vector<2000x256xf32>
    %add3A_22 = arith.addf %add3A, %dot_general3A_21 : vector<2000x256xf32>
    %get3A_23 = arith.constant 0 : index
    %get3A_24 = arith.constant 0 : index
    %get3A_25 = vector.load %arg4[%get3A_23, %get3A_24] : memref<2000x128xf32, #tpu.memory_space<vmem>>, vector<2000x128xf32>
    %get3A_26 = arith.constant 0 : index
    %get3A_27 = arith.constant 0 : index
    %get3A_28 = vector.load %arg8[%get3A_26, %get3A_27] : memref<128x256xf32, #tpu.memory_space<vmem>>, vector<128x256xf32>
    %dot_general3A_29 = arith.constant dense<0.000000e+00> : vector<2000x256xf32>
    %dot_general3A_30 = tpu.matmul %get3A_25, %get3A_28, %dot_general3A_29 {dimension_numbers = #tpu.dot_dimension_numbers<[1], [0], [0], [1], [0, 0, 1, 1], [], []>, transpose_lhs_hint = false} : vector<2000x128xf32>, vector<128x256xf32>, vector<2000x256xf32> -> vector<2000x256xf32>
    %add3A_31 = arith.addf %add3A_22, %dot_general3A_30 : vector<2000x256xf32>
    %get3A_32 = arith.constant 0 : index
    %get3A_33 = arith.constant 0 : index
    %get3A_34 = vector.load %arg9[%get3A_32, %get3A_33] : memref<1x256xf32, #tpu.memory_space<vmem>>, vector<1x256xf32>
    %add3A_35 = vector.broadcast %get3A_34 : vector<1x256xf32> to vector<2000x256xf32>
    %add3A_36 = arith.addf %add3A_31, %add3A_35 : vector<2000x256xf32>
    %max3A = arith.constant 0.000000e+00 : f32
    %max3A_37 = vector.broadcast %max3A : f32 to vector<2000x256xf32>
    %max3A_38 = arith.maximumf %add3A_36, %max3A_37 : vector<2000x256xf32>
    %get3A_39 = arith.constant 0 : index
    %get3A_40 = arith.constant 0 : index
    %get3A_41 = vector.load %arg1[%get3A_39, %get3A_40] : memref<2000x128xf32, #tpu.memory_space<vmem>>, vector<2000x128xf32>
    %slice3A = vector.extract_strided_slice %max3A_38 {offsets = [0, 0], sizes = [2000, 128], strides = [1, 1]} : vector<2000x256xf32> to vector<2000x128xf32>
    %add3A_42 = arith.addf %get3A_41, %slice3A : vector<2000x128xf32>
    %swap3A = arith.constant 0 : index
    %swap3A_43 = arith.constant 0 : index
    %swap3A_44 = vector.load %arg10[%swap3A, %swap3A_43] : memref<2000x128xf32, #tpu.memory_space<vmem>>, vector<2000x128xf32>
    tpu.vector_store %arg10[%swap3A, %swap3A_43], %add3A_42 {strides = array<i32>} : memref<2000x128xf32, #tpu.memory_space<vmem>>, vector<2000x128xf32>,
    %get3A_45 = arith.constant 0 : index
    %get3A_46 = arith.constant 0 : index
    %get3A_47 = vector.load %arg2[%get3A_45, %get3A_46] : memref<2000x128xf32, #tpu.memory_space<vmem>>, vector<2000x128xf32>
    %slice3A_48 = vector.extract_strided_slice %max3A_38 {offsets = [0, 128], sizes = [2000, 128], strides = [1, 1]} : vector<2000x256xf32> to vector<2000x128xf32>
    %add3A_49 = arith.addf %get3A_47, %slice3A_48 : vector<2000x128xf32>
    %swap3A_50 = arith.constant 0 : index
    %swap3A_51 = arith.constant 0 : index
    %swap3A_52 = vector.load %arg11[%swap3A_50, %swap3A_51] : memref<2000x128xf32, #tpu.memory_space<vmem>>, vector<2000x128xf32>
    tpu.vector_store %arg11[%swap3A_50, %swap3A_51], %add3A_49 {strides = array<i32>} : memref<2000x128xf32, #tpu.memory_space<vmem>>, vector<2000x128xf32>,
    return
  }
  func.func @transform_0(%arg0: i32) -> (i32, i32) {
    %c0_i32 = arith.constant 0 : i32
    %c0_i32_0 = arith.constant 0 : i32
    return %arg0, %c0_i32 : i32, i32
  }
  func.func @transform_1(%arg0: i32) -> (i32, i32) {
    %c0_i32 = arith.constant 0 : i32
    %c0_i32_0 = arith.constant 0 : i32
    return %arg0, %c0_i32 : i32, i32
  }
  func.func @transform_2(%arg0: i32) -> (i32, i32) {
    %c0_i32 = arith.constant 0 : i32
    %c0_i32_0 = arith.constant 0 : i32
    return %arg0, %c0_i32 : i32, i32
  }
  func.func @transform_3(%arg0: i32) -> (i32, i32) {
    %c0_i32 = arith.constant 0 : i32
    %c0_i32_0 = arith.constant 0 : i32
    return %arg0, %c0_i32 : i32, i32
  }
  func.func @transform_4(%arg0: i32) -> (i32, i32) {
    %c0_i32 = arith.constant 0 : i32
    %c0_i32_0 = arith.constant 0 : i32
    %c0_i32_1 = arith.constant 0 : i32
    return %c0_i32, %c0_i32_0 : i32, i32
  }
  func.func @transform_5(%arg0: i32) -> (i32, i32) {
    %c0_i32 = arith.constant 0 : i32
    %c0_i32_0 = arith.constant 0 : i32
    %c0_i32_1 = arith.constant 0 : i32
    return %c0_i32, %c0_i32_0 : i32, i32
  }
  func.func @transform_6(%arg0: i32) -> (i32, i32) {
    %c0_i32 = arith.constant 0 : i32
    %c0_i32_0 = arith.constant 0 : i32
    %c0_i32_1 = arith.constant 0 : i32
    return %c0_i32, %c0_i32_0 : i32, i32
  }
  func.func @transform_7(%arg0: i32) -> (i32, i32) {
    %c0_i32 = arith.constant 0 : i32
    %c0_i32_0 = arith.constant 0 : i32
    %c0_i32_1 = arith.constant 0 : i32
    return %c0_i32, %c0_i32_0 : i32, i32
  }
  func.func @transform_8(%arg0: i32) -> (i32, i32) {
    %c0_i32 = arith.constant 0 : i32
    %c0_i32_0 = arith.constant 0 : i32
    %c0_i32_1 = arith.constant 0 : i32
    return %c0_i32, %c0_i32_0 : i32, i32
  }
  func.func @transform_9(%arg0: i32) -> (i32, i32) {
    %c0_i32 = arith.constant 0 : i32
    %c0_i32_0 = arith.constant 0 : i32
    return %arg0, %c0_i32 : i32, i32
  }
  func.func @transform_10(%arg0: i32) -> (i32, i32) {
    %c0_i32 = arith.constant 0 : i32
    %c0_i32_0 = arith.constant 0 : i32
    return %arg0, %c0_i32 : i32, i32
  }
}

module attributes {stable_mosaic.version = 14 : i64} {
  func.func @body(%arg0: i32, %arg1: memref<2000x128xf32, #tpu.memory_space<vmem>>, %arg2: memref<2000x128xf32, #tpu.memory_space<vmem>>, %arg3: memref<128x128xf32, #tpu.memory_space<vmem>>, %arg4: memref<128x128xf32, #tpu.memory_space<vmem>>, %arg5: memref<2000x128xf32, #tpu.memory_space<vmem>>) attributes {dimension_semantics = [#tpu.dimension_semantics<arbitrary>], iteration_bounds = array<i64: 5>, scalar_prefetch = 0 : i64, scratch_operands = 0 : i64, tpu.core_type = #tpu.core_type<tc>, window_params = [{transform_indices = @transform_0, window_bounds = array<i64: 2000, 128>}, {transform_indices = @transform_1, window_bounds = array<i64: 2000, 128>}, {pipeline_mode = #tpu.pipeline_mode<synchronous>, transform_indices = @transform_2, window_bounds = array<i64: 128, 128>}, {pipeline_mode = #tpu.pipeline_mode<synchronous>, transform_indices = @transform_3, window_bounds = array<i64: 128, 128>}, {transform_indices = @transform_4, window_bounds = array<i64: 2000, 128>}]} {
    %get3A = arith.constant 0 : index
    %get3A_0 = arith.constant 0 : index
    %get3A_1 = vector.load %arg1[%get3A, %get3A_0] : memref<2000x128xf32, #tpu.memory_space<vmem>>, vector<2000x128xf32>
    %get3A_2 = arith.constant 0 : index
    %get3A_3 = arith.constant 0 : index
    %get3A_4 = vector.load %arg3[%get3A_2, %get3A_3] : memref<128x128xf32, #tpu.memory_space<vmem>>, vector<128x128xf32>
    %dot_general3A = arith.constant dense<0.000000e+00> : vector<2000x128xf32>
    %dot_general3A_5 = tpu.matmul %get3A_1, %get3A_4, %dot_general3A {dimension_numbers = #tpu.dot_dimension_numbers<[1], [0], [0], [1], [0, 0, 1, 1], [], []>, transpose_lhs_hint = false} : vector<2000x128xf32>, vector<128x128xf32>, vector<2000x128xf32> -> vector<2000x128xf32>
    %get3A_6 = arith.constant 0 : index
    %get3A_7 = arith.constant 0 : index
    %get3A_8 = vector.load %arg2[%get3A_6, %get3A_7] : memref<2000x128xf32, #tpu.memory_space<vmem>>, vector<2000x128xf32>
    %get3A_9 = arith.constant 0 : index
    %get3A_10 = arith.constant 0 : index
    %get3A_11 = vector.load %arg4[%get3A_9, %get3A_10] : memref<128x128xf32, #tpu.memory_space<vmem>>, vector<128x128xf32>
    %dot_general3A_12 = arith.constant dense<0.000000e+00> : vector<2000x128xf32>
    %dot_general3A_13 = tpu.matmul %get3A_8, %get3A_11, %dot_general3A_12 {dimension_numbers = #tpu.dot_dimension_numbers<[1], [0], [0], [1], [0, 0, 1, 1], [], []>, transpose_lhs_hint = false} : vector<2000x128xf32>, vector<128x128xf32>, vector<2000x128xf32> -> vector<2000x128xf32>
    %add3A = arith.addf %dot_general3A_5, %dot_general3A_13 : vector<2000x128xf32>
    %mul3A = arith.mulf %add3A, %add3A : vector<2000x128xf32>
    %reduce_sum3A = arith.constant dense<0.000000e+00> : vector<2000xf32>
    %reduce_sum3A_14 = vector.multi_reduction <add>, %mul3A, %reduce_sum3A [1] : vector<2000x128xf32> to vector<2000xf32>
    %broadcast_in_dim3A = vector.shape_cast %reduce_sum3A_14 : vector<2000xf32> to vector<2000x1xf32>
    %rsqrt3A = math.rsqrt %broadcast_in_dim3A : vector<2000x1xf32>
    %mul3A_15 = vector.broadcast %rsqrt3A : vector<2000x1xf32> to vector<2000x128xf32>
    %mul3A_16 = arith.mulf %add3A, %mul3A_15 : vector<2000x128xf32>
    %swap3A = arith.constant 0 : index
    %swap3A_17 = arith.constant 0 : index
    %swap3A_18 = vector.load %arg5[%swap3A, %swap3A_17] : memref<2000x128xf32, #tpu.memory_space<vmem>>, vector<2000x128xf32>
    tpu.vector_store %arg5[%swap3A, %swap3A_17], %mul3A_16 {strides = array<i32>} : memref<2000x128xf32, #tpu.memory_space<vmem>>, vector<2000x128xf32>,
    return
  }
  func.func @transform_0(%arg0: i32) -> (i32, i32) {
    %c0_i32 = arith.constant 0 : i32
    %c0_i32_0 = arith.constant 0 : i32
    return %arg0, %c0_i32 : i32, i32
  }
  func.func @transform_1(%arg0: i32) -> (i32, i32) {
    %c0_i32 = arith.constant 0 : i32
    %c0_i32_0 = arith.constant 0 : i32
    return %arg0, %c0_i32 : i32, i32
  }
  func.func @transform_2(%arg0: i32) -> (i32, i32) {
    %c0_i32 = arith.constant 0 : i32
    %c0_i32_0 = arith.constant 0 : i32
    %c0_i32_1 = arith.constant 0 : i32
    return %c0_i32, %c0_i32_0 : i32, i32
  }
  func.func @transform_3(%arg0: i32) -> (i32, i32) {
    %c0_i32 = arith.constant 0 : i32
    %c0_i32_0 = arith.constant 0 : i32
    %c0_i32_1 = arith.constant 0 : i32
    return %c0_i32, %c0_i32_0 : i32, i32
  }
  func.func @transform_4(%arg0: i32) -> (i32, i32) {
    %c0_i32 = arith.constant 0 : i32
    %c0_i32_0 = arith.constant 0 : i32
    return %arg0, %c0_i32 : i32, i32
  }
}

</mosaic_0001>

<sc_bundles>
// kernel: kernel.11.cloned.1.call-start
scs
__scs_entry_jumppad:
0x0: {  	(pc) =	sbr.rel $0x88, $3  }
0x1: {  	(tag) =	ssettag $0x0;
	lr =	simm.s32 $0x1  }
0x2: {  	[smem:$0x3F98] =	sst lr;
	_ =	strace $0xD0000000  }
0x3: {  	_ = 	snop  }
0x4: {  	_ = 	snop  }
0x5: {  	_ = 	snop  }
0x6: {  	_ = 	snop  }
0x7: {  	_ = 	snop  }
__scs_overlays_trampoline_lowered:
0x8: {  	[smem:$0x3FA7] =	sst s0  }
0x9: {  	[smem:$0x3FA8] =	sst s1  }
0xa: {  	[smem:$0x3FA9] =	sst s2  }
0xb: {  	[smem:$0x3FAA] =	sst s3  }
0xc: {  	[smem:$0x3FAB] =	sst s4  }
0xd: {  	[smem:$0x3FAC] =	sst s5  }
0xe: {  	[smem:$0x3FAD] =	sst s6  }
0xf: {  	[smem:$0x3FAE] =	sst s7  }
0x10: {  	[smem:$0x3FAF] =	sst s8  }
0x11: {  	[smem:$0x3FB0] =	sst s9;
	s0 =	simm.s32 @!p0 $0x0  }
0x12: {  	s1 =	sld [smem:$0x3F96];
	s0 =	simm.s32 @p0 $0x1  }
0x13: {  	[smem:$0x3FB1] =	sst s0;
	s0 =	simm.s32 @!p1 $0x0  }
0x14: {  	s2 =	sld [smem:$0x3F95];
	s0 =	simm.s32 @p1 $0x1  }
0x15: {  	[smem:$0x3FB2] =	sst s0;
	s0 =	simm.s32 @!p2 $0x0  }
0x16: {  	s3 =	sld [smem:$0x3FDB];
	s0 =	simm.s32 @p2 $0x1  }
0x17: {  	s4 =	simm.s32 $0x1BF5;
	[smem:$0x3FB4] =	sst s0  }
0x18: {  	s0 =	sld [smem:$0x3F97];
	_ =	swait.ge [sflag:s4], $0x0  }
0x19: {  	s7 =	sld [smem:$0x3F98]  }
0x1a: {  	s8 =	sadd.s32 $0xFFFFE003, lr  }
0x1b: {  	s9 =	sadd.s32 $0xFFFFFEF7, lr;
	s5 =	simm.s32 $0xFFFFFFFF;
	p2 =	slt.u32 s8, $0xFFFFF086  }
0x1c: {  	p1 =	slt.u32 s9, $0xF7A;
	s5 =	simm.s32 @!p2 $0x0  }
0x1d: {  	s5 =	simm.s32 @p1 $0x1;
	p0 =	seq.s32 s7, s2  }
0x1e: {  	s7 =	smul.u32 @!p0 $0xF7A, s2;
	p2 =	seq.s32 @!p0 s5, $0x0  }
0x1f: {  	s9 =	smul.u32 $0xF7A, s1;
	s8 =	simm.s32 @!p0 $0x1BF5;
	p2 =	por !p2, p0  }
0x20: {  	[sflag:s8] =	ssyncset.s32 @!p0 $0xFFFFF086;
	s6 =	sadd.s32 @!p0 s3, s7;
	s7 =	simm.s32 @!p0 $0x108  }
0x21: {  	s3 =	sadd.s32 s3, s9;
	s6 =	sadd.s32 @!p0 $0x88, s6;
	s7 =	simm.s32 @p2 $0x1082  }
0x22: {  	[simem:s7], [sflag:s8] =	dma.local @!p0 [hbm:s6], $0xF7A  }
0x23: {  	s9 =	sor.u32 $0xD0000000, s2;
	s6 =	simm.s32 $0x108;
	_ =	swait.ge @!p0 [sflag:s8], $0x0  }
0x24: {  	s3 =	sadd.s32 $0x88, s3;
	s6 =	simm.s32 @!p1 $0x1082;
	[sflag:s4] =	ssyncset.s32 $0xFFFFF086  }
0x25: {  	[simem:s6], [sflag:s4] =	dma.local [hbm:s3], $0xF7A  }
0x26: {  	[smem:$0x3F98] =	sst s1;
	(tag) =	ssettag s2;
	_ =	strace s9  }
0x27: {  	s1 =	sld [smem:$0x3FA8]  }
0x28: {  	s2 =	sld [smem:$0x3FA9]  }
0x29: {  	s4 =	sld [smem:$0x3FAB]  }
0x2a: {  	p0 =	seq.s32 s5, $0x0;
	s5 =	sld [smem:$0x3FAC]  }
0x2b: {  	s6 =	sld [smem:$0x3FAD]  }
0x2c: {  	s7 =	sld [smem:$0x3FAE]  }
0x2d: {  	s3 =	simm.s32 $0x108;
	s8 =	sld [smem:$0x3FAF]  }
0x2e: {  	s3 =	simm.s32 @!p0 $0x1082;
	s9 =	sld [smem:$0x3FB0]  }
0x2f: {  	lr =	sadd.s32 s0, s3;
	s0 =	sld [smem:$0x3FA7]  }
0x30: {  	s3 =	sld [smem:$0x3FAA]  }
0x31: {  	[smem:$0x3FB3] =	sst s10  }
0x32: {  	s10 =	sld [smem:$0x3FB1];
	_ =	sdelay $0x3  }
0x33: {  	p0 =	seq.s32 s10, $0x1;
	s10 =	sld [smem:$0x3FB3];
	_ =	sdelay $0x3  }
0x34: {  	[smem:$0x3FB3] =	sst s10  }
0x35: {  	s10 =	sld [smem:$0x3FB2];
	_ =	sdelay $0x3  }
0x36: {  	p1 =	seq.s32 s10, $0x1;
	s10 =	sld [smem:$0x3FB3];
	_ =	sdelay $0x3  }
0x37: {  	[smem:$0x3FB3] =	sst s10  }
0x38: {  	s10 =	sld [smem:$0x3FB4]  }
0x39: {  	_ = 	snop;
	(pc) =	sbr.ind lr, $3  }
0x3a: {  	_ = 	snop  }
0x3b: {  	_ = 	snop  }
0x3c: {  	p2 =	seq.s32 s10, $0x1;
	s10 =	sld [smem:$0x3FB3]  }
0x3d: {  	_ =	shalt  }
0x3e: {  	_ =	shalt  }
0x3f: {  	_ =	shalt  }
0x40: {  	_ =	shalt  }
0x41: {  	_ =	shalt  }
0x42: {  	_ =	shalt  }
0x43: {  	_ =	shalt  }
0x44: {  	_ =	shalt  }
0x45: {  	_ =	shalt  }
0x46: {  	_ =	shalt  }
0x47: {  	_ =	shalt  }
0x48: {  	_ =	shalt  }
0x49: {  	_ =	shalt  }
0x4a: {  	_ =	shalt  }
0x4b: {  	_ =	shalt  }
0x4c: {  	_ =	shalt  }
0x4d: {  	_ =	shalt  }
0x4e: {  	_ =	shalt  }
0x4f: {  	_ =	shalt  }
0x50: {  	_ =	shalt  }
0x51: {  	_ =	shalt  }
0x52: {  	_ =	shalt  }
0x53: {  	_ =	shalt  }
0x54: {  	_ =	shalt  }
0x55: {  	_ =	shalt  }
0x56: {  	_ =	shalt  }
0x57: {  	_ =	shalt  }
0x58: {  	_ =	shalt  }
0x59: {  	_ =	shalt  }
0x5a: {  	_ =	shalt  }
0x5b: {  	_ =	shalt  }
0x5c: {  	_ =	shalt  }
0x5d: {  	_ =	shalt  }
0x5e: {  	_ =	shalt  }
0x5f: {  	_ =	shalt  }
0x60: {  	_ =	shalt  }
0x61: {  	_ =	shalt  }
0x62: {  	_ =	shalt  }
0x63: {  	_ =	shalt  }
0x64: {  	_ =	shalt  }
0x65: {  	_ =	shalt  }
0x66: {  	_ =	shalt  }
0x67: {  	_ =	shalt  }
0x68: {  	_ =	shalt  }
0x69: {  	_ =	shalt  }
0x6a: {  	_ =	shalt  }
0x6b: {  	_ =	shalt  }
0x6c: {  	_ =	shalt  }
0x6d: {  	_ =	shalt  }
0x6e: {  	_ =	shalt  }
0x6f: {  	_ =	shalt  }
0x70: {  	_ =	shalt  }
0x71: {  	_ =	shalt  }
0x72: {  	_ =	shalt  }
0x73: {  	_ =	shalt  }
0x74: {  	_ =	shalt  }
0x75: {  	_ =	shalt  }
0x76: {  	_ =	shalt  }
0x77: {  	_ =	shalt  }
0x78: {  	_ =	shalt  }
0x79: {  	_ =	shalt  }
0x7a: {  	_ =	shalt  }
0x7b: {  	_ =	shalt  }
0x7c: {  	_ =	shalt  }
0x7d: {  	_ =	shalt  }
0x7e: {  	_ =	shalt  }
0x7f: {  	_ =	shalt  }
0x80: {  	_ =	shalt  }
0x81: {  	_ =	shalt  }
0x82: {  	_ =	shalt  }
0x83: {  	_ =	shalt  }
0x84: {  	_ =	shalt  }
0x85: {  	_ =	shalt  }
0x86: {  	_ =	shalt  }
0x87: {  	_ =	shalt  }
.Lfunc_end0:
.L_simem_size_0:
called_computation.1_lowered:
.L_overlay_start_0:
0x88: {  	s2 =	sld [smem:$0x3FD9]  }
0x89: {  	s3 =	sld [smem:$0x3FFE];
	_ =	sdelay $0x1  }
0x8a: {  	s1 =	srdreg.scid  }
0x8b: {  	s0 =	sand.u32 $0x1, s1  }
0x8c: {  	s17 =	sshll.u32 s0, $0xA;
	s2 =	sadd.s32 s3, s2  }
0x8d: {  	s2 =	sadd.s32 s2, s17  }
0x8e: {  	[smem:$0x3FBF] =	sst s2  }
0x8f: {  	_ = 	snop  }
0x90: {  	s2 =	sld [smem:$0x3FD0];
	(tm) =	ssettm $0x1  }
0x91: {  	s18 =	sld [smem:$0x3FFB];
	_ =	sdelay $0x3  }
0x92: {  	_ =	strace s18  }
0x93: {  	s3 =	sld [smem:$0x3FFC];
	_ =	sdelay $0x3  }
0x94: {  	_ =	strace s3  }
0x95: {  	s3 =	sld [smem:$0x3FFD];
	_ =	sdelay $0x3  }
0x96: {  	_ =	strace s3  }
0x97: {  	_ =	strace $0x8FFFFFFF  }
0x98: {  	s19 =	sld [smem:$0x3FDB];
	_ =	sdelay $0x1  }
0x99: {  	s4 =	simm.s32 $_scs_section_size  }
0x9a: {  	s5 =	simm.s32 $_size__tile_overlayer_lowered;
	s6 =	simm.s32 $_tile_overlayer_lowered  }
0x9b: {  	s22 =	simm.s32 $0x1BFF;
	s21 =	sshll.u32 s6, $0x1;
	s3 =	sadd.s32 s4, s19  }
0x9c: {  	s7 =	simm.s32 $0x0;
	s20 =	sshll.u32 s5, $0x1;
	s5 =	sadd.s32 s21, s3  }
0x9d: {  	[timem:s7], [sflag:s22] =	dma.local [hbm:s5], s20  }
0x9e: {  	_ =	swait.ge [sflag:s22], s20  }
0x9f: {  	s4 =	ssub.s32 $0x0, s20;
	[sflag:s22] =	ssyncset.done $0x0  }
0xa0: {  	[sflag:s22] =	ssyncadd.s32 s4;
	_ =	sdelay $0x1  }
0xa1: {  	s23 =	simm.s32 $0x1B8B  }
0xa2: {  	_ =	swait.ge [sflag:s23], $0x1  }
0xa3: {  	[sflag:s23] =	ssyncset.done $0x0  }
0xa4: {  	s25 =	simm.s32 $0x1B8E;
	s24 =	sld [smem:$0x3FFE];
	[sflag:s23] =	ssyncadd.s32 $0xFFFFFFFF  }
0xa5: {  	s26 =	simm.s32 $execute0_lowered;
	[smem:$0x3FD2] =	sst s25  }
0xa6: {  	s5 =	sshll.u32 s26, $0x1;
	_ =	strace $0x80000049;
	[dreg:$0x1] =	wrdreg $0xFFFFFFFF  }
0xa7: {  	s28 =	simm.s32 $_size_execute0_lowered;
	s3 =	sadd.s32 s3, s5;
	[dreg:$0x0] =	wrdreg $0x0  }
0xa8: {  	s5 =	sshll.u32 s28, $0x1;
	[dreg:$0x2] =	wrdreg s3  }
0xa9: {  	[dreg:$0x3] =	wrdreg s5  }
0xaa: {  	[dreg:$0x4] =	wrdreg $0xC0  }
0xab: {  	_ =	task [dreg:s7], $0x5FFFF  }
0xac: {  	[dreg:$0x1] =	wrdreg $0xFFFFFFFF  }
0xad: {  	[dreg:$0x0] =	wrdreg $0x60  }
0xae: {  	[dreg:$0x2] =	wrdreg s2  }
0xaf: {  	[dreg:$0x3] =	wrdreg s24  }
0xb0: {  	[dreg:$0x4] =	wrdreg $0x130800  }
0xb1: {  	[dreg:$0x5] =	wrdreg $0x9  }
0xb2: {  	_ =	task.clear_ibuf [dreg:s7], $0x6FFFF;
	_ =	strace $0x90000049  }
0xb3: {  	s29 =	simm.s32 $0x9;
	_ =	strace $0x8000004B  }
0xb4: {  	_ =	swait.ge [sflag:s29], $0x1  }
0xb5: {  	[sflag:s29] =	ssyncadd.s32 $0xFFFFFFFF  }
0xb6: {  	_ =	strace $0x9000004B  }
0xb7: {  	_ =	sfence  }
0xb8: {  	s30 =	sld [smem:$0x0];
	_ =	sdelay $0x2  }
0xb9: {  	s31 =	sshll.u32 s1, $0xD;
	s1 =	sshrl.u32 s1, $0x2  }
0xba: {  	s3 =	sand.u32 $0x4000, s31;
	s1 =	sadd.s32 s1, s30  }
0xbb: {  	s0 =	sor.u32 s3, s0;
	s1 =	sshll.u32 s1, $0x11  }
0xbc: {  	s0 =	sor.u32 s1, s0  }
0xbd: {  	s0 =	sadd.s32 $0x8F2B, s0  }
0xbe: {  	[sflag:s0] =	ssyncadd.remote.s32 $0x1  }
0xbf: {  	_ =	sfence.sel $0xFFFF  }
0xc0: {  	[dreg:$0x0] =	wrdreg $0xFFFFFFFF;
	(pc) =	sbr.abs _section_cstart, $3  }
0xc1: {  	[dreg:$0x1] =	wrdreg $0xFFFFFFFF  }
0xc2: {  	_ =	task.clear_ibuf [dreg:s7], $0x2FFFF;
	_ =	strace $0x9FFFFFFF  }
0xc3: {  	(tm) =	ssettm $0x7FFFFFFF  }
tec
execute0_lowered:
.L_overlay_start_1:
0x0: {  	(tag) =	ssettag $0x1  }
0x1: {  	s1 =	rddreg [dreg:$0x0]  }
0x2: {  	s8 =	rddreg [dreg:$0x1]  }
0x3: {  	s3 =	rddreg [dreg:$0x2]  }
0x4: {  	s4 =	simm.s32 $0x0;
	s2 =	stileid.u32;
	s7 =	srdreg.scid  }
0x5: {  	s17 =	simm.s32 $0x5000;
	s18 =	simm.s32 $0xA000;
	s21 =	simm.s32 $0x80  }
0x6: {  	s22 =	simm.s32 $0xF080;
	s23 =	simm.s32 $0xF000;
	s24 =	simm.s32 $0x0  }
0x7: {  	[smem:$0x7FF] =	sst s4;
	s6 =	smul.u32 $0xA00, s2;
	s5 =	sadd.s32 $0x23200, s8  }
0x8: {  	s16 =	sand.u32 $0x1, s7;
	s7 =	sadd.s32 $0x4BA00, s8;
	s12 =	smul.u32 $0x29000, s2  }
0x9: {  	s13 =	smul.u32 $0x28000, s2;
	s19 =	sshll.u32 s2, $0x6;
	_ =	strace $0x8000004A  }
0xa: {  	s9 =	ssub.s32 $0x2, s16;
	p0 =	sne.s32 s16, $0x0;
	s16 =	simm.s32 $0x1  }
0xb: {  	s19 =	sor.u32 $0x1C01, s19;
	s11 =	sadd.s32 s6, s8;
	s6 =	sadd.s32 $0x4A400, s8  }
.Ltmp0:
0xc: {  	s10 =	sshrl.u32 s9, $0x1;
	s8 =	sadd.s32 $0x73A00, s8;
	(pc) =	sbr.rel .LBB2_1-.Ltmp0, $4  }
0xd: {  	s15 =	sshrl.u32 s12, $0x2;
	s13 =	sshrl.u32 s13, $0x2;
	s12 =	smul.u32 $0x1400, s2  }
0xe: {  	s14 =	ssub.s32 s9, s10;
	s9 =	sadd.s32 $0x5200, s11;
	s10 =	sadd.s32 $0xF200, s11  }
0xf: {  	s11 =	sadd.s32 $0x19200, s11;
	s20 =	sadd.s32 s15, s3;
	s13 =	sadd.s32 s13, s3  }
0x10: {  	s14 =	smax.u32 s14, $0x1;
	s15 =	sadd.s32 $0x14000, s12;
	s20 =	sshrl.u32 s20, $0x3  }
.LBB2_19:
0x11: {  	s0 =	sadd.s32 s26, s15;
	[bflag:$0x0] =	sbarrier.arrive $0xFFFF;
	s24 =	sadd.s32 $0x1, s24  }
0x12: {  	[hbm:s0], [sflag:s19] =	dma.local [spmem:s25], $0x1400  }
0x13: {  	p1 =	sne.s32 s24, s14  }
.Ltmp1:
0x14: {  	_ =	swait.ge [sflag:s16], $0x1400;
	(pc) =	sbr.rel @!p1 .LBB2_20-.Ltmp1, $3  }
0x15: {  	[sflag:s16] =	ssyncset.done $0x0  }
0x16: {  	[sflag:s16] =	ssyncadd.s32 $0xFFFFEC00  }
0x17: {  	[bflag:$0x0] =	sbarrier.arrive $0xFFFF;
	_ =	sdelay $0x1  }
.LBB2_1:
0x18: {  	[tilespmem:s4], [sflag:$0x1] =	stream.linear.gather [hbm4b:s9+s4], $0x4E80, $0x38;
	[tilespmem:$0x1D480] =	vst v63  }
0x19: {  	_ =	swait.ge [sflag:s16], $0x4E80  }
0x1a: {  	[sflag:s16] =	ssyncset.done $0x0  }
0x1b: {  	[sflag:s16] =	ssyncadd.s32 $0xFFFFB180  }
0x1c: {  	[tilespmem:s17], [sflag:$0x1] =	stream.linear.gather [hbm4b:s10+s4], $0x4E80, $0x38;
	[tilespmem:$0x1D480] =	vst v63  }
0x1d: {  	_ =	swait.ge [sflag:s16], $0x4E80  }
0x1e: {  	[sflag:s16] =	ssyncset.done $0x0  }
0x1f: {  	[sflag:s16] =	ssyncadd.s32 $0xFFFFB180  }
0x20: {  	[tilespmem:s18], [sflag:$0x1] =	stream.linear.gather [hbm4b:s11+s4], $0x4E80, $0x38;
	[tilespmem:$0x1D480] =	vst v63  }
0x21: {  	_ =	swait.ge [sflag:s16], $0x4E80  }
0x22: {  	[sflag:s16] =	ssyncset.done $0x0  }
0x23: {  	[sflag:s16] =	ssyncadd.s32 $0xFFFFB180  }
0x24: {  	[spmem:s20], [sflag:s19] =	dma.local [hbm:s6], $0x1480  }
.Ltmp2:
0x25: {  	_ =	swait.ge [sflag:s16], $0x1480;
	(pc) =	sbr.rel @p0 .LBB2_6-.Ltmp2, $4  }
0x26: {  	[sflag:s16] =	ssyncset.done $0x0  }
0x27: {  	[sflag:s16] =	ssyncadd.s32 $0xFFFFEB80  }
0x28: {  	[bflag:$0x0] =	sbarrier.arrive $0xFFFF  }
0x29: {  	s25 =	simm.s32 $0x0;
	s26 =	simm.s32 $0x0  }
.LBB2_2:
0x2a: {  	s26 =	sshll.u32 s25, $0x7  }
0x2b: {  	[tilespmem:s22], [sflag:$0x1] =	stream.indirect.gather [hbm4b:s1+s21], $0x80, s26, s21, $0xb8;
	[tilespmem:$0x1D480] =	vst v63  }
0x2c: {  	_ =	swait.ge [sflag:s16], $0x4000  }
0x2d: {  	[sflag:s16] =	ssyncset.done $0x0  }
0x2e: {  	[sflag:s16] =	ssyncadd.s32 $0xFFFFC000  }
0x2f: {  	v0 =	vld [tilespmem:s26+$0x5000];
	_ =	sdelay $0x4  }
0x30: {  	v0 =	vmin.u32 v0, $0x1400  }
0x31: {  	[tilespmem:$0xF000] =	vst v0  }
0x32: {  	v0 =	vld [tilespmem:s26+$0x5010];
	_ =	sdelay $0x4  }
0x33: {  	v0 =	vmin.u32 v0, $0x1400  }
0x34: {  	[tilespmem:$0xF010] =	vst v0  }
0x35: {  	v0 =	vld [tilespmem:s26+$0x5020];
	_ =	sdelay $0x4  }
0x36: {  	v0 =	vmin.u32 v0, $0x1400  }
0x37: {  	[tilespmem:$0xF020] =	vst v0  }
0x38: {  	v0 =	vld [tilespmem:s26+$0x5030];
	_ =	sdelay $0x4  }
0x39: {  	v0 =	vmin.u32 v0, $0x1400  }
0x3a: {  	[tilespmem:$0xF030] =	vst v0  }
0x3b: {  	v0 =	vld [tilespmem:s26+$0x5040];
	_ =	sdelay $0x4  }
0x3c: {  	v0 =	vmin.u32 v0, $0x1400  }
0x3d: {  	[tilespmem:$0xF040] =	vst v0  }
0x3e: {  	v0 =	vld [tilespmem:s26+$0x5050];
	_ =	sdelay $0x4  }
0x3f: {  	v0 =	vmin.u32 v0, $0x1400  }
0x40: {  	[tilespmem:$0xF050] =	vst v0  }
0x41: {  	v0 =	vld [tilespmem:s26+$0x5060];
	_ =	sdelay $0x4  }
0x42: {  	v0 =	vmin.u32 v0, $0x1400  }
0x43: {  	[tilespmem:$0xF060] =	vst v0  }
0x44: {  	s28 =	simm.s32 $0x0;
	v1 =	vld [tilespmem:s26+$0x5070]  }
0x45: {  	v2 =	vmov s28  }
0x46: {  	v2 =	vand.u32 $0x7F, v2;
	v0 =	vmov s26  }
0x47: {  	v2 =	vadd.s32 v0, v2  }
0x48: {  	v2 =	vbroadcast v2, $0x0  }
0x49: {  	v1 =	vmin.u32 v1, $0x1400  }
0x4a: {  	s26 =	simm.s32 $0xF0C0;
	[tilespmem:$0xF070] =	vst v1  }
0x4b: {  	v5 =	vld [tilespmem:s26+$0x30]  }
0x4c: {  	v8 =	vld [tilespmem:s26+$0x10]  }
0x4d: {  	v6 =	vld [tilespmem:s26+$0xFFFFFFC0]  }
0x4e: {  	v2 =	vld.idx.msk [tilespmem:v2+s18+$0x0], $0xffff  }
0x4f: {  	v11 =	vld [tilespmem:s26+$0xFFFFFFE0]  }
0x50: {  	v1 =	vld [tilespmem:s26+$0xFFFFFFF0]  }
0x51: {  	v3 =	vld [tilespmem:s26+$0x20]  }
0x52: {  	v4 =	vld [tilespmem:s26+$0xFFFFFFD0]  }
0x53: {  	v9 =	vmul.f32 v5, v2;
	v5 =	vld [tilespmem:s26+$0x0]  }
0x54: {  	s28 =	simm.s32 $0x1;
	v7 =	vmul.f32 v6, v2  }
0x55: {  	s29 =	simm.s32 $0x2;
	v10 =	vmov s28;
	s28 =	simm.s32 $0xF0C0;
	v6 =	vmul.f32 v11, v2;
	v8 =	vmul.f32 v8, v2  }
.LBB2_3:
0x56: {  	p1 =	sne.s32 s29, $0x7F  }
0x57: {  	v10 =	vand.u32 $0x7F, v10;
	v4 =	vmul.f32 v4, v2;
	v3 =	vmul.f32 v3, v2;
	[tilespmem:s26+$0x30] =	vst v9;
	s28 =	sadd.s32 $0x80, s28;
	s30 =	smov.u32 s29;
	s29 =	sadd.s32 $0x1, s29  }
0x58: {  	v9 =	vadd.s32 v0, v10;
	[tilespmem:s26+$0xFFFFFFC0] =	vst v7;
	v7 =	vmul.f32 v1, v2;
	v2 =	vmul.f32 v5, v2  }
0x59: {  	v5 =	vbroadcast v9, $0x0;
	[tilespmem:s26+$0x10] =	vst v8  }
0x5a: {  	[tilespmem:s26+$0xFFFFFFE0] =	vst v6  }
0x5b: {  	v1 =	vld [tilespmem:s28+$0xFFFFFFF0];
	[tilespmem:s26+$0xFFFFFFF0] =	vst v7  }
0x5c: {  	v6 =	vld [tilespmem:s28+$0x30];
	[tilespmem:s26+$0x0] =	vst v2  }
0x5d: {  	v8 =	vld [tilespmem:s28+$0x10];
	[tilespmem:s26+$0x20] =	vst v3  }
0x5e: {  	v7 =	vld [tilespmem:s28+$0xFFFFFFC0];
	[tilespmem:s26+$0xFFFFFFD0] =	vst v4;
	s26 =	smov.u32 s28  }
0x5f: {  	v2 =	vld.idx.msk [tilespmem:v5+s18+$0x0], $0xffff  }
0x60: {  	v11 =	vld [tilespmem:s28+$0xFFFFFFE0]  }
0x61: {  	v3 =	vld [tilespmem:s28+$0x20]  }
.Ltmp3:
0x62: {  	v4 =	vld [tilespmem:s28+$0xFFFFFFD0];
	(pc) =	sbr.rel @p1 .LBB2_3-.Ltmp3, $3  }
0x63: {  	v5 =	vld [tilespmem:s28+$0x0];
	_ =	sdelay $0x1  }
0x64: {  	v7 =	vmul.f32 v7, v2;
	v9 =	vmul.f32 v6, v2  }
0x65: {  	v10 =	vmov s30;
	v8 =	vmul.f32 v8, v2;
	v6 =	vmul.f32 v11, v2  }
0x66: {  	[tilespmem:s26+$0x30] =	vst v9;
	v53 =	vand.u32 $0x7F, v10  }
0x67: {  	[tilespmem:s26+$0xFFFFFFC0] =	vst v7;
	v0 =	vadd.s32 v0, v53  }
0x68: {  	v1 =	vmul.f32 v1, v2;
	[tilespmem:s26+$0x10] =	vst v8;
	v0 =	vbroadcast v0, $0x0  }
0x69: {  	s28 =	sadd.s32 $0x80, s28;
	[tilespmem:s26+$0xFFFFFFE0] =	vst v6;
	v5 =	vmul.f32 v5, v2  }
0x6a: {  	v55 =	vmul.f32 v4, v2;
	v6 =	vld [tilespmem:s28+$0xFFFFFFF0];
	[tilespmem:s26+$0xFFFFFFF0] =	vst v1  }
0x6b: {  	v3 =	vmul.f32 v3, v2;
	v54 =	vld [tilespmem:s28+$0x30];
	[tilespmem:s26+$0x0] =	vst v5  }
0x6c: {  	v57 =	vld [tilespmem:s28+$0xFFFFFFC0];
	[tilespmem:s26+$0xFFFFFFD0] =	vst v55  }
0x6d: {  	v56 =	vld [tilespmem:s28+$0x10];
	[tilespmem:s26+$0x20] =	vst v3  }
0x6e: {  	v0 =	vld.idx.msk [tilespmem:v0+s18+$0x0], $0xffff;
	_ =	sdelay $0x2  }
0x6f: {  	v2 =	vld [tilespmem:s28+$0xFFFFFFE0];
	_ =	sdelay $0x1  }
0x70: {  	v5 =	vld [tilespmem:s28+$0x0];
	v1 =	vmul.f32 v54, v0  }
0x71: {  	v58 =	vld [tilespmem:s28+$0x20];
	v3 =	vmul.f32 v57, v0  }
0x72: {  	v59 =	vld [tilespmem:s28+$0xFFFFFFD0];
	v4 =	vmul.f32 v56, v0;
	[tilespmem:s28+$0x30] =	vst v1  }
0x73: {  	v60 =	vmul.f32 v2, v0;
	[tilespmem:s28+$0xFFFFFFC0] =	vst v3  }
0x74: {  	v61 =	vmul.f32 v6, v0;
	[tilespmem:s28+$0x10] =	vst v4  }
0x75: {  	v62 =	vmul.f32 v5, v0;
	[tilespmem:s28+$0xFFFFFFE0] =	vst v60  }
0x76: {  	v63 =	vmul.f32 v58, v0;
	[tilespmem:s28+$0xFFFFFFF0] =	vst v61  }
0x77: {  	s25 =	sadd.s32 $0x1, s25;
	v0 =	vmul.f32 v59, v0;
	[tilespmem:s28+$0x0] =	vst v62  }
0x78: {  	p1 =	seq.s32 s25, $0x9D;
	[tilespmem:s28+$0x20] =	vst v63  }
.Ltmp4:
0x79: {  	[tilespmem:s28+$0xFFFFFFD0] =	vst v0;
	(pc) =	sbr.rel @!p1 .LBB2_2-.Ltmp4, $4  }
0x7a: {  	[spmem:s3] =	stream.indirect.scatter.add.f32 [tilespmem:s22], [sflag:$0x1], $0x80, s23, s21, $0xb8;
	[tilespmem:$0x1D480] =	vst v63  }
0x7b: {  	_ =	swait.ge [sflag:s16], $0x4000  }
0x7c: {  	[sflag:s16] =	ssyncset.done $0x0  }
0x7d: {  	[sflag:s16] =	ssyncadd.s32 $0xFFFFC000  }
.Ltmp5:
0x7e: {  	(pc) =	sbr.rel .LBB2_10-.Ltmp5, $2  }
0x7f: {  	_ =	sdelay $0x2  }
0x80: {  	s25 =	smov.u32 s7  }
.LBB2_6:
0x81: {  	s25 =	sshll.u32 s26, $0x7  }
0x82: {  	[tilespmem:s22], [sflag:$0x1] =	stream.indirect.gather [hbm4b:s5+s21], $0x80, s25, s21, $0xb8;
	[tilespmem:$0x1D480] =	vst v63  }
0x83: {  	_ =	swait.ge [sflag:s16], $0x4000  }
0x84: {  	[sflag:s16] =	ssyncset.done $0x0  }
0x85: {  	[sflag:s16] =	ssyncadd.s32 $0xFFFFC000  }
0x86: {  	v0 =	vld [tilespmem:s25+$0x5000];
	_ =	sdelay $0x4  }
0x87: {  	v0 =	vmin.u32 v0, $0x1400  }
0x88: {  	[tilespmem:$0xF000] =	vst v0  }
0x89: {  	v0 =	vld [tilespmem:s25+$0x5010];
	_ =	sdelay $0x4  }
0x8a: {  	v0 =	vmin.u32 v0, $0x1400  }
0x8b: {  	[tilespmem:$0xF010] =	vst v0  }
0x8c: {  	v0 =	vld [tilespmem:s25+$0x5020];
	_ =	sdelay $0x4  }
0x8d: {  	v0 =	vmin.u32 v0, $0x1400  }
0x8e: {  	[tilespmem:$0xF020] =	vst v0  }
0x8f: {  	v0 =	vld [tilespmem:s25+$0x5030];
	_ =	sdelay $0x4  }
0x90: {  	v0 =	vmin.u32 v0, $0x1400  }
0x91: {  	[tilespmem:$0xF030] =	vst v0  }
0x92: {  	v0 =	vld [tilespmem:s25+$0x5040];
	_ =	sdelay $0x4  }
0x93: {  	v0 =	vmin.u32 v0, $0x1400  }
0x94: {  	[tilespmem:$0xF040] =	vst v0  }
0x95: {  	v0 =	vld [tilespmem:s25+$0x5050];
	_ =	sdelay $0x4  }
0x96: {  	v0 =	vmin.u32 v0, $0x1400  }
0x97: {  	[tilespmem:$0xF050] =	vst v0  }
0x98: {  	v0 =	vld [tilespmem:s25+$0x5060];
	_ =	sdelay $0x4  }
0x99: {  	v0 =	vmin.u32 v0, $0x1400  }
0x9a: {  	[tilespmem:$0xF060] =	vst v0  }
0x9b: {  	s28 =	simm.s32 $0x0;
	v1 =	vld [tilespmem:s25+$0x5070]  }
0x9c: {  	v2 =	vmov s28  }
0x9d: {  	v2 =	vand.u32 $0x7F, v2;
	v0 =	vmov s25  }
0x9e: {  	v2 =	vadd.s32 v0, v2  }
0x9f: {  	v2 =	vbroadcast v2, $0x0  }
0xa0: {  	v1 =	vmin.u32 v1, $0x1400  }
0xa1: {  	s25 =	simm.s32 $0xF0C0;
	[tilespmem:$0xF070] =	vst v1  }
0xa2: {  	v5 =	vld [tilespmem:s25+$0x30]  }
0xa3: {  	v8 =	vld [tilespmem:s25+$0x10]  }
0xa4: {  	v6 =	vld [tilespmem:s25+$0xFFFFFFC0]  }
0xa5: {  	v2 =	vld.idx.msk [tilespmem:v2+s18+$0x0], $0xffff  }
0xa6: {  	v11 =	vld [tilespmem:s25+$0xFFFFFFE0]  }
0xa7: {  	v1 =	vld [tilespmem:s25+$0xFFFFFFF0]  }
0xa8: {  	v3 =	vld [tilespmem:s25+$0x20]  }
0xa9: {  	v4 =	vld [tilespmem:s25+$0xFFFFFFD0]  }
0xaa: {  	v9 =	vmul.f32 v5, v2;
	v5 =	vld [tilespmem:s25+$0x0]  }
0xab: {  	s28 =	simm.s32 $0x1;
	v7 =	vmul.f32 v6, v2  }
0xac: {  	s29 =	simm.s32 $0x2;
	v10 =	vmov s28;
	s28 =	simm.s32 $0xF0C0;
	v6 =	vmul.f32 v11, v2;
	v8 =	vmul.f32 v8, v2  }
.LBB2_7:
0xad: {  	p1 =	sne.s32 s29, $0x7F  }
0xae: {  	v10 =	vand.u32 $0x7F, v10;
	v4 =	vmul.f32 v4, v2;
	v3 =	vmul.f32 v3, v2;
	[tilespmem:s25+$0x30] =	vst v9;
	s28 =	sadd.s32 $0x80, s28;
	s30 =	smov.u32 s29;
	s29 =	sadd.s32 $0x1, s29  }
0xaf: {  	v9 =	vadd.s32 v0, v10;
	[tilespmem:s25+$0xFFFFFFC0] =	vst v7;
	v7 =	vmul.f32 v1, v2;
	v2 =	vmul.f32 v5, v2  }
0xb0: {  	v5 =	vbroadcast v9, $0x0;
	[tilespmem:s25+$0x10] =	vst v8  }
0xb1: {  	[tilespmem:s25+$0xFFFFFFE0] =	vst v6  }
0xb2: {  	v1 =	vld [tilespmem:s28+$0xFFFFFFF0];
	[tilespmem:s25+$0xFFFFFFF0] =	vst v7  }
0xb3: {  	v6 =	vld [tilespmem:s28+$0x30];
	[tilespmem:s25+$0x0] =	vst v2  }
0xb4: {  	v8 =	vld [tilespmem:s28+$0x10];
	[tilespmem:s25+$0x20] =	vst v3  }
0xb5: {  	v7 =	vld [tilespmem:s28+$0xFFFFFFC0];
	[tilespmem:s25+$0xFFFFFFD0] =	vst v4;
	s25 =	smov.u32 s28  }
0xb6: {  	v2 =	vld.idx.msk [tilespmem:v5+s18+$0x0], $0xffff  }
0xb7: {  	v11 =	vld [tilespmem:s28+$0xFFFFFFE0]  }
0xb8: {  	v3 =	vld [tilespmem:s28+$0x20]  }
.Ltmp6:
0xb9: {  	v4 =	vld [tilespmem:s28+$0xFFFFFFD0];
	(pc) =	sbr.rel @p1 .LBB2_7-.Ltmp6, $3  }
0xba: {  	v5 =	vld [tilespmem:s28+$0x0];
	_ =	sdelay $0x1  }
0xbb: {  	v7 =	vmul.f32 v7, v2;
	v9 =	vmul.f32 v6, v2  }
0xbc: {  	v10 =	vmov s30;
	v8 =	vmul.f32 v8, v2;
	v6 =	vmul.f32 v11, v2  }
0xbd: {  	[tilespmem:s25+$0x30] =	vst v9;
	v53 =	vand.u32 $0x7F, v10  }
0xbe: {  	[tilespmem:s25+$0xFFFFFFC0] =	vst v7;
	v0 =	vadd.s32 v0, v53  }
0xbf: {  	v1 =	vmul.f32 v1, v2;
	[tilespmem:s25+$0x10] =	vst v8;
	v0 =	vbroadcast v0, $0x0  }
0xc0: {  	s28 =	sadd.s32 $0x80, s28;
	[tilespmem:s25+$0xFFFFFFE0] =	vst v6;
	v5 =	vmul.f32 v5, v2  }
0xc1: {  	v55 =	vmul.f32 v4, v2;
	v6 =	vld [tilespmem:s28+$0xFFFFFFF0];
	[tilespmem:s25+$0xFFFFFFF0] =	vst v1  }
0xc2: {  	v3 =	vmul.f32 v3, v2;
	v54 =	vld [tilespmem:s28+$0x30];
	[tilespmem:s25+$0x0] =	vst v5  }
0xc3: {  	v57 =	vld [tilespmem:s28+$0xFFFFFFC0];
	[tilespmem:s25+$0xFFFFFFD0] =	vst v55  }
0xc4: {  	v56 =	vld [tilespmem:s28+$0x10];
	[tilespmem:s25+$0x20] =	vst v3  }
0xc5: {  	v0 =	vld.idx.msk [tilespmem:v0+s18+$0x0], $0xffff;
	_ =	sdelay $0x2  }
0xc6: {  	v2 =	vld [tilespmem:s28+$0xFFFFFFE0];
	_ =	sdelay $0x1  }
0xc7: {  	v5 =	vld [tilespmem:s28+$0x0];
	v1 =	vmul.f32 v54, v0  }
0xc8: {  	v58 =	vld [tilespmem:s28+$0x20];
	v3 =	vmul.f32 v57, v0  }
0xc9: {  	v59 =	vld [tilespmem:s28+$0xFFFFFFD0];
	v4 =	vmul.f32 v56, v0;
	[tilespmem:s28+$0x30] =	vst v1  }
0xca: {  	v60 =	vmul.f32 v2, v0;
	[tilespmem:s28+$0xFFFFFFC0] =	vst v3  }
0xcb: {  	v61 =	vmul.f32 v6, v0;
	[tilespmem:s28+$0x10] =	vst v4  }
0xcc: {  	v62 =	vmul.f32 v5, v0;
	[tilespmem:s28+$0xFFFFFFE0] =	vst v60  }
0xcd: {  	v63 =	vmul.f32 v58, v0;
	[tilespmem:s28+$0xFFFFFFF0] =	vst v61  }
0xce: {  	s26 =	sadd.s32 $0x1, s26;
	v0 =	vmul.f32 v59, v0;
	[tilespmem:s28+$0x0] =	vst v62  }
0xcf: {  	p1 =	sne.s32 s26, $0x9D;
	[tilespmem:s28+$0x20] =	vst v63  }
.Ltmp7:
0xd0: {  	[tilespmem:s28+$0xFFFFFFD0] =	vst v0;
	(pc) =	sbr.rel @p1 .LBB2_6-.Ltmp7, $4  }
0xd1: {  	[spmem:s3] =	stream.indirect.scatter.add.f32 [tilespmem:s22], [sflag:$0x1], $0x80, s23, s21, $0xb8;
	[tilespmem:$0x1D480] =	vst v63  }
0xd2: {  	_ =	swait.ge [sflag:s16], $0x4000  }
0xd3: {  	[sflag:s16] =	ssyncset.done $0x0  }
0xd4: {  	[sflag:s16] =	ssyncadd.s32 $0xFFFFC000  }
0xd5: {  	s25 =	smov.u32 s8  }
.LBB2_10:
0xd6: {  	s26 =	sadd.s32 s25, s12;
	[bflag:$0x0] =	sbarrier.arrive $0xFFFF;
	s25 =	sshrl.u32 s13, $0x3  }
0xd7: {  	[hbm:s26], [sflag:s19] =	dma.local [spmem:s25], $0x1400  }
0xd8: {  	_ =	swait.ge [sflag:s16], $0x1400  }
0xd9: {  	[sflag:s16] =	ssyncset.done $0x0  }
0xda: {  	[sflag:s16] =	ssyncadd.s32 $0xFFFFEC00  }
0xdb: {  	[bflag:$0x0] =	sbarrier.arrive $0xFFFF  }
0xdc: {  	[spmem:s20], [sflag:s19] =	dma.local [hbm:s6], $0x1480  }
.Ltmp8:
0xdd: {  	_ =	swait.ge [sflag:s16], $0x1480;
	(pc) =	sbr.rel @p0 .LBB2_15-.Ltmp8, $4  }
0xde: {  	[sflag:s16] =	ssyncset.done $0x0  }
0xdf: {  	[sflag:s16] =	ssyncadd.s32 $0xFFFFEB80  }
0xe0: {  	[bflag:$0x0] =	sbarrier.arrive $0xFFFF  }
0xe1: {  	s28 =	simm.s32 $0x0;
	s29 =	simm.s32 $0x0;
	s26 =	simm.s32 $0x0  }
.LBB2_11:
0xe2: {  	s29 =	sshll.u32 s28, $0x7  }
0xe3: {  	[tilespmem:s22], [sflag:$0x1] =	stream.indirect.gather [hbm4b:s1+s21], $0x80, s29, s21, $0xb8;
	[tilespmem:$0x1D480] =	vst v63  }
0xe4: {  	_ =	swait.ge [sflag:s16], $0x4000  }
0xe5: {  	[sflag:s16] =	ssyncset.done $0x0  }
0xe6: {  	[sflag:s16] =	ssyncadd.s32 $0xFFFFC000  }
0xe7: {  	v0 =	vld [tilespmem:s29+$0x5000];
	_ =	sdelay $0x4  }
0xe8: {  	v0 =	vadd.s32 $0xFFFFEC00, v0  }
0xe9: {  	v0 =	vmin.u32 v0, $0x1400  }
0xea: {  	[tilespmem:$0xF000] =	vst v0  }
0xeb: {  	v0 =	vld [tilespmem:s29+$0x5010];
	_ =	sdelay $0x4  }
0xec: {  	v0 =	vadd.s32 $0xFFFFEC00, v0  }
0xed: {  	v0 =	vmin.u32 v0, $0x1400  }
0xee: {  	[tilespmem:$0xF010] =	vst v0  }
0xef: {  	v0 =	vld [tilespmem:s29+$0x5020];
	_ =	sdelay $0x4  }
0xf0: {  	v0 =	vadd.s32 $0xFFFFEC00, v0  }
0xf1: {  	v0 =	vmin.u32 v0, $0x1400  }
0xf2: {  	[tilespmem:$0xF020] =	vst v0  }
0xf3: {  	v0 =	vld [tilespmem:s29+$0x5030];
	_ =	sdelay $0x4  }
0xf4: {  	v0 =	vadd.s32 $0xFFFFEC00, v0  }
0xf5: {  	v0 =	vmin.u32 v0, $0x1400  }
0xf6: {  	[tilespmem:$0xF030] =	vst v0  }
0xf7: {  	v0 =	vld [tilespmem:s29+$0x5040];
	_ =	sdelay $0x4  }
0xf8: {  	v0 =	vadd.s32 $0xFFFFEC00, v0  }
0xf9: {  	v0 =	vmin.u32 v0, $0x1400  }
0xfa: {  	[tilespmem:$0xF040] =	vst v0  }
0xfb: {  	v0 =	vld [tilespmem:s29+$0x5050];
	_ =	sdelay $0x4  }
0xfc: {  	v0 =	vadd.s32 $0xFFFFEC00, v0  }
0xfd: {  	v0 =	vmin.u32 v0, $0x1400  }
0xfe: {  	[tilespmem:$0xF050] =	vst v0  }
0xff: {  	v0 =	vld [tilespmem:s29+$0x5060];
	_ =	sdelay $0x4  }
0x100: {  	v0 =	vadd.s32 $0xFFFFEC00, v0  }
0x101: {  	v0 =	vmin.u32 v0, $0x1400  }
0x102: {  	[tilespmem:$0xF060] =	vst v0  }
0x103: {  	v1 =	vld [tilespmem:s29+$0x5070];
	_ =	sdelay $0x1  }
0x104: {  	v2 =	vmov s26  }
0x105: {  	v2 =	vand.u32 $0x7F, v2;
	v0 =	vmov s29  }
0x106: {  	v2 =	vadd.s32 v0, v2  }
0x107: {  	v2 =	vbroadcast v2, $0x0;
	v1 =	vadd.s32 $0xFFFFEC00, v1  }
0x108: {  	v1 =	vmin.u32 v1, $0x1400  }
0x109: {  	s29 =	simm.s32 $0xF0C0;
	[tilespmem:$0xF070] =	vst v1  }
0x10a: {  	v5 =	vld [tilespmem:s29+$0x30]  }
0x10b: {  	v8 =	vld [tilespmem:s29+$0x10]  }
0x10c: {  	v6 =	vld [tilespmem:s29+$0xFFFFFFC0]  }
0x10d: {  	v2 =	vld.idx.msk [tilespmem:v2+s18+$0x0], $0xffff  }
0x10e: {  	v11 =	vld [tilespmem:s29+$0xFFFFFFE0]  }
0x10f: {  	v1 =	vld [tilespmem:s29+$0xFFFFFFF0]  }
0x110: {  	v3 =	vld [tilespmem:s29+$0x20]  }
0x111: {  	v4 =	vld [tilespmem:s29+$0xFFFFFFD0]  }
0x112: {  	v9 =	vmul.f32 v5, v2;
	v5 =	vld [tilespmem:s29+$0x0]  }
0x113: {  	s30 =	simm.s32 $0x1;
	v7 =	vmul.f32 v6, v2  }
0x114: {  	s31 =	simm.s32 $0x2;
	v10 =	vmov s30;
	s30 =	simm.s32 $0xF0C0;
	v6 =	vmul.f32 v11, v2;
	v8 =	vmul.f32 v8, v2  }
.LBB2_12:
0x115: {  	p1 =	sne.s32 s31, $0x7F  }
0x116: {  	v10 =	vand.u32 $0x7F, v10;
	v4 =	vmul.f32 v4, v2;
	v3 =	vmul.f32 v3, v2;
	[tilespmem:s29+$0x30] =	vst v9;
	s30 =	sadd.s32 $0x80, s30;
	s0 =	smov.u32 s31;
	s31 =	sadd.s32 $0x1, s31  }
0x117: {  	v9 =	vadd.s32 v0, v10;
	[tilespmem:s29+$0xFFFFFFC0] =	vst v7;
	v7 =	vmul.f32 v1, v2;
	v2 =	vmul.f32 v5, v2  }
0x118: {  	v5 =	vbroadcast v9, $0x0;
	[tilespmem:s29+$0x10] =	vst v8  }
0x119: {  	[tilespmem:s29+$0xFFFFFFE0] =	vst v6  }
0x11a: {  	v1 =	vld [tilespmem:s30+$0xFFFFFFF0];
	[tilespmem:s29+$0xFFFFFFF0] =	vst v7  }
0x11b: {  	v6 =	vld [tilespmem:s30+$0x30];
	[tilespmem:s29+$0x0] =	vst v2  }
0x11c: {  	v8 =	vld [tilespmem:s30+$0x10];
	[tilespmem:s29+$0x20] =	vst v3  }
0x11d: {  	v7 =	vld [tilespmem:s30+$0xFFFFFFC0];
	[tilespmem:s29+$0xFFFFFFD0] =	vst v4;
	s29 =	smov.u32 s30  }
0x11e: {  	v2 =	vld.idx.msk [tilespmem:v5+s18+$0x0], $0xffff  }
0x11f: {  	v11 =	vld [tilespmem:s30+$0xFFFFFFE0]  }
0x120: {  	v3 =	vld [tilespmem:s30+$0x20]  }
.Ltmp9:
0x121: {  	v4 =	vld [tilespmem:s30+$0xFFFFFFD0];
	(pc) =	sbr.rel @p1 .LBB2_12-.Ltmp9, $3  }
0x122: {  	v5 =	vld [tilespmem:s30+$0x0];
	_ =	sdelay $0x1  }
0x123: {  	v7 =	vmul.f32 v7, v2;
	v9 =	vmul.f32 v6, v2  }
0x124: {  	v10 =	vmov s0;
	v8 =	vmul.f32 v8, v2;
	v6 =	vmul.f32 v11, v2  }
0x125: {  	[tilespmem:s29+$0x30] =	vst v9;
	v53 =	vand.u32 $0x7F, v10  }
0x126: {  	[tilespmem:s29+$0xFFFFFFC0] =	vst v7;
	v0 =	vadd.s32 v0, v53  }
0x127: {  	v1 =	vmul.f32 v1, v2;
	[tilespmem:s29+$0x10] =	vst v8;
	v0 =	vbroadcast v0, $0x0  }
0x128: {  	s0 =	sadd.s32 $0x80, s30;
	[tilespmem:s29+$0xFFFFFFE0] =	vst v6;
	v5 =	vmul.f32 v5, v2  }
0x129: {  	v55 =	vmul.f32 v4, v2;
	v6 =	vld [tilespmem:s0+$0xFFFFFFF0];
	[tilespmem:s29+$0xFFFFFFF0] =	vst v1  }
0x12a: {  	v3 =	vmul.f32 v3, v2;
	v54 =	vld [tilespmem:s0+$0x30];
	[tilespmem:s29+$0x0] =	vst v5  }
0x12b: {  	v57 =	vld [tilespmem:s0+$0xFFFFFFC0];
	[tilespmem:s29+$0xFFFFFFD0] =	vst v55  }
0x12c: {  	v56 =	vld [tilespmem:s0+$0x10];
	[tilespmem:s29+$0x20] =	vst v3  }
0x12d: {  	v0 =	vld.idx.msk [tilespmem:v0+s18+$0x0], $0xffff;
	_ =	sdelay $0x2  }
0x12e: {  	v2 =	vld [tilespmem:s0+$0xFFFFFFE0];
	_ =	sdelay $0x1  }
0x12f: {  	v5 =	vld [tilespmem:s0+$0x0];
	v1 =	vmul.f32 v54, v0  }
0x130: {  	v58 =	vld [tilespmem:s0+$0x20];
	v3 =	vmul.f32 v57, v0  }
0x131: {  	v59 =	vld [tilespmem:s0+$0xFFFFFFD0];
	v4 =	vmul.f32 v56, v0;
	[tilespmem:s0+$0x30] =	vst v1  }
0x132: {  	v60 =	vmul.f32 v2, v0;
	[tilespmem:s0+$0xFFFFFFC0] =	vst v3  }
0x133: {  	v61 =	vmul.f32 v6, v0;
	[tilespmem:s0+$0x10] =	vst v4  }
0x134: {  	v62 =	vmul.f32 v5, v0;
	[tilespmem:s0+$0xFFFFFFE0] =	vst v60  }
0x135: {  	v63 =	vmul.f32 v58, v0;
	[tilespmem:s0+$0xFFFFFFF0] =	vst v61  }
0x136: {  	s28 =	sadd.s32 $0x1, s28;
	v0 =	vmul.f32 v59, v0;
	[tilespmem:s0+$0x0] =	vst v62  }
0x137: {  	p1 =	seq.s32 s28, $0x9D;
	[tilespmem:s0+$0x20] =	vst v63  }
.Ltmp10:
0x138: {  	[tilespmem:s0+$0xFFFFFFD0] =	vst v0;
	(pc) =	sbr.rel @!p1 .LBB2_11-.Ltmp10, $4  }
0x139: {  	[spmem:s3] =	stream.indirect.scatter.add.f32 [tilespmem:s22], [sflag:$0x1], $0x80, s23, s21, $0xb8;
	[tilespmem:$0x1D480] =	vst v63  }
0x13a: {  	_ =	swait.ge [sflag:s16], $0x4000  }
0x13b: {  	[sflag:s16] =	ssyncset.done $0x0  }
0x13c: {  	[sflag:s16] =	ssyncadd.s32 $0xFFFFC000  }
.Ltmp11:
0x13d: {  	(pc) =	sbr.rel .LBB2_19-.Ltmp11, $2  }
0x13e: {  	_ =	sdelay $0x2  }
0x13f: {  	s26 =	smov.u32 s7  }
.LBB2_15:
0x140: {  	s0 =	sshll.u32 s29, $0x7  }
0x141: {  	[tilespmem:s22], [sflag:$0x1] =	stream.indirect.gather [hbm4b:s5+s21], $0x80, s0, s21, $0xb8;
	[tilespmem:$0x1D480] =	vst v63  }
0x142: {  	_ =	swait.ge [sflag:s16], $0x4000  }
0x143: {  	[sflag:s16] =	ssyncset.done $0x0  }
0x144: {  	[sflag:s16] =	ssyncadd.s32 $0xFFFFC000  }
0x145: {  	v0 =	vld [tilespmem:s0+$0x5000];
	_ =	sdelay $0x4  }
0x146: {  	v0 =	vadd.s32 $0xFFFFEC00, v0  }
0x147: {  	v0 =	vmin.u32 v0, $0x1400  }
0x148: {  	[tilespmem:$0xF000] =	vst v0  }
0x149: {  	v0 =	vld [tilespmem:s0+$0x5010];
	_ =	sdelay $0x4  }
0x14a: {  	v0 =	vadd.s32 $0xFFFFEC00, v0  }
0x14b: {  	v0 =	vmin.u32 v0, $0x1400  }
0x14c: {  	[tilespmem:$0xF010] =	vst v0  }
0x14d: {  	v0 =	vld [tilespmem:s0+$0x5020];
	_ =	sdelay $0x4  }
0x14e: {  	v0 =	vadd.s32 $0xFFFFEC00, v0  }
0x14f: {  	v0 =	vmin.u32 v0, $0x1400  }
0x150: {  	[tilespmem:$0xF020] =	vst v0  }
0x151: {  	v0 =	vld [tilespmem:s0+$0x5030];
	_ =	sdelay $0x4  }
0x152: {  	v0 =	vadd.s32 $0xFFFFEC00, v0  }
0x153: {  	v0 =	vmin.u32 v0, $0x1400  }
0x154: {  	[tilespmem:$0xF030] =	vst v0  }
0x155: {  	v0 =	vld [tilespmem:s0+$0x5040];
	_ =	sdelay $0x4  }
0x156: {  	v0 =	vadd.s32 $0xFFFFEC00, v0  }
0x157: {  	v0 =	vmin.u32 v0, $0x1400  }
0x158: {  	[tilespmem:$0xF040] =	vst v0  }
0x159: {  	v0 =	vld [tilespmem:s0+$0x5050];
	_ =	sdelay $0x4  }
0x15a: {  	v0 =	vadd.s32 $0xFFFFEC00, v0  }
0x15b: {  	v0 =	vmin.u32 v0, $0x1400  }
0x15c: {  	[tilespmem:$0xF050] =	vst v0  }
0x15d: {  	v0 =	vld [tilespmem:s0+$0x5060];
	_ =	sdelay $0x4  }
0x15e: {  	v0 =	vadd.s32 $0xFFFFEC00, v0  }
0x15f: {  	v0 =	vmin.u32 v0, $0x1400  }
0x160: {  	[tilespmem:$0xF060] =	vst v0  }
0x161: {  	v1 =	vld [tilespmem:s0+$0x5070];
	_ =	sdelay $0x1  }
0x162: {  	v2 =	vmov s26  }
0x163: {  	v2 =	vand.u32 $0x7F, v2;
	v0 =	vmov s0  }
0x164: {  	v2 =	vadd.s32 v0, v2  }
0x165: {  	v2 =	vbroadcast v2, $0x0;
	v1 =	vadd.s32 $0xFFFFEC00, v1  }
0x166: {  	v1 =	vmin.u32 v1, $0x1400  }
0x167: {  	s28 =	simm.s32 $0xF0C0;
	[tilespmem:$0xF070] =	vst v1  }
0x168: {  	v5 =	vld [tilespmem:s28+$0x30]  }
0x169: {  	v8 =	vld [tilespmem:s28+$0x10]  }
0x16a: {  	v6 =	vld [tilespmem:s28+$0xFFFFFFC0]  }
0x16b: {  	v2 =	vld.idx.msk [tilespmem:v2+s18+$0x0], $0xffff  }
0x16c: {  	v11 =	vld [tilespmem:s28+$0xFFFFFFE0]  }
0x16d: {  	v1 =	vld [tilespmem:s28+$0xFFFFFFF0]  }
0x16e: {  	v3 =	vld [tilespmem:s28+$0x20]  }
0x16f: {  	v4 =	vld [tilespmem:s28+$0xFFFFFFD0]  }
0x170: {  	v9 =	vmul.f32 v5, v2;
	v5 =	vld [tilespmem:s28+$0x0]  }
0x171: {  	s0 =	simm.s32 $0x1;
	v7 =	vmul.f32 v6, v2  }
0x172: {  	s31 =	simm.s32 $0x2;
	s30 =	simm.s32 $0xF0C0;
	v10 =	vmov s0;
	v6 =	vmul.f32 v11, v2;
	v8 =	vmul.f32 v8, v2  }
.LBB2_16:
0x173: {  	p1 =	sne.s32 s31, $0x7F  }
0x174: {  	v10 =	vand.u32 $0x7F, v10;
	v4 =	vmul.f32 v4, v2;
	v3 =	vmul.f32 v3, v2;
	[tilespmem:s28+$0x30] =	vst v9;
	s30 =	sadd.s32 $0x80, s30;
	s0 =	smov.u32 s31;
	s31 =	sadd.s32 $0x1, s31  }
0x175: {  	v9 =	vadd.s32 v0, v10;
	[tilespmem:s28+$0xFFFFFFC0] =	vst v7;
	v7 =	vmul.f32 v1, v2;
	v2 =	vmul.f32 v5, v2  }
0x176: {  	v5 =	vbroadcast v9, $0x0;
	[tilespmem:s28+$0x10] =	vst v8  }
0x177: {  	[tilespmem:s28+$0xFFFFFFE0] =	vst v6  }
0x178: {  	v1 =	vld [tilespmem:s30+$0xFFFFFFF0];
	[tilespmem:s28+$0xFFFFFFF0] =	vst v7  }
0x179: {  	v6 =	vld [tilespmem:s30+$0x30];
	[tilespmem:s28+$0x0] =	vst v2  }
0x17a: {  	v8 =	vld [tilespmem:s30+$0x10];
	[tilespmem:s28+$0x20] =	vst v3  }
0x17b: {  	v7 =	vld [tilespmem:s30+$0xFFFFFFC0];
	[tilespmem:s28+$0xFFFFFFD0] =	vst v4;
	s28 =	smov.u32 s30  }
0x17c: {  	v2 =	vld.idx.msk [tilespmem:v5+s18+$0x0], $0xffff  }
0x17d: {  	v11 =	vld [tilespmem:s30+$0xFFFFFFE0]  }
0x17e: {  	v3 =	vld [tilespmem:s30+$0x20]  }
.Ltmp12:
0x17f: {  	v4 =	vld [tilespmem:s30+$0xFFFFFFD0];
	(pc) =	sbr.rel @p1 .LBB2_16-.Ltmp12, $3  }
0x180: {  	v5 =	vld [tilespmem:s30+$0x0];
	_ =	sdelay $0x1  }
0x181: {  	v7 =	vmul.f32 v7, v2;
	v9 =	vmul.f32 v6, v2  }
0x182: {  	v10 =	vmov s0;
	v8 =	vmul.f32 v8, v2;
	v6 =	vmul.f32 v11, v2  }
0x183: {  	[tilespmem:s28+$0x30] =	vst v9;
	v53 =	vand.u32 $0x7F, v10  }
0x184: {  	[tilespmem:s28+$0xFFFFFFC0] =	vst v7;
	v0 =	vadd.s32 v0, v53  }
0x185: {  	v1 =	vmul.f32 v1, v2;
	[tilespmem:s28+$0x10] =	vst v8;
	v0 =	vbroadcast v0, $0x0  }
0x186: {  	s0 =	sadd.s32 $0x80, s30;
	[tilespmem:s28+$0xFFFFFFE0] =	vst v6;
	v5 =	vmul.f32 v5, v2  }
0x187: {  	v55 =	vmul.f32 v4, v2;
	v6 =	vld [tilespmem:s0+$0xFFFFFFF0];
	[tilespmem:s28+$0xFFFFFFF0] =	vst v1  }
0x188: {  	v3 =	vmul.f32 v3, v2;
	v54 =	vld [tilespmem:s0+$0x30];
	[tilespmem:s28+$0x0] =	vst v5  }
0x189: {  	v57 =	vld [tilespmem:s0+$0xFFFFFFC0];
	[tilespmem:s28+$0xFFFFFFD0] =	vst v55  }
0x18a: {  	v56 =	vld [tilespmem:s0+$0x10];
	[tilespmem:s28+$0x20] =	vst v3  }
0x18b: {  	v0 =	vld.idx.msk [tilespmem:v0+s18+$0x0], $0xffff;
	_ =	sdelay $0x2  }
0x18c: {  	v2 =	vld [tilespmem:s0+$0xFFFFFFE0];
	_ =	sdelay $0x1  }
0x18d: {  	v5 =	vld [tilespmem:s0+$0x0];
	v1 =	vmul.f32 v54, v0  }
0x18e: {  	v58 =	vld [tilespmem:s0+$0x20];
	v3 =	vmul.f32 v57, v0  }
0x18f: {  	v59 =	vld [tilespmem:s0+$0xFFFFFFD0];
	v4 =	vmul.f32 v56, v0;
	[tilespmem:s0+$0x30] =	vst v1  }
0x190: {  	v60 =	vmul.f32 v2, v0;
	[tilespmem:s0+$0xFFFFFFC0] =	vst v3  }
0x191: {  	v61 =	vmul.f32 v6, v0;
	[tilespmem:s0+$0x10] =	vst v4  }
0x192: {  	v62 =	vmul.f32 v5, v0;
	[tilespmem:s0+$0xFFFFFFE0] =	vst v60  }
0x193: {  	v63 =	vmul.f32 v58, v0;
	[tilespmem:s0+$0xFFFFFFF0] =	vst v61  }
0x194: {  	s29 =	sadd.s32 $0x1, s29;
	v0 =	vmul.f32 v59, v0;
	[tilespmem:s0+$0x0] =	vst v62  }
0x195: {  	p1 =	sne.s32 s29, $0x9D;
	[tilespmem:s0+$0x20] =	vst v63  }
.Ltmp13:
0x196: {  	[tilespmem:s0+$0xFFFFFFD0] =	vst v0;
	(pc) =	sbr.rel @p1 .LBB2_15-.Ltmp13, $4  }
0x197: {  	[spmem:s3] =	stream.indirect.scatter.add.f32 [tilespmem:s22], [sflag:$0x1], $0x80, s23, s21, $0xb8;
	[tilespmem:$0x1D480] =	vst v63  }
0x198: {  	_ =	swait.ge [sflag:s16], $0x4000  }
0x199: {  	[sflag:s16] =	ssyncset.done $0x0  }
0x19a: {  	[sflag:s16] =	ssyncadd.s32 $0xFFFFC000  }
.Ltmp14:
0x19b: {  	(pc) =	sbr.rel .LBB2_19-.Ltmp14, $2  }
0x19c: {  	_ =	sdelay $0x2  }
0x19d: {  	s26 =	smov.u32 s8  }
.LBB2_20:
0x19e: {  	_ =	sfence.sel $0x180000  }
0x19f: {  	[bflag:$0x0] =	sbarrier.arrive $0xFFFF  }
0x1a0: {  	_ =	strace $0x9000004A  }
0x1a1: {  	[bflag:$0x2] =	sbarrier.arrive $0xFFFF  }
0x1a2: {  	p0 =	sne.s32 s2, $0x0;
	s0 =	rddreg [dreg:$0x3]  }
0x1a3: {  	s0 =	sadd.s32 @!p0 $0x100000, s0  }
0x1a4: {  	[sflag:s0] =	ssyncadd.tile.s32 @!p0 $0x1;
	_ =	shalt  }
.Lfunc_end2:
_tile_overlayer_lowered:
.L_overlay_start_2:
0x1a5: {  	(tag) =	ssettag $0x2  }
0x1a6: {  	s0 =	rddreg [dreg:$0x0];
	s2 =	stileid.u32  }
0x1a7: {  	s1 =	rddreg [dreg:$0x1];
	p0 =	sne.s32 s2, $0x0  }
0x1a8: {  	s3 =	rddreg [dreg:$0x2];
	[bflag:$0x3] =	sbarrier.arrive $0xFFFF;
	s2 =	simm.s32 @!p0 $0x1C01  }
0x1a9: {  	[timem:s3], [sflag:s2] =	dma.local @!p0 [hbm:s0], s1  }
0x1aa: {  	s0 =	simm.s32 @!p0 $0x1  }
0x1ab: {  	_ =	swait.ge @!p0 [sflag:s0], s1  }
0x1ac: {  	s1 =	ssub.s32 @!p0 $0x0, s1;
	[sflag:s0] =	ssyncset.done @!p0 $0x0  }
0x1ad: {  	[sflag:s0] =	ssyncadd.s32 @!p0 s1  }
0x1ae: {  	[bflag:$0x3] =	sbarrier.arrive $0xFFFF  }
0x1af: {  	_ =	shalt  }

// kernel: kernel.8.cloned.1.call-start
scs
__scs_entry_jumppad:
0x0: {  	(pc) =	sbr.rel $0x88, $3  }
0x1: {  	(tag) =	ssettag $0x0;
	lr =	simm.s32 $0x1  }
0x2: {  	[smem:$0x3F98] =	sst lr;
	_ =	strace $0xD0000000  }
0x3: {  	_ = 	snop  }
0x4: {  	_ = 	snop  }
0x5: {  	_ = 	snop  }
0x6: {  	_ = 	snop  }
0x7: {  	_ = 	snop  }
__scs_overlays_trampoline_lowered:
0x8: {  	[smem:$0x3FA7] =	sst s0  }
0x9: {  	[smem:$0x3FA8] =	sst s1  }
0xa: {  	[smem:$0x3FA9] =	sst s2  }
0xb: {  	[smem:$0x3FAA] =	sst s3  }
0xc: {  	[smem:$0x3FAB] =	sst s4  }
0xd: {  	[smem:$0x3FAC] =	sst s5  }
0xe: {  	[smem:$0x3FAD] =	sst s6  }
0xf: {  	[smem:$0x3FAE] =	sst s7  }
0x10: {  	[smem:$0x3FAF] =	sst s8  }
0x11: {  	[smem:$0x3FB0] =	sst s9;
	s0 =	simm.s32 @!p0 $0x0  }
0x12: {  	s1 =	sld [smem:$0x3F96];
	s0 =	simm.s32 @p0 $0x1  }
0x13: {  	[smem:$0x3FB1] =	sst s0;
	s0 =	simm.s32 @!p1 $0x0  }
0x14: {  	s2 =	sld [smem:$0x3F95];
	s0 =	simm.s32 @p1 $0x1  }
0x15: {  	[smem:$0x3FB2] =	sst s0;
	s0 =	simm.s32 @!p2 $0x0  }
0x16: {  	s3 =	sld [smem:$0x3FDB];
	s0 =	simm.s32 @p2 $0x1  }
0x17: {  	s4 =	simm.s32 $0x1BF5;
	[smem:$0x3FB4] =	sst s0  }
0x18: {  	s0 =	sld [smem:$0x3F97];
	_ =	swait.ge [sflag:s4], $0x0  }
0x19: {  	s7 =	sld [smem:$0x3F98]  }
0x1a: {  	s8 =	sadd.s32 $0xFFFFE003, lr  }
0x1b: {  	s9 =	sadd.s32 $0xFFFFFEF7, lr;
	s5 =	simm.s32 $0xFFFFFFFF;
	p2 =	slt.u32 s8, $0xFFFFF086  }
0x1c: {  	p1 =	slt.u32 s9, $0xF7A;
	s5 =	simm.s32 @!p2 $0x0  }
0x1d: {  	s5 =	simm.s32 @p1 $0x1;
	p0 =	seq.s32 s7, s2  }
0x1e: {  	s7 =	smul.u32 @!p0 $0xF7A, s2;
	p2 =	seq.s32 @!p0 s5, $0x0  }
0x1f: {  	s9 =	smul.u32 $0xF7A, s1;
	s8 =	simm.s32 @!p0 $0x1BF5;
	p2 =	por !p2, p0  }
0x20: {  	[sflag:s8] =	ssyncset.s32 @!p0 $0xFFFFF086;
	s6 =	sadd.s32 @!p0 s3, s7;
	s7 =	simm.s32 @!p0 $0x108  }
0x21: {  	s3 =	sadd.s32 s3, s9;
	s6 =	sadd.s32 @!p0 $0x88, s6;
	s7 =	simm.s32 @p2 $0x1082  }
0x22: {  	[simem:s7], [sflag:s8] =	dma.local @!p0 [hbm:s6], $0xF7A  }
0x23: {  	s9 =	sor.u32 $0xD0000000, s2;
	s6 =	simm.s32 $0x108;
	_ =	swait.ge @!p0 [sflag:s8], $0x0  }
0x24: {  	s3 =	sadd.s32 $0x88, s3;
	s6 =	simm.s32 @!p1 $0x1082;
	[sflag:s4] =	ssyncset.s32 $0xFFFFF086  }
0x25: {  	[simem:s6], [sflag:s4] =	dma.local [hbm:s3], $0xF7A  }
0x26: {  	[smem:$0x3F98] =	sst s1;
	(tag) =	ssettag s2;
	_ =	strace s9  }
0x27: {  	s1 =	sld [smem:$0x3FA8]  }
0x28: {  	s2 =	sld [smem:$0x3FA9]  }
0x29: {  	s4 =	sld [smem:$0x3FAB]  }
0x2a: {  	p0 =	seq.s32 s5, $0x0;
	s5 =	sld [smem:$0x3FAC]  }
0x2b: {  	s6 =	sld [smem:$0x3FAD]  }
0x2c: {  	s7 =	sld [smem:$0x3FAE]  }
0x2d: {  	s3 =	simm.s32 $0x108;
	s8 =	sld [smem:$0x3FAF]  }
0x2e: {  	s3 =	simm.s32 @!p0 $0x1082;
	s9 =	sld [smem:$0x3FB0]  }
0x2f: {  	lr =	sadd.s32 s0, s3;
	s0 =	sld [smem:$0x3FA7]  }
0x30: {  	s3 =	sld [smem:$0x3FAA]  }
0x31: {  	[smem:$0x3FB3] =	sst s10  }
0x32: {  	s10 =	sld [smem:$0x3FB1];
	_ =	sdelay $0x3  }
0x33: {  	p0 =	seq.s32 s10, $0x1;
	s10 =	sld [smem:$0x3FB3];
	_ =	sdelay $0x3  }
0x34: {  	[smem:$0x3FB3] =	sst s10  }
0x35: {  	s10 =	sld [smem:$0x3FB2];
	_ =	sdelay $0x3  }
0x36: {  	p1 =	seq.s32 s10, $0x1;
	s10 =	sld [smem:$0x3FB3];
	_ =	sdelay $0x3  }
0x37: {  	[smem:$0x3FB3] =	sst s10  }
0x38: {  	s10 =	sld [smem:$0x3FB4]  }
0x39: {  	_ = 	snop;
	(pc) =	sbr.ind lr, $3  }
0x3a: {  	_ = 	snop  }
0x3b: {  	_ = 	snop  }
0x3c: {  	p2 =	seq.s32 s10, $0x1;
	s10 =	sld [smem:$0x3FB3]  }
0x3d: {  	_ =	shalt  }
0x3e: {  	_ =	shalt  }
0x3f: {  	_ =	shalt  }
0x40: {  	_ =	shalt  }
0x41: {  	_ =	shalt  }
0x42: {  	_ =	shalt  }
0x43: {  	_ =	shalt  }
0x44: {  	_ =	shalt  }
0x45: {  	_ =	shalt  }
0x46: {  	_ =	shalt  }
0x47: {  	_ =	shalt  }
0x48: {  	_ =	shalt  }
0x49: {  	_ =	shalt  }
0x4a: {  	_ =	shalt  }
0x4b: {  	_ =	shalt  }
0x4c: {  	_ =	shalt  }
0x4d: {  	_ =	shalt  }
0x4e: {  	_ =	shalt  }
0x4f: {  	_ =	shalt  }
0x50: {  	_ =	shalt  }
0x51: {  	_ =	shalt  }
0x52: {  	_ =	shalt  }
0x53: {  	_ =	shalt  }
0x54: {  	_ =	shalt  }
0x55: {  	_ =	shalt  }
0x56: {  	_ =	shalt  }
0x57: {  	_ =	shalt  }
0x58: {  	_ =	shalt  }
0x59: {  	_ =	shalt  }
0x5a: {  	_ =	shalt  }
0x5b: {  	_ =	shalt  }
0x5c: {  	_ =	shalt  }
0x5d: {  	_ =	shalt  }
0x5e: {  	_ =	shalt  }
0x5f: {  	_ =	shalt  }
0x60: {  	_ =	shalt  }
0x61: {  	_ =	shalt  }
0x62: {  	_ =	shalt  }
0x63: {  	_ =	shalt  }
0x64: {  	_ =	shalt  }
0x65: {  	_ =	shalt  }
0x66: {  	_ =	shalt  }
0x67: {  	_ =	shalt  }
0x68: {  	_ =	shalt  }
0x69: {  	_ =	shalt  }
0x6a: {  	_ =	shalt  }
0x6b: {  	_ =	shalt  }
0x6c: {  	_ =	shalt  }
0x6d: {  	_ =	shalt  }
0x6e: {  	_ =	shalt  }
0x6f: {  	_ =	shalt  }
0x70: {  	_ =	shalt  }
0x71: {  	_ =	shalt  }
0x72: {  	_ =	shalt  }
0x73: {  	_ =	shalt  }
0x74: {  	_ =	shalt  }
0x75: {  	_ =	shalt  }
0x76: {  	_ =	shalt  }
0x77: {  	_ =	shalt  }
0x78: {  	_ =	shalt  }
0x79: {  	_ =	shalt  }
0x7a: {  	_ =	shalt  }
0x7b: {  	_ =	shalt  }
0x7c: {  	_ =	shalt  }
0x7d: {  	_ =	shalt  }
0x7e: {  	_ =	shalt  }
0x7f: {  	_ =	shalt  }
0x80: {  	_ =	shalt  }
0x81: {  	_ =	shalt  }
0x82: {  	_ =	shalt  }
0x83: {  	_ =	shalt  }
0x84: {  	_ =	shalt  }
0x85: {  	_ =	shalt  }
0x86: {  	_ =	shalt  }
0x87: {  	_ =	shalt  }
.Lfunc_end0:
.L_simem_size_0:
called_computation_lowered:
.L_overlay_start_0:
0x88: {  	s2 =	sld [smem:$0x3FD9]  }
0x89: {  	s3 =	sld [smem:$0x3FFE];
	_ =	sdelay $0x1  }
0x8a: {  	s1 =	srdreg.scid  }
0x8b: {  	s0 =	sand.u32 $0x1, s1  }
0x8c: {  	s17 =	sshll.u32 s0, $0xA;
	s2 =	sadd.s32 s3, s2  }
0x8d: {  	s2 =	sadd.s32 s2, s17  }
0x8e: {  	[smem:$0x3FBF] =	sst s2  }
0x8f: {  	_ = 	snop  }
0x90: {  	s2 =	sld [smem:$0x3FD0];
	(tm) =	ssettm $0x1  }
0x91: {  	s18 =	sld [smem:$0x3FFB];
	_ =	sdelay $0x3  }
0x92: {  	_ =	strace s18  }
0x93: {  	s3 =	sld [smem:$0x3FFC];
	_ =	sdelay $0x3  }
0x94: {  	_ =	strace s3  }
0x95: {  	s3 =	sld [smem:$0x3FFD];
	_ =	sdelay $0x3  }
0x96: {  	_ =	strace s3  }
0x97: {  	_ =	strace $0x8FFFFFFF  }
0x98: {  	s19 =	sld [smem:$0x3FDB];
	_ =	sdelay $0x1  }
0x99: {  	s4 =	simm.s32 $_scs_section_size  }
0x9a: {  	s5 =	simm.s32 $_size__tile_overlayer_lowered;
	s6 =	simm.s32 $_tile_overlayer_lowered  }
0x9b: {  	s22 =	simm.s32 $0x1BFF;
	s21 =	sshll.u32 s6, $0x1;
	s3 =	sadd.s32 s4, s19  }
0x9c: {  	s7 =	simm.s32 $0x0;
	s20 =	sshll.u32 s5, $0x1;
	s5 =	sadd.s32 s21, s3  }
0x9d: {  	[timem:s7], [sflag:s22] =	dma.local [hbm:s5], s20  }
0x9e: {  	_ =	swait.ge [sflag:s22], s20  }
0x9f: {  	s4 =	ssub.s32 $0x0, s20;
	[sflag:s22] =	ssyncset.done $0x0  }
0xa0: {  	[sflag:s22] =	ssyncadd.s32 s4;
	_ =	sdelay $0x1  }
0xa1: {  	s23 =	simm.s32 $0x1B8B  }
0xa2: {  	_ =	swait.ge [sflag:s23], $0x1  }
0xa3: {  	[sflag:s23] =	ssyncset.done $0x0  }
0xa4: {  	s25 =	simm.s32 $0x1B8E;
	s24 =	sld [smem:$0x3FFE];
	[sflag:s23] =	ssyncadd.s32 $0xFFFFFFFF  }
0xa5: {  	s26 =	simm.s32 $execute0_lowered;
	[smem:$0x3FD2] =	sst s25  }
0xa6: {  	s5 =	sshll.u32 s26, $0x1;
	_ =	strace $0x80000046;
	[dreg:$0x1] =	wrdreg $0xFFFFFFFF  }
0xa7: {  	s28 =	simm.s32 $_size_execute0_lowered;
	s3 =	sadd.s32 s3, s5;
	[dreg:$0x0] =	wrdreg $0x0  }
0xa8: {  	s5 =	sshll.u32 s28, $0x1;
	[dreg:$0x2] =	wrdreg s3  }
0xa9: {  	[dreg:$0x3] =	wrdreg s5  }
0xaa: {  	[dreg:$0x4] =	wrdreg $0xC0  }
0xab: {  	_ =	task [dreg:s7], $0x5FFFF  }
0xac: {  	[dreg:$0x1] =	wrdreg $0xFFFFFFFF  }
0xad: {  	[dreg:$0x0] =	wrdreg $0x60  }
0xae: {  	[dreg:$0x2] =	wrdreg s2  }
0xaf: {  	[dreg:$0x3] =	wrdreg s24  }
0xb0: {  	[dreg:$0x4] =	wrdreg $0x130800  }
0xb1: {  	[dreg:$0x5] =	wrdreg $0x9  }
0xb2: {  	_ =	task.clear_ibuf [dreg:s7], $0x6FFFF;
	_ =	strace $0x90000046  }
0xb3: {  	s29 =	simm.s32 $0x9;
	_ =	strace $0x80000048  }
0xb4: {  	_ =	swait.ge [sflag:s29], $0x1  }
0xb5: {  	[sflag:s29] =	ssyncadd.s32 $0xFFFFFFFF  }
0xb6: {  	_ =	strace $0x90000048  }
0xb7: {  	_ =	sfence  }
0xb8: {  	s30 =	sld [smem:$0x0];
	_ =	sdelay $0x2  }
0xb9: {  	s31 =	sshll.u32 s1, $0xD;
	s1 =	sshrl.u32 s1, $0x2  }
0xba: {  	s3 =	sand.u32 $0x4000, s31;
	s1 =	sadd.s32 s1, s30  }
0xbb: {  	s0 =	sor.u32 s3, s0;
	s1 =	sshll.u32 s1, $0x11  }
0xbc: {  	s0 =	sor.u32 s1, s0  }
0xbd: {  	s0 =	sadd.s32 $0x8F2B, s0  }
0xbe: {  	[sflag:s0] =	ssyncadd.remote.s32 $0x1  }
0xbf: {  	_ =	sfence.sel $0xFFFF  }
0xc0: {  	[dreg:$0x0] =	wrdreg $0xFFFFFFFF;
	(pc) =	sbr.abs _section_cstart, $3  }
0xc1: {  	[dreg:$0x1] =	wrdreg $0xFFFFFFFF  }
0xc2: {  	_ =	task.clear_ibuf [dreg:s7], $0x2FFFF;
	_ =	strace $0x9FFFFFFF  }
0xc3: {  	(tm) =	ssettm $0x7FFFFFFF  }
tec
execute0_lowered:
.L_overlay_start_1:
0x0: {  	(tag) =	ssettag $0x1  }
0x1: {  	s1 =	rddreg [dreg:$0x0]  }
0x2: {  	s8 =	rddreg [dreg:$0x1]  }
0x3: {  	s3 =	rddreg [dreg:$0x2]  }
0x4: {  	s4 =	simm.s32 $0x0;
	s2 =	stileid.u32;
	s7 =	srdreg.scid  }
0x5: {  	s17 =	simm.s32 $0x5000;
	s18 =	simm.s32 $0xA000;
	s21 =	simm.s32 $0x80  }
0x6: {  	s22 =	simm.s32 $0xF080;
	s23 =	simm.s32 $0xF000;
	s24 =	simm.s32 $0x0  }
0x7: {  	[smem:$0x7FF] =	sst s4;
	s6 =	smul.u32 $0xA00, s2;
	s5 =	sadd.s32 $0x23200, s8  }
0x8: {  	s16 =	sand.u32 $0x1, s7;
	s7 =	sadd.s32 $0x4BA00, s8;
	s12 =	smul.u32 $0x29000, s2  }
0x9: {  	s13 =	smul.u32 $0x28000, s2;
	s19 =	sshll.u32 s2, $0x6;
	_ =	strace $0x80000047  }
0xa: {  	s9 =	ssub.s32 $0x2, s16;
	p0 =	sne.s32 s16, $0x0;
	s16 =	simm.s32 $0x1  }
0xb: {  	s19 =	sor.u32 $0x1C01, s19;
	s11 =	sadd.s32 s6, s8;
	s6 =	sadd.s32 $0x4A400, s8  }
.Ltmp0:
0xc: {  	s10 =	sshrl.u32 s9, $0x1;
	s8 =	sadd.s32 $0x73A00, s8;
	(pc) =	sbr.rel .LBB2_1-.Ltmp0, $4  }
0xd: {  	s15 =	sshrl.u32 s12, $0x2;
	s13 =	sshrl.u32 s13, $0x2;
	s12 =	smul.u32 $0x1400, s2  }
0xe: {  	s14 =	ssub.s32 s9, s10;
	s9 =	sadd.s32 $0x5200, s11;
	s10 =	sadd.s32 $0xF200, s11  }
0xf: {  	s11 =	sadd.s32 $0x19200, s11;
	s20 =	sadd.s32 s15, s3;
	s13 =	sadd.s32 s13, s3  }
0x10: {  	s14 =	smax.u32 s14, $0x1;
	s15 =	sadd.s32 $0x14000, s12;
	s20 =	sshrl.u32 s20, $0x3  }
.LBB2_19:
0x11: {  	s0 =	sadd.s32 s26, s15;
	[bflag:$0x0] =	sbarrier.arrive $0xFFFF;
	s24 =	sadd.s32 $0x1, s24  }
0x12: {  	[hbm:s0], [sflag:s19] =	dma.local [spmem:s25], $0x1400  }
0x13: {  	p1 =	sne.s32 s24, s14  }
.Ltmp1:
0x14: {  	_ =	swait.ge [sflag:s16], $0x1400;
	(pc) =	sbr.rel @!p1 .LBB2_20-.Ltmp1, $3  }
0x15: {  	[sflag:s16] =	ssyncset.done $0x0  }
0x16: {  	[sflag:s16] =	ssyncadd.s32 $0xFFFFEC00  }
0x17: {  	[bflag:$0x0] =	sbarrier.arrive $0xFFFF;
	_ =	sdelay $0x1  }
.LBB2_1:
0x18: {  	[tilespmem:s4], [sflag:$0x1] =	stream.linear.gather [hbm4b:s9+s4], $0x4E80, $0x38;
	[tilespmem:$0x1D480] =	vst v63  }
0x19: {  	_ =	swait.ge [sflag:s16], $0x4E80  }
0x1a: {  	[sflag:s16] =	ssyncset.done $0x0  }
0x1b: {  	[sflag:s16] =	ssyncadd.s32 $0xFFFFB180  }
0x1c: {  	[tilespmem:s17], [sflag:$0x1] =	stream.linear.gather [hbm4b:s10+s4], $0x4E80, $0x38;
	[tilespmem:$0x1D480] =	vst v63  }
0x1d: {  	_ =	swait.ge [sflag:s16], $0x4E80  }
0x1e: {  	[sflag:s16] =	ssyncset.done $0x0  }
0x1f: {  	[sflag:s16] =	ssyncadd.s32 $0xFFFFB180  }
0x20: {  	[tilespmem:s18], [sflag:$0x1] =	stream.linear.gather [hbm4b:s11+s4], $0x4E80, $0x38;
	[tilespmem:$0x1D480] =	vst v63  }
0x21: {  	_ =	swait.ge [sflag:s16], $0x4E80  }
0x22: {  	[sflag:s16] =	ssyncset.done $0x0  }
0x23: {  	[sflag:s16] =	ssyncadd.s32 $0xFFFFB180  }
0x24: {  	[spmem:s20], [sflag:s19] =	dma.local [hbm:s6], $0x1480  }
.Ltmp2:
0x25: {  	_ =	swait.ge [sflag:s16], $0x1480;
	(pc) =	sbr.rel @p0 .LBB2_6-.Ltmp2, $4  }
0x26: {  	[sflag:s16] =	ssyncset.done $0x0  }
0x27: {  	[sflag:s16] =	ssyncadd.s32 $0xFFFFEB80  }
0x28: {  	[bflag:$0x0] =	sbarrier.arrive $0xFFFF  }
0x29: {  	s25 =	simm.s32 $0x0;
	s26 =	simm.s32 $0x0  }
.LBB2_2:
0x2a: {  	s26 =	sshll.u32 s25, $0x7  }
0x2b: {  	[tilespmem:s22], [sflag:$0x1] =	stream.indirect.gather [hbm4b:s1+s21], $0x80, s26, s21, $0xb8;
	[tilespmem:$0x1D480] =	vst v63  }
0x2c: {  	_ =	swait.ge [sflag:s16], $0x4000  }
0x2d: {  	[sflag:s16] =	ssyncset.done $0x0  }
0x2e: {  	[sflag:s16] =	ssyncadd.s32 $0xFFFFC000  }
0x2f: {  	v0 =	vld [tilespmem:s26+$0x5000];
	_ =	sdelay $0x4  }
0x30: {  	v0 =	vmin.u32 v0, $0x1400  }
0x31: {  	[tilespmem:$0xF000] =	vst v0  }
0x32: {  	v0 =	vld [tilespmem:s26+$0x5010];
	_ =	sdelay $0x4  }
0x33: {  	v0 =	vmin.u32 v0, $0x1400  }
0x34: {  	[tilespmem:$0xF010] =	vst v0  }
0x35: {  	v0 =	vld [tilespmem:s26+$0x5020];
	_ =	sdelay $0x4  }
0x36: {  	v0 =	vmin.u32 v0, $0x1400  }
0x37: {  	[tilespmem:$0xF020] =	vst v0  }
0x38: {  	v0 =	vld [tilespmem:s26+$0x5030];
	_ =	sdelay $0x4  }
0x39: {  	v0 =	vmin.u32 v0, $0x1400  }
0x3a: {  	[tilespmem:$0xF030] =	vst v0  }
0x3b: {  	v0 =	vld [tilespmem:s26+$0x5040];
	_ =	sdelay $0x4  }
0x3c: {  	v0 =	vmin.u32 v0, $0x1400  }
0x3d: {  	[tilespmem:$0xF040] =	vst v0  }
0x3e: {  	v0 =	vld [tilespmem:s26+$0x5050];
	_ =	sdelay $0x4  }
0x3f: {  	v0 =	vmin.u32 v0, $0x1400  }
0x40: {  	[tilespmem:$0xF050] =	vst v0  }
0x41: {  	v0 =	vld [tilespmem:s26+$0x5060];
	_ =	sdelay $0x4  }
0x42: {  	v0 =	vmin.u32 v0, $0x1400  }
0x43: {  	[tilespmem:$0xF060] =	vst v0  }
0x44: {  	s28 =	simm.s32 $0x0;
	v1 =	vld [tilespmem:s26+$0x5070]  }
0x45: {  	v2 =	vmov s28  }
0x46: {  	v2 =	vand.u32 $0x7F, v2;
	v0 =	vmov s26  }
0x47: {  	v2 =	vadd.s32 v0, v2  }
0x48: {  	v2 =	vbroadcast v2, $0x0  }
0x49: {  	v1 =	vmin.u32 v1, $0x1400  }
0x4a: {  	s26 =	simm.s32 $0xF0C0;
	[tilespmem:$0xF070] =	vst v1  }
0x4b: {  	v5 =	vld [tilespmem:s26+$0x30]  }
0x4c: {  	v8 =	vld [tilespmem:s26+$0x10]  }
0x4d: {  	v6 =	vld [tilespmem:s26+$0xFFFFFFC0]  }
0x4e: {  	v2 =	vld.idx.msk [tilespmem:v2+s18+$0x0], $0xffff  }
0x4f: {  	v11 =	vld [tilespmem:s26+$0xFFFFFFE0]  }
0x50: {  	v1 =	vld [tilespmem:s26+$0xFFFFFFF0]  }
0x51: {  	v3 =	vld [tilespmem:s26+$0x20]  }
0x52: {  	v4 =	vld [tilespmem:s26+$0xFFFFFFD0]  }
0x53: {  	v9 =	vmul.f32 v5, v2;
	v5 =	vld [tilespmem:s26+$0x0]  }
0x54: {  	s28 =	simm.s32 $0x1;
	v7 =	vmul.f32 v6, v2  }
0x55: {  	s29 =	simm.s32 $0x2;
	v10 =	vmov s28;
	s28 =	simm.s32 $0xF0C0;
	v6 =	vmul.f32 v11, v2;
	v8 =	vmul.f32 v8, v2  }
.LBB2_3:
0x56: {  	p1 =	sne.s32 s29, $0x7F  }
0x57: {  	v10 =	vand.u32 $0x7F, v10;
	v4 =	vmul.f32 v4, v2;
	v3 =	vmul.f32 v3, v2;
	[tilespmem:s26+$0x30] =	vst v9;
	s28 =	sadd.s32 $0x80, s28;
	s30 =	smov.u32 s29;
	s29 =	sadd.s32 $0x1, s29  }
0x58: {  	v9 =	vadd.s32 v0, v10;
	[tilespmem:s26+$0xFFFFFFC0] =	vst v7;
	v7 =	vmul.f32 v1, v2;
	v2 =	vmul.f32 v5, v2  }
0x59: {  	v5 =	vbroadcast v9, $0x0;
	[tilespmem:s26+$0x10] =	vst v8  }
0x5a: {  	[tilespmem:s26+$0xFFFFFFE0] =	vst v6  }
0x5b: {  	v1 =	vld [tilespmem:s28+$0xFFFFFFF0];
	[tilespmem:s26+$0xFFFFFFF0] =	vst v7  }
0x5c: {  	v6 =	vld [tilespmem:s28+$0x30];
	[tilespmem:s26+$0x0] =	vst v2  }
0x5d: {  	v8 =	vld [tilespmem:s28+$0x10];
	[tilespmem:s26+$0x20] =	vst v3  }
0x5e: {  	v7 =	vld [tilespmem:s28+$0xFFFFFFC0];
	[tilespmem:s26+$0xFFFFFFD0] =	vst v4;
	s26 =	smov.u32 s28  }
0x5f: {  	v2 =	vld.idx.msk [tilespmem:v5+s18+$0x0], $0xffff  }
0x60: {  	v11 =	vld [tilespmem:s28+$0xFFFFFFE0]  }
0x61: {  	v3 =	vld [tilespmem:s28+$0x20]  }
.Ltmp3:
0x62: {  	v4 =	vld [tilespmem:s28+$0xFFFFFFD0];
	(pc) =	sbr.rel @p1 .LBB2_3-.Ltmp3, $3  }
0x63: {  	v5 =	vld [tilespmem:s28+$0x0];
	_ =	sdelay $0x1  }
0x64: {  	v7 =	vmul.f32 v7, v2;
	v9 =	vmul.f32 v6, v2  }
0x65: {  	v10 =	vmov s30;
	v8 =	vmul.f32 v8, v2;
	v6 =	vmul.f32 v11, v2  }
0x66: {  	[tilespmem:s26+$0x30] =	vst v9;
	v53 =	vand.u32 $0x7F, v10  }
0x67: {  	[tilespmem:s26+$0xFFFFFFC0] =	vst v7;
	v0 =	vadd.s32 v0, v53  }
0x68: {  	v1 =	vmul.f32 v1, v2;
	[tilespmem:s26+$0x10] =	vst v8;
	v0 =	vbroadcast v0, $0x0  }
0x69: {  	s28 =	sadd.s32 $0x80, s28;
	[tilespmem:s26+$0xFFFFFFE0] =	vst v6;
	v5 =	vmul.f32 v5, v2  }
0x6a: {  	v55 =	vmul.f32 v4, v2;
	v6 =	vld [tilespmem:s28+$0xFFFFFFF0];
	[tilespmem:s26+$0xFFFFFFF0] =	vst v1  }
0x6b: {  	v3 =	vmul.f32 v3, v2;
	v54 =	vld [tilespmem:s28+$0x30];
	[tilespmem:s26+$0x0] =	vst v5  }
0x6c: {  	v57 =	vld [tilespmem:s28+$0xFFFFFFC0];
	[tilespmem:s26+$0xFFFFFFD0] =	vst v55  }
0x6d: {  	v56 =	vld [tilespmem:s28+$0x10];
	[tilespmem:s26+$0x20] =	vst v3  }
0x6e: {  	v0 =	vld.idx.msk [tilespmem:v0+s18+$0x0], $0xffff;
	_ =	sdelay $0x2  }
0x6f: {  	v2 =	vld [tilespmem:s28+$0xFFFFFFE0];
	_ =	sdelay $0x1  }
0x70: {  	v5 =	vld [tilespmem:s28+$0x0];
	v1 =	vmul.f32 v54, v0  }
0x71: {  	v58 =	vld [tilespmem:s28+$0x20];
	v3 =	vmul.f32 v57, v0  }
0x72: {  	v59 =	vld [tilespmem:s28+$0xFFFFFFD0];
	v4 =	vmul.f32 v56, v0;
	[tilespmem:s28+$0x30] =	vst v1  }
0x73: {  	v60 =	vmul.f32 v2, v0;
	[tilespmem:s28+$0xFFFFFFC0] =	vst v3  }
0x74: {  	v61 =	vmul.f32 v6, v0;
	[tilespmem:s28+$0x10] =	vst v4  }
0x75: {  	v62 =	vmul.f32 v5, v0;
	[tilespmem:s28+$0xFFFFFFE0] =	vst v60  }
0x76: {  	v63 =	vmul.f32 v58, v0;
	[tilespmem:s28+$0xFFFFFFF0] =	vst v61  }
0x77: {  	s25 =	sadd.s32 $0x1, s25;
	v0 =	vmul.f32 v59, v0;
	[tilespmem:s28+$0x0] =	vst v62  }
0x78: {  	p1 =	seq.s32 s25, $0x9D;
	[tilespmem:s28+$0x20] =	vst v63  }
.Ltmp4:
0x79: {  	[tilespmem:s28+$0xFFFFFFD0] =	vst v0;
	(pc) =	sbr.rel @!p1 .LBB2_2-.Ltmp4, $4  }
0x7a: {  	[spmem:s3] =	stream.indirect.scatter.add.f32 [tilespmem:s22], [sflag:$0x1], $0x80, s23, s21, $0xb8;
	[tilespmem:$0x1D480] =	vst v63  }
0x7b: {  	_ =	swait.ge [sflag:s16], $0x4000  }
0x7c: {  	[sflag:s16] =	ssyncset.done $0x0  }
0x7d: {  	[sflag:s16] =	ssyncadd.s32 $0xFFFFC000  }
.Ltmp5:
0x7e: {  	(pc) =	sbr.rel .LBB2_10-.Ltmp5, $2  }
0x7f: {  	_ =	sdelay $0x2  }
0x80: {  	s25 =	smov.u32 s7  }
.LBB2_6:
0x81: {  	s25 =	sshll.u32 s26, $0x7  }
0x82: {  	[tilespmem:s22], [sflag:$0x1] =	stream.indirect.gather [hbm4b:s5+s21], $0x80, s25, s21, $0xb8;
	[tilespmem:$0x1D480] =	vst v63  }
0x83: {  	_ =	swait.ge [sflag:s16], $0x4000  }
0x84: {  	[sflag:s16] =	ssyncset.done $0x0  }
0x85: {  	[sflag:s16] =	ssyncadd.s32 $0xFFFFC000  }
0x86: {  	v0 =	vld [tilespmem:s25+$0x5000];
	_ =	sdelay $0x4  }
0x87: {  	v0 =	vmin.u32 v0, $0x1400  }
0x88: {  	[tilespmem:$0xF000] =	vst v0  }
0x89: {  	v0 =	vld [tilespmem:s25+$0x5010];
	_ =	sdelay $0x4  }
0x8a: {  	v0 =	vmin.u32 v0, $0x1400  }
0x8b: {  	[tilespmem:$0xF010] =	vst v0  }
0x8c: {  	v0 =	vld [tilespmem:s25+$0x5020];
	_ =	sdelay $0x4  }
0x8d: {  	v0 =	vmin.u32 v0, $0x1400  }
0x8e: {  	[tilespmem:$0xF020] =	vst v0  }
0x8f: {  	v0 =	vld [tilespmem:s25+$0x5030];
	_ =	sdelay $0x4  }
0x90: {  	v0 =	vmin.u32 v0, $0x1400  }
0x91: {  	[tilespmem:$0xF030] =	vst v0  }
0x92: {  	v0 =	vld [tilespmem:s25+$0x5040];
	_ =	sdelay $0x4  }
0x93: {  	v0 =	vmin.u32 v0, $0x1400  }
0x94: {  	[tilespmem:$0xF040] =	vst v0  }
0x95: {  	v0 =	vld [tilespmem:s25+$0x5050];
	_ =	sdelay $0x4  }
0x96: {  	v0 =	vmin.u32 v0, $0x1400  }
0x97: {  	[tilespmem:$0xF050] =	vst v0  }
0x98: {  	v0 =	vld [tilespmem:s25+$0x5060];
	_ =	sdelay $0x4  }
0x99: {  	v0 =	vmin.u32 v0, $0x1400  }
0x9a: {  	[tilespmem:$0xF060] =	vst v0  }
0x9b: {  	s28 =	simm.s32 $0x0;
	v1 =	vld [tilespmem:s25+$0x5070]  }
0x9c: {  	v2 =	vmov s28  }
0x9d: {  	v2 =	vand.u32 $0x7F, v2;
	v0 =	vmov s25  }
0x9e: {  	v2 =	vadd.s32 v0, v2  }
0x9f: {  	v2 =	vbroadcast v2, $0x0  }
0xa0: {  	v1 =	vmin.u32 v1, $0x1400  }
0xa1: {  	s25 =	simm.s32 $0xF0C0;
	[tilespmem:$0xF070] =	vst v1  }
0xa2: {  	v5 =	vld [tilespmem:s25+$0x30]  }
0xa3: {  	v8 =	vld [tilespmem:s25+$0x10]  }
0xa4: {  	v6 =	vld [tilespmem:s25+$0xFFFFFFC0]  }
0xa5: {  	v2 =	vld.idx.msk [tilespmem:v2+s18+$0x0], $0xffff  }
0xa6: {  	v11 =	vld [tilespmem:s25+$0xFFFFFFE0]  }
0xa7: {  	v1 =	vld [tilespmem:s25+$0xFFFFFFF0]  }
0xa8: {  	v3 =	vld [tilespmem:s25+$0x20]  }
0xa9: {  	v4 =	vld [tilespmem:s25+$0xFFFFFFD0]  }
0xaa: {  	v9 =	vmul.f32 v5, v2;
	v5 =	vld [tilespmem:s25+$0x0]  }
0xab: {  	s28 =	simm.s32 $0x1;
	v7 =	vmul.f32 v6, v2  }
0xac: {  	s29 =	simm.s32 $0x2;
	v10 =	vmov s28;
	s28 =	simm.s32 $0xF0C0;
	v6 =	vmul.f32 v11, v2;
	v8 =	vmul.f32 v8, v2  }
.LBB2_7:
0xad: {  	p1 =	sne.s32 s29, $0x7F  }
0xae: {  	v10 =	vand.u32 $0x7F, v10;
	v4 =	vmul.f32 v4, v2;
	v3 =	vmul.f32 v3, v2;
	[tilespmem:s25+$0x30] =	vst v9;
	s28 =	sadd.s32 $0x80, s28;
	s30 =	smov.u32 s29;
	s29 =	sadd.s32 $0x1, s29  }
0xaf: {  	v9 =	vadd.s32 v0, v10;
	[tilespmem:s25+$0xFFFFFFC0] =	vst v7;
	v7 =	vmul.f32 v1, v2;
	v2 =	vmul.f32 v5, v2  }
0xb0: {  	v5 =	vbroadcast v9, $0x0;
	[tilespmem:s25+$0x10] =	vst v8  }
0xb1: {  	[tilespmem:s25+$0xFFFFFFE0] =	vst v6  }
0xb2: {  	v1 =	vld [tilespmem:s28+$0xFFFFFFF0];
	[tilespmem:s25+$0xFFFFFFF0] =	vst v7  }
0xb3: {  	v6 =	vld [tilespmem:s28+$0x30];
	[tilespmem:s25+$0x0] =	vst v2  }
0xb4: {  	v8 =	vld [tilespmem:s28+$0x10];
	[tilespmem:s25+$0x20] =	vst v3  }
0xb5: {  	v7 =	vld [tilespmem:s28+$0xFFFFFFC0];
	[tilespmem:s25+$0xFFFFFFD0] =	vst v4;
	s25 =	smov.u32 s28  }
0xb6: {  	v2 =	vld.idx.msk [tilespmem:v5+s18+$0x0], $0xffff  }
0xb7: {  	v11 =	vld [tilespmem:s28+$0xFFFFFFE0]  }
0xb8: {  	v3 =	vld [tilespmem:s28+$0x20]  }
.Ltmp6:
0xb9: {  	v4 =	vld [tilespmem:s28+$0xFFFFFFD0];
	(pc) =	sbr.rel @p1 .LBB2_7-.Ltmp6, $3  }
0xba: {  	v5 =	vld [tilespmem:s28+$0x0];
	_ =	sdelay $0x1  }
0xbb: {  	v7 =	vmul.f32 v7, v2;
	v9 =	vmul.f32 v6, v2  }
0xbc: {  	v10 =	vmov s30;
	v8 =	vmul.f32 v8, v2;
	v6 =	vmul.f32 v11, v2  }
0xbd: {  	[tilespmem:s25+$0x30] =	vst v9;
	v53 =	vand.u32 $0x7F, v10  }
0xbe: {  	[tilespmem:s25+$0xFFFFFFC0] =	vst v7;
	v0 =	vadd.s32 v0, v53  }
0xbf: {  	v1 =	vmul.f32 v1, v2;
	[tilespmem:s25+$0x10] =	vst v8;
	v0 =	vbroadcast v0, $0x0  }
0xc0: {  	s28 =	sadd.s32 $0x80, s28;
	[tilespmem:s25+$0xFFFFFFE0] =	vst v6;
	v5 =	vmul.f32 v5, v2  }
0xc1: {  	v55 =	vmul.f32 v4, v2;
	v6 =	vld [tilespmem:s28+$0xFFFFFFF0];
	[tilespmem:s25+$0xFFFFFFF0] =	vst v1  }
0xc2: {  	v3 =	vmul.f32 v3, v2;
	v54 =	vld [tilespmem:s28+$0x30];
	[tilespmem:s25+$0x0] =	vst v5  }
0xc3: {  	v57 =	vld [tilespmem:s28+$0xFFFFFFC0];
	[tilespmem:s25+$0xFFFFFFD0] =	vst v55  }
0xc4: {  	v56 =	vld [tilespmem:s28+$0x10];
	[tilespmem:s25+$0x20] =	vst v3  }
0xc5: {  	v0 =	vld.idx.msk [tilespmem:v0+s18+$0x0], $0xffff;
	_ =	sdelay $0x2  }
0xc6: {  	v2 =	vld [tilespmem:s28+$0xFFFFFFE0];
	_ =	sdelay $0x1  }
0xc7: {  	v5 =	vld [tilespmem:s28+$0x0];
	v1 =	vmul.f32 v54, v0  }
0xc8: {  	v58 =	vld [tilespmem:s28+$0x20];
	v3 =	vmul.f32 v57, v0  }
0xc9: {  	v59 =	vld [tilespmem:s28+$0xFFFFFFD0];
	v4 =	vmul.f32 v56, v0;
	[tilespmem:s28+$0x30] =	vst v1  }
0xca: {  	v60 =	vmul.f32 v2, v0;
	[tilespmem:s28+$0xFFFFFFC0] =	vst v3  }
0xcb: {  	v61 =	vmul.f32 v6, v0;
	[tilespmem:s28+$0x10] =	vst v4  }
0xcc: {  	v62 =	vmul.f32 v5, v0;
	[tilespmem:s28+$0xFFFFFFE0] =	vst v60  }
0xcd: {  	v63 =	vmul.f32 v58, v0;
	[tilespmem:s28+$0xFFFFFFF0] =	vst v61  }
0xce: {  	s26 =	sadd.s32 $0x1, s26;
	v0 =	vmul.f32 v59, v0;
	[tilespmem:s28+$0x0] =	vst v62  }
0xcf: {  	p1 =	sne.s32 s26, $0x9D;
	[tilespmem:s28+$0x20] =	vst v63  }
.Ltmp7:
0xd0: {  	[tilespmem:s28+$0xFFFFFFD0] =	vst v0;
	(pc) =	sbr.rel @p1 .LBB2_6-.Ltmp7, $4  }
0xd1: {  	[spmem:s3] =	stream.indirect.scatter.add.f32 [tilespmem:s22], [sflag:$0x1], $0x80, s23, s21, $0xb8;
	[tilespmem:$0x1D480] =	vst v63  }
0xd2: {  	_ =	swait.ge [sflag:s16], $0x4000  }
0xd3: {  	[sflag:s16] =	ssyncset.done $0x0  }
0xd4: {  	[sflag:s16] =	ssyncadd.s32 $0xFFFFC000  }
0xd5: {  	s25 =	smov.u32 s8  }
.LBB2_10:
0xd6: {  	s26 =	sadd.s32 s25, s12;
	[bflag:$0x0] =	sbarrier.arrive $0xFFFF;
	s25 =	sshrl.u32 s13, $0x3  }
0xd7: {  	[hbm:s26], [sflag:s19] =	dma.local [spmem:s25], $0x1400  }
0xd8: {  	_ =	swait.ge [sflag:s16], $0x1400  }
0xd9: {  	[sflag:s16] =	ssyncset.done $0x0  }
0xda: {  	[sflag:s16] =	ssyncadd.s32 $0xFFFFEC00  }
0xdb: {  	[bflag:$0x0] =	sbarrier.arrive $0xFFFF  }
0xdc: {  	[spmem:s20], [sflag:s19] =	dma.local [hbm:s6], $0x1480  }
.Ltmp8:
0xdd: {  	_ =	swait.ge [sflag:s16], $0x1480;
	(pc) =	sbr.rel @p0 .LBB2_15-.Ltmp8, $4  }
0xde: {  	[sflag:s16] =	ssyncset.done $0x0  }
0xdf: {  	[sflag:s16] =	ssyncadd.s32 $0xFFFFEB80  }
0xe0: {  	[bflag:$0x0] =	sbarrier.arrive $0xFFFF  }
0xe1: {  	s28 =	simm.s32 $0x0;
	s29 =	simm.s32 $0x0;
	s26 =	simm.s32 $0x0  }
.LBB2_11:
0xe2: {  	s29 =	sshll.u32 s28, $0x7  }
0xe3: {  	[tilespmem:s22], [sflag:$0x1] =	stream.indirect.gather [hbm4b:s1+s21], $0x80, s29, s21, $0xb8;
	[tilespmem:$0x1D480] =	vst v63  }
0xe4: {  	_ =	swait.ge [sflag:s16], $0x4000  }
0xe5: {  	[sflag:s16] =	ssyncset.done $0x0  }
0xe6: {  	[sflag:s16] =	ssyncadd.s32 $0xFFFFC000  }
0xe7: {  	v0 =	vld [tilespmem:s29+$0x5000];
	_ =	sdelay $0x4  }
0xe8: {  	v0 =	vadd.s32 $0xFFFFEC00, v0  }
0xe9: {  	v0 =	vmin.u32 v0, $0x1400  }
0xea: {  	[tilespmem:$0xF000] =	vst v0  }
0xeb: {  	v0 =	vld [tilespmem:s29+$0x5010];
	_ =	sdelay $0x4  }
0xec: {  	v0 =	vadd.s32 $0xFFFFEC00, v0  }
0xed: {  	v0 =	vmin.u32 v0, $0x1400  }
0xee: {  	[tilespmem:$0xF010] =	vst v0  }
0xef: {  	v0 =	vld [tilespmem:s29+$0x5020];
	_ =	sdelay $0x4  }
0xf0: {  	v0 =	vadd.s32 $0xFFFFEC00, v0  }
0xf1: {  	v0 =	vmin.u32 v0, $0x1400  }
0xf2: {  	[tilespmem:$0xF020] =	vst v0  }
0xf3: {  	v0 =	vld [tilespmem:s29+$0x5030];
	_ =	sdelay $0x4  }
0xf4: {  	v0 =	vadd.s32 $0xFFFFEC00, v0  }
0xf5: {  	v0 =	vmin.u32 v0, $0x1400  }
0xf6: {  	[tilespmem:$0xF030] =	vst v0  }
0xf7: {  	v0 =	vld [tilespmem:s29+$0x5040];
	_ =	sdelay $0x4  }
0xf8: {  	v0 =	vadd.s32 $0xFFFFEC00, v0  }
0xf9: {  	v0 =	vmin.u32 v0, $0x1400  }
0xfa: {  	[tilespmem:$0xF040] =	vst v0  }
0xfb: {  	v0 =	vld [tilespmem:s29+$0x5050];
	_ =	sdelay $0x4  }
0xfc: {  	v0 =	vadd.s32 $0xFFFFEC00, v0  }
0xfd: {  	v0 =	vmin.u32 v0, $0x1400  }
0xfe: {  	[tilespmem:$0xF050] =	vst v0  }
0xff: {  	v0 =	vld [tilespmem:s29+$0x5060];
	_ =	sdelay $0x4  }
0x100: {  	v0 =	vadd.s32 $0xFFFFEC00, v0  }
0x101: {  	v0 =	vmin.u32 v0, $0x1400  }
0x102: {  	[tilespmem:$0xF060] =	vst v0  }
0x103: {  	v1 =	vld [tilespmem:s29+$0x5070];
	_ =	sdelay $0x1  }
0x104: {  	v2 =	vmov s26  }
0x105: {  	v2 =	vand.u32 $0x7F, v2;
	v0 =	vmov s29  }
0x106: {  	v2 =	vadd.s32 v0, v2  }
0x107: {  	v2 =	vbroadcast v2, $0x0;
	v1 =	vadd.s32 $0xFFFFEC00, v1  }
0x108: {  	v1 =	vmin.u32 v1, $0x1400  }
0x109: {  	s29 =	simm.s32 $0xF0C0;
	[tilespmem:$0xF070] =	vst v1  }
0x10a: {  	v5 =	vld [tilespmem:s29+$0x30]  }
0x10b: {  	v8 =	vld [tilespmem:s29+$0x10]  }
0x10c: {  	v6 =	vld [tilespmem:s29+$0xFFFFFFC0]  }
0x10d: {  	v2 =	vld.idx.msk [tilespmem:v2+s18+$0x0], $0xffff  }
0x10e: {  	v11 =	vld [tilespmem:s29+$0xFFFFFFE0]  }
0x10f: {  	v1 =	vld [tilespmem:s29+$0xFFFFFFF0]  }
0x110: {  	v3 =	vld [tilespmem:s29+$0x20]  }
0x111: {  	v4 =	vld [tilespmem:s29+$0xFFFFFFD0]  }
0x112: {  	v9 =	vmul.f32 v5, v2;
	v5 =	vld [tilespmem:s29+$0x0]  }
0x113: {  	s30 =	simm.s32 $0x1;
	v7 =	vmul.f32 v6, v2  }
0x114: {  	s31 =	simm.s32 $0x2;
	v10 =	vmov s30;
	s30 =	simm.s32 $0xF0C0;
	v6 =	vmul.f32 v11, v2;
	v8 =	vmul.f32 v8, v2  }
.LBB2_12:
0x115: {  	p1 =	sne.s32 s31, $0x7F  }
0x116: {  	v10 =	vand.u32 $0x7F, v10;
	v4 =	vmul.f32 v4, v2;
	v3 =	vmul.f32 v3, v2;
	[tilespmem:s29+$0x30] =	vst v9;
	s30 =	sadd.s32 $0x80, s30;
	s0 =	smov.u32 s31;
	s31 =	sadd.s32 $0x1, s31  }
0x117: {  	v9 =	vadd.s32 v0, v10;
	[tilespmem:s29+$0xFFFFFFC0] =	vst v7;
	v7 =	vmul.f32 v1, v2;
	v2 =	vmul.f32 v5, v2  }
0x118: {  	v5 =	vbroadcast v9, $0x0;
	[tilespmem:s29+$0x10] =	vst v8  }
0x119: {  	[tilespmem:s29+$0xFFFFFFE0] =	vst v6  }
0x11a: {  	v1 =	vld [tilespmem:s30+$0xFFFFFFF0];
	[tilespmem:s29+$0xFFFFFFF0] =	vst v7  }
0x11b: {  	v6 =	vld [tilespmem:s30+$0x30];
	[tilespmem:s29+$0x0] =	vst v2  }
0x11c: {  	v8 =	vld [tilespmem:s30+$0x10];
	[tilespmem:s29+$0x20] =	vst v3  }
0x11d: {  	v7 =	vld [tilespmem:s30+$0xFFFFFFC0];
	[tilespmem:s29+$0xFFFFFFD0] =	vst v4;
	s29 =	smov.u32 s30  }
0x11e: {  	v2 =	vld.idx.msk [tilespmem:v5+s18+$0x0], $0xffff  }
0x11f: {  	v11 =	vld [tilespmem:s30+$0xFFFFFFE0]  }
0x120: {  	v3 =	vld [tilespmem:s30+$0x20]  }
.Ltmp9:
0x121: {  	v4 =	vld [tilespmem:s30+$0xFFFFFFD0];
	(pc) =	sbr.rel @p1 .LBB2_12-.Ltmp9, $3  }
0x122: {  	v5 =	vld [tilespmem:s30+$0x0];
	_ =	sdelay $0x1  }
0x123: {  	v7 =	vmul.f32 v7, v2;
	v9 =	vmul.f32 v6, v2  }
0x124: {  	v10 =	vmov s0;
	v8 =	vmul.f32 v8, v2;
	v6 =	vmul.f32 v11, v2  }
0x125: {  	[tilespmem:s29+$0x30] =	vst v9;
	v53 =	vand.u32 $0x7F, v10  }
0x126: {  	[tilespmem:s29+$0xFFFFFFC0] =	vst v7;
	v0 =	vadd.s32 v0, v53  }
0x127: {  	v1 =	vmul.f32 v1, v2;
	[tilespmem:s29+$0x10] =	vst v8;
	v0 =	vbroadcast v0, $0x0  }
0x128: {  	s0 =	sadd.s32 $0x80, s30;
	[tilespmem:s29+$0xFFFFFFE0] =	vst v6;
	v5 =	vmul.f32 v5, v2  }
0x129: {  	v55 =	vmul.f32 v4, v2;
	v6 =	vld [tilespmem:s0+$0xFFFFFFF0];
	[tilespmem:s29+$0xFFFFFFF0] =	vst v1  }
0x12a: {  	v3 =	vmul.f32 v3, v2;
	v54 =	vld [tilespmem:s0+$0x30];
	[tilespmem:s29+$0x0] =	vst v5  }
0x12b: {  	v57 =	vld [tilespmem:s0+$0xFFFFFFC0];
	[tilespmem:s29+$0xFFFFFFD0] =	vst v55  }
0x12c: {  	v56 =	vld [tilespmem:s0+$0x10];
	[tilespmem:s29+$0x20] =	vst v3  }
0x12d: {  	v0 =	vld.idx.msk [tilespmem:v0+s18+$0x0], $0xffff;
	_ =	sdelay $0x2  }
0x12e: {  	v2 =	vld [tilespmem:s0+$0xFFFFFFE0];
	_ =	sdelay $0x1  }
0x12f: {  	v5 =	vld [tilespmem:s0+$0x0];
	v1 =	vmul.f32 v54, v0  }
0x130: {  	v58 =	vld [tilespmem:s0+$0x20];
	v3 =	vmul.f32 v57, v0  }
0x131: {  	v59 =	vld [tilespmem:s0+$0xFFFFFFD0];
	v4 =	vmul.f32 v56, v0;
	[tilespmem:s0+$0x30] =	vst v1  }
0x132: {  	v60 =	vmul.f32 v2, v0;
	[tilespmem:s0+$0xFFFFFFC0] =	vst v3  }
0x133: {  	v61 =	vmul.f32 v6, v0;
	[tilespmem:s0+$0x10] =	vst v4  }
0x134: {  	v62 =	vmul.f32 v5, v0;
	[tilespmem:s0+$0xFFFFFFE0] =	vst v60  }
0x135: {  	v63 =	vmul.f32 v58, v0;
	[tilespmem:s0+$0xFFFFFFF0] =	vst v61  }
0x136: {  	s28 =	sadd.s32 $0x1, s28;
	v0 =	vmul.f32 v59, v0;
	[tilespmem:s0+$0x0] =	vst v62  }
0x137: {  	p1 =	seq.s32 s28, $0x9D;
	[tilespmem:s0+$0x20] =	vst v63  }
.Ltmp10:
0x138: {  	[tilespmem:s0+$0xFFFFFFD0] =	vst v0;
	(pc) =	sbr.rel @!p1 .LBB2_11-.Ltmp10, $4  }
0x139: {  	[spmem:s3] =	stream.indirect.scatter.add.f32 [tilespmem:s22], [sflag:$0x1], $0x80, s23, s21, $0xb8;
	[tilespmem:$0x1D480] =	vst v63  }
0x13a: {  	_ =	swait.ge [sflag:s16], $0x4000  }
0x13b: {  	[sflag:s16] =	ssyncset.done $0x0  }
0x13c: {  	[sflag:s16] =	ssyncadd.s32 $0xFFFFC000  }
.Ltmp11:
0x13d: {  	(pc) =	sbr.rel .LBB2_19-.Ltmp11, $2  }
0x13e: {  	_ =	sdelay $0x2  }
0x13f: {  	s26 =	smov.u32 s7  }
.LBB2_15:
0x140: {  	s0 =	sshll.u32 s29, $0x7  }
0x141: {  	[tilespmem:s22], [sflag:$0x1] =	stream.indirect.gather [hbm4b:s5+s21], $0x80, s0, s21, $0xb8;
	[tilespmem:$0x1D480] =	vst v63  }
0x142: {  	_ =	swait.ge [sflag:s16], $0x4000  }
0x143: {  	[sflag:s16] =	ssyncset.done $0x0  }
0x144: {  	[sflag:s16] =	ssyncadd.s32 $0xFFFFC000  }
0x145: {  	v0 =	vld [tilespmem:s0+$0x5000];
	_ =	sdelay $0x4  }
0x146: {  	v0 =	vadd.s32 $0xFFFFEC00, v0  }
0x147: {  	v0 =	vmin.u32 v0, $0x1400  }
0x148: {  	[tilespmem:$0xF000] =	vst v0  }
0x149: {  	v0 =	vld [tilespmem:s0+$0x5010];
	_ =	sdelay $0x4  }
0x14a: {  	v0 =	vadd.s32 $0xFFFFEC00, v0  }
0x14b: {  	v0 =	vmin.u32 v0, $0x1400  }
0x14c: {  	[tilespmem:$0xF010] =	vst v0  }
0x14d: {  	v0 =	vld [tilespmem:s0+$0x5020];
	_ =	sdelay $0x4  }
0x14e: {  	v0 =	vadd.s32 $0xFFFFEC00, v0  }
0x14f: {  	v0 =	vmin.u32 v0, $0x1400  }
0x150: {  	[tilespmem:$0xF020] =	vst v0  }
0x151: {  	v0 =	vld [tilespmem:s0+$0x5030];
	_ =	sdelay $0x4  }
0x152: {  	v0 =	vadd.s32 $0xFFFFEC00, v0  }
0x153: {  	v0 =	vmin.u32 v0, $0x1400  }
0x154: {  	[tilespmem:$0xF030] =	vst v0  }
0x155: {  	v0 =	vld [tilespmem:s0+$0x5040];
	_ =	sdelay $0x4  }
0x156: {  	v0 =	vadd.s32 $0xFFFFEC00, v0  }
0x157: {  	v0 =	vmin.u32 v0, $0x1400  }
0x158: {  	[tilespmem:$0xF040] =	vst v0  }
0x159: {  	v0 =	vld [tilespmem:s0+$0x5050];
	_ =	sdelay $0x4  }
0x15a: {  	v0 =	vadd.s32 $0xFFFFEC00, v0  }
0x15b: {  	v0 =	vmin.u32 v0, $0x1400  }
0x15c: {  	[tilespmem:$0xF050] =	vst v0  }
0x15d: {  	v0 =	vld [tilespmem:s0+$0x5060];
	_ =	sdelay $0x4  }
0x15e: {  	v0 =	vadd.s32 $0xFFFFEC00, v0  }
0x15f: {  	v0 =	vmin.u32 v0, $0x1400  }
0x160: {  	[tilespmem:$0xF060] =	vst v0  }
0x161: {  	v1 =	vld [tilespmem:s0+$0x5070];
	_ =	sdelay $0x1  }
0x162: {  	v2 =	vmov s26  }
0x163: {  	v2 =	vand.u32 $0x7F, v2;
	v0 =	vmov s0  }
0x164: {  	v2 =	vadd.s32 v0, v2  }
0x165: {  	v2 =	vbroadcast v2, $0x0;
	v1 =	vadd.s32 $0xFFFFEC00, v1  }
0x166: {  	v1 =	vmin.u32 v1, $0x1400  }
0x167: {  	s28 =	simm.s32 $0xF0C0;
	[tilespmem:$0xF070] =	vst v1  }
0x168: {  	v5 =	vld [tilespmem:s28+$0x30]  }
0x169: {  	v8 =	vld [tilespmem:s28+$0x10]  }
0x16a: {  	v6 =	vld [tilespmem:s28+$0xFFFFFFC0]  }
0x16b: {  	v2 =	vld.idx.msk [tilespmem:v2+s18+$0x0], $0xffff  }
0x16c: {  	v11 =	vld [tilespmem:s28+$0xFFFFFFE0]  }
0x16d: {  	v1 =	vld [tilespmem:s28+$0xFFFFFFF0]  }
0x16e: {  	v3 =	vld [tilespmem:s28+$0x20]  }
0x16f: {  	v4 =	vld [tilespmem:s28+$0xFFFFFFD0]  }
0x170: {  	v9 =	vmul.f32 v5, v2;
	v5 =	vld [tilespmem:s28+$0x0]  }
0x171: {  	s0 =	simm.s32 $0x1;
	v7 =	vmul.f32 v6, v2  }
0x172: {  	s31 =	simm.s32 $0x2;
	s30 =	simm.s32 $0xF0C0;
	v10 =	vmov s0;
	v6 =	vmul.f32 v11, v2;
	v8 =	vmul.f32 v8, v2  }
.LBB2_16:
0x173: {  	p1 =	sne.s32 s31, $0x7F  }
0x174: {  	v10 =	vand.u32 $0x7F, v10;
	v4 =	vmul.f32 v4, v2;
	v3 =	vmul.f32 v3, v2;
	[tilespmem:s28+$0x30] =	vst v9;
	s30 =	sadd.s32 $0x80, s30;
	s0 =	smov.u32 s31;
	s31 =	sadd.s32 $0x1, s31  }
0x175: {  	v9 =	vadd.s32 v0, v10;
	[tilespmem:s28+$0xFFFFFFC0] =	vst v7;
	v7 =	vmul.f32 v1, v2;
	v2 =	vmul.f32 v5, v2  }
0x176: {  	v5 =	vbroadcast v9, $0x0;
	[tilespmem:s28+$0x10] =	vst v8  }
0x177: {  	[tilespmem:s28+$0xFFFFFFE0] =	vst v6  }
0x178: {  	v1 =	vld [tilespmem:s30+$0xFFFFFFF0];
	[tilespmem:s28+$0xFFFFFFF0] =	vst v7  }
0x179: {  	v6 =	vld [tilespmem:s30+$0x30];
	[tilespmem:s28+$0x0] =	vst v2  }
0x17a: {  	v8 =	vld [tilespmem:s30+$0x10];
	[tilespmem:s28+$0x20] =	vst v3  }
0x17b: {  	v7 =	vld [tilespmem:s30+$0xFFFFFFC0];
	[tilespmem:s28+$0xFFFFFFD0] =	vst v4;
	s28 =	smov.u32 s30  }
0x17c: {  	v2 =	vld.idx.msk [tilespmem:v5+s18+$0x0], $0xffff  }
0x17d: {  	v11 =	vld [tilespmem:s30+$0xFFFFFFE0]  }
0x17e: {  	v3 =	vld [tilespmem:s30+$0x20]  }
.Ltmp12:
0x17f: {  	v4 =	vld [tilespmem:s30+$0xFFFFFFD0];
	(pc) =	sbr.rel @p1 .LBB2_16-.Ltmp12, $3  }
0x180: {  	v5 =	vld [tilespmem:s30+$0x0];
	_ =	sdelay $0x1  }
0x181: {  	v7 =	vmul.f32 v7, v2;
	v9 =	vmul.f32 v6, v2  }
0x182: {  	v10 =	vmov s0;
	v8 =	vmul.f32 v8, v2;
	v6 =	vmul.f32 v11, v2  }
0x183: {  	[tilespmem:s28+$0x30] =	vst v9;
	v53 =	vand.u32 $0x7F, v10  }
0x184: {  	[tilespmem:s28+$0xFFFFFFC0] =	vst v7;
	v0 =	vadd.s32 v0, v53  }
0x185: {  	v1 =	vmul.f32 v1, v2;
	[tilespmem:s28+$0x10] =	vst v8;
	v0 =	vbroadcast v0, $0x0  }
0x186: {  	s0 =	sadd.s32 $0x80, s30;
	[tilespmem:s28+$0xFFFFFFE0] =	vst v6;
	v5 =	vmul.f32 v5, v2  }
0x187: {  	v55 =	vmul.f32 v4, v2;
	v6 =	vld [tilespmem:s0+$0xFFFFFFF0];
	[tilespmem:s28+$0xFFFFFFF0] =	vst v1  }
0x188: {  	v3 =	vmul.f32 v3, v2;
	v54 =	vld [tilespmem:s0+$0x30];
	[tilespmem:s28+$0x0] =	vst v5  }
0x189: {  	v57 =	vld [tilespmem:s0+$0xFFFFFFC0];
	[tilespmem:s28+$0xFFFFFFD0] =	vst v55  }
0x18a: {  	v56 =	vld [tilespmem:s0+$0x10];
	[tilespmem:s28+$0x20] =	vst v3  }
0x18b: {  	v0 =	vld.idx.msk [tilespmem:v0+s18+$0x0], $0xffff;
	_ =	sdelay $0x2  }
0x18c: {  	v2 =	vld [tilespmem:s0+$0xFFFFFFE0];
	_ =	sdelay $0x1  }
0x18d: {  	v5 =	vld [tilespmem:s0+$0x0];
	v1 =	vmul.f32 v54, v0  }
0x18e: {  	v58 =	vld [tilespmem:s0+$0x20];
	v3 =	vmul.f32 v57, v0  }
0x18f: {  	v59 =	vld [tilespmem:s0+$0xFFFFFFD0];
	v4 =	vmul.f32 v56, v0;
	[tilespmem:s0+$0x30] =	vst v1  }
0x190: {  	v60 =	vmul.f32 v2, v0;
	[tilespmem:s0+$0xFFFFFFC0] =	vst v3  }
0x191: {  	v61 =	vmul.f32 v6, v0;
	[tilespmem:s0+$0x10] =	vst v4  }
0x192: {  	v62 =	vmul.f32 v5, v0;
	[tilespmem:s0+$0xFFFFFFE0] =	vst v60  }
0x193: {  	v63 =	vmul.f32 v58, v0;
	[tilespmem:s0+$0xFFFFFFF0] =	vst v61  }
0x194: {  	s29 =	sadd.s32 $0x1, s29;
	v0 =	vmul.f32 v59, v0;
	[tilespmem:s0+$0x0] =	vst v62  }
0x195: {  	p1 =	sne.s32 s29, $0x9D;
	[tilespmem:s0+$0x20] =	vst v63  }
.Ltmp13:
0x196: {  	[tilespmem:s0+$0xFFFFFFD0] =	vst v0;
	(pc) =	sbr.rel @p1 .LBB2_15-.Ltmp13, $4  }
0x197: {  	[spmem:s3] =	stream.indirect.scatter.add.f32 [tilespmem:s22], [sflag:$0x1], $0x80, s23, s21, $0xb8;
	[tilespmem:$0x1D480] =	vst v63  }
0x198: {  	_ =	swait.ge [sflag:s16], $0x4000  }
0x199: {  	[sflag:s16] =	ssyncset.done $0x0  }
0x19a: {  	[sflag:s16] =	ssyncadd.s32 $0xFFFFC000  }
.Ltmp14:
0x19b: {  	(pc) =	sbr.rel .LBB2_19-.Ltmp14, $2  }
0x19c: {  	_ =	sdelay $0x2  }
0x19d: {  	s26 =	smov.u32 s8  }
.LBB2_20:
0x19e: {  	_ =	sfence.sel $0x180000  }
0x19f: {  	[bflag:$0x0] =	sbarrier.arrive $0xFFFF  }
0x1a0: {  	_ =	strace $0x90000047  }
0x1a1: {  	[bflag:$0x2] =	sbarrier.arrive $0xFFFF  }
0x1a2: {  	p0 =	sne.s32 s2, $0x0;
	s0 =	rddreg [dreg:$0x3]  }
0x1a3: {  	s0 =	sadd.s32 @!p0 $0x100000, s0  }
0x1a4: {  	[sflag:s0] =	ssyncadd.tile.s32 @!p0 $0x1;
	_ =	shalt  }
.Lfunc_end2:
_tile_overlayer_lowered:
.L_overlay_start_2:
0x1a5: {  	(tag) =	ssettag $0x2  }
0x1a6: {  	s0 =	rddreg [dreg:$0x0];
	s2 =	stileid.u32  }
0x1a7: {  	s1 =	rddreg [dreg:$0x1];
	p0 =	sne.s32 s2, $0x0  }
0x1a8: {  	s3 =	rddreg [dreg:$0x2];
	[bflag:$0x3] =	sbarrier.arrive $0xFFFF;
	s2 =	simm.s32 @!p0 $0x1C01  }
0x1a9: {  	[timem:s3], [sflag:s2] =	dma.local @!p0 [hbm:s0], s1  }
0x1aa: {  	s0 =	simm.s32 @!p0 $0x1  }
0x1ab: {  	_ =	swait.ge @!p0 [sflag:s0], s1  }
0x1ac: {  	s1 =	ssub.s32 @!p0 $0x0, s1;
	[sflag:s0] =	ssyncset.done @!p0 $0x0  }
0x1ad: {  	[sflag:s0] =	ssyncadd.s32 @!p0 s1  }
0x1ae: {  	[bflag:$0x3] =	sbarrier.arrive $0xFFFF  }
0x1af: {  	_ =	shalt  }

</sc_bundles>
